<compile_context>
chip_gen: v7x
topology: tpu7x:2x2x1
jax: 0.10.2.dev20260603
libtpu: 0.0.44.dev20260713+nightly
codegen_flags: <defaults>
</compile_context>

<pallas_src>
import functools

import jax
import jax.numpy as jnp
from jax import lax
from jax.experimental import pallas as pl
from jax.experimental.pallas import tpu as pltpu
from jax.experimental.pallas import tpu_sc as plsc

N_NODES = 10000
N_PAD = 10240
N_EDGES = 320000
HID = 128
NCL = 15
N_SC = 2
N_SUB = 16
N_WORK = N_SC * N_SUB
CHUNK = 80
EDGES_PER_WORKER = N_EDGES // N_WORK
CHUNKS_PER_WORKER = EDGES_PER_WORKER // CHUNK
ROWS_PER_SUB = N_PAD // N_SUB
ZROWS = 128
HHID = HID // 2
AGG_CHUNKS = N_EDGES // N_SUB // CHUNK
NBUF = 5

RB = 2000
GRID = N_NODES // RB



def _fill_zeros(buf, rows, cols):
    z = jnp.zeros((16,), jnp.float32)

    def body(r, _):
        for k in range(cols // 16):
            buf[r, pl.ds(k * 16, 16)] = z
        return 0

    lax.fori_loop(0, rows, body, 0)


def _sc_mesh():
    return plsc.VectorSubcoreMesh(
        core_axis_name="c", subcore_axis_name="s",
        num_cores=N_SC, num_subcores=N_SUB)


@functools.lru_cache(maxsize=None)
def _agg_kernel():

    @functools.partial(
        pl.kernel,
        mesh=_sc_mesh(),
        compiler_params=pltpu.CompilerParams(use_tc_tiling_on_sc=False),
        out_type=jax.ShapeDtypeStruct((N_SC, N_PAD, HHID), jnp.float32),
        scratch_types=[
            pltpu.VMEM((AGG_CHUNKS, CHUNK), jnp.int32),
            pltpu.VMEM((AGG_CHUNKS, CHUNK), jnp.int32),
            [pltpu.VMEM((CHUNK, HHID), jnp.float32)] * NBUF,
            pltpu.VMEM((ZROWS, HHID), jnp.float32),
            pltpu.VMEM_SHARED((N_PAD, HHID), jnp.float32),
            [pltpu.SemaphoreType.DMA] * NBUF,
        ],
    )
    def agg(g2, e3, out, src_v, dst_v, rows, zbuf, acc, gsem):
        c = lax.axis_index("c")
        s = lax.axis_index("s")
        _fill_zeros(zbuf, ZROWS, HHID)
        for k in range(ROWS_PER_SUB // ZROWS):
            pltpu.sync_copy(zbuf, acc.at[pl.ds(s * ROWS_PER_SUB + k * ZROWS, ZROWS)])
        plsc.subcore_barrier()
        pltpu.sync_copy(e3.at[0, s], src_v)
        pltpu.sync_copy(e3.at[1, s], dst_v)
        g_half = g2.at[c]

        for b in range(NBUF - 1):
            pltpu.async_copy(g_half.at[src_v.at[b]], rows[b], gsem[b])

        def ring(jr, _):
            for b in range(NBUF):
                j = jr * NBUF + b
                nxt = j + NBUF - 1
                bn = (b + NBUF - 1) % NBUF

                @pl.when(nxt < AGG_CHUNKS)
                def _():
                    pltpu.async_copy(g_half.at[src_v.at[nxt]], rows[bn], gsem[bn])

                pltpu.make_async_copy(g_half.at[src_v.at[j]], rows[b],
                                      gsem[b]).wait()
                pltpu.sync_copy(rows[b], acc.at[dst_v.at[j]], add=True)
            return 0

        lax.fori_loop(0, AGG_CHUNKS // NBUF, ring, 0)
        plsc.subcore_barrier()
        pltpu.sync_copy(acc.at[pl.ds(s * ROWS_PER_SUB, ROWS_PER_SUB)],
                        out.at[c, pl.ds(s * ROWS_PER_SUB, ROWS_PER_SUB)])

    return agg


@functools.lru_cache(maxsize=None)
def _deg_kernel():

    @functools.partial(
        pl.kernel,
        mesh=_sc_mesh(),
        compiler_params=pltpu.CompilerParams(use_tc_tiling_on_sc=False),
        out_type=jax.ShapeDtypeStruct((N_SC, N_PAD, 16), jnp.float32),
        scratch_types=[
            pltpu.VMEM((CHUNKS_PER_WORKER, CHUNK), jnp.int32),
            pltpu.VMEM((CHUNK, 16), jnp.float32),
            pltpu.VMEM((ZROWS, 16), jnp.float32),
            pltpu.VMEM_SHARED((N_PAD, 16), jnp.float32),
        ],
    )
    def deg(e4, out, dst_v, ones_v, zbuf, acc):
        c = lax.axis_index("c")
        s = lax.axis_index("s")
        wid = s * N_SC + c
        _fill_zeros(zbuf, ZROWS, 16)
        for k in range(ROWS_PER_SUB // ZROWS):
            pltpu.sync_copy(zbuf, acc.at[pl.ds(s * ROWS_PER_SUB + k * ZROWS, ZROWS)])
        e0 = jnp.where(lax.iota(jnp.int32, 16) == 0, 1.0, 0.0).astype(jnp.float32)

        def fill_ones(i, _):
            ones_v[i, pl.ds(0, 16)] = e0
            return 0

        lax.fori_loop(0, CHUNK, fill_ones, 0)
        plsc.subcore_barrier()
        pltpu.sync_copy(e4.at[1, wid], dst_v)

        def chunk(j, _):
            pltpu.sync_copy(ones_v, acc.at[dst_v.at[j]], add=True)
            return 0

        lax.fori_loop(0, CHUNKS_PER_WORKER, chunk, 0)
        plsc.subcore_barrier()
        pltpu.sync_copy(acc.at[pl.ds(s * ROWS_PER_SUB, ROWS_PER_SUB)],
                        out.at[c, pl.ds(s * ROWS_PER_SUB, ROWS_PER_SUB)])

    return deg



def _rowblk(last):
    return pl.BlockSpec((RB, last), lambda i: (i, 0))


def _colblk2(last):
    return pl.BlockSpec((2, RB, last), lambda i: (0, i, 0))


def _full(*shape):
    return pl.BlockSpec(shape, lambda i: (0,) * len(shape))


def _sigmoid(x):
    return 1.0 / (1.0 + jnp.exp(-x))


@functools.lru_cache(maxsize=None)
def _enc_kernel():

    def body(x_ref, w1_ref, b1_ref, w2_ref, b2_ref, h_ref):
        t = jax.nn.relu(
            jnp.dot(x_ref[...], w1_ref[...], preferred_element_type=jnp.float32)
            + b1_ref[...])
        h_ref[...] = (
            jnp.dot(t, w2_ref[...], preferred_element_type=jnp.float32)
            + b2_ref[...])

    return pl.pallas_call(
        body,
        grid=(GRID,),
        in_specs=[_rowblk(HID), _full(HID, HID), _full(1, HID),
                  _full(HID, HID), _full(1, HID)],
        out_specs=_rowblk(HID),
        out_shape=jax.ShapeDtypeStruct((N_NODES, HID), jnp.float32),
    )


@functools.lru_cache(maxsize=None)
def _prep0_kernel():

    def body(h_ref, dp_ref, w_ref, g2_ref, dis_ref):
        deg = dp_ref[0, :, 0:1] + dp_ref[1, :, 0:1] + 1.0
        dis = lax.rsqrt(deg)
        dis_ref[...] = dis
        g = jnp.dot(h_ref[...], w_ref[...],
                    preferred_element_type=jnp.float32) * dis
        g2_ref[0] = g[:, :HHID]
        g2_ref[1] = g[:, HHID:]

    return pl.pallas_call(
        body,
        grid=(GRID,),
        in_specs=[_rowblk(HID), _colblk2(16), _full(HID, HID)],
        out_specs=[_colblk2(HHID), _rowblk(1)],
        out_shape=[jax.ShapeDtypeStruct((N_SC, N_NODES, HHID), jnp.float32),
                   jax.ShapeDtypeStruct((N_NODES, 1), jnp.float32)],
    )


@functools.lru_cache(maxsize=None)
def _layer_kernel(residual, last):

    def body(*refs):
        if residual:
            p_ref, g2_ref, dis_ref, b_ref, hp_ref, w_ref = refs[:6]
            out_refs = refs[6:]
        else:
            p_ref, g2_ref, dis_ref, b_ref, w_ref = refs[:5]
            out_refs = refs[5:]
        dis = dis_ref[...]
        asum = jnp.concatenate(
            [p_ref[0] + g2_ref[0], p_ref[1] + g2_ref[1]], axis=-1)
        hn = jax.nn.relu(dis * asum + b_ref[...])
        h = hp_ref[...] + hn if residual else hn
        h_ref = out_refs[0]
        h_ref[...] = h
        if last:
            cs_ref = out_refs[1]

            @pl.when(pl.program_id(0) == 0)
            def _():
                cs_ref[...] = jnp.zeros_like(cs_ref)

            cs_ref[...] += jnp.sum(h, axis=0, keepdims=True)
        else:
            g2n_ref = out_refs[1]
            gn = jnp.dot(h, w_ref[...], preferred_element_type=jnp.float32) * dis
            g2n_ref[0] = gn[:, :HHID]
            g2n_ref[1] = gn[:, HHID:]

    in_specs = [_colblk2(HHID), _colblk2(HHID), _rowblk(1), _full(1, HID)]
    if residual:
        in_specs.append(_rowblk(HID))
    in_specs.append(_full(HID, HID))
    out_specs = [_rowblk(HID)]
    out_shape = [jax.ShapeDtypeStruct((N_NODES, HID), jnp.float32)]
    if last:
        out_specs.append(pl.BlockSpec((1, HID), lambda i: (0, 0)))
        out_shape.append(jax.ShapeDtypeStruct((1, HID), jnp.float32))
    else:
        out_specs.append(_colblk2(HHID))
        out_shape.append(jax.ShapeDtypeStruct((N_SC, N_NODES, HHID), jnp.float32))

    return pl.pallas_call(
        body,
        grid=(GRID,),
        in_specs=in_specs,
        out_specs=out_specs,
        out_shape=out_shape,
    )


@functools.lru_cache(maxsize=None)
def _heads_kernel():

    def body(h_ref, cs_ref, cw1_ref, cb1_ref, cw2_ref, cb2_ref,
             sw1a_ref, sw1b_ref, sb1_ref, sw2_ref, sb2_ref,
             lg_ref, pr_ref, so_ref):
        h = h_ref[...]
        t = jax.nn.relu(
            jnp.dot(h, cw1_ref[...], preferred_element_type=jnp.float32)
            + cb1_ref[...])
        logits = (jnp.dot(t, cw2_ref[...], preferred_element_type=jnp.float32)
                  + cb2_ref[...])
        lg_ref[...] = logits
        m = jnp.max(logits, axis=-1, keepdims=True)
        e = jnp.exp(logits - m)
        pr_ref[...] = e / jnp.sum(e, axis=-1, keepdims=True)
        mean = cs_ref[...] * (1.0 / N_NODES)
        mc = jnp.dot(mean, sw1b_ref[...],
                     preferred_element_type=jnp.float32) + sb1_ref[...]
        u = jax.nn.relu(
            jnp.dot(h, sw1a_ref[...], preferred_element_type=jnp.float32) + mc)
        so_ref[...] = _sigmoid(
            jnp.dot(u, sw2_ref[...], preferred_element_type=jnp.float32)
            + sb2_ref[...])

    return pl.pallas_call(
        body,
        grid=(GRID,),
        in_specs=[_rowblk(HID), _full(1, HID),
                  _full(HID, HHID), _full(1, HHID), _full(HHID, NCL), _full(1, NCL),
                  _full(HID, HID), _full(HID, HID), _full(1, HID),
                  _full(HID, 1), _full(1, 1)],
        out_specs=[_rowblk(NCL), _rowblk(NCL), _rowblk(1)],
        out_shape=[jax.ShapeDtypeStruct((N_NODES, NCL), jnp.float32),
                   jax.ShapeDtypeStruct((N_NODES, NCL), jnp.float32),
                   jax.ShapeDtypeStruct((N_NODES, 1), jnp.float32)],
    )



def kernel(x, edge_index, enc_w1, enc_b1, enc_w2, enc_b2,
           gcn_w0, gcn_b0, gcn_w1, gcn_b1, gcn_w2, gcn_b2,
           cl_w1, cl_b1, cl_w2, cl_b2, so_w1, so_b1, so_w2, so_b2):
    e4 = edge_index.reshape(2, N_WORK, CHUNKS_PER_WORKER, CHUNK)
    e3 = edge_index.reshape(2, N_SUB, AGG_CHUNKS, CHUNK)

    deg_parts = _deg_kernel()(e4)
    h0 = _enc_kernel()(x, enc_w1, enc_b1.reshape(1, HID),
                       enc_w2, enc_b2.reshape(1, HID))
    g2, dis = _prep0_kernel()(h0, deg_parts, gcn_w0)

    parts = _agg_kernel()(g2, e3)
    h1, g2 = _layer_kernel(False, False)(
        parts, g2, dis, gcn_b0.reshape(1, HID), gcn_w1)

    parts = _agg_kernel()(g2, e3)
    h2, g2 = _layer_kernel(True, False)(
        parts, g2, dis, gcn_b1.reshape(1, HID), h1, gcn_w2)

    parts = _agg_kernel()(g2, e3)
    h3, colsum = _layer_kernel(True, True)(
        parts, g2, dis, gcn_b2.reshape(1, HID), h2, gcn_w2)

    logits, probs, solar = _heads_kernel()(
        h3, colsum,
        cl_w1, cl_b1.reshape(1, HHID), cl_w2, cl_b2.reshape(1, NCL),
        so_w1[:HID], so_w1[HID:], so_b1.reshape(1, HID),
        so_w2, so_b2.reshape(1, 1))

    return (logits, probs, solar[:, 0], h3)

# --- scband reference (transcript-rebuilt; emitter-appended) ---
"""Pipeline reference for scband-solar-recommendation-gnn-22239340659075 (READ-ONLY COPY).

The authoritative reference and input builder live on the scoring server;
editing this copy changes nothing except your own understanding.
"""

import jax, jax.numpy as jnp
import numpy as np

N = 10000
E = 320000
D_IN = 128
H = 128
NC = 15


def _init_w(k, shape, fan_in):
    b = 1.0 / np.sqrt(fan_in)
    return jax.random.uniform(k, shape, jnp.float32, -b, b)


def setup_inputs(seed: int = 0) -> dict:
    key = jax.random.key(seed)
    ks = jax.random.split(key, 24)
    inp = {}
    inp["x"] = jax.random.normal(ks[0], (N, D_IN), jnp.float32)
    inp["edge_index"] = jax.random.randint(ks[1], (2, E), 0, N)
    # encoder: Linear(D_IN,H) -> ReLU -> Dropout -> Linear(H,H)
    inp["enc_w1"] = _init_w(ks[2], (D_IN, H), D_IN)
    inp["enc_b1"] = _init_w(ks[3], (H,), D_IN)
    inp["enc_w2"] = _init_w(ks[4], (H, H), H)
    inp["enc_b2"] = _init_w(ks[5], (H,), H)
    # 3 GCNConv layers (H -> H)
    inp["gcn_w0"] = _init_w(ks[6], (H, H), H)
    inp["gcn_b0"] = _init_w(ks[7], (H,), H)
    inp["gcn_w1"] = _init_w(ks[8], (H, H), H)
    inp["gcn_b1"] = _init_w(ks[9], (H,), H)
    inp["gcn_w2"] = _init_w(ks[10], (H, H), H)
    inp["gcn_b2"] = _init_w(ks[11], (H,), H)
    # cluster head: Linear(H, H//2) -> ReLU -> Linear(H//2, NC)
    inp["cl_w1"] = _init_w(ks[12], (H, H // 2), H)
    inp["cl_b1"] = _init_w(ks[13], (H // 2,), H)
    inp["cl_w2"] = _init_w(ks[14], (H // 2, NC), H // 2)
    inp["cl_b2"] = _init_w(ks[15], (NC,), H // 2)
    # solar head: Linear(2H, H) -> ReLU -> Dropout -> Linear(H, 1) -> Sigmoid
    inp["so_w1"] = _init_w(ks[16], (2 * H, H), 2 * H)
    inp["so_b1"] = _init_w(ks[17], (H,), 2 * H)
    inp["so_w2"] = _init_w(ks[18], (H, 1), H)
    inp["so_b2"] = _init_w(ks[19], (1,), H)
    return inp


def _gcn_conv(h, W, b, src, dst, n):
    # PyG GCNConv: add self-loops, symmetric deg^{-1/2} normalization, bias after aggregation
    hl = h @ W
    loops = jnp.arange(n)
    srcs = jnp.concatenate([src, loops])
    dsts = jnp.concatenate([dst, loops])
    deg = jnp.zeros((n,), hl.dtype).at[dsts].add(1.0)
    dis = jnp.where(deg > 0, jax.lax.rsqrt(jnp.maximum(deg, 1e-12)), 0.0)
    norm = dis[srcs] * dis[dsts]
    msg = hl[srcs] * norm[:, None]
    out = jnp.zeros_like(hl).at[dsts].add(msg)
    return out + b


def reference(x, edge_index, enc_w1, enc_b1, enc_w2, enc_b2,
              gcn_w0, gcn_b0, gcn_w1, gcn_b1, gcn_w2, gcn_b2,
              cl_w1, cl_b1, cl_w2, cl_b2, so_w1, so_b1, so_w2, so_b2):
    n = x.shape[0]
    src = edge_index[0]
    dst = edge_index[1]
    # encoder (dropout identity in eval mode)
    h = jax.nn.relu(x @ enc_w1 + enc_b1) @ enc_w2 + enc_b2
    # GNN layers with residuals for i > 0
    gws = [(gcn_w0, gcn_b0), (gcn_w1, gcn_b1), (gcn_w2, gcn_b2)]
    for i, (W, b) in enumerate(gws):
        h_new = jax.nn.relu(_gcn_conv(h, W, b, src, dst, n))
        if i > 0:
            h = h + h_new
        else:
            h = h_new
    cluster_logits = jax.nn.relu(h @ cl_w1 + cl_b1) @ cl_w2 + cl_b2
    cluster_probs = jax.nn.softmax(cluster_logits, axis=-1)
    cluster_features = jnp.broadcast_to(h.mean(axis=0, keepdims=True), h.shape)
    combined = jnp.concatenate([h, cluster_features], axis=-1)
    solar_scores = jax.nn.sigmoid(jax.nn.relu(combined @ so_w1 + so_b1) @ so_w2 + so_b2)[:, 0]
    return (cluster_logits, cluster_probs, solar_scores, h)

if __name__ == "__main__":
    import jax
    _d = setup_inputs()
    print(jax.jit(kernel)(*tuple(_d.values())))

</pallas_src>

<mosaic_0001>
#map = affine_map<(d0, d1) -> (0, 0, 0)>
#map1 = affine_map<(d0, d1) -> (0, 0, 0, 0)>
module attributes {stable_mosaic.version = 14 : i64} {
  func.func @agg(%arg0: i32, %arg1: i32, %arg2: memref<2x10000x64xf32, #tpu.memory_space<hbm>>, %arg3: memref<2x16x250x80xi32, #tpu.memory_space<hbm>>, %arg4: memref<2x10240x64xf32, #tpu.memory_space<hbm>>, %arg5: memref<250x80xi32, #tpu.memory_space<vmem>>, %arg6: memref<250x80xi32, #tpu.memory_space<vmem>>, %arg7: memref<80x64xf32, #tpu.memory_space<vmem>>, %arg8: memref<80x64xf32, #tpu.memory_space<vmem>>, %arg9: memref<80x64xf32, #tpu.memory_space<vmem>>, %arg10: memref<80x64xf32, #tpu.memory_space<vmem>>, %arg11: memref<80x64xf32, #tpu.memory_space<vmem>>, %arg12: memref<128x64xf32, #tpu.memory_space<vmem>>, %arg13: memref<10240x64xf32, #tpu.memory_space<vmem_shared>>, %arg14: memref<!tpu.dma_semaphore, #tpu.memory_space<semaphore_mem>>, %arg15: memref<!tpu.dma_semaphore, #tpu.memory_space<semaphore_mem>>, %arg16: memref<!tpu.dma_semaphore, #tpu.memory_space<semaphore_mem>>, %arg17: memref<!tpu.dma_semaphore, #tpu.memory_space<semaphore_mem>>, %arg18: memref<!tpu.dma_semaphore, #tpu.memory_space<semaphore_mem>>) attributes {dimension_semantics = [#tpu.dimension_semantics<core_parallel>, #tpu.dimension_semantics<subcore_parallel>], iteration_bounds = array<i64: 2, 16>, scalar_prefetch = 0 : i64, scratch_operands = 14 : i64, tpu.core_type = #tpu.core_type<sc_vector_subcore>, window_params = [{transform_indices = #map}, {transform_indices = #map1}, {transform_indices = #map}]} {
    %broadcast_in_dim3A = arith.constant 0.000000e+00 : f32
    %broadcast_in_dim3A_0 = vector.broadcast %broadcast_in_dim3A : f32 to vector<16xf32>
    %scan3A = arith.constant 0 : i32
    %scan3A_1 = arith.constant 0 : i32
    %scan3A_2 = arith.constant 128 : i32
    %scan3A_3 = arith.addi %scan3A_1, %scan3A_2 : i32
    %scan3A_4 = arith.constant 1 : i32
    %scan3A_5 = scf.for %scan3A_81 = %scan3A_1 to %scan3A_3 step %scan3A_4 iter_args(%scan3A_82 = %scan3A) -> (i32)  : i32 {
      %swap3A = arith.index_cast %scan3A_81 : i32 to index
      %swap3A_83 = arith.constant 0 : index
      %swap3A_84 = tpu.vector_load %arg12[%swap3A, %swap3A_83] {strides = array<i32>} : memref<128x64xf32, #tpu.memory_space<vmem>>, vector<1x16xf32>,
      %swap3A_85 = vector.shape_cast %swap3A_84 : vector<1x16xf32> to vector<16xf32>
      %swap3A_86 = vector.shape_cast %broadcast_in_dim3A_0 : vector<16xf32> to vector<1x16xf32>
      tpu.vector_store %arg12[%swap3A, %swap3A_83], %swap3A_86 {strides = array<i32>} : memref<128x64xf32, #tpu.memory_space<vmem>>, vector<1x16xf32>,
      %swap3A_87 = arith.index_cast %scan3A_81 : i32 to index
      %swap3A_88 = arith.constant 16 : index
      %swap3A_89 = tpu.vector_load %arg12[%swap3A_87, %swap3A_88] {strides = array<i32>} : memref<128x64xf32, #tpu.memory_space<vmem>>, vector<1x16xf32>,
      %swap3A_90 = vector.shape_cast %swap3A_89 : vector<1x16xf32> to vector<16xf32>
      %swap3A_91 = vector.shape_cast %broadcast_in_dim3A_0 : vector<16xf32> to vector<1x16xf32>
      tpu.vector_store %arg12[%swap3A_87, %swap3A_88], %swap3A_91 {strides = array<i32>} : memref<128x64xf32, #tpu.memory_space<vmem>>, vector<1x16xf32>,
      %swap3A_92 = arith.index_cast %scan3A_81 : i32 to index
      %swap3A_93 = arith.constant 32 : index
      %swap3A_94 = tpu.vector_load %arg12[%swap3A_92, %swap3A_93] {strides = array<i32>} : memref<128x64xf32, #tpu.memory_space<vmem>>, vector<1x16xf32>,
      %swap3A_95 = vector.shape_cast %swap3A_94 : vector<1x16xf32> to vector<16xf32>
      %swap3A_96 = vector.shape_cast %broadcast_in_dim3A_0 : vector<16xf32> to vector<1x16xf32>
      tpu.vector_store %arg12[%swap3A_92, %swap3A_93], %swap3A_96 {strides = array<i32>} : memref<128x64xf32, #tpu.memory_space<vmem>>, vector<1x16xf32>,
      %swap3A_97 = arith.index_cast %scan3A_81 : i32 to index
      %swap3A_98 = arith.constant 48 : index
      %swap3A_99 = tpu.vector_load %arg12[%swap3A_97, %swap3A_98] {strides = array<i32>} : memref<128x64xf32, #tpu.memory_space<vmem>>, vector<1x16xf32>,
      %swap3A_100 = vector.shape_cast %swap3A_99 : vector<1x16xf32> to vector<16xf32>
      %swap3A_101 = vector.shape_cast %broadcast_in_dim3A_0 : vector<16xf32> to vector<1x16xf32>
      tpu.vector_store %arg12[%swap3A_97, %swap3A_98], %swap3A_101 {strides = array<i32>} : memref<128x64xf32, #tpu.memory_space<vmem>>, vector<1x16xf32>,
      %scan3A_102 = arith.constant 0 : i32
      scf.yield %scan3A_102 : i32
    }
    %scan3A_6 = arith.constant 128 : i32
    %mul3A = arith.constant 640 : i32
    %mul3A_7 = arith.muli %arg1, %mul3A : i32
    %add3A = arith.constant 0 : i32
    %add3A_8 = arith.addi %mul3A_7, %add3A : i32
    "tpu.region"() ({
      %run_scoped3A_81 = tpu.sem_alloc : memref<!tpu.dma_semaphore, #tpu.memory_space<semaphore_mem>>
      %dma_start3A_82 = arith.constant 0 : i32
      %dma_start3A_83 = tpu.memref_slice %arg13[%add3A_8, %dma_start3A_82] : memref<10240x64xf32, #tpu.memory_space<vmem_shared>> -> memref<128x64xf32, #tpu.memory_space<vmem_shared>>
      %dma_start3A_84 = arith.constant 0 : i32
      %dma_start3A_85 = tpu.memref_slice %arg13[%add3A_8, %dma_start3A_84] : memref<10240x64xf32, #tpu.memory_space<vmem_shared>> -> memref<128x64xf32, #tpu.memory_space<vmem_shared>>
      tpu.enqueue_dma source(%arg12 : memref<128x64xf32, #tpu.memory_space<vmem>>) target(%dma_start3A_85 : memref<128x64xf32, #tpu.memory_space<vmem_shared>>) target_semaphore(%run_scoped3A_81 : memref<!tpu.dma_semaphore, #tpu.memory_space<semaphore_mem>>)
      %dma_wait3A = arith.constant 0 : i32
      %dma_wait3A_86 = tpu.memref_slice %arg13[%add3A_8, %dma_wait3A] : memref<10240x64xf32, #tpu.memory_space<vmem_shared>> -> memref<128x64xf32, #tpu.memory_space<vmem_shared>>
      %dma_wait3A_87 = arith.constant 0 : i32
      %dma_wait3A_88 = tpu.memref_slice %arg13[%add3A_8, %dma_wait3A_87] : memref<10240x64xf32, #tpu.memory_space<vmem_shared>> -> memref<128x64xf32, #tpu.memory_space<vmem_shared>>
      tpu.wait_dma2 semaphore(%run_scoped3A_81 : memref<!tpu.dma_semaphore, #tpu.memory_space<semaphore_mem>>) src(%arg12 : memref<128x64xf32, #tpu.memory_space<vmem>>) dst(%dma_wait3A_88 : memref<128x64xf32, #tpu.memory_space<vmem_shared>>)
      tpu.yield
    }) : () -> ()
    %mul3A_9 = arith.constant 640 : i32
    %mul3A_10 = arith.muli %arg1, %mul3A_9 : i32
    %add3A_11 = arith.constant 128 : i32
    %add3A_12 = arith.addi %mul3A_10, %add3A_11 : i32
    "tpu.region"() ({
      %run_scoped3A_81 = tpu.sem_alloc : memref<!tpu.dma_semaphore, #tpu.memory_space<semaphore_mem>>
      %dma_start3A_82 = arith.constant 0 : i32
      %dma_start3A_83 = tpu.memref_slice %arg13[%add3A_12, %dma_start3A_82] : memref<10240x64xf32, #tpu.memory_space<vmem_shared>> -> memref<128x64xf32, #tpu.memory_space<vmem_shared>>
      %dma_start3A_84 = arith.constant 0 : i32
      %dma_start3A_85 = tpu.memref_slice %arg13[%add3A_12, %dma_start3A_84] : memref<10240x64xf32, #tpu.memory_space<vmem_shared>> -> memref<128x64xf32, #tpu.memory_space<vmem_shared>>
      tpu.enqueue_dma source(%arg12 : memref<128x64xf32, #tpu.memory_space<vmem>>) target(%dma_start3A_85 : memref<128x64xf32, #tpu.memory_space<vmem_shared>>) target_semaphore(%run_scoped3A_81 : memref<!tpu.dma_semaphore, #tpu.memory_space<semaphore_mem>>)
      %dma_wait3A = arith.constant 0 : i32
      %dma_wait3A_86 = tpu.memref_slice %arg13[%add3A_12, %dma_wait3A] : memref<10240x64xf32, #tpu.memory_space<vmem_shared>> -> memref<128x64xf32, #tpu.memory_space<vmem_shared>>
      %dma_wait3A_87 = arith.constant 0 : i32
      %dma_wait3A_88 = tpu.memref_slice %arg13[%add3A_12, %dma_wait3A_87] : memref<10240x64xf32, #tpu.memory_space<vmem_shared>> -> memref<128x64xf32, #tpu.memory_space<vmem_shared>>
      tpu.wait_dma2 semaphore(%run_scoped3A_81 : memref<!tpu.dma_semaphore, #tpu.memory_space<semaphore_mem>>) src(%arg12 : memref<128x64xf32, #tpu.memory_space<vmem>>) dst(%dma_wait3A_88 : memref<128x64xf32, #tpu.memory_space<vmem_shared>>)
      tpu.yield
    }) : () -> ()
    %mul3A_13 = arith.constant 640 : i32
    %mul3A_14 = arith.muli %arg1, %mul3A_13 : i32
    %add3A_15 = arith.constant 256 : i32
    %add3A_16 = arith.addi %mul3A_14, %add3A_15 : i32
    "tpu.region"() ({
      %run_scoped3A_81 = tpu.sem_alloc : memref<!tpu.dma_semaphore, #tpu.memory_space<semaphore_mem>>
      %dma_start3A_82 = arith.constant 0 : i32
      %dma_start3A_83 = tpu.memref_slice %arg13[%add3A_16, %dma_start3A_82] : memref<10240x64xf32, #tpu.memory_space<vmem_shared>> -> memref<128x64xf32, #tpu.memory_space<vmem_shared>>
      %dma_start3A_84 = arith.constant 0 : i32
      %dma_start3A_85 = tpu.memref_slice %arg13[%add3A_16, %dma_start3A_84] : memref<10240x64xf32, #tpu.memory_space<vmem_shared>> -> memref<128x64xf32, #tpu.memory_space<vmem_shared>>
      tpu.enqueue_dma source(%arg12 : memref<128x64xf32, #tpu.memory_space<vmem>>) target(%dma_start3A_85 : memref<128x64xf32, #tpu.memory_space<vmem_shared>>) target_semaphore(%run_scoped3A_81 : memref<!tpu.dma_semaphore, #tpu.memory_space<semaphore_mem>>)
      %dma_wait3A = arith.constant 0 : i32
      %dma_wait3A_86 = tpu.memref_slice %arg13[%add3A_16, %dma_wait3A] : memref<10240x64xf32, #tpu.memory_space<vmem_shared>> -> memref<128x64xf32, #tpu.memory_space<vmem_shared>>
      %dma_wait3A_87 = arith.constant 0 : i32
      %dma_wait3A_88 = tpu.memref_slice %arg13[%add3A_16, %dma_wait3A_87] : memref<10240x64xf32, #tpu.memory_space<vmem_shared>> -> memref<128x64xf32, #tpu.memory_space<vmem_shared>>
      tpu.wait_dma2 semaphore(%run_scoped3A_81 : memref<!tpu.dma_semaphore, #tpu.memory_space<semaphore_mem>>) src(%arg12 : memref<128x64xf32, #tpu.memory_space<vmem>>) dst(%dma_wait3A_88 : memref<128x64xf32, #tpu.memory_space<vmem_shared>>)
      tpu.yield
    }) : () -> ()
    %mul3A_17 = arith.constant 640 : i32
    %mul3A_18 = arith.muli %arg1, %mul3A_17 : i32
    %add3A_19 = arith.constant 384 : i32
    %add3A_20 = arith.addi %mul3A_18, %add3A_19 : i32
    "tpu.region"() ({
      %run_scoped3A_81 = tpu.sem_alloc : memref<!tpu.dma_semaphore, #tpu.memory_space<semaphore_mem>>
      %dma_start3A_82 = arith.constant 0 : i32
      %dma_start3A_83 = tpu.memref_slice %arg13[%add3A_20, %dma_start3A_82] : memref<10240x64xf32, #tpu.memory_space<vmem_shared>> -> memref<128x64xf32, #tpu.memory_space<vmem_shared>>
      %dma_start3A_84 = arith.constant 0 : i32
      %dma_start3A_85 = tpu.memref_slice %arg13[%add3A_20, %dma_start3A_84] : memref<10240x64xf32, #tpu.memory_space<vmem_shared>> -> memref<128x64xf32, #tpu.memory_space<vmem_shared>>
      tpu.enqueue_dma source(%arg12 : memref<128x64xf32, #tpu.memory_space<vmem>>) target(%dma_start3A_85 : memref<128x64xf32, #tpu.memory_space<vmem_shared>>) target_semaphore(%run_scoped3A_81 : memref<!tpu.dma_semaphore, #tpu.memory_space<semaphore_mem>>)
      %dma_wait3A = arith.constant 0 : i32
      %dma_wait3A_86 = tpu.memref_slice %arg13[%add3A_20, %dma_wait3A] : memref<10240x64xf32, #tpu.memory_space<vmem_shared>> -> memref<128x64xf32, #tpu.memory_space<vmem_shared>>
      %dma_wait3A_87 = arith.constant 0 : i32
      %dma_wait3A_88 = tpu.memref_slice %arg13[%add3A_20, %dma_wait3A_87] : memref<10240x64xf32, #tpu.memory_space<vmem_shared>> -> memref<128x64xf32, #tpu.memory_space<vmem_shared>>
      tpu.wait_dma2 semaphore(%run_scoped3A_81 : memref<!tpu.dma_semaphore, #tpu.memory_space<semaphore_mem>>) src(%arg12 : memref<128x64xf32, #tpu.memory_space<vmem>>) dst(%dma_wait3A_88 : memref<128x64xf32, #tpu.memory_space<vmem_shared>>)
      tpu.yield
    }) : () -> ()
    %mul3A_21 = arith.constant 640 : i32
    %mul3A_22 = arith.muli %arg1, %mul3A_21 : i32
    %add3A_23 = arith.constant 512 : i32
    %add3A_24 = arith.addi %mul3A_22, %add3A_23 : i32
    "tpu.region"() ({
      %run_scoped3A_81 = tpu.sem_alloc : memref<!tpu.dma_semaphore, #tpu.memory_space<semaphore_mem>>
      %dma_start3A_82 = arith.constant 0 : i32
      %dma_start3A_83 = tpu.memref_slice %arg13[%add3A_24, %dma_start3A_82] : memref<10240x64xf32, #tpu.memory_space<vmem_shared>> -> memref<128x64xf32, #tpu.memory_space<vmem_shared>>
      %dma_start3A_84 = arith.constant 0 : i32
      %dma_start3A_85 = tpu.memref_slice %arg13[%add3A_24, %dma_start3A_84] : memref<10240x64xf32, #tpu.memory_space<vmem_shared>> -> memref<128x64xf32, #tpu.memory_space<vmem_shared>>
      tpu.enqueue_dma source(%arg12 : memref<128x64xf32, #tpu.memory_space<vmem>>) target(%dma_start3A_85 : memref<128x64xf32, #tpu.memory_space<vmem_shared>>) target_semaphore(%run_scoped3A_81 : memref<!tpu.dma_semaphore, #tpu.memory_space<semaphore_mem>>)
      %dma_wait3A = arith.constant 0 : i32
      %dma_wait3A_86 = tpu.memref_slice %arg13[%add3A_24, %dma_wait3A] : memref<10240x64xf32, #tpu.memory_space<vmem_shared>> -> memref<128x64xf32, #tpu.memory_space<vmem_shared>>
      %dma_wait3A_87 = arith.constant 0 : i32
      %dma_wait3A_88 = tpu.memref_slice %arg13[%add3A_24, %dma_wait3A_87] : memref<10240x64xf32, #tpu.memory_space<vmem_shared>> -> memref<128x64xf32, #tpu.memory_space<vmem_shared>>
      tpu.wait_dma2 semaphore(%run_scoped3A_81 : memref<!tpu.dma_semaphore, #tpu.memory_space<semaphore_mem>>) src(%arg12 : memref<128x64xf32, #tpu.memory_space<vmem>>) dst(%dma_wait3A_88 : memref<128x64xf32, #tpu.memory_space<vmem_shared>>)
      tpu.yield
    }) : () -> ()
    %barrier3A = arith.constant 0 : index
    tpu.barrier barrier_id(%barrier3A)
    %run_scoped3A = arith.constant 0 : i32
    "tpu.region"() ({
      %run_scoped3A_81 = tpu.sem_alloc : memref<!tpu.dma_semaphore, #tpu.memory_space<semaphore_mem>>
      %dma_start3A_82 = arith.constant 0 : i32
      %dma_start3A_83 = arith.constant 0 : i32
      %dma_start3A_84 = tpu.memref_slice %arg3[%run_scoped3A, %arg1, %dma_start3A_82, %dma_start3A_83] : memref<2x16x250x80xi32, #tpu.memory_space<hbm>> -> memref<1x1x250x80xi32, #tpu.memory_space<hbm>>
      %dma_start3A_85 = tpu.memref_squeeze %dma_start3A_84 : memref<1x1x250x80xi32, #tpu.memory_space<hbm>> -> memref<250x80xi32, #tpu.memory_space<hbm>>
      %dma_start3A_86 = arith.constant 0 : i32
      %dma_start3A_87 = arith.constant 0 : i32
      %dma_start3A_88 = tpu.memref_slice %arg3[%run_scoped3A, %arg1, %dma_start3A_86, %dma_start3A_87] : memref<2x16x250x80xi32, #tpu.memory_space<hbm>> -> memref<1x1x250x80xi32, #tpu.memory_space<hbm>>
      %dma_start3A_89 = tpu.memref_squeeze %dma_start3A_88 : memref<1x1x250x80xi32, #tpu.memory_space<hbm>> -> memref<250x80xi32, #tpu.memory_space<hbm>>
      tpu.enqueue_dma source(%dma_start3A_89 : memref<250x80xi32, #tpu.memory_space<hbm>>) target(%arg5 : memref<250x80xi32, #tpu.memory_space<vmem>>) target_semaphore(%run_scoped3A_81 : memref<!tpu.dma_semaphore, #tpu.memory_space<semaphore_mem>>)
      %dma_wait3A = arith.constant 0 : i32
      %dma_wait3A_90 = arith.constant 0 : i32
      %dma_wait3A_91 = tpu.memref_slice %arg3[%run_scoped3A, %arg1, %dma_wait3A, %dma_wait3A_90] : memref<2x16x250x80xi32, #tpu.memory_space<hbm>> -> memref<1x1x250x80xi32, #tpu.memory_space<hbm>>
      %dma_wait3A_92 = tpu.memref_squeeze %dma_wait3A_91 : memref<1x1x250x80xi32, #tpu.memory_space<hbm>> -> memref<250x80xi32, #tpu.memory_space<hbm>>
      %dma_wait3A_93 = arith.constant 0 : i32
      %dma_wait3A_94 = arith.constant 0 : i32
      %dma_wait3A_95 = tpu.memref_slice %arg3[%run_scoped3A, %arg1, %dma_wait3A_93, %dma_wait3A_94] : memref<2x16x250x80xi32, #tpu.memory_space<hbm>> -> memref<1x1x250x80xi32, #tpu.memory_space<hbm>>
      %dma_wait3A_96 = tpu.memref_squeeze %dma_wait3A_95 : memref<1x1x250x80xi32, #tpu.memory_space<hbm>> -> memref<250x80xi32, #tpu.memory_space<hbm>>
      tpu.wait_dma2 semaphore(%run_scoped3A_81 : memref<!tpu.dma_semaphore, #tpu.memory_space<semaphore_mem>>) src(%dma_wait3A_96 : memref<250x80xi32, #tpu.memory_space<hbm>>) dst(%arg5 : memref<250x80xi32, #tpu.memory_space<vmem>>)
      tpu.yield
    }) : () -> ()
    %run_scoped3A_25 = arith.constant 1 : i32
    "tpu.region"() ({
      %run_scoped3A_81 = tpu.sem_alloc : memref<!tpu.dma_semaphore, #tpu.memory_space<semaphore_mem>>
      %dma_start3A_82 = arith.constant 0 : i32
      %dma_start3A_83 = arith.constant 0 : i32
      %dma_start3A_84 = tpu.memref_slice %arg3[%run_scoped3A_25, %arg1, %dma_start3A_82, %dma_start3A_83] : memref<2x16x250x80xi32, #tpu.memory_space<hbm>> -> memref<1x1x250x80xi32, #tpu.memory_space<hbm>>
      %dma_start3A_85 = tpu.memref_squeeze %dma_start3A_84 : memref<1x1x250x80xi32, #tpu.memory_space<hbm>> -> memref<250x80xi32, #tpu.memory_space<hbm>>
      %dma_start3A_86 = arith.constant 0 : i32
      %dma_start3A_87 = arith.constant 0 : i32
      %dma_start3A_88 = tpu.memref_slice %arg3[%run_scoped3A_25, %arg1, %dma_start3A_86, %dma_start3A_87] : memref<2x16x250x80xi32, #tpu.memory_space<hbm>> -> memref<1x1x250x80xi32, #tpu.memory_space<hbm>>
      %dma_start3A_89 = tpu.memref_squeeze %dma_start3A_88 : memref<1x1x250x80xi32, #tpu.memory_space<hbm>> -> memref<250x80xi32, #tpu.memory_space<hbm>>
      tpu.enqueue_dma source(%dma_start3A_89 : memref<250x80xi32, #tpu.memory_space<hbm>>) target(%arg6 : memref<250x80xi32, #tpu.memory_space<vmem>>) target_semaphore(%run_scoped3A_81 : memref<!tpu.dma_semaphore, #tpu.memory_space<semaphore_mem>>)
      %dma_wait3A = arith.constant 0 : i32
      %dma_wait3A_90 = arith.constant 0 : i32
      %dma_wait3A_91 = tpu.memref_slice %arg3[%run_scoped3A_25, %arg1, %dma_wait3A, %dma_wait3A_90] : memref<2x16x250x80xi32, #tpu.memory_space<hbm>> -> memref<1x1x250x80xi32, #tpu.memory_space<hbm>>
      %dma_wait3A_92 = tpu.memref_squeeze %dma_wait3A_91 : memref<1x1x250x80xi32, #tpu.memory_space<hbm>> -> memref<250x80xi32, #tpu.memory_space<hbm>>
      %dma_wait3A_93 = arith.constant 0 : i32
      %dma_wait3A_94 = arith.constant 0 : i32
      %dma_wait3A_95 = tpu.memref_slice %arg3[%run_scoped3A_25, %arg1, %dma_wait3A_93, %dma_wait3A_94] : memref<2x16x250x80xi32, #tpu.memory_space<hbm>> -> memref<1x1x250x80xi32, #tpu.memory_space<hbm>>
      %dma_wait3A_96 = tpu.memref_squeeze %dma_wait3A_95 : memref<1x1x250x80xi32, #tpu.memory_space<hbm>> -> memref<250x80xi32, #tpu.memory_space<hbm>>
      tpu.wait_dma2 semaphore(%run_scoped3A_81 : memref<!tpu.dma_semaphore, #tpu.memory_space<semaphore_mem>>) src(%dma_wait3A_96 : memref<250x80xi32, #tpu.memory_space<hbm>>) dst(%arg6 : memref<250x80xi32, #tpu.memory_space<vmem>>)
      tpu.yield
    }) : () -> ()
    %dma_start3A = arith.constant 0 : i32
    %dma_start3A_26 = arith.constant 0 : i32
    %dma_start3A_27 = tpu.memref_slice %arg5[%dma_start3A, %dma_start3A_26] : memref<250x80xi32, #tpu.memory_space<vmem>> -> memref<1x80xi32, #tpu.memory_space<vmem>>
    %dma_start3A_28 = tpu.memref_squeeze %dma_start3A_27 : memref<1x80xi32, #tpu.memory_space<vmem>> -> memref<80xi32, #tpu.memory_space<vmem>>
    %dma_start3A_29 = arith.constant 0 : i32
    %dma_start3A_30 = arith.constant 0 : i32
    %dma_start3A_31 = tpu.memref_slice %arg2[%arg0, %dma_start3A_29, %dma_start3A_30] : memref<2x10000x64xf32, #tpu.memory_space<hbm>> -> memref<1x10000x64xf32, #tpu.memory_space<hbm>>
    %dma_start3A_32 = tpu.memref_squeeze %dma_start3A_31 : memref<1x10000x64xf32, #tpu.memory_space<hbm>> -> memref<10000x64xf32, #tpu.memory_space<hbm>>
    %dma_start3A_33 = arith.constant 0 : i32
    %dma_start3A_34 = arith.constant 0 : i32
    %dma_start3A_35 = tpu.memref_slice %dma_start3A_32[%dma_start3A_33, %dma_start3A_34] : memref<10000x64xf32, #tpu.memory_space<hbm>> -> memref<10000x64xf32, #tpu.memory_space<hbm>>
    tpu.enqueue_indirect_dma source(%dma_start3A_35 : memref<10000x64xf32, #tpu.memory_space<hbm>>) target(%arg7 : memref<80x64xf32, #tpu.memory_space<vmem>>) offsets(%dma_start3A_28 : memref<80xi32, #tpu.memory_space<vmem>>) semaphore(%arg14 : memref<!tpu.dma_semaphore, #tpu.memory_space<semaphore_mem>>)
    %dma_start3A_36 = arith.constant 1 : i32
    %dma_start3A_37 = arith.constant 0 : i32
    %dma_start3A_38 = tpu.memref_slice %arg5[%dma_start3A_36, %dma_start3A_37] : memref<250x80xi32, #tpu.memory_space<vmem>> -> memref<1x80xi32, #tpu.memory_space<vmem>>
    %dma_start3A_39 = tpu.memref_squeeze %dma_start3A_38 : memref<1x80xi32, #tpu.memory_space<vmem>> -> memref<80xi32, #tpu.memory_space<vmem>>
    %dma_start3A_40 = arith.constant 0 : i32
    %dma_start3A_41 = arith.constant 0 : i32
    %dma_start3A_42 = tpu.memref_slice %arg2[%arg0, %dma_start3A_40, %dma_start3A_41] : memref<2x10000x64xf32, #tpu.memory_space<hbm>> -> memref<1x10000x64xf32, #tpu.memory_space<hbm>>
    %dma_start3A_43 = tpu.memref_squeeze %dma_start3A_42 : memref<1x10000x64xf32, #tpu.memory_space<hbm>> -> memref<10000x64xf32, #tpu.memory_space<hbm>>
    %dma_start3A_44 = arith.constant 0 : i32
    %dma_start3A_45 = arith.constant 0 : i32
    %dma_start3A_46 = tpu.memref_slice %dma_start3A_43[%dma_start3A_44, %dma_start3A_45] : memref<10000x64xf32, #tpu.memory_space<hbm>> -> memref<10000x64xf32, #tpu.memory_space<hbm>>
    tpu.enqueue_indirect_dma source(%dma_start3A_46 : memref<10000x64xf32, #tpu.memory_space<hbm>>) target(%arg8 : memref<80x64xf32, #tpu.memory_space<vmem>>) offsets(%dma_start3A_39 : memref<80xi32, #tpu.memory_space<vmem>>) semaphore(%arg15 : memref<!tpu.dma_semaphore, #tpu.memory_space<semaphore_mem>>)
    %dma_start3A_47 = arith.constant 2 : i32
    %dma_start3A_48 = arith.constant 0 : i32
    %dma_start3A_49 = tpu.memref_slice %arg5[%dma_start3A_47, %dma_start3A_48] : memref<250x80xi32, #tpu.memory_space<vmem>> -> memref<1x80xi32, #tpu.memory_space<vmem>>
    %dma_start3A_50 = tpu.memref_squeeze %dma_start3A_49 : memref<1x80xi32, #tpu.memory_space<vmem>> -> memref<80xi32, #tpu.memory_space<vmem>>
    %dma_start3A_51 = arith.constant 0 : i32
    %dma_start3A_52 = arith.constant 0 : i32
    %dma_start3A_53 = tpu.memref_slice %arg2[%arg0, %dma_start3A_51, %dma_start3A_52] : memref<2x10000x64xf32, #tpu.memory_space<hbm>> -> memref<1x10000x64xf32, #tpu.memory_space<hbm>>
    %dma_start3A_54 = tpu.memref_squeeze %dma_start3A_53 : memref<1x10000x64xf32, #tpu.memory_space<hbm>> -> memref<10000x64xf32, #tpu.memory_space<hbm>>
    %dma_start3A_55 = arith.constant 0 : i32
    %dma_start3A_56 = arith.constant 0 : i32
    %dma_start3A_57 = tpu.memref_slice %dma_start3A_54[%dma_start3A_55, %dma_start3A_56] : memref<10000x64xf32, #tpu.memory_space<hbm>> -> memref<10000x64xf32, #tpu.memory_space<hbm>>
    tpu.enqueue_indirect_dma source(%dma_start3A_57 : memref<10000x64xf32, #tpu.memory_space<hbm>>) target(%arg9 : memref<80x64xf32, #tpu.memory_space<vmem>>) offsets(%dma_start3A_50 : memref<80xi32, #tpu.memory_space<vmem>>) semaphore(%arg16 : memref<!tpu.dma_semaphore, #tpu.memory_space<semaphore_mem>>)
    %dma_start3A_58 = arith.constant 3 : i32
    %dma_start3A_59 = arith.constant 0 : i32
    %dma_start3A_60 = tpu.memref_slice %arg5[%dma_start3A_58, %dma_start3A_59] : memref<250x80xi32, #tpu.memory_space<vmem>> -> memref<1x80xi32, #tpu.memory_space<vmem>>
    %dma_start3A_61 = tpu.memref_squeeze %dma_start3A_60 : memref<1x80xi32, #tpu.memory_space<vmem>> -> memref<80xi32, #tpu.memory_space<vmem>>
    %dma_start3A_62 = arith.constant 0 : i32
    %dma_start3A_63 = arith.constant 0 : i32
    %dma_start3A_64 = tpu.memref_slice %arg2[%arg0, %dma_start3A_62, %dma_start3A_63] : memref<2x10000x64xf32, #tpu.memory_space<hbm>> -> memref<1x10000x64xf32, #tpu.memory_space<hbm>>
    %dma_start3A_65 = tpu.memref_squeeze %dma_start3A_64 : memref<1x10000x64xf32, #tpu.memory_space<hbm>> -> memref<10000x64xf32, #tpu.memory_space<hbm>>
    %dma_start3A_66 = arith.constant 0 : i32
    %dma_start3A_67 = arith.constant 0 : i32
    %dma_start3A_68 = tpu.memref_slice %dma_start3A_65[%dma_start3A_66, %dma_start3A_67] : memref<10000x64xf32, #tpu.memory_space<hbm>> -> memref<10000x64xf32, #tpu.memory_space<hbm>>
    tpu.enqueue_indirect_dma source(%dma_start3A_68 : memref<10000x64xf32, #tpu.memory_space<hbm>>) target(%arg10 : memref<80x64xf32, #tpu.memory_space<vmem>>) offsets(%dma_start3A_61 : memref<80xi32, #tpu.memory_space<vmem>>) semaphore(%arg17 : memref<!tpu.dma_semaphore, #tpu.memory_space<semaphore_mem>>)
    %scan3A_69 = arith.constant 0 : i32
    %scan3A_70 = arith.constant 0 : i32
    %scan3A_71 = arith.constant 50 : i32
    %scan3A_72 = arith.addi %scan3A_70, %scan3A_71 : i32
    %scan3A_73 = arith.constant 1 : i32
    %scan3A_74 = scf.for %scan3A_81 = %scan3A_70 to %scan3A_72 step %scan3A_73 iter_args(%scan3A_82 = %scan3A_69) -> (i32)  : i32 {
      %mul3A_83 = arith.constant 5 : i32
      %mul3A_84 = arith.muli %scan3A_81, %mul3A_83 : i32
      %add3A_85 = arith.constant 0 : i32
      %add3A_86 = arith.addi %mul3A_84, %add3A_85 : i32
      %add3A_87 = arith.constant 5 : i32
      %add3A_88 = arith.addi %add3A_86, %add3A_87 : i32
      %sub3A = arith.constant 1 : i32
      %sub3A_89 = arith.subi %add3A_88, %sub3A : i32
      %lt3A = arith.constant 250 : i32
      %lt3A_90 = arith.cmpi slt, %sub3A_89, %lt3A : i32
      %convert_element_type3A = arith.extui %lt3A_90 : i1 to i32
      %cond3A = arith.constant 0 : i32
      %cond3A_91 = arith.cmpi ne, %convert_element_type3A, %cond3A : i32
      scf.if %cond3A_91 {
        %dma_start3A_194 = arith.constant 0 : i32
        %dma_start3A_195 = tpu.memref_slice %arg5[%sub3A_89, %dma_start3A_194] : memref<250x80xi32, #tpu.memory_space<vmem>> -> memref<1x80xi32, #tpu.memory_space<vmem>>
        %dma_start3A_196 = tpu.memref_squeeze %dma_start3A_195 : memref<1x80xi32, #tpu.memory_space<vmem>> -> memref<80xi32, #tpu.memory_space<vmem>>
        %dma_start3A_197 = arith.constant 0 : i32
        %dma_start3A_198 = arith.constant 0 : i32
        %dma_start3A_199 = tpu.memref_slice %arg2[%arg0, %dma_start3A_197, %dma_start3A_198] : memref<2x10000x64xf32, #tpu.memory_space<hbm>> -> memref<1x10000x64xf32, #tpu.memory_space<hbm>>
        %dma_start3A_200 = tpu.memref_squeeze %dma_start3A_199 : memref<1x10000x64xf32, #tpu.memory_space<hbm>> -> memref<10000x64xf32, #tpu.memory_space<hbm>>
        %dma_start3A_201 = arith.constant 0 : i32
        %dma_start3A_202 = arith.constant 0 : i32
        %dma_start3A_203 = tpu.memref_slice %dma_start3A_200[%dma_start3A_201, %dma_start3A_202] : memref<10000x64xf32, #tpu.memory_space<hbm>> -> memref<10000x64xf32, #tpu.memory_space<hbm>>
        tpu.enqueue_indirect_dma source(%dma_start3A_203 : memref<10000x64xf32, #tpu.memory_space<hbm>>) target(%arg11 : memref<80x64xf32, #tpu.memory_space<vmem>>) offsets(%dma_start3A_196 : memref<80xi32, #tpu.memory_space<vmem>>) semaphore(%arg18 : memref<!tpu.dma_semaphore, #tpu.memory_space<semaphore_mem>>)
      } else {
      }
      %dma_wait3A = arith.constant 0 : i32
      %dma_wait3A_92 = tpu.memref_slice %arg5[%add3A_86, %dma_wait3A] : memref<250x80xi32, #tpu.memory_space<vmem>> -> memref<1x80xi32, #tpu.memory_space<vmem>>
      %dma_wait3A_93 = tpu.memref_squeeze %dma_wait3A_92 : memref<1x80xi32, #tpu.memory_space<vmem>> -> memref<80xi32, #tpu.memory_space<vmem>>
      %dma_wait3A_94 = arith.constant 0 : i32
      %dma_wait3A_95 = arith.constant 0 : i32
      %dma_wait3A_96 = tpu.memref_slice %arg2[%arg0, %dma_wait3A_94, %dma_wait3A_95] : memref<2x10000x64xf32, #tpu.memory_space<hbm>> -> memref<1x10000x64xf32, #tpu.memory_space<hbm>>
      %dma_wait3A_97 = tpu.memref_squeeze %dma_wait3A_96 : memref<1x10000x64xf32, #tpu.memory_space<hbm>> -> memref<10000x64xf32, #tpu.memory_space<hbm>>
      %dma_wait3A_98 = arith.constant 0 : i32
      %dma_wait3A_99 = arith.constant 0 : i32
      %dma_wait3A_100 = tpu.memref_slice %dma_wait3A_97[%dma_wait3A_98, %dma_wait3A_99] : memref<10000x64xf32, #tpu.memory_space<hbm>> -> memref<10000x64xf32, #tpu.memory_space<hbm>>
      tpu.wait_indirect_dma semaphore(%arg14 : memref<!tpu.dma_semaphore, #tpu.memory_space<semaphore_mem>>) src(%dma_wait3A_100 : memref<10000x64xf32, #tpu.memory_space<hbm>>) dst(%arg7 : memref<80x64xf32, #tpu.memory_space<vmem>>)
      "tpu.region"() ({
        %run_scoped3A_194 = tpu.sem_alloc : memref<!tpu.dma_semaphore, #tpu.memory_space<semaphore_mem>>
        %dma_start3A_195 = arith.constant 0 : i32
        %dma_start3A_196 = tpu.memref_slice %arg6[%add3A_86, %dma_start3A_195] : memref<250x80xi32, #tpu.memory_space<vmem>> -> memref<1x80xi32, #tpu.memory_space<vmem>>
        %dma_start3A_197 = tpu.memref_squeeze %dma_start3A_196 : memref<1x80xi32, #tpu.memory_space<vmem>> -> memref<80xi32, #tpu.memory_space<vmem>>
        %dma_start3A_198 = arith.constant 0 : i32
        %dma_start3A_199 = arith.constant 0 : i32
        %dma_start3A_200 = tpu.memref_slice %arg13[%dma_start3A_198, %dma_start3A_199] : memref<10240x64xf32, #tpu.memory_space<vmem_shared>> -> memref<10240x64xf32, #tpu.memory_space<vmem_shared>>
        tpu.enqueue_indirect_dma source(%arg7 : memref<80x64xf32, #tpu.memory_space<vmem>>) target(%dma_start3A_200 : memref<10240x64xf32, #tpu.memory_space<vmem_shared>>) offsets(%dma_start3A_197 : memref<80xi32, #tpu.memory_space<vmem>>) semaphore(%run_scoped3A_194 : memref<!tpu.dma_semaphore, #tpu.memory_space<semaphore_mem>>) {add = true}
        %dma_wait3A_201 = arith.constant 0 : i32
        %dma_wait3A_202 = tpu.memref_slice %arg6[%add3A_86, %dma_wait3A_201] : memref<250x80xi32, #tpu.memory_space<vmem>> -> memref<1x80xi32, #tpu.memory_space<vmem>>
        %dma_wait3A_203 = tpu.memref_squeeze %dma_wait3A_202 : memref<1x80xi32, #tpu.memory_space<vmem>> -> memref<80xi32, #tpu.memory_space<vmem>>
        %dma_wait3A_204 = arith.constant 0 : i32
        %dma_wait3A_205 = arith.constant 0 : i32
        %dma_wait3A_206 = tpu.memref_slice %arg13[%dma_wait3A_204, %dma_wait3A_205] : memref<10240x64xf32, #tpu.memory_space<vmem_shared>> -> memref<10240x64xf32, #tpu.memory_space<vmem_shared>>
        tpu.wait_indirect_dma semaphore(%run_scoped3A_194 : memref<!tpu.dma_semaphore, #tpu.memory_space<semaphore_mem>>) src(%arg7 : memref<80x64xf32, #tpu.memory_space<vmem>>) dst(%dma_wait3A_206 : memref<10240x64xf32, #tpu.memory_space<vmem_shared>>)
        tpu.yield
      }) : () -> ()
      %mul3A_101 = arith.constant 5 : i32
      %mul3A_102 = arith.muli %scan3A_81, %mul3A_101 : i32
      %add3A_103 = arith.constant 1 : i32
      %add3A_104 = arith.addi %mul3A_102, %add3A_103 : i32
      %add3A_105 = arith.constant 5 : i32
      %add3A_106 = arith.addi %add3A_104, %add3A_105 : i32
      %sub3A_107 = arith.constant 1 : i32
      %sub3A_108 = arith.subi %add3A_106, %sub3A_107 : i32
      %lt3A_109 = arith.constant 250 : i32
      %lt3A_110 = arith.cmpi slt, %sub3A_108, %lt3A_109 : i32
      %convert_element_type3A_111 = arith.extui %lt3A_110 : i1 to i32
      %cond3A_112 = arith.constant 0 : i32
      %cond3A_113 = arith.cmpi ne, %convert_element_type3A_111, %cond3A_112 : i32
      scf.if %cond3A_113 {
        %dma_start3A_194 = arith.constant 0 : i32
        %dma_start3A_195 = tpu.memref_slice %arg5[%sub3A_108, %dma_start3A_194] : memref<250x80xi32, #tpu.memory_space<vmem>> -> memref<1x80xi32, #tpu.memory_space<vmem>>
        %dma_start3A_196 = tpu.memref_squeeze %dma_start3A_195 : memref<1x80xi32, #tpu.memory_space<vmem>> -> memref<80xi32, #tpu.memory_space<vmem>>
        %dma_start3A_197 = arith.constant 0 : i32
        %dma_start3A_198 = arith.constant 0 : i32
        %dma_start3A_199 = tpu.memref_slice %arg2[%arg0, %dma_start3A_197, %dma_start3A_198] : memref<2x10000x64xf32, #tpu.memory_space<hbm>> -> memref<1x10000x64xf32, #tpu.memory_space<hbm>>
        %dma_start3A_200 = tpu.memref_squeeze %dma_start3A_199 : memref<1x10000x64xf32, #tpu.memory_space<hbm>> -> memref<10000x64xf32, #tpu.memory_space<hbm>>
        %dma_start3A_201 = arith.constant 0 : i32
        %dma_start3A_202 = arith.constant 0 : i32
        %dma_start3A_203 = tpu.memref_slice %dma_start3A_200[%dma_start3A_201, %dma_start3A_202] : memref<10000x64xf32, #tpu.memory_space<hbm>> -> memref<10000x64xf32, #tpu.memory_space<hbm>>
        tpu.enqueue_indirect_dma source(%dma_start3A_203 : memref<10000x64xf32, #tpu.memory_space<hbm>>) target(%arg7 : memref<80x64xf32, #tpu.memory_space<vmem>>) offsets(%dma_start3A_196 : memref<80xi32, #tpu.memory_space<vmem>>) semaphore(%arg14 : memref<!tpu.dma_semaphore, #tpu.memory_space<semaphore_mem>>)
      } else {
      }
      %dma_wait3A_114 = arith.constant 0 : i32
      %dma_wait3A_115 = tpu.memref_slice %arg5[%add3A_104, %dma_wait3A_114] : memref<250x80xi32, #tpu.memory_space<vmem>> -> memref<1x80xi32, #tpu.memory_space<vmem>>
      %dma_wait3A_116 = tpu.memref_squeeze %dma_wait3A_115 : memref<1x80xi32, #tpu.memory_space<vmem>> -> memref<80xi32, #tpu.memory_space<vmem>>
      %dma_wait3A_117 = arith.constant 0 : i32
      %dma_wait3A_118 = arith.constant 0 : i32
      %dma_wait3A_119 = tpu.memref_slice %arg2[%arg0, %dma_wait3A_117, %dma_wait3A_118] : memref<2x10000x64xf32, #tpu.memory_space<hbm>> -> memref<1x10000x64xf32, #tpu.memory_space<hbm>>
      %dma_wait3A_120 = tpu.memref_squeeze %dma_wait3A_119 : memref<1x10000x64xf32, #tpu.memory_space<hbm>> -> memref<10000x64xf32, #tpu.memory_space<hbm>>
      %dma_wait3A_121 = arith.constant 0 : i32
      %dma_wait3A_122 = arith.constant 0 : i32
      %dma_wait3A_123 = tpu.memref_slice %dma_wait3A_120[%dma_wait3A_121, %dma_wait3A_122] : memref<10000x64xf32, #tpu.memory_space<hbm>> -> memref<10000x64xf32, #tpu.memory_space<hbm>>
      tpu.wait_indirect_dma semaphore(%arg15 : memref<!tpu.dma_semaphore, #tpu.memory_space<semaphore_mem>>) src(%dma_wait3A_123 : memref<10000x64xf32, #tpu.memory_space<hbm>>) dst(%arg8 : memref<80x64xf32, #tpu.memory_space<vmem>>)
      "tpu.region"() ({
        %run_scoped3A_194 = tpu.sem_alloc : memref<!tpu.dma_semaphore, #tpu.memory_space<semaphore_mem>>
        %dma_start3A_195 = arith.constant 0 : i32
        %dma_start3A_196 = tpu.memref_slice %arg6[%add3A_104, %dma_start3A_195] : memref<250x80xi32, #tpu.memory_space<vmem>> -> memref<1x80xi32, #tpu.memory_space<vmem>>
        %dma_start3A_197 = tpu.memref_squeeze %dma_start3A_196 : memref<1x80xi32, #tpu.memory_space<vmem>> -> memref<80xi32, #tpu.memory_space<vmem>>
        %dma_start3A_198 = arith.constant 0 : i32
        %dma_start3A_199 = arith.constant 0 : i32
        %dma_start3A_200 = tpu.memref_slice %arg13[%dma_start3A_198, %dma_start3A_199] : memref<10240x64xf32, #tpu.memory_space<vmem_shared>> -> memref<10240x64xf32, #tpu.memory_space<vmem_shared>>
        tpu.enqueue_indirect_dma source(%arg8 : memref<80x64xf32, #tpu.memory_space<vmem>>) target(%dma_start3A_200 : memref<10240x64xf32, #tpu.memory_space<vmem_shared>>) offsets(%dma_start3A_197 : memref<80xi32, #tpu.memory_space<vmem>>) semaphore(%run_scoped3A_194 : memref<!tpu.dma_semaphore, #tpu.memory_space<semaphore_mem>>) {add = true}
        %dma_wait3A_201 = arith.constant 0 : i32
        %dma_wait3A_202 = tpu.memref_slice %arg6[%add3A_104, %dma_wait3A_201] : memref<250x80xi32, #tpu.memory_space<vmem>> -> memref<1x80xi32, #tpu.memory_space<vmem>>
        %dma_wait3A_203 = tpu.memref_squeeze %dma_wait3A_202 : memref<1x80xi32, #tpu.memory_space<vmem>> -> memref<80xi32, #tpu.memory_space<vmem>>
        %dma_wait3A_204 = arith.constant 0 : i32
        %dma_wait3A_205 = arith.constant 0 : i32
        %dma_wait3A_206 = tpu.memref_slice %arg13[%dma_wait3A_204, %dma_wait3A_205] : memref<10240x64xf32, #tpu.memory_space<vmem_shared>> -> memref<10240x64xf32, #tpu.memory_space<vmem_shared>>
        tpu.wait_indirect_dma semaphore(%run_scoped3A_194 : memref<!tpu.dma_semaphore, #tpu.memory_space<semaphore_mem>>) src(%arg8 : memref<80x64xf32, #tpu.memory_space<vmem>>) dst(%dma_wait3A_206 : memref<10240x64xf32, #tpu.memory_space<vmem_shared>>)
        tpu.yield
      }) : () -> ()
      %mul3A_124 = arith.constant 5 : i32
      %mul3A_125 = arith.muli %scan3A_81, %mul3A_124 : i32
      %add3A_126 = arith.constant 2 : i32
      %add3A_127 = arith.addi %mul3A_125, %add3A_126 : i32
      %add3A_128 = arith.constant 5 : i32
      %add3A_129 = arith.addi %add3A_127, %add3A_128 : i32
      %sub3A_130 = arith.constant 1 : i32
      %sub3A_131 = arith.subi %add3A_129, %sub3A_130 : i32
      %lt3A_132 = arith.constant 250 : i32
      %lt3A_133 = arith.cmpi slt, %sub3A_131, %lt3A_132 : i32
      %convert_element_type3A_134 = arith.extui %lt3A_133 : i1 to i32
      %cond3A_135 = arith.constant 0 : i32
      %cond3A_136 = arith.cmpi ne, %convert_element_type3A_134, %cond3A_135 : i32
      scf.if %cond3A_136 {
        %dma_start3A_194 = arith.constant 0 : i32
        %dma_start3A_195 = tpu.memref_slice %arg5[%sub3A_131, %dma_start3A_194] : memref<250x80xi32, #tpu.memory_space<vmem>> -> memref<1x80xi32, #tpu.memory_space<vmem>>
        %dma_start3A_196 = tpu.memref_squeeze %dma_start3A_195 : memref<1x80xi32, #tpu.memory_space<vmem>> -> memref<80xi32, #tpu.memory_space<vmem>>
        %dma_start3A_197 = arith.constant 0 : i32
        %dma_start3A_198 = arith.constant 0 : i32
        %dma_start3A_199 = tpu.memref_slice %arg2[%arg0, %dma_start3A_197, %dma_start3A_198] : memref<2x10000x64xf32, #tpu.memory_space<hbm>> -> memref<1x10000x64xf32, #tpu.memory_space<hbm>>
        %dma_start3A_200 = tpu.memref_squeeze %dma_start3A_199 : memref<1x10000x64xf32, #tpu.memory_space<hbm>> -> memref<10000x64xf32, #tpu.memory_space<hbm>>
        %dma_start3A_201 = arith.constant 0 : i32
        %dma_start3A_202 = arith.constant 0 : i32
        %dma_start3A_203 = tpu.memref_slice %dma_start3A_200[%dma_start3A_201, %dma_start3A_202] : memref<10000x64xf32, #tpu.memory_space<hbm>> -> memref<10000x64xf32, #tpu.memory_space<hbm>>
        tpu.enqueue_indirect_dma source(%dma_start3A_203 : memref<10000x64xf32, #tpu.memory_space<hbm>>) target(%arg8 : memref<80x64xf32, #tpu.memory_space<vmem>>) offsets(%dma_start3A_196 : memref<80xi32, #tpu.memory_space<vmem>>) semaphore(%arg15 : memref<!tpu.dma_semaphore, #tpu.memory_space<semaphore_mem>>)
      } else {
      }
      %dma_wait3A_137 = arith.constant 0 : i32
      %dma_wait3A_138 = tpu.memref_slice %arg5[%add3A_127, %dma_wait3A_137] : memref<250x80xi32, #tpu.memory_space<vmem>> -> memref<1x80xi32, #tpu.memory_space<vmem>>
      %dma_wait3A_139 = tpu.memref_squeeze %dma_wait3A_138 : memref<1x80xi32, #tpu.memory_space<vmem>> -> memref<80xi32, #tpu.memory_space<vmem>>
      %dma_wait3A_140 = arith.constant 0 : i32
      %dma_wait3A_141 = arith.constant 0 : i32
      %dma_wait3A_142 = tpu.memref_slice %arg2[%arg0, %dma_wait3A_140, %dma_wait3A_141] : memref<2x10000x64xf32, #tpu.memory_space<hbm>> -> memref<1x10000x64xf32, #tpu.memory_space<hbm>>
      %dma_wait3A_143 = tpu.memref_squeeze %dma_wait3A_142 : memref<1x10000x64xf32, #tpu.memory_space<hbm>> -> memref<10000x64xf32, #tpu.memory_space<hbm>>
      %dma_wait3A_144 = arith.constant 0 : i32
      %dma_wait3A_145 = arith.constant 0 : i32
      %dma_wait3A_146 = tpu.memref_slice %dma_wait3A_143[%dma_wait3A_144, %dma_wait3A_145] : memref<10000x64xf32, #tpu.memory_space<hbm>> -> memref<10000x64xf32, #tpu.memory_space<hbm>>
      tpu.wait_indirect_dma semaphore(%arg16 : memref<!tpu.dma_semaphore, #tpu.memory_space<semaphore_mem>>) src(%dma_wait3A_146 : memref<10000x64xf32, #tpu.memory_space<hbm>>) dst(%arg9 : memref<80x64xf32, #tpu.memory_space<vmem>>)
      "tpu.region"() ({
        %run_scoped3A_194 = tpu.sem_alloc : memref<!tpu.dma_semaphore, #tpu.memory_space<semaphore_mem>>
        %dma_start3A_195 = arith.constant 0 : i32
        %dma_start3A_196 = tpu.memref_slice %arg6[%add3A_127, %dma_start3A_195] : memref<250x80xi32, #tpu.memory_space<vmem>> -> memref<1x80xi32, #tpu.memory_space<vmem>>
        %dma_start3A_197 = tpu.memref_squeeze %dma_start3A_196 : memref<1x80xi32, #tpu.memory_space<vmem>> -> memref<80xi32, #tpu.memory_space<vmem>>
        %dma_start3A_198 = arith.constant 0 : i32
        %dma_start3A_199 = arith.constant 0 : i32
        %dma_start3A_200 = tpu.memref_slice %arg13[%dma_start3A_198, %dma_start3A_199] : memref<10240x64xf32, #tpu.memory_space<vmem_shared>> -> memref<10240x64xf32, #tpu.memory_space<vmem_shared>>
        tpu.enqueue_indirect_dma source(%arg9 : memref<80x64xf32, #tpu.memory_space<vmem>>) target(%dma_start3A_200 : memref<10240x64xf32, #tpu.memory_space<vmem_shared>>) offsets(%dma_start3A_197 : memref<80xi32, #tpu.memory_space<vmem>>) semaphore(%run_scoped3A_194 : memref<!tpu.dma_semaphore, #tpu.memory_space<semaphore_mem>>) {add = true}
        %dma_wait3A_201 = arith.constant 0 : i32
        %dma_wait3A_202 = tpu.memref_slice %arg6[%add3A_127, %dma_wait3A_201] : memref<250x80xi32, #tpu.memory_space<vmem>> -> memref<1x80xi32, #tpu.memory_space<vmem>>
        %dma_wait3A_203 = tpu.memref_squeeze %dma_wait3A_202 : memref<1x80xi32, #tpu.memory_space<vmem>> -> memref<80xi32, #tpu.memory_space<vmem>>
        %dma_wait3A_204 = arith.constant 0 : i32
        %dma_wait3A_205 = arith.constant 0 : i32
        %dma_wait3A_206 = tpu.memref_slice %arg13[%dma_wait3A_204, %dma_wait3A_205] : memref<10240x64xf32, #tpu.memory_space<vmem_shared>> -> memref<10240x64xf32, #tpu.memory_space<vmem_shared>>
        tpu.wait_indirect_dma semaphore(%run_scoped3A_194 : memref<!tpu.dma_semaphore, #tpu.memory_space<semaphore_mem>>) src(%arg9 : memref<80x64xf32, #tpu.memory_space<vmem>>) dst(%dma_wait3A_206 : memref<10240x64xf32, #tpu.memory_space<vmem_shared>>)
        tpu.yield
      }) : () -> ()
      %mul3A_147 = arith.constant 5 : i32
      %mul3A_148 = arith.muli %scan3A_81, %mul3A_147 : i32
      %add3A_149 = arith.constant 3 : i32
      %add3A_150 = arith.addi %mul3A_148, %add3A_149 : i32
      %add3A_151 = arith.constant 5 : i32
      %add3A_152 = arith.addi %add3A_150, %add3A_151 : i32
      %sub3A_153 = arith.constant 1 : i32
      %sub3A_154 = arith.subi %add3A_152, %sub3A_153 : i32
      %lt3A_155 = arith.constant 250 : i32
      %lt3A_156 = arith.cmpi slt, %sub3A_154, %lt3A_155 : i32
      %convert_element_type3A_157 = arith.extui %lt3A_156 : i1 to i32
      %cond3A_158 = arith.constant 0 : i32
      %cond3A_159 = arith.cmpi ne, %convert_element_type3A_157, %cond3A_158 : i32
      scf.if %cond3A_159 {
        %dma_start3A_194 = arith.constant 0 : i32
        %dma_start3A_195 = tpu.memref_slice %arg5[%sub3A_154, %dma_start3A_194] : memref<250x80xi32, #tpu.memory_space<vmem>> -> memref<1x80xi32, #tpu.memory_space<vmem>>
        %dma_start3A_196 = tpu.memref_squeeze %dma_start3A_195 : memref<1x80xi32, #tpu.memory_space<vmem>> -> memref<80xi32, #tpu.memory_space<vmem>>
        %dma_start3A_197 = arith.constant 0 : i32
        %dma_start3A_198 = arith.constant 0 : i32
        %dma_start3A_199 = tpu.memref_slice %arg2[%arg0, %dma_start3A_197, %dma_start3A_198] : memref<2x10000x64xf32, #tpu.memory_space<hbm>> -> memref<1x10000x64xf32, #tpu.memory_space<hbm>>
        %dma_start3A_200 = tpu.memref_squeeze %dma_start3A_199 : memref<1x10000x64xf32, #tpu.memory_space<hbm>> -> memref<10000x64xf32, #tpu.memory_space<hbm>>
        %dma_start3A_201 = arith.constant 0 : i32
        %dma_start3A_202 = arith.constant 0 : i32
        %dma_start3A_203 = tpu.memref_slice %dma_start3A_200[%dma_start3A_201, %dma_start3A_202] : memref<10000x64xf32, #tpu.memory_space<hbm>> -> memref<10000x64xf32, #tpu.memory_space<hbm>>
        tpu.enqueue_indirect_dma source(%dma_start3A_203 : memref<10000x64xf32, #tpu.memory_space<hbm>>) target(%arg9 : memref<80x64xf32, #tpu.memory_space<vmem>>) offsets(%dma_start3A_196 : memref<80xi32, #tpu.memory_space<vmem>>) semaphore(%arg16 : memref<!tpu.dma_semaphore, #tpu.memory_space<semaphore_mem>>)
      } else {
      }
      %dma_wait3A_160 = arith.constant 0 : i32
      %dma_wait3A_161 = tpu.memref_slice %arg5[%add3A_150, %dma_wait3A_160] : memref<250x80xi32, #tpu.memory_space<vmem>> -> memref<1x80xi32, #tpu.memory_space<vmem>>
      %dma_wait3A_162 = tpu.memref_squeeze %dma_wait3A_161 : memref<1x80xi32, #tpu.memory_space<vmem>> -> memref<80xi32, #tpu.memory_space<vmem>>
      %dma_wait3A_163 = arith.constant 0 : i32
      %dma_wait3A_164 = arith.constant 0 : i32
      %dma_wait3A_165 = tpu.memref_slice %arg2[%arg0, %dma_wait3A_163, %dma_wait3A_164] : memref<2x10000x64xf32, #tpu.memory_space<hbm>> -> memref<1x10000x64xf32, #tpu.memory_space<hbm>>
      %dma_wait3A_166 = tpu.memref_squeeze %dma_wait3A_165 : memref<1x10000x64xf32, #tpu.memory_space<hbm>> -> memref<10000x64xf32, #tpu.memory_space<hbm>>
      %dma_wait3A_167 = arith.constant 0 : i32
      %dma_wait3A_168 = arith.constant 0 : i32
      %dma_wait3A_169 = tpu.memref_slice %dma_wait3A_166[%dma_wait3A_167, %dma_wait3A_168] : memref<10000x64xf32, #tpu.memory_space<hbm>> -> memref<10000x64xf32, #tpu.memory_space<hbm>>
      tpu.wait_indirect_dma semaphore(%arg17 : memref<!tpu.dma_semaphore, #tpu.memory_space<semaphore_mem>>) src(%dma_wait3A_169 : memref<10000x64xf32, #tpu.memory_space<hbm>>) dst(%arg10 : memref<80x64xf32, #tpu.memory_space<vmem>>)
      "tpu.region"() ({
        %run_scoped3A_194 = tpu.sem_alloc : memref<!tpu.dma_semaphore, #tpu.memory_space<semaphore_mem>>
        %dma_start3A_195 = arith.constant 0 : i32
        %dma_start3A_196 = tpu.memref_slice %arg6[%add3A_150, %dma_start3A_195] : memref<250x80xi32, #tpu.memory_space<vmem>> -> memref<1x80xi32, #tpu.memory_space<vmem>>
        %dma_start3A_197 = tpu.memref_squeeze %dma_start3A_196 : memref<1x80xi32, #tpu.memory_space<vmem>> -> memref<80xi32, #tpu.memory_space<vmem>>
        %dma_start3A_198 = arith.constant 0 : i32
        %dma_start3A_199 = arith.constant 0 : i32
        %dma_start3A_200 = tpu.memref_slice %arg13[%dma_start3A_198, %dma_start3A_199] : memref<10240x64xf32, #tpu.memory_space<vmem_shared>> -> memref<10240x64xf32, #tpu.memory_space<vmem_shared>>
        tpu.enqueue_indirect_dma source(%arg10 : memref<80x64xf32, #tpu.memory_space<vmem>>) target(%dma_start3A_200 : memref<10240x64xf32, #tpu.memory_space<vmem_shared>>) offsets(%dma_start3A_197 : memref<80xi32, #tpu.memory_space<vmem>>) semaphore(%run_scoped3A_194 : memref<!tpu.dma_semaphore, #tpu.memory_space<semaphore_mem>>) {add = true}
        %dma_wait3A_201 = arith.constant 0 : i32
        %dma_wait3A_202 = tpu.memref_slice %arg6[%add3A_150, %dma_wait3A_201] : memref<250x80xi32, #tpu.memory_space<vmem>> -> memref<1x80xi32, #tpu.memory_space<vmem>>
        %dma_wait3A_203 = tpu.memref_squeeze %dma_wait3A_202 : memref<1x80xi32, #tpu.memory_space<vmem>> -> memref<80xi32, #tpu.memory_space<vmem>>
        %dma_wait3A_204 = arith.constant 0 : i32
        %dma_wait3A_205 = arith.constant 0 : i32
        %dma_wait3A_206 = tpu.memref_slice %arg13[%dma_wait3A_204, %dma_wait3A_205] : memref<10240x64xf32, #tpu.memory_space<vmem_shared>> -> memref<10240x64xf32, #tpu.memory_space<vmem_shared>>
        tpu.wait_indirect_dma semaphore(%run_scoped3A_194 : memref<!tpu.dma_semaphore, #tpu.memory_space<semaphore_mem>>) src(%arg10 : memref<80x64xf32, #tpu.memory_space<vmem>>) dst(%dma_wait3A_206 : memref<10240x64xf32, #tpu.memory_space<vmem_shared>>)
        tpu.yield
      }) : () -> ()
      %mul3A_170 = arith.constant 5 : i32
      %mul3A_171 = arith.muli %scan3A_81, %mul3A_170 : i32
      %add3A_172 = arith.constant 4 : i32
      %add3A_173 = arith.addi %mul3A_171, %add3A_172 : i32
      %add3A_174 = arith.constant 5 : i32
      %add3A_175 = arith.addi %add3A_173, %add3A_174 : i32
      %sub3A_176 = arith.constant 1 : i32
      %sub3A_177 = arith.subi %add3A_175, %sub3A_176 : i32
      %lt3A_178 = arith.constant 250 : i32
      %lt3A_179 = arith.cmpi slt, %sub3A_177, %lt3A_178 : i32
      %convert_element_type3A_180 = arith.extui %lt3A_179 : i1 to i32
      %cond3A_181 = arith.constant 0 : i32
      %cond3A_182 = arith.cmpi ne, %convert_element_type3A_180, %cond3A_181 : i32
      scf.if %cond3A_182 {
        %dma_start3A_194 = arith.constant 0 : i32
        %dma_start3A_195 = tpu.memref_slice %arg5[%sub3A_177, %dma_start3A_194] : memref<250x80xi32, #tpu.memory_space<vmem>> -> memref<1x80xi32, #tpu.memory_space<vmem>>
        %dma_start3A_196 = tpu.memref_squeeze %dma_start3A_195 : memref<1x80xi32, #tpu.memory_space<vmem>> -> memref<80xi32, #tpu.memory_space<vmem>>
        %dma_start3A_197 = arith.constant 0 : i32
        %dma_start3A_198 = arith.constant 0 : i32
        %dma_start3A_199 = tpu.memref_slice %arg2[%arg0, %dma_start3A_197, %dma_start3A_198] : memref<2x10000x64xf32, #tpu.memory_space<hbm>> -> memref<1x10000x64xf32, #tpu.memory_space<hbm>>
        %dma_start3A_200 = tpu.memref_squeeze %dma_start3A_199 : memref<1x10000x64xf32, #tpu.memory_space<hbm>> -> memref<10000x64xf32, #tpu.memory_space<hbm>>
        %dma_start3A_201 = arith.constant 0 : i32
        %dma_start3A_202 = arith.constant 0 : i32
        %dma_start3A_203 = tpu.memref_slice %dma_start3A_200[%dma_start3A_201, %dma_start3A_202] : memref<10000x64xf32, #tpu.memory_space<hbm>> -> memref<10000x64xf32, #tpu.memory_space<hbm>>
        tpu.enqueue_indirect_dma source(%dma_start3A_203 : memref<10000x64xf32, #tpu.memory_space<hbm>>) target(%arg10 : memref<80x64xf32, #tpu.memory_space<vmem>>) offsets(%dma_start3A_196 : memref<80xi32, #tpu.memory_space<vmem>>) semaphore(%arg17 : memref<!tpu.dma_semaphore, #tpu.memory_space<semaphore_mem>>)
      } else {
      }
      %dma_wait3A_183 = arith.constant 0 : i32
      %dma_wait3A_184 = tpu.memref_slice %arg5[%add3A_173, %dma_wait3A_183] : memref<250x80xi32, #tpu.memory_space<vmem>> -> memref<1x80xi32, #tpu.memory_space<vmem>>
      %dma_wait3A_185 = tpu.memref_squeeze %dma_wait3A_184 : memref<1x80xi32, #tpu.memory_space<vmem>> -> memref<80xi32, #tpu.memory_space<vmem>>
      %dma_wait3A_186 = arith.constant 0 : i32
      %dma_wait3A_187 = arith.constant 0 : i32
      %dma_wait3A_188 = tpu.memref_slice %arg2[%arg0, %dma_wait3A_186, %dma_wait3A_187] : memref<2x10000x64xf32, #tpu.memory_space<hbm>> -> memref<1x10000x64xf32, #tpu.memory_space<hbm>>
      %dma_wait3A_189 = tpu.memref_squeeze %dma_wait3A_188 : memref<1x10000x64xf32, #tpu.memory_space<hbm>> -> memref<10000x64xf32, #tpu.memory_space<hbm>>
      %dma_wait3A_190 = arith.constant 0 : i32
      %dma_wait3A_191 = arith.constant 0 : i32
      %dma_wait3A_192 = tpu.memref_slice %dma_wait3A_189[%dma_wait3A_190, %dma_wait3A_191] : memref<10000x64xf32, #tpu.memory_space<hbm>> -> memref<10000x64xf32, #tpu.memory_space<hbm>>
      tpu.wait_indirect_dma semaphore(%arg18 : memref<!tpu.dma_semaphore, #tpu.memory_space<semaphore_mem>>) src(%dma_wait3A_192 : memref<10000x64xf32, #tpu.memory_space<hbm>>) dst(%arg11 : memref<80x64xf32, #tpu.memory_space<vmem>>)
      "tpu.region"() ({
        %run_scoped3A_194 = tpu.sem_alloc : memref<!tpu.dma_semaphore, #tpu.memory_space<semaphore_mem>>
        %dma_start3A_195 = arith.constant 0 : i32
        %dma_start3A_196 = tpu.memref_slice %arg6[%add3A_173, %dma_start3A_195] : memref<250x80xi32, #tpu.memory_space<vmem>> -> memref<1x80xi32, #tpu.memory_space<vmem>>
        %dma_start3A_197 = tpu.memref_squeeze %dma_start3A_196 : memref<1x80xi32, #tpu.memory_space<vmem>> -> memref<80xi32, #tpu.memory_space<vmem>>
        %dma_start3A_198 = arith.constant 0 : i32
        %dma_start3A_199 = arith.constant 0 : i32
        %dma_start3A_200 = tpu.memref_slice %arg13[%dma_start3A_198, %dma_start3A_199] : memref<10240x64xf32, #tpu.memory_space<vmem_shared>> -> memref<10240x64xf32, #tpu.memory_space<vmem_shared>>
        tpu.enqueue_indirect_dma source(%arg11 : memref<80x64xf32, #tpu.memory_space<vmem>>) target(%dma_start3A_200 : memref<10240x64xf32, #tpu.memory_space<vmem_shared>>) offsets(%dma_start3A_197 : memref<80xi32, #tpu.memory_space<vmem>>) semaphore(%run_scoped3A_194 : memref<!tpu.dma_semaphore, #tpu.memory_space<semaphore_mem>>) {add = true}
        %dma_wait3A_201 = arith.constant 0 : i32
        %dma_wait3A_202 = tpu.memref_slice %arg6[%add3A_173, %dma_wait3A_201] : memref<250x80xi32, #tpu.memory_space<vmem>> -> memref<1x80xi32, #tpu.memory_space<vmem>>
        %dma_wait3A_203 = tpu.memref_squeeze %dma_wait3A_202 : memref<1x80xi32, #tpu.memory_space<vmem>> -> memref<80xi32, #tpu.memory_space<vmem>>
        %dma_wait3A_204 = arith.constant 0 : i32
        %dma_wait3A_205 = arith.constant 0 : i32
        %dma_wait3A_206 = tpu.memref_slice %arg13[%dma_wait3A_204, %dma_wait3A_205] : memref<10240x64xf32, #tpu.memory_space<vmem_shared>> -> memref<10240x64xf32, #tpu.memory_space<vmem_shared>>
        tpu.wait_indirect_dma semaphore(%run_scoped3A_194 : memref<!tpu.dma_semaphore, #tpu.memory_space<semaphore_mem>>) src(%arg11 : memref<80x64xf32, #tpu.memory_space<vmem>>) dst(%dma_wait3A_206 : memref<10240x64xf32, #tpu.memory_space<vmem_shared>>)
        tpu.yield
      }) : () -> ()
      %scan3A_193 = arith.constant 0 : i32
      scf.yield %scan3A_193 : i32
    }
    %scan3A_75 = arith.constant 50 : i32
    %barrier3A_76 = arith.constant 0 : index
    tpu.barrier barrier_id(%barrier3A_76)
    %mul3A_77 = arith.constant 640 : i32
    %mul3A_78 = arith.muli %arg1, %mul3A_77 : i32
    %mul3A_79 = arith.constant 640 : i32
    %mul3A_80 = arith.muli %arg1, %mul3A_79 : i32
    "tpu.region"() ({
      %run_scoped3A_81 = tpu.sem_alloc : memref<!tpu.dma_semaphore, #tpu.memory_space<semaphore_mem>>
      %dma_start3A_82 = arith.constant 0 : i32
      %dma_start3A_83 = tpu.memref_slice %arg4[%arg0, %mul3A_80, %dma_start3A_82] : memref<2x10240x64xf32, #tpu.memory_space<hbm>> -> memref<1x640x64xf32, #tpu.memory_space<hbm>>
      %dma_start3A_84 = tpu.memref_squeeze %dma_start3A_83 : memref<1x640x64xf32, #tpu.memory_space<hbm>> -> memref<640x64xf32, #tpu.memory_space<hbm>>
      %dma_start3A_85 = arith.constant 0 : i32
      %dma_start3A_86 = tpu.memref_slice %arg13[%mul3A_78, %dma_start3A_85] : memref<10240x64xf32, #tpu.memory_space<vmem_shared>> -> memref<640x64xf32, #tpu.memory_space<vmem_shared>>
      tpu.enqueue_dma source(%dma_start3A_86 : memref<640x64xf32, #tpu.memory_space<vmem_shared>>) target(%dma_start3A_84 : memref<640x64xf32, #tpu.memory_space<hbm>>) target_semaphore(%run_scoped3A_81 : memref<!tpu.dma_semaphore, #tpu.memory_space<semaphore_mem>>)
      %dma_wait3A = arith.constant 0 : i32
      %dma_wait3A_87 = tpu.memref_slice %arg4[%arg0, %mul3A_80, %dma_wait3A] : memref<2x10240x64xf32, #tpu.memory_space<hbm>> -> memref<1x640x64xf32, #tpu.memory_space<hbm>>
      %dma_wait3A_88 = tpu.memref_squeeze %dma_wait3A_87 : memref<1x640x64xf32, #tpu.memory_space<hbm>> -> memref<640x64xf32, #tpu.memory_space<hbm>>
      %dma_wait3A_89 = arith.constant 0 : i32
      %dma_wait3A_90 = tpu.memref_slice %arg13[%mul3A_78, %dma_wait3A_89] : memref<10240x64xf32, #tpu.memory_space<vmem_shared>> -> memref<640x64xf32, #tpu.memory_space<vmem_shared>>
      tpu.wait_dma2 semaphore(%run_scoped3A_81 : memref<!tpu.dma_semaphore, #tpu.memory_space<semaphore_mem>>) src(%dma_wait3A_90 : memref<640x64xf32, #tpu.memory_space<vmem_shared>>) dst(%dma_wait3A_88 : memref<640x64xf32, #tpu.memory_space<hbm>>)
      tpu.yield
    }) : () -> ()
    return
  }
}

#map = affine_map<(d0, d1) -> (0, 0, 0)>
#map1 = affine_map<(d0, d1) -> (0, 0, 0, 0)>
module attributes {stable_mosaic.version = 14 : i64} {
  func.func @agg(%arg0: i32, %arg1: i32, %arg2: memref<2x10000x64xf32, #tpu.memory_space<hbm>>, %arg3: memref<2x16x250x80xi32, #tpu.memory_space<hbm>>, %arg4: memref<2x10240x64xf32, #tpu.memory_space<hbm>>, %arg5: memref<250x80xi32, #tpu.memory_space<vmem>>, %arg6: memref<250x80xi32, #tpu.memory_space<vmem>>, %arg7: memref<80x64xf32, #tpu.memory_space<vmem>>, %arg8: memref<80x64xf32, #tpu.memory_space<vmem>>, %arg9: memref<80x64xf32, #tpu.memory_space<vmem>>, %arg10: memref<80x64xf32, #tpu.memory_space<vmem>>, %arg11: memref<80x64xf32, #tpu.memory_space<vmem>>, %arg12: memref<128x64xf32, #tpu.memory_space<vmem>>, %arg13: memref<10240x64xf32, #tpu.memory_space<vmem_shared>>, %arg14: memref<!tpu.dma_semaphore, #tpu.memory_space<semaphore_mem>>, %arg15: memref<!tpu.dma_semaphore, #tpu.memory_space<semaphore_mem>>, %arg16: memref<!tpu.dma_semaphore, #tpu.memory_space<semaphore_mem>>, %arg17: memref<!tpu.dma_semaphore, #tpu.memory_space<semaphore_mem>>, %arg18: memref<!tpu.dma_semaphore, #tpu.memory_space<semaphore_mem>>) attributes {dimension_semantics = [#tpu.dimension_semantics<core_parallel>, #tpu.dimension_semantics<subcore_parallel>], iteration_bounds = array<i64: 2, 16>, scalar_prefetch = 0 : i64, scratch_operands = 14 : i64, tpu.core_type = #tpu.core_type<sc_vector_subcore>, window_params = [{transform_indices = #map}, {transform_indices = #map1}, {transform_indices = #map}]} {
    %broadcast_in_dim3A = arith.constant 0.000000e+00 : f32
    %broadcast_in_dim3A_0 = vector.broadcast %broadcast_in_dim3A : f32 to vector<16xf32>
    %scan3A = arith.constant 0 : i32
    %scan3A_1 = arith.constant 0 : i32
    %scan3A_2 = arith.constant 128 : i32
    %scan3A_3 = arith.addi %scan3A_1, %scan3A_2 : i32
    %scan3A_4 = arith.constant 1 : i32
    %scan3A_5 = scf.for %scan3A_81 = %scan3A_1 to %scan3A_3 step %scan3A_4 iter_args(%scan3A_82 = %scan3A) -> (i32)  : i32 {
      %swap3A = arith.index_cast %scan3A_81 : i32 to index
      %swap3A_83 = arith.constant 0 : index
      %swap3A_84 = tpu.vector_load %arg12[%swap3A, %swap3A_83] {strides = array<i32>} : memref<128x64xf32, #tpu.memory_space<vmem>>, vector<1x16xf32>,
      %swap3A_85 = vector.shape_cast %swap3A_84 : vector<1x16xf32> to vector<16xf32>
      %swap3A_86 = vector.shape_cast %broadcast_in_dim3A_0 : vector<16xf32> to vector<1x16xf32>
      tpu.vector_store %arg12[%swap3A, %swap3A_83], %swap3A_86 {strides = array<i32>} : memref<128x64xf32, #tpu.memory_space<vmem>>, vector<1x16xf32>,
      %swap3A_87 = arith.index_cast %scan3A_81 : i32 to index
      %swap3A_88 = arith.constant 16 : index
      %swap3A_89 = tpu.vector_load %arg12[%swap3A_87, %swap3A_88] {strides = array<i32>} : memref<128x64xf32, #tpu.memory_space<vmem>>, vector<1x16xf32>,
      %swap3A_90 = vector.shape_cast %swap3A_89 : vector<1x16xf32> to vector<16xf32>
      %swap3A_91 = vector.shape_cast %broadcast_in_dim3A_0 : vector<16xf32> to vector<1x16xf32>
      tpu.vector_store %arg12[%swap3A_87, %swap3A_88], %swap3A_91 {strides = array<i32>} : memref<128x64xf32, #tpu.memory_space<vmem>>, vector<1x16xf32>,
      %swap3A_92 = arith.index_cast %scan3A_81 : i32 to index
      %swap3A_93 = arith.constant 32 : index
      %swap3A_94 = tpu.vector_load %arg12[%swap3A_92, %swap3A_93] {strides = array<i32>} : memref<128x64xf32, #tpu.memory_space<vmem>>, vector<1x16xf32>,
      %swap3A_95 = vector.shape_cast %swap3A_94 : vector<1x16xf32> to vector<16xf32>
      %swap3A_96 = vector.shape_cast %broadcast_in_dim3A_0 : vector<16xf32> to vector<1x16xf32>
      tpu.vector_store %arg12[%swap3A_92, %swap3A_93], %swap3A_96 {strides = array<i32>} : memref<128x64xf32, #tpu.memory_space<vmem>>, vector<1x16xf32>,
      %swap3A_97 = arith.index_cast %scan3A_81 : i32 to index
      %swap3A_98 = arith.constant 48 : index
      %swap3A_99 = tpu.vector_load %arg12[%swap3A_97, %swap3A_98] {strides = array<i32>} : memref<128x64xf32, #tpu.memory_space<vmem>>, vector<1x16xf32>,
      %swap3A_100 = vector.shape_cast %swap3A_99 : vector<1x16xf32> to vector<16xf32>
      %swap3A_101 = vector.shape_cast %broadcast_in_dim3A_0 : vector<16xf32> to vector<1x16xf32>
      tpu.vector_store %arg12[%swap3A_97, %swap3A_98], %swap3A_101 {strides = array<i32>} : memref<128x64xf32, #tpu.memory_space<vmem>>, vector<1x16xf32>,
      %scan3A_102 = arith.constant 0 : i32
      scf.yield %scan3A_102 : i32
    }
    %scan3A_6 = arith.constant 128 : i32
    %mul3A = arith.constant 640 : i32
    %mul3A_7 = arith.muli %arg1, %mul3A : i32
    %add3A = arith.constant 0 : i32
    %add3A_8 = arith.addi %mul3A_7, %add3A : i32
    "tpu.region"() ({
      %run_scoped3A_81 = tpu.sem_alloc : memref<!tpu.dma_semaphore, #tpu.memory_space<semaphore_mem>>
      %dma_start3A_82 = arith.constant 0 : i32
      %dma_start3A_83 = tpu.memref_slice %arg13[%add3A_8, %dma_start3A_82] : memref<10240x64xf32, #tpu.memory_space<vmem_shared>> -> memref<128x64xf32, #tpu.memory_space<vmem_shared>>
      %dma_start3A_84 = arith.constant 0 : i32
      %dma_start3A_85 = tpu.memref_slice %arg13[%add3A_8, %dma_start3A_84] : memref<10240x64xf32, #tpu.memory_space<vmem_shared>> -> memref<128x64xf32, #tpu.memory_space<vmem_shared>>
      tpu.enqueue_dma source(%arg12 : memref<128x64xf32, #tpu.memory_space<vmem>>) target(%dma_start3A_85 : memref<128x64xf32, #tpu.memory_space<vmem_shared>>) target_semaphore(%run_scoped3A_81 : memref<!tpu.dma_semaphore, #tpu.memory_space<semaphore_mem>>)
      %dma_wait3A = arith.constant 0 : i32
      %dma_wait3A_86 = tpu.memref_slice %arg13[%add3A_8, %dma_wait3A] : memref<10240x64xf32, #tpu.memory_space<vmem_shared>> -> memref<128x64xf32, #tpu.memory_space<vmem_shared>>
      %dma_wait3A_87 = arith.constant 0 : i32
      %dma_wait3A_88 = tpu.memref_slice %arg13[%add3A_8, %dma_wait3A_87] : memref<10240x64xf32, #tpu.memory_space<vmem_shared>> -> memref<128x64xf32, #tpu.memory_space<vmem_shared>>
      tpu.wait_dma2 semaphore(%run_scoped3A_81 : memref<!tpu.dma_semaphore, #tpu.memory_space<semaphore_mem>>) src(%arg12 : memref<128x64xf32, #tpu.memory_space<vmem>>) dst(%dma_wait3A_88 : memref<128x64xf32, #tpu.memory_space<vmem_shared>>)
      tpu.yield
    }) : () -> ()
    %mul3A_9 = arith.constant 640 : i32
    %mul3A_10 = arith.muli %arg1, %mul3A_9 : i32
    %add3A_11 = arith.constant 128 : i32
    %add3A_12 = arith.addi %mul3A_10, %add3A_11 : i32
    "tpu.region"() ({
      %run_scoped3A_81 = tpu.sem_alloc : memref<!tpu.dma_semaphore, #tpu.memory_space<semaphore_mem>>
      %dma_start3A_82 = arith.constant 0 : i32
      %dma_start3A_83 = tpu.memref_slice %arg13[%add3A_12, %dma_start3A_82] : memref<10240x64xf32, #tpu.memory_space<vmem_shared>> -> memref<128x64xf32, #tpu.memory_space<vmem_shared>>
      %dma_start3A_84 = arith.constant 0 : i32
      %dma_start3A_85 = tpu.memref_slice %arg13[%add3A_12, %dma_start3A_84] : memref<10240x64xf32, #tpu.memory_space<vmem_shared>> -> memref<128x64xf32, #tpu.memory_space<vmem_shared>>
      tpu.enqueue_dma source(%arg12 : memref<128x64xf32, #tpu.memory_space<vmem>>) target(%dma_start3A_85 : memref<128x64xf32, #tpu.memory_space<vmem_shared>>) target_semaphore(%run_scoped3A_81 : memref<!tpu.dma_semaphore, #tpu.memory_space<semaphore_mem>>)
      %dma_wait3A = arith.constant 0 : i32
      %dma_wait3A_86 = tpu.memref_slice %arg13[%add3A_12, %dma_wait3A] : memref<10240x64xf32, #tpu.memory_space<vmem_shared>> -> memref<128x64xf32, #tpu.memory_space<vmem_shared>>
      %dma_wait3A_87 = arith.constant 0 : i32
      %dma_wait3A_88 = tpu.memref_slice %arg13[%add3A_12, %dma_wait3A_87] : memref<10240x64xf32, #tpu.memory_space<vmem_shared>> -> memref<128x64xf32, #tpu.memory_space<vmem_shared>>
      tpu.wait_dma2 semaphore(%run_scoped3A_81 : memref<!tpu.dma_semaphore, #tpu.memory_space<semaphore_mem>>) src(%arg12 : memref<128x64xf32, #tpu.memory_space<vmem>>) dst(%dma_wait3A_88 : memref<128x64xf32, #tpu.memory_space<vmem_shared>>)
      tpu.yield
    }) : () -> ()
    %mul3A_13 = arith.constant 640 : i32
    %mul3A_14 = arith.muli %arg1, %mul3A_13 : i32
    %add3A_15 = arith.constant 256 : i32
    %add3A_16 = arith.addi %mul3A_14, %add3A_15 : i32
    "tpu.region"() ({
      %run_scoped3A_81 = tpu.sem_alloc : memref<!tpu.dma_semaphore, #tpu.memory_space<semaphore_mem>>
      %dma_start3A_82 = arith.constant 0 : i32
      %dma_start3A_83 = tpu.memref_slice %arg13[%add3A_16, %dma_start3A_82] : memref<10240x64xf32, #tpu.memory_space<vmem_shared>> -> memref<128x64xf32, #tpu.memory_space<vmem_shared>>
      %dma_start3A_84 = arith.constant 0 : i32
      %dma_start3A_85 = tpu.memref_slice %arg13[%add3A_16, %dma_start3A_84] : memref<10240x64xf32, #tpu.memory_space<vmem_shared>> -> memref<128x64xf32, #tpu.memory_space<vmem_shared>>
      tpu.enqueue_dma source(%arg12 : memref<128x64xf32, #tpu.memory_space<vmem>>) target(%dma_start3A_85 : memref<128x64xf32, #tpu.memory_space<vmem_shared>>) target_semaphore(%run_scoped3A_81 : memref<!tpu.dma_semaphore, #tpu.memory_space<semaphore_mem>>)
      %dma_wait3A = arith.constant 0 : i32
      %dma_wait3A_86 = tpu.memref_slice %arg13[%add3A_16, %dma_wait3A] : memref<10240x64xf32, #tpu.memory_space<vmem_shared>> -> memref<128x64xf32, #tpu.memory_space<vmem_shared>>
      %dma_wait3A_87 = arith.constant 0 : i32
      %dma_wait3A_88 = tpu.memref_slice %arg13[%add3A_16, %dma_wait3A_87] : memref<10240x64xf32, #tpu.memory_space<vmem_shared>> -> memref<128x64xf32, #tpu.memory_space<vmem_shared>>
      tpu.wait_dma2 semaphore(%run_scoped3A_81 : memref<!tpu.dma_semaphore, #tpu.memory_space<semaphore_mem>>) src(%arg12 : memref<128x64xf32, #tpu.memory_space<vmem>>) dst(%dma_wait3A_88 : memref<128x64xf32, #tpu.memory_space<vmem_shared>>)
      tpu.yield
    }) : () -> ()
    %mul3A_17 = arith.constant 640 : i32
    %mul3A_18 = arith.muli %arg1, %mul3A_17 : i32
    %add3A_19 = arith.constant 384 : i32
    %add3A_20 = arith.addi %mul3A_18, %add3A_19 : i32
    "tpu.region"() ({
      %run_scoped3A_81 = tpu.sem_alloc : memref<!tpu.dma_semaphore, #tpu.memory_space<semaphore_mem>>
      %dma_start3A_82 = arith.constant 0 : i32
      %dma_start3A_83 = tpu.memref_slice %arg13[%add3A_20, %dma_start3A_82] : memref<10240x64xf32, #tpu.memory_space<vmem_shared>> -> memref<128x64xf32, #tpu.memory_space<vmem_shared>>
      %dma_start3A_84 = arith.constant 0 : i32
      %dma_start3A_85 = tpu.memref_slice %arg13[%add3A_20, %dma_start3A_84] : memref<10240x64xf32, #tpu.memory_space<vmem_shared>> -> memref<128x64xf32, #tpu.memory_space<vmem_shared>>
      tpu.enqueue_dma source(%arg12 : memref<128x64xf32, #tpu.memory_space<vmem>>) target(%dma_start3A_85 : memref<128x64xf32, #tpu.memory_space<vmem_shared>>) target_semaphore(%run_scoped3A_81 : memref<!tpu.dma_semaphore, #tpu.memory_space<semaphore_mem>>)
      %dma_wait3A = arith.constant 0 : i32
      %dma_wait3A_86 = tpu.memref_slice %arg13[%add3A_20, %dma_wait3A] : memref<10240x64xf32, #tpu.memory_space<vmem_shared>> -> memref<128x64xf32, #tpu.memory_space<vmem_shared>>
      %dma_wait3A_87 = arith.constant 0 : i32
      %dma_wait3A_88 = tpu.memref_slice %arg13[%add3A_20, %dma_wait3A_87] : memref<10240x64xf32, #tpu.memory_space<vmem_shared>> -> memref<128x64xf32, #tpu.memory_space<vmem_shared>>
      tpu.wait_dma2 semaphore(%run_scoped3A_81 : memref<!tpu.dma_semaphore, #tpu.memory_space<semaphore_mem>>) src(%arg12 : memref<128x64xf32, #tpu.memory_space<vmem>>) dst(%dma_wait3A_88 : memref<128x64xf32, #tpu.memory_space<vmem_shared>>)
      tpu.yield
    }) : () -> ()
    %mul3A_21 = arith.constant 640 : i32
    %mul3A_22 = arith.muli %arg1, %mul3A_21 : i32
    %add3A_23 = arith.constant 512 : i32
    %add3A_24 = arith.addi %mul3A_22, %add3A_23 : i32
    "tpu.region"() ({
      %run_scoped3A_81 = tpu.sem_alloc : memref<!tpu.dma_semaphore, #tpu.memory_space<semaphore_mem>>
      %dma_start3A_82 = arith.constant 0 : i32
      %dma_start3A_83 = tpu.memref_slice %arg13[%add3A_24, %dma_start3A_82] : memref<10240x64xf32, #tpu.memory_space<vmem_shared>> -> memref<128x64xf32, #tpu.memory_space<vmem_shared>>
      %dma_start3A_84 = arith.constant 0 : i32
      %dma_start3A_85 = tpu.memref_slice %arg13[%add3A_24, %dma_start3A_84] : memref<10240x64xf32, #tpu.memory_space<vmem_shared>> -> memref<128x64xf32, #tpu.memory_space<vmem_shared>>
      tpu.enqueue_dma source(%arg12 : memref<128x64xf32, #tpu.memory_space<vmem>>) target(%dma_start3A_85 : memref<128x64xf32, #tpu.memory_space<vmem_shared>>) target_semaphore(%run_scoped3A_81 : memref<!tpu.dma_semaphore, #tpu.memory_space<semaphore_mem>>)
      %dma_wait3A = arith.constant 0 : i32
      %dma_wait3A_86 = tpu.memref_slice %arg13[%add3A_24, %dma_wait3A] : memref<10240x64xf32, #tpu.memory_space<vmem_shared>> -> memref<128x64xf32, #tpu.memory_space<vmem_shared>>
      %dma_wait3A_87 = arith.constant 0 : i32
      %dma_wait3A_88 = tpu.memref_slice %arg13[%add3A_24, %dma_wait3A_87] : memref<10240x64xf32, #tpu.memory_space<vmem_shared>> -> memref<128x64xf32, #tpu.memory_space<vmem_shared>>
      tpu.wait_dma2 semaphore(%run_scoped3A_81 : memref<!tpu.dma_semaphore, #tpu.memory_space<semaphore_mem>>) src(%arg12 : memref<128x64xf32, #tpu.memory_space<vmem>>) dst(%dma_wait3A_88 : memref<128x64xf32, #tpu.memory_space<vmem_shared>>)
      tpu.yield
    }) : () -> ()
    %barrier3A = arith.constant 0 : index
    tpu.barrier barrier_id(%barrier3A)
    %run_scoped3A = arith.constant 0 : i32
    "tpu.region"() ({
      %run_scoped3A_81 = tpu.sem_alloc : memref<!tpu.dma_semaphore, #tpu.memory_space<semaphore_mem>>
      %dma_start3A_82 = arith.constant 0 : i32
      %dma_start3A_83 = arith.constant 0 : i32
      %dma_start3A_84 = tpu.memref_slice %arg3[%run_scoped3A, %arg1, %dma_start3A_82, %dma_start3A_83] : memref<2x16x250x80xi32, #tpu.memory_space<hbm>> -> memref<1x1x250x80xi32, #tpu.memory_space<hbm>>
      %dma_start3A_85 = tpu.memref_squeeze %dma_start3A_84 : memref<1x1x250x80xi32, #tpu.memory_space<hbm>> -> memref<250x80xi32, #tpu.memory_space<hbm>>
      %dma_start3A_86 = arith.constant 0 : i32
      %dma_start3A_87 = arith.constant 0 : i32
      %dma_start3A_88 = tpu.memref_slice %arg3[%run_scoped3A, %arg1, %dma_start3A_86, %dma_start3A_87] : memref<2x16x250x80xi32, #tpu.memory_space<hbm>> -> memref<1x1x250x80xi32, #tpu.memory_space<hbm>>
      %dma_start3A_89 = tpu.memref_squeeze %dma_start3A_88 : memref<1x1x250x80xi32, #tpu.memory_space<hbm>> -> memref<250x80xi32, #tpu.memory_space<hbm>>
      tpu.enqueue_dma source(%dma_start3A_89 : memref<250x80xi32, #tpu.memory_space<hbm>>) target(%arg5 : memref<250x80xi32, #tpu.memory_space<vmem>>) target_semaphore(%run_scoped3A_81 : memref<!tpu.dma_semaphore, #tpu.memory_space<semaphore_mem>>)
      %dma_wait3A = arith.constant 0 : i32
      %dma_wait3A_90 = arith.constant 0 : i32
      %dma_wait3A_91 = tpu.memref_slice %arg3[%run_scoped3A, %arg1, %dma_wait3A, %dma_wait3A_90] : memref<2x16x250x80xi32, #tpu.memory_space<hbm>> -> memref<1x1x250x80xi32, #tpu.memory_space<hbm>>
      %dma_wait3A_92 = tpu.memref_squeeze %dma_wait3A_91 : memref<1x1x250x80xi32, #tpu.memory_space<hbm>> -> memref<250x80xi32, #tpu.memory_space<hbm>>
      %dma_wait3A_93 = arith.constant 0 : i32
      %dma_wait3A_94 = arith.constant 0 : i32
      %dma_wait3A_95 = tpu.memref_slice %arg3[%run_scoped3A, %arg1, %dma_wait3A_93, %dma_wait3A_94] : memref<2x16x250x80xi32, #tpu.memory_space<hbm>> -> memref<1x1x250x80xi32, #tpu.memory_space<hbm>>
      %dma_wait3A_96 = tpu.memref_squeeze %dma_wait3A_95 : memref<1x1x250x80xi32, #tpu.memory_space<hbm>> -> memref<250x80xi32, #tpu.memory_space<hbm>>
      tpu.wait_dma2 semaphore(%run_scoped3A_81 : memref<!tpu.dma_semaphore, #tpu.memory_space<semaphore_mem>>) src(%dma_wait3A_96 : memref<250x80xi32, #tpu.memory_space<hbm>>) dst(%arg5 : memref<250x80xi32, #tpu.memory_space<vmem>>)
      tpu.yield
    }) : () -> ()
    %run_scoped3A_25 = arith.constant 1 : i32
    "tpu.region"() ({
      %run_scoped3A_81 = tpu.sem_alloc : memref<!tpu.dma_semaphore, #tpu.memory_space<semaphore_mem>>
      %dma_start3A_82 = arith.constant 0 : i32
      %dma_start3A_83 = arith.constant 0 : i32
      %dma_start3A_84 = tpu.memref_slice %arg3[%run_scoped3A_25, %arg1, %dma_start3A_82, %dma_start3A_83] : memref<2x16x250x80xi32, #tpu.memory_space<hbm>> -> memref<1x1x250x80xi32, #tpu.memory_space<hbm>>
      %dma_start3A_85 = tpu.memref_squeeze %dma_start3A_84 : memref<1x1x250x80xi32, #tpu.memory_space<hbm>> -> memref<250x80xi32, #tpu.memory_space<hbm>>
      %dma_start3A_86 = arith.constant 0 : i32
      %dma_start3A_87 = arith.constant 0 : i32
      %dma_start3A_88 = tpu.memref_slice %arg3[%run_scoped3A_25, %arg1, %dma_start3A_86, %dma_start3A_87] : memref<2x16x250x80xi32, #tpu.memory_space<hbm>> -> memref<1x1x250x80xi32, #tpu.memory_space<hbm>>
      %dma_start3A_89 = tpu.memref_squeeze %dma_start3A_88 : memref<1x1x250x80xi32, #tpu.memory_space<hbm>> -> memref<250x80xi32, #tpu.memory_space<hbm>>
      tpu.enqueue_dma source(%dma_start3A_89 : memref<250x80xi32, #tpu.memory_space<hbm>>) target(%arg6 : memref<250x80xi32, #tpu.memory_space<vmem>>) target_semaphore(%run_scoped3A_81 : memref<!tpu.dma_semaphore, #tpu.memory_space<semaphore_mem>>)
      %dma_wait3A = arith.constant 0 : i32
      %dma_wait3A_90 = arith.constant 0 : i32
      %dma_wait3A_91 = tpu.memref_slice %arg3[%run_scoped3A_25, %arg1, %dma_wait3A, %dma_wait3A_90] : memref<2x16x250x80xi32, #tpu.memory_space<hbm>> -> memref<1x1x250x80xi32, #tpu.memory_space<hbm>>
      %dma_wait3A_92 = tpu.memref_squeeze %dma_wait3A_91 : memref<1x1x250x80xi32, #tpu.memory_space<hbm>> -> memref<250x80xi32, #tpu.memory_space<hbm>>
      %dma_wait3A_93 = arith.constant 0 : i32
      %dma_wait3A_94 = arith.constant 0 : i32
      %dma_wait3A_95 = tpu.memref_slice %arg3[%run_scoped3A_25, %arg1, %dma_wait3A_93, %dma_wait3A_94] : memref<2x16x250x80xi32, #tpu.memory_space<hbm>> -> memref<1x1x250x80xi32, #tpu.memory_space<hbm>>
      %dma_wait3A_96 = tpu.memref_squeeze %dma_wait3A_95 : memref<1x1x250x80xi32, #tpu.memory_space<hbm>> -> memref<250x80xi32, #tpu.memory_space<hbm>>
      tpu.wait_dma2 semaphore(%run_scoped3A_81 : memref<!tpu.dma_semaphore, #tpu.memory_space<semaphore_mem>>) src(%dma_wait3A_96 : memref<250x80xi32, #tpu.memory_space<hbm>>) dst(%arg6 : memref<250x80xi32, #tpu.memory_space<vmem>>)
      tpu.yield
    }) : () -> ()
    %dma_start3A = arith.constant 0 : i32
    %dma_start3A_26 = arith.constant 0 : i32
    %dma_start3A_27 = tpu.memref_slice %arg5[%dma_start3A, %dma_start3A_26] : memref<250x80xi32, #tpu.memory_space<vmem>> -> memref<1x80xi32, #tpu.memory_space<vmem>>
    %dma_start3A_28 = tpu.memref_squeeze %dma_start3A_27 : memref<1x80xi32, #tpu.memory_space<vmem>> -> memref<80xi32, #tpu.memory_space<vmem>>
    %dma_start3A_29 = arith.constant 0 : i32
    %dma_start3A_30 = arith.constant 0 : i32
    %dma_start3A_31 = tpu.memref_slice %arg2[%arg0, %dma_start3A_29, %dma_start3A_30] : memref<2x10000x64xf32, #tpu.memory_space<hbm>> -> memref<1x10000x64xf32, #tpu.memory_space<hbm>>
    %dma_start3A_32 = tpu.memref_squeeze %dma_start3A_31 : memref<1x10000x64xf32, #tpu.memory_space<hbm>> -> memref<10000x64xf32, #tpu.memory_space<hbm>>
    %dma_start3A_33 = arith.constant 0 : i32
    %dma_start3A_34 = arith.constant 0 : i32
    %dma_start3A_35 = tpu.memref_slice %dma_start3A_32[%dma_start3A_33, %dma_start3A_34] : memref<10000x64xf32, #tpu.memory_space<hbm>> -> memref<10000x64xf32, #tpu.memory_space<hbm>>
    tpu.enqueue_indirect_dma source(%dma_start3A_35 : memref<10000x64xf32, #tpu.memory_space<hbm>>) target(%arg7 : memref<80x64xf32, #tpu.memory_space<vmem>>) offsets(%dma_start3A_28 : memref<80xi32, #tpu.memory_space<vmem>>) semaphore(%arg14 : memref<!tpu.dma_semaphore, #tpu.memory_space<semaphore_mem>>)
    %dma_start3A_36 = arith.constant 1 : i32
    %dma_start3A_37 = arith.constant 0 : i32
    %dma_start3A_38 = tpu.memref_slice %arg5[%dma_start3A_36, %dma_start3A_37] : memref<250x80xi32, #tpu.memory_space<vmem>> -> memref<1x80xi32, #tpu.memory_space<vmem>>
    %dma_start3A_39 = tpu.memref_squeeze %dma_start3A_38 : memref<1x80xi32, #tpu.memory_space<vmem>> -> memref<80xi32, #tpu.memory_space<vmem>>
    %dma_start3A_40 = arith.constant 0 : i32
    %dma_start3A_41 = arith.constant 0 : i32
    %dma_start3A_42 = tpu.memref_slice %arg2[%arg0, %dma_start3A_40, %dma_start3A_41] : memref<2x10000x64xf32, #tpu.memory_space<hbm>> -> memref<1x10000x64xf32, #tpu.memory_space<hbm>>
    %dma_start3A_43 = tpu.memref_squeeze %dma_start3A_42 : memref<1x10000x64xf32, #tpu.memory_space<hbm>> -> memref<10000x64xf32, #tpu.memory_space<hbm>>
    %dma_start3A_44 = arith.constant 0 : i32
    %dma_start3A_45 = arith.constant 0 : i32
    %dma_start3A_46 = tpu.memref_slice %dma_start3A_43[%dma_start3A_44, %dma_start3A_45] : memref<10000x64xf32, #tpu.memory_space<hbm>> -> memref<10000x64xf32, #tpu.memory_space<hbm>>
    tpu.enqueue_indirect_dma source(%dma_start3A_46 : memref<10000x64xf32, #tpu.memory_space<hbm>>) target(%arg8 : memref<80x64xf32, #tpu.memory_space<vmem>>) offsets(%dma_start3A_39 : memref<80xi32, #tpu.memory_space<vmem>>) semaphore(%arg15 : memref<!tpu.dma_semaphore, #tpu.memory_space<semaphore_mem>>)
    %dma_start3A_47 = arith.constant 2 : i32
    %dma_start3A_48 = arith.constant 0 : i32
    %dma_start3A_49 = tpu.memref_slice %arg5[%dma_start3A_47, %dma_start3A_48] : memref<250x80xi32, #tpu.memory_space<vmem>> -> memref<1x80xi32, #tpu.memory_space<vmem>>
    %dma_start3A_50 = tpu.memref_squeeze %dma_start3A_49 : memref<1x80xi32, #tpu.memory_space<vmem>> -> memref<80xi32, #tpu.memory_space<vmem>>
    %dma_start3A_51 = arith.constant 0 : i32
    %dma_start3A_52 = arith.constant 0 : i32
    %dma_start3A_53 = tpu.memref_slice %arg2[%arg0, %dma_start3A_51, %dma_start3A_52] : memref<2x10000x64xf32, #tpu.memory_space<hbm>> -> memref<1x10000x64xf32, #tpu.memory_space<hbm>>
    %dma_start3A_54 = tpu.memref_squeeze %dma_start3A_53 : memref<1x10000x64xf32, #tpu.memory_space<hbm>> -> memref<10000x64xf32, #tpu.memory_space<hbm>>
    %dma_start3A_55 = arith.constant 0 : i32
    %dma_start3A_56 = arith.constant 0 : i32
    %dma_start3A_57 = tpu.memref_slice %dma_start3A_54[%dma_start3A_55, %dma_start3A_56] : memref<10000x64xf32, #tpu.memory_space<hbm>> -> memref<10000x64xf32, #tpu.memory_space<hbm>>
    tpu.enqueue_indirect_dma source(%dma_start3A_57 : memref<10000x64xf32, #tpu.memory_space<hbm>>) target(%arg9 : memref<80x64xf32, #tpu.memory_space<vmem>>) offsets(%dma_start3A_50 : memref<80xi32, #tpu.memory_space<vmem>>) semaphore(%arg16 : memref<!tpu.dma_semaphore, #tpu.memory_space<semaphore_mem>>)
    %dma_start3A_58 = arith.constant 3 : i32
    %dma_start3A_59 = arith.constant 0 : i32
    %dma_start3A_60 = tpu.memref_slice %arg5[%dma_start3A_58, %dma_start3A_59] : memref<250x80xi32, #tpu.memory_space<vmem>> -> memref<1x80xi32, #tpu.memory_space<vmem>>
    %dma_start3A_61 = tpu.memref_squeeze %dma_start3A_60 : memref<1x80xi32, #tpu.memory_space<vmem>> -> memref<80xi32, #tpu.memory_space<vmem>>
    %dma_start3A_62 = arith.constant 0 : i32
    %dma_start3A_63 = arith.constant 0 : i32
    %dma_start3A_64 = tpu.memref_slice %arg2[%arg0, %dma_start3A_62, %dma_start3A_63] : memref<2x10000x64xf32, #tpu.memory_space<hbm>> -> memref<1x10000x64xf32, #tpu.memory_space<hbm>>
    %dma_start3A_65 = tpu.memref_squeeze %dma_start3A_64 : memref<1x10000x64xf32, #tpu.memory_space<hbm>> -> memref<10000x64xf32, #tpu.memory_space<hbm>>
    %dma_start3A_66 = arith.constant 0 : i32
    %dma_start3A_67 = arith.constant 0 : i32
    %dma_start3A_68 = tpu.memref_slice %dma_start3A_65[%dma_start3A_66, %dma_start3A_67] : memref<10000x64xf32, #tpu.memory_space<hbm>> -> memref<10000x64xf32, #tpu.memory_space<hbm>>
    tpu.enqueue_indirect_dma source(%dma_start3A_68 : memref<10000x64xf32, #tpu.memory_space<hbm>>) target(%arg10 : memref<80x64xf32, #tpu.memory_space<vmem>>) offsets(%dma_start3A_61 : memref<80xi32, #tpu.memory_space<vmem>>) semaphore(%arg17 : memref<!tpu.dma_semaphore, #tpu.memory_space<semaphore_mem>>)
    %scan3A_69 = arith.constant 0 : i32
    %scan3A_70 = arith.constant 0 : i32
    %scan3A_71 = arith.constant 50 : i32
    %scan3A_72 = arith.addi %scan3A_70, %scan3A_71 : i32
    %scan3A_73 = arith.constant 1 : i32
    %scan3A_74 = scf.for %scan3A_81 = %scan3A_70 to %scan3A_72 step %scan3A_73 iter_args(%scan3A_82 = %scan3A_69) -> (i32)  : i32 {
      %mul3A_83 = arith.constant 5 : i32
      %mul3A_84 = arith.muli %scan3A_81, %mul3A_83 : i32
      %add3A_85 = arith.constant 0 : i32
      %add3A_86 = arith.addi %mul3A_84, %add3A_85 : i32
      %add3A_87 = arith.constant 5 : i32
      %add3A_88 = arith.addi %add3A_86, %add3A_87 : i32
      %sub3A = arith.constant 1 : i32
      %sub3A_89 = arith.subi %add3A_88, %sub3A : i32
      %lt3A = arith.constant 250 : i32
      %lt3A_90 = arith.cmpi slt, %sub3A_89, %lt3A : i32
      %convert_element_type3A = arith.extui %lt3A_90 : i1 to i32
      %cond3A = arith.constant 0 : i32
      %cond3A_91 = arith.cmpi ne, %convert_element_type3A, %cond3A : i32
      scf.if %cond3A_91 {
        %dma_start3A_194 = arith.constant 0 : i32
        %dma_start3A_195 = tpu.memref_slice %arg5[%sub3A_89, %dma_start3A_194] : memref<250x80xi32, #tpu.memory_space<vmem>> -> memref<1x80xi32, #tpu.memory_space<vmem>>
        %dma_start3A_196 = tpu.memref_squeeze %dma_start3A_195 : memref<1x80xi32, #tpu.memory_space<vmem>> -> memref<80xi32, #tpu.memory_space<vmem>>
        %dma_start3A_197 = arith.constant 0 : i32
        %dma_start3A_198 = arith.constant 0 : i32
        %dma_start3A_199 = tpu.memref_slice %arg2[%arg0, %dma_start3A_197, %dma_start3A_198] : memref<2x10000x64xf32, #tpu.memory_space<hbm>> -> memref<1x10000x64xf32, #tpu.memory_space<hbm>>
        %dma_start3A_200 = tpu.memref_squeeze %dma_start3A_199 : memref<1x10000x64xf32, #tpu.memory_space<hbm>> -> memref<10000x64xf32, #tpu.memory_space<hbm>>
        %dma_start3A_201 = arith.constant 0 : i32
        %dma_start3A_202 = arith.constant 0 : i32
        %dma_start3A_203 = tpu.memref_slice %dma_start3A_200[%dma_start3A_201, %dma_start3A_202] : memref<10000x64xf32, #tpu.memory_space<hbm>> -> memref<10000x64xf32, #tpu.memory_space<hbm>>
        tpu.enqueue_indirect_dma source(%dma_start3A_203 : memref<10000x64xf32, #tpu.memory_space<hbm>>) target(%arg11 : memref<80x64xf32, #tpu.memory_space<vmem>>) offsets(%dma_start3A_196 : memref<80xi32, #tpu.memory_space<vmem>>) semaphore(%arg18 : memref<!tpu.dma_semaphore, #tpu.memory_space<semaphore_mem>>)
      } else {
      }
      %dma_wait3A = arith.constant 0 : i32
      %dma_wait3A_92 = tpu.memref_slice %arg5[%add3A_86, %dma_wait3A] : memref<250x80xi32, #tpu.memory_space<vmem>> -> memref<1x80xi32, #tpu.memory_space<vmem>>
      %dma_wait3A_93 = tpu.memref_squeeze %dma_wait3A_92 : memref<1x80xi32, #tpu.memory_space<vmem>> -> memref<80xi32, #tpu.memory_space<vmem>>
      %dma_wait3A_94 = arith.constant 0 : i32
      %dma_wait3A_95 = arith.constant 0 : i32
      %dma_wait3A_96 = tpu.memref_slice %arg2[%arg0, %dma_wait3A_94, %dma_wait3A_95] : memref<2x10000x64xf32, #tpu.memory_space<hbm>> -> memref<1x10000x64xf32, #tpu.memory_space<hbm>>
      %dma_wait3A_97 = tpu.memref_squeeze %dma_wait3A_96 : memref<1x10000x64xf32, #tpu.memory_space<hbm>> -> memref<10000x64xf32, #tpu.memory_space<hbm>>
      %dma_wait3A_98 = arith.constant 0 : i32
      %dma_wait3A_99 = arith.constant 0 : i32
      %dma_wait3A_100 = tpu.memref_slice %dma_wait3A_97[%dma_wait3A_98, %dma_wait3A_99] : memref<10000x64xf32, #tpu.memory_space<hbm>> -> memref<10000x64xf32, #tpu.memory_space<hbm>>
      tpu.wait_indirect_dma semaphore(%arg14 : memref<!tpu.dma_semaphore, #tpu.memory_space<semaphore_mem>>) src(%dma_wait3A_100 : memref<10000x64xf32, #tpu.memory_space<hbm>>) dst(%arg7 : memref<80x64xf32, #tpu.memory_space<vmem>>)
      "tpu.region"() ({
        %run_scoped3A_194 = tpu.sem_alloc : memref<!tpu.dma_semaphore, #tpu.memory_space<semaphore_mem>>
        %dma_start3A_195 = arith.constant 0 : i32
        %dma_start3A_196 = tpu.memref_slice %arg6[%add3A_86, %dma_start3A_195] : memref<250x80xi32, #tpu.memory_space<vmem>> -> memref<1x80xi32, #tpu.memory_space<vmem>>
        %dma_start3A_197 = tpu.memref_squeeze %dma_start3A_196 : memref<1x80xi32, #tpu.memory_space<vmem>> -> memref<80xi32, #tpu.memory_space<vmem>>
        %dma_start3A_198 = arith.constant 0 : i32
        %dma_start3A_199 = arith.constant 0 : i32
        %dma_start3A_200 = tpu.memref_slice %arg13[%dma_start3A_198, %dma_start3A_199] : memref<10240x64xf32, #tpu.memory_space<vmem_shared>> -> memref<10240x64xf32, #tpu.memory_space<vmem_shared>>
        tpu.enqueue_indirect_dma source(%arg7 : memref<80x64xf32, #tpu.memory_space<vmem>>) target(%dma_start3A_200 : memref<10240x64xf32, #tpu.memory_space<vmem_shared>>) offsets(%dma_start3A_197 : memref<80xi32, #tpu.memory_space<vmem>>) semaphore(%run_scoped3A_194 : memref<!tpu.dma_semaphore, #tpu.memory_space<semaphore_mem>>) {add = true}
        %dma_wait3A_201 = arith.constant 0 : i32
        %dma_wait3A_202 = tpu.memref_slice %arg6[%add3A_86, %dma_wait3A_201] : memref<250x80xi32, #tpu.memory_space<vmem>> -> memref<1x80xi32, #tpu.memory_space<vmem>>
        %dma_wait3A_203 = tpu.memref_squeeze %dma_wait3A_202 : memref<1x80xi32, #tpu.memory_space<vmem>> -> memref<80xi32, #tpu.memory_space<vmem>>
        %dma_wait3A_204 = arith.constant 0 : i32
        %dma_wait3A_205 = arith.constant 0 : i32
        %dma_wait3A_206 = tpu.memref_slice %arg13[%dma_wait3A_204, %dma_wait3A_205] : memref<10240x64xf32, #tpu.memory_space<vmem_shared>> -> memref<10240x64xf32, #tpu.memory_space<vmem_shared>>
        tpu.wait_indirect_dma semaphore(%run_scoped3A_194 : memref<!tpu.dma_semaphore, #tpu.memory_space<semaphore_mem>>) src(%arg7 : memref<80x64xf32, #tpu.memory_space<vmem>>) dst(%dma_wait3A_206 : memref<10240x64xf32, #tpu.memory_space<vmem_shared>>)
        tpu.yield
      }) : () -> ()
      %mul3A_101 = arith.constant 5 : i32
      %mul3A_102 = arith.muli %scan3A_81, %mul3A_101 : i32
      %add3A_103 = arith.constant 1 : i32
      %add3A_104 = arith.addi %mul3A_102, %add3A_103 : i32
      %add3A_105 = arith.constant 5 : i32
      %add3A_106 = arith.addi %add3A_104, %add3A_105 : i32
      %sub3A_107 = arith.constant 1 : i32
      %sub3A_108 = arith.subi %add3A_106, %sub3A_107 : i32
      %lt3A_109 = arith.constant 250 : i32
      %lt3A_110 = arith.cmpi slt, %sub3A_108, %lt3A_109 : i32
      %convert_element_type3A_111 = arith.extui %lt3A_110 : i1 to i32
      %cond3A_112 = arith.constant 0 : i32
      %cond3A_113 = arith.cmpi ne, %convert_element_type3A_111, %cond3A_112 : i32
      scf.if %cond3A_113 {
        %dma_start3A_194 = arith.constant 0 : i32
        %dma_start3A_195 = tpu.memref_slice %arg5[%sub3A_108, %dma_start3A_194] : memref<250x80xi32, #tpu.memory_space<vmem>> -> memref<1x80xi32, #tpu.memory_space<vmem>>
        %dma_start3A_196 = tpu.memref_squeeze %dma_start3A_195 : memref<1x80xi32, #tpu.memory_space<vmem>> -> memref<80xi32, #tpu.memory_space<vmem>>
        %dma_start3A_197 = arith.constant 0 : i32
        %dma_start3A_198 = arith.constant 0 : i32
        %dma_start3A_199 = tpu.memref_slice %arg2[%arg0, %dma_start3A_197, %dma_start3A_198] : memref<2x10000x64xf32, #tpu.memory_space<hbm>> -> memref<1x10000x64xf32, #tpu.memory_space<hbm>>
        %dma_start3A_200 = tpu.memref_squeeze %dma_start3A_199 : memref<1x10000x64xf32, #tpu.memory_space<hbm>> -> memref<10000x64xf32, #tpu.memory_space<hbm>>
        %dma_start3A_201 = arith.constant 0 : i32
        %dma_start3A_202 = arith.constant 0 : i32
        %dma_start3A_203 = tpu.memref_slice %dma_start3A_200[%dma_start3A_201, %dma_start3A_202] : memref<10000x64xf32, #tpu.memory_space<hbm>> -> memref<10000x64xf32, #tpu.memory_space<hbm>>
        tpu.enqueue_indirect_dma source(%dma_start3A_203 : memref<10000x64xf32, #tpu.memory_space<hbm>>) target(%arg7 : memref<80x64xf32, #tpu.memory_space<vmem>>) offsets(%dma_start3A_196 : memref<80xi32, #tpu.memory_space<vmem>>) semaphore(%arg14 : memref<!tpu.dma_semaphore, #tpu.memory_space<semaphore_mem>>)
      } else {
      }
      %dma_wait3A_114 = arith.constant 0 : i32
      %dma_wait3A_115 = tpu.memref_slice %arg5[%add3A_104, %dma_wait3A_114] : memref<250x80xi32, #tpu.memory_space<vmem>> -> memref<1x80xi32, #tpu.memory_space<vmem>>
      %dma_wait3A_116 = tpu.memref_squeeze %dma_wait3A_115 : memref<1x80xi32, #tpu.memory_space<vmem>> -> memref<80xi32, #tpu.memory_space<vmem>>
      %dma_wait3A_117 = arith.constant 0 : i32
      %dma_wait3A_118 = arith.constant 0 : i32
      %dma_wait3A_119 = tpu.memref_slice %arg2[%arg0, %dma_wait3A_117, %dma_wait3A_118] : memref<2x10000x64xf32, #tpu.memory_space<hbm>> -> memref<1x10000x64xf32, #tpu.memory_space<hbm>>
      %dma_wait3A_120 = tpu.memref_squeeze %dma_wait3A_119 : memref<1x10000x64xf32, #tpu.memory_space<hbm>> -> memref<10000x64xf32, #tpu.memory_space<hbm>>
      %dma_wait3A_121 = arith.constant 0 : i32
      %dma_wait3A_122 = arith.constant 0 : i32
      %dma_wait3A_123 = tpu.memref_slice %dma_wait3A_120[%dma_wait3A_121, %dma_wait3A_122] : memref<10000x64xf32, #tpu.memory_space<hbm>> -> memref<10000x64xf32, #tpu.memory_space<hbm>>
      tpu.wait_indirect_dma semaphore(%arg15 : memref<!tpu.dma_semaphore, #tpu.memory_space<semaphore_mem>>) src(%dma_wait3A_123 : memref<10000x64xf32, #tpu.memory_space<hbm>>) dst(%arg8 : memref<80x64xf32, #tpu.memory_space<vmem>>)
      "tpu.region"() ({
        %run_scoped3A_194 = tpu.sem_alloc : memref<!tpu.dma_semaphore, #tpu.memory_space<semaphore_mem>>
        %dma_start3A_195 = arith.constant 0 : i32
        %dma_start3A_196 = tpu.memref_slice %arg6[%add3A_104, %dma_start3A_195] : memref<250x80xi32, #tpu.memory_space<vmem>> -> memref<1x80xi32, #tpu.memory_space<vmem>>
        %dma_start3A_197 = tpu.memref_squeeze %dma_start3A_196 : memref<1x80xi32, #tpu.memory_space<vmem>> -> memref<80xi32, #tpu.memory_space<vmem>>
        %dma_start3A_198 = arith.constant 0 : i32
        %dma_start3A_199 = arith.constant 0 : i32
        %dma_start3A_200 = tpu.memref_slice %arg13[%dma_start3A_198, %dma_start3A_199] : memref<10240x64xf32, #tpu.memory_space<vmem_shared>> -> memref<10240x64xf32, #tpu.memory_space<vmem_shared>>
        tpu.enqueue_indirect_dma source(%arg8 : memref<80x64xf32, #tpu.memory_space<vmem>>) target(%dma_start3A_200 : memref<10240x64xf32, #tpu.memory_space<vmem_shared>>) offsets(%dma_start3A_197 : memref<80xi32, #tpu.memory_space<vmem>>) semaphore(%run_scoped3A_194 : memref<!tpu.dma_semaphore, #tpu.memory_space<semaphore_mem>>) {add = true}
        %dma_wait3A_201 = arith.constant 0 : i32
        %dma_wait3A_202 = tpu.memref_slice %arg6[%add3A_104, %dma_wait3A_201] : memref<250x80xi32, #tpu.memory_space<vmem>> -> memref<1x80xi32, #tpu.memory_space<vmem>>
        %dma_wait3A_203 = tpu.memref_squeeze %dma_wait3A_202 : memref<1x80xi32, #tpu.memory_space<vmem>> -> memref<80xi32, #tpu.memory_space<vmem>>
        %dma_wait3A_204 = arith.constant 0 : i32
        %dma_wait3A_205 = arith.constant 0 : i32
        %dma_wait3A_206 = tpu.memref_slice %arg13[%dma_wait3A_204, %dma_wait3A_205] : memref<10240x64xf32, #tpu.memory_space<vmem_shared>> -> memref<10240x64xf32, #tpu.memory_space<vmem_shared>>
        tpu.wait_indirect_dma semaphore(%run_scoped3A_194 : memref<!tpu.dma_semaphore, #tpu.memory_space<semaphore_mem>>) src(%arg8 : memref<80x64xf32, #tpu.memory_space<vmem>>) dst(%dma_wait3A_206 : memref<10240x64xf32, #tpu.memory_space<vmem_shared>>)
        tpu.yield
      }) : () -> ()
      %mul3A_124 = arith.constant 5 : i32
      %mul3A_125 = arith.muli %scan3A_81, %mul3A_124 : i32
      %add3A_126 = arith.constant 2 : i32
      %add3A_127 = arith.addi %mul3A_125, %add3A_126 : i32
      %add3A_128 = arith.constant 5 : i32
      %add3A_129 = arith.addi %add3A_127, %add3A_128 : i32
      %sub3A_130 = arith.constant 1 : i32
      %sub3A_131 = arith.subi %add3A_129, %sub3A_130 : i32
      %lt3A_132 = arith.constant 250 : i32
      %lt3A_133 = arith.cmpi slt, %sub3A_131, %lt3A_132 : i32
      %convert_element_type3A_134 = arith.extui %lt3A_133 : i1 to i32
      %cond3A_135 = arith.constant 0 : i32
      %cond3A_136 = arith.cmpi ne, %convert_element_type3A_134, %cond3A_135 : i32
      scf.if %cond3A_136 {
        %dma_start3A_194 = arith.constant 0 : i32
        %dma_start3A_195 = tpu.memref_slice %arg5[%sub3A_131, %dma_start3A_194] : memref<250x80xi32, #tpu.memory_space<vmem>> -> memref<1x80xi32, #tpu.memory_space<vmem>>
        %dma_start3A_196 = tpu.memref_squeeze %dma_start3A_195 : memref<1x80xi32, #tpu.memory_space<vmem>> -> memref<80xi32, #tpu.memory_space<vmem>>
        %dma_start3A_197 = arith.constant 0 : i32
        %dma_start3A_198 = arith.constant 0 : i32
        %dma_start3A_199 = tpu.memref_slice %arg2[%arg0, %dma_start3A_197, %dma_start3A_198] : memref<2x10000x64xf32, #tpu.memory_space<hbm>> -> memref<1x10000x64xf32, #tpu.memory_space<hbm>>
        %dma_start3A_200 = tpu.memref_squeeze %dma_start3A_199 : memref<1x10000x64xf32, #tpu.memory_space<hbm>> -> memref<10000x64xf32, #tpu.memory_space<hbm>>
        %dma_start3A_201 = arith.constant 0 : i32
        %dma_start3A_202 = arith.constant 0 : i32
        %dma_start3A_203 = tpu.memref_slice %dma_start3A_200[%dma_start3A_201, %dma_start3A_202] : memref<10000x64xf32, #tpu.memory_space<hbm>> -> memref<10000x64xf32, #tpu.memory_space<hbm>>
        tpu.enqueue_indirect_dma source(%dma_start3A_203 : memref<10000x64xf32, #tpu.memory_space<hbm>>) target(%arg8 : memref<80x64xf32, #tpu.memory_space<vmem>>) offsets(%dma_start3A_196 : memref<80xi32, #tpu.memory_space<vmem>>) semaphore(%arg15 : memref<!tpu.dma_semaphore, #tpu.memory_space<semaphore_mem>>)
      } else {
      }
      %dma_wait3A_137 = arith.constant 0 : i32
      %dma_wait3A_138 = tpu.memref_slice %arg5[%add3A_127, %dma_wait3A_137] : memref<250x80xi32, #tpu.memory_space<vmem>> -> memref<1x80xi32, #tpu.memory_space<vmem>>
      %dma_wait3A_139 = tpu.memref_squeeze %dma_wait3A_138 : memref<1x80xi32, #tpu.memory_space<vmem>> -> memref<80xi32, #tpu.memory_space<vmem>>
      %dma_wait3A_140 = arith.constant 0 : i32
      %dma_wait3A_141 = arith.constant 0 : i32
      %dma_wait3A_142 = tpu.memref_slice %arg2[%arg0, %dma_wait3A_140, %dma_wait3A_141] : memref<2x10000x64xf32, #tpu.memory_space<hbm>> -> memref<1x10000x64xf32, #tpu.memory_space<hbm>>
      %dma_wait3A_143 = tpu.memref_squeeze %dma_wait3A_142 : memref<1x10000x64xf32, #tpu.memory_space<hbm>> -> memref<10000x64xf32, #tpu.memory_space<hbm>>
      %dma_wait3A_144 = arith.constant 0 : i32
      %dma_wait3A_145 = arith.constant 0 : i32
      %dma_wait3A_146 = tpu.memref_slice %dma_wait3A_143[%dma_wait3A_144, %dma_wait3A_145] : memref<10000x64xf32, #tpu.memory_space<hbm>> -> memref<10000x64xf32, #tpu.memory_space<hbm>>
      tpu.wait_indirect_dma semaphore(%arg16 : memref<!tpu.dma_semaphore, #tpu.memory_space<semaphore_mem>>) src(%dma_wait3A_146 : memref<10000x64xf32, #tpu.memory_space<hbm>>) dst(%arg9 : memref<80x64xf32, #tpu.memory_space<vmem>>)
      "tpu.region"() ({
        %run_scoped3A_194 = tpu.sem_alloc : memref<!tpu.dma_semaphore, #tpu.memory_space<semaphore_mem>>
        %dma_start3A_195 = arith.constant 0 : i32
        %dma_start3A_196 = tpu.memref_slice %arg6[%add3A_127, %dma_start3A_195] : memref<250x80xi32, #tpu.memory_space<vmem>> -> memref<1x80xi32, #tpu.memory_space<vmem>>
        %dma_start3A_197 = tpu.memref_squeeze %dma_start3A_196 : memref<1x80xi32, #tpu.memory_space<vmem>> -> memref<80xi32, #tpu.memory_space<vmem>>
        %dma_start3A_198 = arith.constant 0 : i32
        %dma_start3A_199 = arith.constant 0 : i32
        %dma_start3A_200 = tpu.memref_slice %arg13[%dma_start3A_198, %dma_start3A_199] : memref<10240x64xf32, #tpu.memory_space<vmem_shared>> -> memref<10240x64xf32, #tpu.memory_space<vmem_shared>>
        tpu.enqueue_indirect_dma source(%arg9 : memref<80x64xf32, #tpu.memory_space<vmem>>) target(%dma_start3A_200 : memref<10240x64xf32, #tpu.memory_space<vmem_shared>>) offsets(%dma_start3A_197 : memref<80xi32, #tpu.memory_space<vmem>>) semaphore(%run_scoped3A_194 : memref<!tpu.dma_semaphore, #tpu.memory_space<semaphore_mem>>) {add = true}
        %dma_wait3A_201 = arith.constant 0 : i32
        %dma_wait3A_202 = tpu.memref_slice %arg6[%add3A_127, %dma_wait3A_201] : memref<250x80xi32, #tpu.memory_space<vmem>> -> memref<1x80xi32, #tpu.memory_space<vmem>>
        %dma_wait3A_203 = tpu.memref_squeeze %dma_wait3A_202 : memref<1x80xi32, #tpu.memory_space<vmem>> -> memref<80xi32, #tpu.memory_space<vmem>>
        %dma_wait3A_204 = arith.constant 0 : i32
        %dma_wait3A_205 = arith.constant 0 : i32
        %dma_wait3A_206 = tpu.memref_slice %arg13[%dma_wait3A_204, %dma_wait3A_205] : memref<10240x64xf32, #tpu.memory_space<vmem_shared>> -> memref<10240x64xf32, #tpu.memory_space<vmem_shared>>
        tpu.wait_indirect_dma semaphore(%run_scoped3A_194 : memref<!tpu.dma_semaphore, #tpu.memory_space<semaphore_mem>>) src(%arg9 : memref<80x64xf32, #tpu.memory_space<vmem>>) dst(%dma_wait3A_206 : memref<10240x64xf32, #tpu.memory_space<vmem_shared>>)
        tpu.yield
      }) : () -> ()
      %mul3A_147 = arith.constant 5 : i32
      %mul3A_148 = arith.muli %scan3A_81, %mul3A_147 : i32
      %add3A_149 = arith.constant 3 : i32
      %add3A_150 = arith.addi %mul3A_148, %add3A_149 : i32
      %add3A_151 = arith.constant 5 : i32
      %add3A_152 = arith.addi %add3A_150, %add3A_151 : i32
      %sub3A_153 = arith.constant 1 : i32
      %sub3A_154 = arith.subi %add3A_152, %sub3A_153 : i32
      %lt3A_155 = arith.constant 250 : i32
      %lt3A_156 = arith.cmpi slt, %sub3A_154, %lt3A_155 : i32
      %convert_element_type3A_157 = arith.extui %lt3A_156 : i1 to i32
      %cond3A_158 = arith.constant 0 : i32
      %cond3A_159 = arith.cmpi ne, %convert_element_type3A_157, %cond3A_158 : i32
      scf.if %cond3A_159 {
        %dma_start3A_194 = arith.constant 0 : i32
        %dma_start3A_195 = tpu.memref_slice %arg5[%sub3A_154, %dma_start3A_194] : memref<250x80xi32, #tpu.memory_space<vmem>> -> memref<1x80xi32, #tpu.memory_space<vmem>>
        %dma_start3A_196 = tpu.memref_squeeze %dma_start3A_195 : memref<1x80xi32, #tpu.memory_space<vmem>> -> memref<80xi32, #tpu.memory_space<vmem>>
        %dma_start3A_197 = arith.constant 0 : i32
        %dma_start3A_198 = arith.constant 0 : i32
        %dma_start3A_199 = tpu.memref_slice %arg2[%arg0, %dma_start3A_197, %dma_start3A_198] : memref<2x10000x64xf32, #tpu.memory_space<hbm>> -> memref<1x10000x64xf32, #tpu.memory_space<hbm>>
        %dma_start3A_200 = tpu.memref_squeeze %dma_start3A_199 : memref<1x10000x64xf32, #tpu.memory_space<hbm>> -> memref<10000x64xf32, #tpu.memory_space<hbm>>
        %dma_start3A_201 = arith.constant 0 : i32
        %dma_start3A_202 = arith.constant 0 : i32
        %dma_start3A_203 = tpu.memref_slice %dma_start3A_200[%dma_start3A_201, %dma_start3A_202] : memref<10000x64xf32, #tpu.memory_space<hbm>> -> memref<10000x64xf32, #tpu.memory_space<hbm>>
        tpu.enqueue_indirect_dma source(%dma_start3A_203 : memref<10000x64xf32, #tpu.memory_space<hbm>>) target(%arg9 : memref<80x64xf32, #tpu.memory_space<vmem>>) offsets(%dma_start3A_196 : memref<80xi32, #tpu.memory_space<vmem>>) semaphore(%arg16 : memref<!tpu.dma_semaphore, #tpu.memory_space<semaphore_mem>>)
      } else {
      }
      %dma_wait3A_160 = arith.constant 0 : i32
      %dma_wait3A_161 = tpu.memref_slice %arg5[%add3A_150, %dma_wait3A_160] : memref<250x80xi32, #tpu.memory_space<vmem>> -> memref<1x80xi32, #tpu.memory_space<vmem>>
      %dma_wait3A_162 = tpu.memref_squeeze %dma_wait3A_161 : memref<1x80xi32, #tpu.memory_space<vmem>> -> memref<80xi32, #tpu.memory_space<vmem>>
      %dma_wait3A_163 = arith.constant 0 : i32
      %dma_wait3A_164 = arith.constant 0 : i32
      %dma_wait3A_165 = tpu.memref_slice %arg2[%arg0, %dma_wait3A_163, %dma_wait3A_164] : memref<2x10000x64xf32, #tpu.memory_space<hbm>> -> memref<1x10000x64xf32, #tpu.memory_space<hbm>>
      %dma_wait3A_166 = tpu.memref_squeeze %dma_wait3A_165 : memref<1x10000x64xf32, #tpu.memory_space<hbm>> -> memref<10000x64xf32, #tpu.memory_space<hbm>>
      %dma_wait3A_167 = arith.constant 0 : i32
      %dma_wait3A_168 = arith.constant 0 : i32
      %dma_wait3A_169 = tpu.memref_slice %dma_wait3A_166[%dma_wait3A_167, %dma_wait3A_168] : memref<10000x64xf32, #tpu.memory_space<hbm>> -> memref<10000x64xf32, #tpu.memory_space<hbm>>
      tpu.wait_indirect_dma semaphore(%arg17 : memref<!tpu.dma_semaphore, #tpu.memory_space<semaphore_mem>>) src(%dma_wait3A_169 : memref<10000x64xf32, #tpu.memory_space<hbm>>) dst(%arg10 : memref<80x64xf32, #tpu.memory_space<vmem>>)
      "tpu.region"() ({
        %run_scoped3A_194 = tpu.sem_alloc : memref<!tpu.dma_semaphore, #tpu.memory_space<semaphore_mem>>
        %dma_start3A_195 = arith.constant 0 : i32
        %dma_start3A_196 = tpu.memref_slice %arg6[%add3A_150, %dma_start3A_195] : memref<250x80xi32, #tpu.memory_space<vmem>> -> memref<1x80xi32, #tpu.memory_space<vmem>>
        %dma_start3A_197 = tpu.memref_squeeze %dma_start3A_196 : memref<1x80xi32, #tpu.memory_space<vmem>> -> memref<80xi32, #tpu.memory_space<vmem>>
        %dma_start3A_198 = arith.constant 0 : i32
        %dma_start3A_199 = arith.constant 0 : i32
        %dma_start3A_200 = tpu.memref_slice %arg13[%dma_start3A_198, %dma_start3A_199] : memref<10240x64xf32, #tpu.memory_space<vmem_shared>> -> memref<10240x64xf32, #tpu.memory_space<vmem_shared>>
        tpu.enqueue_indirect_dma source(%arg10 : memref<80x64xf32, #tpu.memory_space<vmem>>) target(%dma_start3A_200 : memref<10240x64xf32, #tpu.memory_space<vmem_shared>>) offsets(%dma_start3A_197 : memref<80xi32, #tpu.memory_space<vmem>>) semaphore(%run_scoped3A_194 : memref<!tpu.dma_semaphore, #tpu.memory_space<semaphore_mem>>) {add = true}
        %dma_wait3A_201 = arith.constant 0 : i32
        %dma_wait3A_202 = tpu.memref_slice %arg6[%add3A_150, %dma_wait3A_201] : memref<250x80xi32, #tpu.memory_space<vmem>> -> memref<1x80xi32, #tpu.memory_space<vmem>>
        %dma_wait3A_203 = tpu.memref_squeeze %dma_wait3A_202 : memref<1x80xi32, #tpu.memory_space<vmem>> -> memref<80xi32, #tpu.memory_space<vmem>>
        %dma_wait3A_204 = arith.constant 0 : i32
        %dma_wait3A_205 = arith.constant 0 : i32
        %dma_wait3A_206 = tpu.memref_slice %arg13[%dma_wait3A_204, %dma_wait3A_205] : memref<10240x64xf32, #tpu.memory_space<vmem_shared>> -> memref<10240x64xf32, #tpu.memory_space<vmem_shared>>
        tpu.wait_indirect_dma semaphore(%run_scoped3A_194 : memref<!tpu.dma_semaphore, #tpu.memory_space<semaphore_mem>>) src(%arg10 : memref<80x64xf32, #tpu.memory_space<vmem>>) dst(%dma_wait3A_206 : memref<10240x64xf32, #tpu.memory_space<vmem_shared>>)
        tpu.yield
      }) : () -> ()
      %mul3A_170 = arith.constant 5 : i32
      %mul3A_171 = arith.muli %scan3A_81, %mul3A_170 : i32
      %add3A_172 = arith.constant 4 : i32
      %add3A_173 = arith.addi %mul3A_171, %add3A_172 : i32
      %add3A_174 = arith.constant 5 : i32
      %add3A_175 = arith.addi %add3A_173, %add3A_174 : i32
      %sub3A_176 = arith.constant 1 : i32
      %sub3A_177 = arith.subi %add3A_175, %sub3A_176 : i32
      %lt3A_178 = arith.constant 250 : i32
      %lt3A_179 = arith.cmpi slt, %sub3A_177, %lt3A_178 : i32
      %convert_element_type3A_180 = arith.extui %lt3A_179 : i1 to i32
      %cond3A_181 = arith.constant 0 : i32
      %cond3A_182 = arith.cmpi ne, %convert_element_type3A_180, %cond3A_181 : i32
      scf.if %cond3A_182 {
        %dma_start3A_194 = arith.constant 0 : i32
        %dma_start3A_195 = tpu.memref_slice %arg5[%sub3A_177, %dma_start3A_194] : memref<250x80xi32, #tpu.memory_space<vmem>> -> memref<1x80xi32, #tpu.memory_space<vmem>>
        %dma_start3A_196 = tpu.memref_squeeze %dma_start3A_195 : memref<1x80xi32, #tpu.memory_space<vmem>> -> memref<80xi32, #tpu.memory_space<vmem>>
        %dma_start3A_197 = arith.constant 0 : i32
        %dma_start3A_198 = arith.constant 0 : i32
        %dma_start3A_199 = tpu.memref_slice %arg2[%arg0, %dma_start3A_197, %dma_start3A_198] : memref<2x10000x64xf32, #tpu.memory_space<hbm>> -> memref<1x10000x64xf32, #tpu.memory_space<hbm>>
        %dma_start3A_200 = tpu.memref_squeeze %dma_start3A_199 : memref<1x10000x64xf32, #tpu.memory_space<hbm>> -> memref<10000x64xf32, #tpu.memory_space<hbm>>
        %dma_start3A_201 = arith.constant 0 : i32
        %dma_start3A_202 = arith.constant 0 : i32
        %dma_start3A_203 = tpu.memref_slice %dma_start3A_200[%dma_start3A_201, %dma_start3A_202] : memref<10000x64xf32, #tpu.memory_space<hbm>> -> memref<10000x64xf32, #tpu.memory_space<hbm>>
        tpu.enqueue_indirect_dma source(%dma_start3A_203 : memref<10000x64xf32, #tpu.memory_space<hbm>>) target(%arg10 : memref<80x64xf32, #tpu.memory_space<vmem>>) offsets(%dma_start3A_196 : memref<80xi32, #tpu.memory_space<vmem>>) semaphore(%arg17 : memref<!tpu.dma_semaphore, #tpu.memory_space<semaphore_mem>>)
      } else {
      }
      %dma_wait3A_183 = arith.constant 0 : i32
      %dma_wait3A_184 = tpu.memref_slice %arg5[%add3A_173, %dma_wait3A_183] : memref<250x80xi32, #tpu.memory_space<vmem>> -> memref<1x80xi32, #tpu.memory_space<vmem>>
      %dma_wait3A_185 = tpu.memref_squeeze %dma_wait3A_184 : memref<1x80xi32, #tpu.memory_space<vmem>> -> memref<80xi32, #tpu.memory_space<vmem>>
      %dma_wait3A_186 = arith.constant 0 : i32
      %dma_wait3A_187 = arith.constant 0 : i32
      %dma_wait3A_188 = tpu.memref_slice %arg2[%arg0, %dma_wait3A_186, %dma_wait3A_187] : memref<2x10000x64xf32, #tpu.memory_space<hbm>> -> memref<1x10000x64xf32, #tpu.memory_space<hbm>>
      %dma_wait3A_189 = tpu.memref_squeeze %dma_wait3A_188 : memref<1x10000x64xf32, #tpu.memory_space<hbm>> -> memref<10000x64xf32, #tpu.memory_space<hbm>>
      %dma_wait3A_190 = arith.constant 0 : i32
      %dma_wait3A_191 = arith.constant 0 : i32
      %dma_wait3A_192 = tpu.memref_slice %dma_wait3A_189[%dma_wait3A_190, %dma_wait3A_191] : memref<10000x64xf32, #tpu.memory_space<hbm>> -> memref<10000x64xf32, #tpu.memory_space<hbm>>
      tpu.wait_indirect_dma semaphore(%arg18 : memref<!tpu.dma_semaphore, #tpu.memory_space<semaphore_mem>>) src(%dma_wait3A_192 : memref<10000x64xf32, #tpu.memory_space<hbm>>) dst(%arg11 : memref<80x64xf32, #tpu.memory_space<vmem>>)
      "tpu.region"() ({
        %run_scoped3A_194 = tpu.sem_alloc : memref<!tpu.dma_semaphore, #tpu.memory_space<semaphore_mem>>
        %dma_start3A_195 = arith.constant 0 : i32
        %dma_start3A_196 = tpu.memref_slice %arg6[%add3A_173, %dma_start3A_195] : memref<250x80xi32, #tpu.memory_space<vmem>> -> memref<1x80xi32, #tpu.memory_space<vmem>>
        %dma_start3A_197 = tpu.memref_squeeze %dma_start3A_196 : memref<1x80xi32, #tpu.memory_space<vmem>> -> memref<80xi32, #tpu.memory_space<vmem>>
        %dma_start3A_198 = arith.constant 0 : i32
        %dma_start3A_199 = arith.constant 0 : i32
        %dma_start3A_200 = tpu.memref_slice %arg13[%dma_start3A_198, %dma_start3A_199] : memref<10240x64xf32, #tpu.memory_space<vmem_shared>> -> memref<10240x64xf32, #tpu.memory_space<vmem_shared>>
        tpu.enqueue_indirect_dma source(%arg11 : memref<80x64xf32, #tpu.memory_space<vmem>>) target(%dma_start3A_200 : memref<10240x64xf32, #tpu.memory_space<vmem_shared>>) offsets(%dma_start3A_197 : memref<80xi32, #tpu.memory_space<vmem>>) semaphore(%run_scoped3A_194 : memref<!tpu.dma_semaphore, #tpu.memory_space<semaphore_mem>>) {add = true}
        %dma_wait3A_201 = arith.constant 0 : i32
        %dma_wait3A_202 = tpu.memref_slice %arg6[%add3A_173, %dma_wait3A_201] : memref<250x80xi32, #tpu.memory_space<vmem>> -> memref<1x80xi32, #tpu.memory_space<vmem>>
        %dma_wait3A_203 = tpu.memref_squeeze %dma_wait3A_202 : memref<1x80xi32, #tpu.memory_space<vmem>> -> memref<80xi32, #tpu.memory_space<vmem>>
        %dma_wait3A_204 = arith.constant 0 : i32
        %dma_wait3A_205 = arith.constant 0 : i32
        %dma_wait3A_206 = tpu.memref_slice %arg13[%dma_wait3A_204, %dma_wait3A_205] : memref<10240x64xf32, #tpu.memory_space<vmem_shared>> -> memref<10240x64xf32, #tpu.memory_space<vmem_shared>>
        tpu.wait_indirect_dma semaphore(%run_scoped3A_194 : memref<!tpu.dma_semaphore, #tpu.memory_space<semaphore_mem>>) src(%arg11 : memref<80x64xf32, #tpu.memory_space<vmem>>) dst(%dma_wait3A_206 : memref<10240x64xf32, #tpu.memory_space<vmem_shared>>)
        tpu.yield
      }) : () -> ()
      %scan3A_193 = arith.constant 0 : i32
      scf.yield %scan3A_193 : i32
    }
    %scan3A_75 = arith.constant 50 : i32
    %barrier3A_76 = arith.constant 0 : index
    tpu.barrier barrier_id(%barrier3A_76)
    %mul3A_77 = arith.constant 640 : i32
    %mul3A_78 = arith.muli %arg1, %mul3A_77 : i32
    %mul3A_79 = arith.constant 640 : i32
    %mul3A_80 = arith.muli %arg1, %mul3A_79 : i32
    "tpu.region"() ({
      %run_scoped3A_81 = tpu.sem_alloc : memref<!tpu.dma_semaphore, #tpu.memory_space<semaphore_mem>>
      %dma_start3A_82 = arith.constant 0 : i32
      %dma_start3A_83 = tpu.memref_slice %arg4[%arg0, %mul3A_80, %dma_start3A_82] : memref<2x10240x64xf32, #tpu.memory_space<hbm>> -> memref<1x640x64xf32, #tpu.memory_space<hbm>>
      %dma_start3A_84 = tpu.memref_squeeze %dma_start3A_83 : memref<1x640x64xf32, #tpu.memory_space<hbm>> -> memref<640x64xf32, #tpu.memory_space<hbm>>
      %dma_start3A_85 = arith.constant 0 : i32
      %dma_start3A_86 = tpu.memref_slice %arg13[%mul3A_78, %dma_start3A_85] : memref<10240x64xf32, #tpu.memory_space<vmem_shared>> -> memref<640x64xf32, #tpu.memory_space<vmem_shared>>
      tpu.enqueue_dma source(%dma_start3A_86 : memref<640x64xf32, #tpu.memory_space<vmem_shared>>) target(%dma_start3A_84 : memref<640x64xf32, #tpu.memory_space<hbm>>) target_semaphore(%run_scoped3A_81 : memref<!tpu.dma_semaphore, #tpu.memory_space<semaphore_mem>>)
      %dma_wait3A = arith.constant 0 : i32
      %dma_wait3A_87 = tpu.memref_slice %arg4[%arg0, %mul3A_80, %dma_wait3A] : memref<2x10240x64xf32, #tpu.memory_space<hbm>> -> memref<1x640x64xf32, #tpu.memory_space<hbm>>
      %dma_wait3A_88 = tpu.memref_squeeze %dma_wait3A_87 : memref<1x640x64xf32, #tpu.memory_space<hbm>> -> memref<640x64xf32, #tpu.memory_space<hbm>>
      %dma_wait3A_89 = arith.constant 0 : i32
      %dma_wait3A_90 = tpu.memref_slice %arg13[%mul3A_78, %dma_wait3A_89] : memref<10240x64xf32, #tpu.memory_space<vmem_shared>> -> memref<640x64xf32, #tpu.memory_space<vmem_shared>>
      tpu.wait_dma2 semaphore(%run_scoped3A_81 : memref<!tpu.dma_semaphore, #tpu.memory_space<semaphore_mem>>) src(%dma_wait3A_90 : memref<640x64xf32, #tpu.memory_space<vmem_shared>>) dst(%dma_wait3A_88 : memref<640x64xf32, #tpu.memory_space<hbm>>)
      tpu.yield
    }) : () -> ()
    return
  }
}

#map = affine_map<(d0, d1) -> (0, 0, 0, 0)>
#map1 = affine_map<(d0, d1) -> (0, 0, 0)>
module attributes {stable_mosaic.version = 14 : i64} {
  func.func @deg(%arg0: i32, %arg1: i32, %arg2: memref<2x32x125x80xi32, #tpu.memory_space<hbm>>, %arg3: memref<2x10240x16xf32, #tpu.memory_space<hbm>>, %arg4: memref<125x80xi32, #tpu.memory_space<vmem>>, %arg5: memref<80x16xf32, #tpu.memory_space<vmem>>, %arg6: memref<128x16xf32, #tpu.memory_space<vmem>>, %arg7: memref<10240x16xf32, #tpu.memory_space<vmem_shared>>) attributes {dimension_semantics = [#tpu.dimension_semantics<core_parallel>, #tpu.dimension_semantics<subcore_parallel>], iteration_bounds = array<i64: 2, 16>, scalar_prefetch = 0 : i64, scratch_operands = 4 : i64, tpu.core_type = #tpu.core_type<sc_vector_subcore>, window_params = [{transform_indices = #map}, {transform_indices = #map1}]} {
    %mul3A = arith.constant 2 : i32
    %mul3A_0 = arith.muli %arg1, %mul3A : i32
    %add3A = arith.addi %mul3A_0, %arg0 : i32
    %broadcast_in_dim3A = arith.constant 0.000000e+00 : f32
    %broadcast_in_dim3A_1 = vector.broadcast %broadcast_in_dim3A : f32 to vector<16xf32>
    %scan3A = arith.constant 0 : i32
    %scan3A_2 = arith.constant 0 : i32
    %scan3A_3 = arith.constant 128 : i32
    %scan3A_4 = arith.addi %scan3A_2, %scan3A_3 : i32
    %scan3A_5 = arith.constant 1 : i32
    %scan3A_6 = scf.for %scan3A_52 = %scan3A_2 to %scan3A_4 step %scan3A_5 iter_args(%scan3A_53 = %scan3A) -> (i32)  : i32 {
      %swap3A = arith.index_cast %scan3A_52 : i32 to index
      %swap3A_54 = arith.constant 0 : index
      %swap3A_55 = tpu.vector_load %arg6[%swap3A, %swap3A_54] {strides = array<i32>} : memref<128x16xf32, #tpu.memory_space<vmem>>, vector<1x16xf32>,
      %swap3A_56 = vector.shape_cast %swap3A_55 : vector<1x16xf32> to vector<16xf32>
      %swap3A_57 = vector.shape_cast %broadcast_in_dim3A_1 : vector<16xf32> to vector<1x16xf32>
      tpu.vector_store %arg6[%swap3A, %swap3A_54], %swap3A_57 {strides = array<i32>} : memref<128x16xf32, #tpu.memory_space<vmem>>, vector<1x16xf32>,
      %scan3A_58 = arith.constant 0 : i32
      scf.yield %scan3A_58 : i32
    }
    %scan3A_7 = arith.constant 128 : i32
    %mul3A_8 = arith.constant 640 : i32
    %mul3A_9 = arith.muli %arg1, %mul3A_8 : i32
    %add3A_10 = arith.constant 0 : i32
    %add3A_11 = arith.addi %mul3A_9, %add3A_10 : i32
    "tpu.region"() ({
      %run_scoped3A_52 = tpu.sem_alloc : memref<!tpu.dma_semaphore, #tpu.memory_space<semaphore_mem>>
      %dma_start3A = arith.constant 0 : i32
      %dma_start3A_53 = tpu.memref_slice %arg7[%add3A_11, %dma_start3A] : memref<10240x16xf32, #tpu.memory_space<vmem_shared>> -> memref<128x16xf32, #tpu.memory_space<vmem_shared>>
      %dma_start3A_54 = arith.constant 0 : i32
      %dma_start3A_55 = tpu.memref_slice %arg7[%add3A_11, %dma_start3A_54] : memref<10240x16xf32, #tpu.memory_space<vmem_shared>> -> memref<128x16xf32, #tpu.memory_space<vmem_shared>>
      tpu.enqueue_dma source(%arg6 : memref<128x16xf32, #tpu.memory_space<vmem>>) target(%dma_start3A_55 : memref<128x16xf32, #tpu.memory_space<vmem_shared>>) target_semaphore(%run_scoped3A_52 : memref<!tpu.dma_semaphore, #tpu.memory_space<semaphore_mem>>)
      %dma_wait3A = arith.constant 0 : i32
      %dma_wait3A_56 = tpu.memref_slice %arg7[%add3A_11, %dma_wait3A] : memref<10240x16xf32, #tpu.memory_space<vmem_shared>> -> memref<128x16xf32, #tpu.memory_space<vmem_shared>>
      %dma_wait3A_57 = arith.constant 0 : i32
      %dma_wait3A_58 = tpu.memref_slice %arg7[%add3A_11, %dma_wait3A_57] : memref<10240x16xf32, #tpu.memory_space<vmem_shared>> -> memref<128x16xf32, #tpu.memory_space<vmem_shared>>
      tpu.wait_dma2 semaphore(%run_scoped3A_52 : memref<!tpu.dma_semaphore, #tpu.memory_space<semaphore_mem>>) src(%arg6 : memref<128x16xf32, #tpu.memory_space<vmem>>) dst(%dma_wait3A_58 : memref<128x16xf32, #tpu.memory_space<vmem_shared>>)
      tpu.yield
    }) : () -> ()
    %mul3A_12 = arith.constant 640 : i32
    %mul3A_13 = arith.muli %arg1, %mul3A_12 : i32
    %add3A_14 = arith.constant 128 : i32
    %add3A_15 = arith.addi %mul3A_13, %add3A_14 : i32
    "tpu.region"() ({
      %run_scoped3A_52 = tpu.sem_alloc : memref<!tpu.dma_semaphore, #tpu.memory_space<semaphore_mem>>
      %dma_start3A = arith.constant 0 : i32
      %dma_start3A_53 = tpu.memref_slice %arg7[%add3A_15, %dma_start3A] : memref<10240x16xf32, #tpu.memory_space<vmem_shared>> -> memref<128x16xf32, #tpu.memory_space<vmem_shared>>
      %dma_start3A_54 = arith.constant 0 : i32
      %dma_start3A_55 = tpu.memref_slice %arg7[%add3A_15, %dma_start3A_54] : memref<10240x16xf32, #tpu.memory_space<vmem_shared>> -> memref<128x16xf32, #tpu.memory_space<vmem_shared>>
      tpu.enqueue_dma source(%arg6 : memref<128x16xf32, #tpu.memory_space<vmem>>) target(%dma_start3A_55 : memref<128x16xf32, #tpu.memory_space<vmem_shared>>) target_semaphore(%run_scoped3A_52 : memref<!tpu.dma_semaphore, #tpu.memory_space<semaphore_mem>>)
      %dma_wait3A = arith.constant 0 : i32
      %dma_wait3A_56 = tpu.memref_slice %arg7[%add3A_15, %dma_wait3A] : memref<10240x16xf32, #tpu.memory_space<vmem_shared>> -> memref<128x16xf32, #tpu.memory_space<vmem_shared>>
      %dma_wait3A_57 = arith.constant 0 : i32
      %dma_wait3A_58 = tpu.memref_slice %arg7[%add3A_15, %dma_wait3A_57] : memref<10240x16xf32, #tpu.memory_space<vmem_shared>> -> memref<128x16xf32, #tpu.memory_space<vmem_shared>>
      tpu.wait_dma2 semaphore(%run_scoped3A_52 : memref<!tpu.dma_semaphore, #tpu.memory_space<semaphore_mem>>) src(%arg6 : memref<128x16xf32, #tpu.memory_space<vmem>>) dst(%dma_wait3A_58 : memref<128x16xf32, #tpu.memory_space<vmem_shared>>)
      tpu.yield
    }) : () -> ()
    %mul3A_16 = arith.constant 640 : i32
    %mul3A_17 = arith.muli %arg1, %mul3A_16 : i32
    %add3A_18 = arith.constant 256 : i32
    %add3A_19 = arith.addi %mul3A_17, %add3A_18 : i32
    "tpu.region"() ({
      %run_scoped3A_52 = tpu.sem_alloc : memref<!tpu.dma_semaphore, #tpu.memory_space<semaphore_mem>>
      %dma_start3A = arith.constant 0 : i32
      %dma_start3A_53 = tpu.memref_slice %arg7[%add3A_19, %dma_start3A] : memref<10240x16xf32, #tpu.memory_space<vmem_shared>> -> memref<128x16xf32, #tpu.memory_space<vmem_shared>>
      %dma_start3A_54 = arith.constant 0 : i32
      %dma_start3A_55 = tpu.memref_slice %arg7[%add3A_19, %dma_start3A_54] : memref<10240x16xf32, #tpu.memory_space<vmem_shared>> -> memref<128x16xf32, #tpu.memory_space<vmem_shared>>
      tpu.enqueue_dma source(%arg6 : memref<128x16xf32, #tpu.memory_space<vmem>>) target(%dma_start3A_55 : memref<128x16xf32, #tpu.memory_space<vmem_shared>>) target_semaphore(%run_scoped3A_52 : memref<!tpu.dma_semaphore, #tpu.memory_space<semaphore_mem>>)
      %dma_wait3A = arith.constant 0 : i32
      %dma_wait3A_56 = tpu.memref_slice %arg7[%add3A_19, %dma_wait3A] : memref<10240x16xf32, #tpu.memory_space<vmem_shared>> -> memref<128x16xf32, #tpu.memory_space<vmem_shared>>
      %dma_wait3A_57 = arith.constant 0 : i32
      %dma_wait3A_58 = tpu.memref_slice %arg7[%add3A_19, %dma_wait3A_57] : memref<10240x16xf32, #tpu.memory_space<vmem_shared>> -> memref<128x16xf32, #tpu.memory_space<vmem_shared>>
      tpu.wait_dma2 semaphore(%run_scoped3A_52 : memref<!tpu.dma_semaphore, #tpu.memory_space<semaphore_mem>>) src(%arg6 : memref<128x16xf32, #tpu.memory_space<vmem>>) dst(%dma_wait3A_58 : memref<128x16xf32, #tpu.memory_space<vmem_shared>>)
      tpu.yield
    }) : () -> ()
    %mul3A_20 = arith.constant 640 : i32
    %mul3A_21 = arith.muli %arg1, %mul3A_20 : i32
    %add3A_22 = arith.constant 384 : i32
    %add3A_23 = arith.addi %mul3A_21, %add3A_22 : i32
    "tpu.region"() ({
      %run_scoped3A_52 = tpu.sem_alloc : memref<!tpu.dma_semaphore, #tpu.memory_space<semaphore_mem>>
      %dma_start3A = arith.constant 0 : i32
      %dma_start3A_53 = tpu.memref_slice %arg7[%add3A_23, %dma_start3A] : memref<10240x16xf32, #tpu.memory_space<vmem_shared>> -> memref<128x16xf32, #tpu.memory_space<vmem_shared>>
      %dma_start3A_54 = arith.constant 0 : i32
      %dma_start3A_55 = tpu.memref_slice %arg7[%add3A_23, %dma_start3A_54] : memref<10240x16xf32, #tpu.memory_space<vmem_shared>> -> memref<128x16xf32, #tpu.memory_space<vmem_shared>>
      tpu.enqueue_dma source(%arg6 : memref<128x16xf32, #tpu.memory_space<vmem>>) target(%dma_start3A_55 : memref<128x16xf32, #tpu.memory_space<vmem_shared>>) target_semaphore(%run_scoped3A_52 : memref<!tpu.dma_semaphore, #tpu.memory_space<semaphore_mem>>)
      %dma_wait3A = arith.constant 0 : i32
      %dma_wait3A_56 = tpu.memref_slice %arg7[%add3A_23, %dma_wait3A] : memref<10240x16xf32, #tpu.memory_space<vmem_shared>> -> memref<128x16xf32, #tpu.memory_space<vmem_shared>>
      %dma_wait3A_57 = arith.constant 0 : i32
      %dma_wait3A_58 = tpu.memref_slice %arg7[%add3A_23, %dma_wait3A_57] : memref<10240x16xf32, #tpu.memory_space<vmem_shared>> -> memref<128x16xf32, #tpu.memory_space<vmem_shared>>
      tpu.wait_dma2 semaphore(%run_scoped3A_52 : memref<!tpu.dma_semaphore, #tpu.memory_space<semaphore_mem>>) src(%arg6 : memref<128x16xf32, #tpu.memory_space<vmem>>) dst(%dma_wait3A_58 : memref<128x16xf32, #tpu.memory_space<vmem_shared>>)
      tpu.yield
    }) : () -> ()
    %mul3A_24 = arith.constant 640 : i32
    %mul3A_25 = arith.muli %arg1, %mul3A_24 : i32
    %add3A_26 = arith.constant 512 : i32
    %add3A_27 = arith.addi %mul3A_25, %add3A_26 : i32
    "tpu.region"() ({
      %run_scoped3A_52 = tpu.sem_alloc : memref<!tpu.dma_semaphore, #tpu.memory_space<semaphore_mem>>
      %dma_start3A = arith.constant 0 : i32
      %dma_start3A_53 = tpu.memref_slice %arg7[%add3A_27, %dma_start3A] : memref<10240x16xf32, #tpu.memory_space<vmem_shared>> -> memref<128x16xf32, #tpu.memory_space<vmem_shared>>
      %dma_start3A_54 = arith.constant 0 : i32
      %dma_start3A_55 = tpu.memref_slice %arg7[%add3A_27, %dma_start3A_54] : memref<10240x16xf32, #tpu.memory_space<vmem_shared>> -> memref<128x16xf32, #tpu.memory_space<vmem_shared>>
      tpu.enqueue_dma source(%arg6 : memref<128x16xf32, #tpu.memory_space<vmem>>) target(%dma_start3A_55 : memref<128x16xf32, #tpu.memory_space<vmem_shared>>) target_semaphore(%run_scoped3A_52 : memref<!tpu.dma_semaphore, #tpu.memory_space<semaphore_mem>>)
      %dma_wait3A = arith.constant 0 : i32
      %dma_wait3A_56 = tpu.memref_slice %arg7[%add3A_27, %dma_wait3A] : memref<10240x16xf32, #tpu.memory_space<vmem_shared>> -> memref<128x16xf32, #tpu.memory_space<vmem_shared>>
      %dma_wait3A_57 = arith.constant 0 : i32
      %dma_wait3A_58 = tpu.memref_slice %arg7[%add3A_27, %dma_wait3A_57] : memref<10240x16xf32, #tpu.memory_space<vmem_shared>> -> memref<128x16xf32, #tpu.memory_space<vmem_shared>>
      tpu.wait_dma2 semaphore(%run_scoped3A_52 : memref<!tpu.dma_semaphore, #tpu.memory_space<semaphore_mem>>) src(%arg6 : memref<128x16xf32, #tpu.memory_space<vmem>>) dst(%dma_wait3A_58 : memref<128x16xf32, #tpu.memory_space<vmem_shared>>)
      tpu.yield
    }) : () -> ()
    %iota3A = tpu.iota {dimensions = array<i32: 0>} : vector<16xi32>
    %eq3A = arith.constant 0 : i32
    %eq3A_28 = vector.broadcast %eq3A : i32 to vector<16xi32>
    %eq3A_29 = arith.cmpi eq, %iota3A, %eq3A_28 : vector<16xi32>
    %jit3A = arith.constant 1.000000e+00 : f32
    %jit3A_30 = arith.constant 0.000000e+00 : f32
    %broadcast_in_dim3A_31 = vector.broadcast %jit3A : f32 to vector<16xf32>
    %broadcast_in_dim3A_32 = vector.broadcast %jit3A_30 : f32 to vector<16xf32>
    %select_n3A = arith.select %eq3A_29, %broadcast_in_dim3A_31, %broadcast_in_dim3A_32 : vector<16xi1>, vector<16xf32>
    %scan3A_33 = arith.constant 0 : i32
    %scan3A_34 = arith.constant 0 : i32
    %scan3A_35 = arith.constant 80 : i32
    %scan3A_36 = arith.addi %scan3A_34, %scan3A_35 : i32
    %scan3A_37 = arith.constant 1 : i32
    %scan3A_38 = scf.for %scan3A_52 = %scan3A_34 to %scan3A_36 step %scan3A_37 iter_args(%scan3A_53 = %scan3A_33) -> (i32)  : i32 {
      %swap3A = arith.index_cast %scan3A_52 : i32 to index
      %swap3A_54 = arith.constant 0 : index
      %swap3A_55 = tpu.vector_load %arg5[%swap3A, %swap3A_54] {strides = array<i32>} : memref<80x16xf32, #tpu.memory_space<vmem>>, vector<1x16xf32>,
      %swap3A_56 = vector.shape_cast %swap3A_55 : vector<1x16xf32> to vector<16xf32>
      %swap3A_57 = vector.shape_cast %select_n3A : vector<16xf32> to vector<1x16xf32>
      tpu.vector_store %arg5[%swap3A, %swap3A_54], %swap3A_57 {strides = array<i32>} : memref<80x16xf32, #tpu.memory_space<vmem>>, vector<1x16xf32>,
      %scan3A_58 = arith.constant 0 : i32
      scf.yield %scan3A_58 : i32
    }
    %scan3A_39 = arith.constant 80 : i32
    %barrier3A = arith.constant 0 : index
    tpu.barrier barrier_id(%barrier3A)
    %run_scoped3A = arith.constant 1 : i32
    "tpu.region"() ({
      %run_scoped3A_52 = tpu.sem_alloc : memref<!tpu.dma_semaphore, #tpu.memory_space<semaphore_mem>>
      %dma_start3A = arith.constant 0 : i32
      %dma_start3A_53 = arith.constant 0 : i32
      %dma_start3A_54 = tpu.memref_slice %arg2[%run_scoped3A, %add3A, %dma_start3A, %dma_start3A_53] : memref<2x32x125x80xi32, #tpu.memory_space<hbm>> -> memref<1x1x125x80xi32, #tpu.memory_space<hbm>>
      %dma_start3A_55 = tpu.memref_squeeze %dma_start3A_54 : memref<1x1x125x80xi32, #tpu.memory_space<hbm>> -> memref<125x80xi32, #tpu.memory_space<hbm>>
      %dma_start3A_56 = arith.constant 0 : i32
      %dma_start3A_57 = arith.constant 0 : i32
      %dma_start3A_58 = tpu.memref_slice %arg2[%run_scoped3A, %add3A, %dma_start3A_56, %dma_start3A_57] : memref<2x32x125x80xi32, #tpu.memory_space<hbm>> -> memref<1x1x125x80xi32, #tpu.memory_space<hbm>>
      %dma_start3A_59 = tpu.memref_squeeze %dma_start3A_58 : memref<1x1x125x80xi32, #tpu.memory_space<hbm>> -> memref<125x80xi32, #tpu.memory_space<hbm>>
      tpu.enqueue_dma source(%dma_start3A_59 : memref<125x80xi32, #tpu.memory_space<hbm>>) target(%arg4 : memref<125x80xi32, #tpu.memory_space<vmem>>) target_semaphore(%run_scoped3A_52 : memref<!tpu.dma_semaphore, #tpu.memory_space<semaphore_mem>>)
      %dma_wait3A = arith.constant 0 : i32
      %dma_wait3A_60 = arith.constant 0 : i32
      %dma_wait3A_61 = tpu.memref_slice %arg2[%run_scoped3A, %add3A, %dma_wait3A, %dma_wait3A_60] : memref<2x32x125x80xi32, #tpu.memory_space<hbm>> -> memref<1x1x125x80xi32, #tpu.memory_space<hbm>>
      %dma_wait3A_62 = tpu.memref_squeeze %dma_wait3A_61 : memref<1x1x125x80xi32, #tpu.memory_space<hbm>> -> memref<125x80xi32, #tpu.memory_space<hbm>>
      %dma_wait3A_63 = arith.constant 0 : i32
      %dma_wait3A_64 = arith.constant 0 : i32
      %dma_wait3A_65 = tpu.memref_slice %arg2[%run_scoped3A, %add3A, %dma_wait3A_63, %dma_wait3A_64] : memref<2x32x125x80xi32, #tpu.memory_space<hbm>> -> memref<1x1x125x80xi32, #tpu.memory_space<hbm>>
      %dma_wait3A_66 = tpu.memref_squeeze %dma_wait3A_65 : memref<1x1x125x80xi32, #tpu.memory_space<hbm>> -> memref<125x80xi32, #tpu.memory_space<hbm>>
      tpu.wait_dma2 semaphore(%run_scoped3A_52 : memref<!tpu.dma_semaphore, #tpu.memory_space<semaphore_mem>>) src(%dma_wait3A_66 : memref<125x80xi32, #tpu.memory_space<hbm>>) dst(%arg4 : memref<125x80xi32, #tpu.memory_space<vmem>>)
      tpu.yield
    }) : () -> ()
    %scan3A_40 = arith.constant 0 : i32
    %scan3A_41 = arith.constant 0 : i32
    %scan3A_42 = arith.constant 125 : i32
    %scan3A_43 = arith.addi %scan3A_41, %scan3A_42 : i32
    %scan3A_44 = arith.constant 1 : i32
    %scan3A_45 = scf.for %scan3A_52 = %scan3A_41 to %scan3A_43 step %scan3A_44 iter_args(%scan3A_53 = %scan3A_40) -> (i32)  : i32 {
      "tpu.region"() ({
        %run_scoped3A_55 = tpu.sem_alloc : memref<!tpu.dma_semaphore, #tpu.memory_space<semaphore_mem>>
        %dma_start3A = arith.constant 0 : i32
        %dma_start3A_56 = tpu.memref_slice %arg4[%scan3A_52, %dma_start3A] : memref<125x80xi32, #tpu.memory_space<vmem>> -> memref<1x80xi32, #tpu.memory_space<vmem>>
        %dma_start3A_57 = tpu.memref_squeeze %dma_start3A_56 : memref<1x80xi32, #tpu.memory_space<vmem>> -> memref<80xi32, #tpu.memory_space<vmem>>
        %dma_start3A_58 = arith.constant 0 : i32
        %dma_start3A_59 = arith.constant 0 : i32
        %dma_start3A_60 = tpu.memref_slice %arg7[%dma_start3A_58, %dma_start3A_59] : memref<10240x16xf32, #tpu.memory_space<vmem_shared>> -> memref<10240x16xf32, #tpu.memory_space<vmem_shared>>
        tpu.enqueue_indirect_dma source(%arg5 : memref<80x16xf32, #tpu.memory_space<vmem>>) target(%dma_start3A_60 : memref<10240x16xf32, #tpu.memory_space<vmem_shared>>) offsets(%dma_start3A_57 : memref<80xi32, #tpu.memory_space<vmem>>) semaphore(%run_scoped3A_55 : memref<!tpu.dma_semaphore, #tpu.memory_space<semaphore_mem>>) {add = true}
        %dma_wait3A = arith.constant 0 : i32
        %dma_wait3A_61 = tpu.memref_slice %arg4[%scan3A_52, %dma_wait3A] : memref<125x80xi32, #tpu.memory_space<vmem>> -> memref<1x80xi32, #tpu.memory_space<vmem>>
        %dma_wait3A_62 = tpu.memref_squeeze %dma_wait3A_61 : memref<1x80xi32, #tpu.memory_space<vmem>> -> memref<80xi32, #tpu.memory_space<vmem>>
        %dma_wait3A_63 = arith.constant 0 : i32
        %dma_wait3A_64 = arith.constant 0 : i32
        %dma_wait3A_65 = tpu.memref_slice %arg7[%dma_wait3A_63, %dma_wait3A_64] : memref<10240x16xf32, #tpu.memory_space<vmem_shared>> -> memref<10240x16xf32, #tpu.memory_space<vmem_shared>>
        tpu.wait_indirect_dma semaphore(%run_scoped3A_55 : memref<!tpu.dma_semaphore, #tpu.memory_space<semaphore_mem>>) src(%arg5 : memref<80x16xf32, #tpu.memory_space<vmem>>) dst(%dma_wait3A_65 : memref<10240x16xf32, #tpu.memory_space<vmem_shared>>)
        tpu.yield
      }) : () -> ()
      %scan3A_54 = arith.constant 0 : i32
      scf.yield %scan3A_54 : i32
    }
    %scan3A_46 = arith.constant 125 : i32
    %barrier3A_47 = arith.constant 0 : index
    tpu.barrier barrier_id(%barrier3A_47)
    %mul3A_48 = arith.constant 640 : i32
    %mul3A_49 = arith.muli %arg1, %mul3A_48 : i32
    %mul3A_50 = arith.constant 640 : i32
    %mul3A_51 = arith.muli %arg1, %mul3A_50 : i32
    "tpu.region"() ({
      %run_scoped3A_52 = tpu.sem_alloc : memref<!tpu.dma_semaphore, #tpu.memory_space<semaphore_mem>>
      %dma_start3A = arith.constant 0 : i32
      %dma_start3A_53 = tpu.memref_slice %arg3[%arg0, %mul3A_51, %dma_start3A] : memref<2x10240x16xf32, #tpu.memory_space<hbm>> -> memref<1x640x16xf32, #tpu.memory_space<hbm>>
      %dma_start3A_54 = tpu.memref_squeeze %dma_start3A_53 : memref<1x640x16xf32, #tpu.memory_space<hbm>> -> memref<640x16xf32, #tpu.memory_space<hbm>>
      %dma_start3A_55 = arith.constant 0 : i32
      %dma_start3A_56 = tpu.memref_slice %arg7[%mul3A_49, %dma_start3A_55] : memref<10240x16xf32, #tpu.memory_space<vmem_shared>> -> memref<640x16xf32, #tpu.memory_space<vmem_shared>>
      tpu.enqueue_dma source(%dma_start3A_56 : memref<640x16xf32, #tpu.memory_space<vmem_shared>>) target(%dma_start3A_54 : memref<640x16xf32, #tpu.memory_space<hbm>>) target_semaphore(%run_scoped3A_52 : memref<!tpu.dma_semaphore, #tpu.memory_space<semaphore_mem>>)
      %dma_wait3A = arith.constant 0 : i32
      %dma_wait3A_57 = tpu.memref_slice %arg3[%arg0, %mul3A_51, %dma_wait3A] : memref<2x10240x16xf32, #tpu.memory_space<hbm>> -> memref<1x640x16xf32, #tpu.memory_space<hbm>>
      %dma_wait3A_58 = tpu.memref_squeeze %dma_wait3A_57 : memref<1x640x16xf32, #tpu.memory_space<hbm>> -> memref<640x16xf32, #tpu.memory_space<hbm>>
      %dma_wait3A_59 = arith.constant 0 : i32
      %dma_wait3A_60 = tpu.memref_slice %arg7[%mul3A_49, %dma_wait3A_59] : memref<10240x16xf32, #tpu.memory_space<vmem_shared>> -> memref<640x16xf32, #tpu.memory_space<vmem_shared>>
      tpu.wait_dma2 semaphore(%run_scoped3A_52 : memref<!tpu.dma_semaphore, #tpu.memory_space<semaphore_mem>>) src(%dma_wait3A_60 : memref<640x16xf32, #tpu.memory_space<vmem_shared>>) dst(%dma_wait3A_58 : memref<640x16xf32, #tpu.memory_space<hbm>>)
      tpu.yield
    }) : () -> ()
    return
  }
}

#map = affine_map<(d0, d1) -> (0, 0, 0)>
#map1 = affine_map<(d0, d1) -> (0, 0, 0, 0)>
module attributes {stable_mosaic.version = 14 : i64} {
  func.func @agg(%arg0: i32, %arg1: i32, %arg2: memref<2x10000x64xf32, #tpu.memory_space<hbm>>, %arg3: memref<2x16x250x80xi32, #tpu.memory_space<hbm>>, %arg4: memref<2x10240x64xf32, #tpu.memory_space<hbm>>, %arg5: memref<250x80xi32, #tpu.memory_space<vmem>>, %arg6: memref<250x80xi32, #tpu.memory_space<vmem>>, %arg7: memref<80x64xf32, #tpu.memory_space<vmem>>, %arg8: memref<80x64xf32, #tpu.memory_space<vmem>>, %arg9: memref<80x64xf32, #tpu.memory_space<vmem>>, %arg10: memref<80x64xf32, #tpu.memory_space<vmem>>, %arg11: memref<80x64xf32, #tpu.memory_space<vmem>>, %arg12: memref<128x64xf32, #tpu.memory_space<vmem>>, %arg13: memref<10240x64xf32, #tpu.memory_space<vmem_shared>>, %arg14: memref<!tpu.dma_semaphore, #tpu.memory_space<semaphore_mem>>, %arg15: memref<!tpu.dma_semaphore, #tpu.memory_space<semaphore_mem>>, %arg16: memref<!tpu.dma_semaphore, #tpu.memory_space<semaphore_mem>>, %arg17: memref<!tpu.dma_semaphore, #tpu.memory_space<semaphore_mem>>, %arg18: memref<!tpu.dma_semaphore, #tpu.memory_space<semaphore_mem>>) attributes {dimension_semantics = [#tpu.dimension_semantics<core_parallel>, #tpu.dimension_semantics<subcore_parallel>], iteration_bounds = array<i64: 2, 16>, scalar_prefetch = 0 : i64, scratch_operands = 14 : i64, tpu.core_type = #tpu.core_type<sc_vector_subcore>, window_params = [{transform_indices = #map}, {transform_indices = #map1}, {transform_indices = #map}]} {
    %broadcast_in_dim3A = arith.constant 0.000000e+00 : f32
    %broadcast_in_dim3A_0 = vector.broadcast %broadcast_in_dim3A : f32 to vector<16xf32>
    %scan3A = arith.constant 0 : i32
    %scan3A_1 = arith.constant 0 : i32
    %scan3A_2 = arith.constant 128 : i32
    %scan3A_3 = arith.addi %scan3A_1, %scan3A_2 : i32
    %scan3A_4 = arith.constant 1 : i32
    %scan3A_5 = scf.for %scan3A_81 = %scan3A_1 to %scan3A_3 step %scan3A_4 iter_args(%scan3A_82 = %scan3A) -> (i32)  : i32 {
      %swap3A = arith.index_cast %scan3A_81 : i32 to index
      %swap3A_83 = arith.constant 0 : index
      %swap3A_84 = tpu.vector_load %arg12[%swap3A, %swap3A_83] {strides = array<i32>} : memref<128x64xf32, #tpu.memory_space<vmem>>, vector<1x16xf32>,
      %swap3A_85 = vector.shape_cast %swap3A_84 : vector<1x16xf32> to vector<16xf32>
      %swap3A_86 = vector.shape_cast %broadcast_in_dim3A_0 : vector<16xf32> to vector<1x16xf32>
      tpu.vector_store %arg12[%swap3A, %swap3A_83], %swap3A_86 {strides = array<i32>} : memref<128x64xf32, #tpu.memory_space<vmem>>, vector<1x16xf32>,
      %swap3A_87 = arith.index_cast %scan3A_81 : i32 to index
      %swap3A_88 = arith.constant 16 : index
      %swap3A_89 = tpu.vector_load %arg12[%swap3A_87, %swap3A_88] {strides = array<i32>} : memref<128x64xf32, #tpu.memory_space<vmem>>, vector<1x16xf32>,
      %swap3A_90 = vector.shape_cast %swap3A_89 : vector<1x16xf32> to vector<16xf32>
      %swap3A_91 = vector.shape_cast %broadcast_in_dim3A_0 : vector<16xf32> to vector<1x16xf32>
      tpu.vector_store %arg12[%swap3A_87, %swap3A_88], %swap3A_91 {strides = array<i32>} : memref<128x64xf32, #tpu.memory_space<vmem>>, vector<1x16xf32>,
      %swap3A_92 = arith.index_cast %scan3A_81 : i32 to index
      %swap3A_93 = arith.constant 32 : index
      %swap3A_94 = tpu.vector_load %arg12[%swap3A_92, %swap3A_93] {strides = array<i32>} : memref<128x64xf32, #tpu.memory_space<vmem>>, vector<1x16xf32>,
      %swap3A_95 = vector.shape_cast %swap3A_94 : vector<1x16xf32> to vector<16xf32>
      %swap3A_96 = vector.shape_cast %broadcast_in_dim3A_0 : vector<16xf32> to vector<1x16xf32>
      tpu.vector_store %arg12[%swap3A_92, %swap3A_93], %swap3A_96 {strides = array<i32>} : memref<128x64xf32, #tpu.memory_space<vmem>>, vector<1x16xf32>,
      %swap3A_97 = arith.index_cast %scan3A_81 : i32 to index
      %swap3A_98 = arith.constant 48 : index
      %swap3A_99 = tpu.vector_load %arg12[%swap3A_97, %swap3A_98] {strides = array<i32>} : memref<128x64xf32, #tpu.memory_space<vmem>>, vector<1x16xf32>,
      %swap3A_100 = vector.shape_cast %swap3A_99 : vector<1x16xf32> to vector<16xf32>
      %swap3A_101 = vector.shape_cast %broadcast_in_dim3A_0 : vector<16xf32> to vector<1x16xf32>
      tpu.vector_store %arg12[%swap3A_97, %swap3A_98], %swap3A_101 {strides = array<i32>} : memref<128x64xf32, #tpu.memory_space<vmem>>, vector<1x16xf32>,
      %scan3A_102 = arith.constant 0 : i32
      scf.yield %scan3A_102 : i32
    }
    %scan3A_6 = arith.constant 128 : i32
    %mul3A = arith.constant 640 : i32
    %mul3A_7 = arith.muli %arg1, %mul3A : i32
    %add3A = arith.constant 0 : i32
    %add3A_8 = arith.addi %mul3A_7, %add3A : i32
    "tpu.region"() ({
      %run_scoped3A_81 = tpu.sem_alloc : memref<!tpu.dma_semaphore, #tpu.memory_space<semaphore_mem>>
      %dma_start3A_82 = arith.constant 0 : i32
      %dma_start3A_83 = tpu.memref_slice %arg13[%add3A_8, %dma_start3A_82] : memref<10240x64xf32, #tpu.memory_space<vmem_shared>> -> memref<128x64xf32, #tpu.memory_space<vmem_shared>>
      %dma_start3A_84 = arith.constant 0 : i32
      %dma_start3A_85 = tpu.memref_slice %arg13[%add3A_8, %dma_start3A_84] : memref<10240x64xf32, #tpu.memory_space<vmem_shared>> -> memref<128x64xf32, #tpu.memory_space<vmem_shared>>
      tpu.enqueue_dma source(%arg12 : memref<128x64xf32, #tpu.memory_space<vmem>>) target(%dma_start3A_85 : memref<128x64xf32, #tpu.memory_space<vmem_shared>>) target_semaphore(%run_scoped3A_81 : memref<!tpu.dma_semaphore, #tpu.memory_space<semaphore_mem>>)
      %dma_wait3A = arith.constant 0 : i32
      %dma_wait3A_86 = tpu.memref_slice %arg13[%add3A_8, %dma_wait3A] : memref<10240x64xf32, #tpu.memory_space<vmem_shared>> -> memref<128x64xf32, #tpu.memory_space<vmem_shared>>
      %dma_wait3A_87 = arith.constant 0 : i32
      %dma_wait3A_88 = tpu.memref_slice %arg13[%add3A_8, %dma_wait3A_87] : memref<10240x64xf32, #tpu.memory_space<vmem_shared>> -> memref<128x64xf32, #tpu.memory_space<vmem_shared>>
      tpu.wait_dma2 semaphore(%run_scoped3A_81 : memref<!tpu.dma_semaphore, #tpu.memory_space<semaphore_mem>>) src(%arg12 : memref<128x64xf32, #tpu.memory_space<vmem>>) dst(%dma_wait3A_88 : memref<128x64xf32, #tpu.memory_space<vmem_shared>>)
      tpu.yield
    }) : () -> ()
    %mul3A_9 = arith.constant 640 : i32
    %mul3A_10 = arith.muli %arg1, %mul3A_9 : i32
    %add3A_11 = arith.constant 128 : i32
    %add3A_12 = arith.addi %mul3A_10, %add3A_11 : i32
    "tpu.region"() ({
      %run_scoped3A_81 = tpu.sem_alloc : memref<!tpu.dma_semaphore, #tpu.memory_space<semaphore_mem>>
      %dma_start3A_82 = arith.constant 0 : i32
      %dma_start3A_83 = tpu.memref_slice %arg13[%add3A_12, %dma_start3A_82] : memref<10240x64xf32, #tpu.memory_space<vmem_shared>> -> memref<128x64xf32, #tpu.memory_space<vmem_shared>>
      %dma_start3A_84 = arith.constant 0 : i32
      %dma_start3A_85 = tpu.memref_slice %arg13[%add3A_12, %dma_start3A_84] : memref<10240x64xf32, #tpu.memory_space<vmem_shared>> -> memref<128x64xf32, #tpu.memory_space<vmem_shared>>
      tpu.enqueue_dma source(%arg12 : memref<128x64xf32, #tpu.memory_space<vmem>>) target(%dma_start3A_85 : memref<128x64xf32, #tpu.memory_space<vmem_shared>>) target_semaphore(%run_scoped3A_81 : memref<!tpu.dma_semaphore, #tpu.memory_space<semaphore_mem>>)
      %dma_wait3A = arith.constant 0 : i32
      %dma_wait3A_86 = tpu.memref_slice %arg13[%add3A_12, %dma_wait3A] : memref<10240x64xf32, #tpu.memory_space<vmem_shared>> -> memref<128x64xf32, #tpu.memory_space<vmem_shared>>
      %dma_wait3A_87 = arith.constant 0 : i32
      %dma_wait3A_88 = tpu.memref_slice %arg13[%add3A_12, %dma_wait3A_87] : memref<10240x64xf32, #tpu.memory_space<vmem_shared>> -> memref<128x64xf32, #tpu.memory_space<vmem_shared>>
      tpu.wait_dma2 semaphore(%run_scoped3A_81 : memref<!tpu.dma_semaphore, #tpu.memory_space<semaphore_mem>>) src(%arg12 : memref<128x64xf32, #tpu.memory_space<vmem>>) dst(%dma_wait3A_88 : memref<128x64xf32, #tpu.memory_space<vmem_shared>>)
      tpu.yield
    }) : () -> ()
    %mul3A_13 = arith.constant 640 : i32
    %mul3A_14 = arith.muli %arg1, %mul3A_13 : i32
    %add3A_15 = arith.constant 256 : i32
    %add3A_16 = arith.addi %mul3A_14, %add3A_15 : i32
    "tpu.region"() ({
      %run_scoped3A_81 = tpu.sem_alloc : memref<!tpu.dma_semaphore, #tpu.memory_space<semaphore_mem>>
      %dma_start3A_82 = arith.constant 0 : i32
      %dma_start3A_83 = tpu.memref_slice %arg13[%add3A_16, %dma_start3A_82] : memref<10240x64xf32, #tpu.memory_space<vmem_shared>> -> memref<128x64xf32, #tpu.memory_space<vmem_shared>>
      %dma_start3A_84 = arith.constant 0 : i32
      %dma_start3A_85 = tpu.memref_slice %arg13[%add3A_16, %dma_start3A_84] : memref<10240x64xf32, #tpu.memory_space<vmem_shared>> -> memref<128x64xf32, #tpu.memory_space<vmem_shared>>
      tpu.enqueue_dma source(%arg12 : memref<128x64xf32, #tpu.memory_space<vmem>>) target(%dma_start3A_85 : memref<128x64xf32, #tpu.memory_space<vmem_shared>>) target_semaphore(%run_scoped3A_81 : memref<!tpu.dma_semaphore, #tpu.memory_space<semaphore_mem>>)
      %dma_wait3A = arith.constant 0 : i32
      %dma_wait3A_86 = tpu.memref_slice %arg13[%add3A_16, %dma_wait3A] : memref<10240x64xf32, #tpu.memory_space<vmem_shared>> -> memref<128x64xf32, #tpu.memory_space<vmem_shared>>
      %dma_wait3A_87 = arith.constant 0 : i32
      %dma_wait3A_88 = tpu.memref_slice %arg13[%add3A_16, %dma_wait3A_87] : memref<10240x64xf32, #tpu.memory_space<vmem_shared>> -> memref<128x64xf32, #tpu.memory_space<vmem_shared>>
      tpu.wait_dma2 semaphore(%run_scoped3A_81 : memref<!tpu.dma_semaphore, #tpu.memory_space<semaphore_mem>>) src(%arg12 : memref<128x64xf32, #tpu.memory_space<vmem>>) dst(%dma_wait3A_88 : memref<128x64xf32, #tpu.memory_space<vmem_shared>>)
      tpu.yield
    }) : () -> ()
    %mul3A_17 = arith.constant 640 : i32
    %mul3A_18 = arith.muli %arg1, %mul3A_17 : i32
    %add3A_19 = arith.constant 384 : i32
    %add3A_20 = arith.addi %mul3A_18, %add3A_19 : i32
    "tpu.region"() ({
      %run_scoped3A_81 = tpu.sem_alloc : memref<!tpu.dma_semaphore, #tpu.memory_space<semaphore_mem>>
      %dma_start3A_82 = arith.constant 0 : i32
      %dma_start3A_83 = tpu.memref_slice %arg13[%add3A_20, %dma_start3A_82] : memref<10240x64xf32, #tpu.memory_space<vmem_shared>> -> memref<128x64xf32, #tpu.memory_space<vmem_shared>>
      %dma_start3A_84 = arith.constant 0 : i32
      %dma_start3A_85 = tpu.memref_slice %arg13[%add3A_20, %dma_start3A_84] : memref<10240x64xf32, #tpu.memory_space<vmem_shared>> -> memref<128x64xf32, #tpu.memory_space<vmem_shared>>
      tpu.enqueue_dma source(%arg12 : memref<128x64xf32, #tpu.memory_space<vmem>>) target(%dma_start3A_85 : memref<128x64xf32, #tpu.memory_space<vmem_shared>>) target_semaphore(%run_scoped3A_81 : memref<!tpu.dma_semaphore, #tpu.memory_space<semaphore_mem>>)
      %dma_wait3A = arith.constant 0 : i32
      %dma_wait3A_86 = tpu.memref_slice %arg13[%add3A_20, %dma_wait3A] : memref<10240x64xf32, #tpu.memory_space<vmem_shared>> -> memref<128x64xf32, #tpu.memory_space<vmem_shared>>
      %dma_wait3A_87 = arith.constant 0 : i32
      %dma_wait3A_88 = tpu.memref_slice %arg13[%add3A_20, %dma_wait3A_87] : memref<10240x64xf32, #tpu.memory_space<vmem_shared>> -> memref<128x64xf32, #tpu.memory_space<vmem_shared>>
      tpu.wait_dma2 semaphore(%run_scoped3A_81 : memref<!tpu.dma_semaphore, #tpu.memory_space<semaphore_mem>>) src(%arg12 : memref<128x64xf32, #tpu.memory_space<vmem>>) dst(%dma_wait3A_88 : memref<128x64xf32, #tpu.memory_space<vmem_shared>>)
      tpu.yield
    }) : () -> ()
    %mul3A_21 = arith.constant 640 : i32
    %mul3A_22 = arith.muli %arg1, %mul3A_21 : i32
    %add3A_23 = arith.constant 512 : i32
    %add3A_24 = arith.addi %mul3A_22, %add3A_23 : i32
    "tpu.region"() ({
      %run_scoped3A_81 = tpu.sem_alloc : memref<!tpu.dma_semaphore, #tpu.memory_space<semaphore_mem>>
      %dma_start3A_82 = arith.constant 0 : i32
      %dma_start3A_83 = tpu.memref_slice %arg13[%add3A_24, %dma_start3A_82] : memref<10240x64xf32, #tpu.memory_space<vmem_shared>> -> memref<128x64xf32, #tpu.memory_space<vmem_shared>>
      %dma_start3A_84 = arith.constant 0 : i32
      %dma_start3A_85 = tpu.memref_slice %arg13[%add3A_24, %dma_start3A_84] : memref<10240x64xf32, #tpu.memory_space<vmem_shared>> -> memref<128x64xf32, #tpu.memory_space<vmem_shared>>
      tpu.enqueue_dma source(%arg12 : memref<128x64xf32, #tpu.memory_space<vmem>>) target(%dma_start3A_85 : memref<128x64xf32, #tpu.memory_space<vmem_shared>>) target_semaphore(%run_scoped3A_81 : memref<!tpu.dma_semaphore, #tpu.memory_space<semaphore_mem>>)
      %dma_wait3A = arith.constant 0 : i32
      %dma_wait3A_86 = tpu.memref_slice %arg13[%add3A_24, %dma_wait3A] : memref<10240x64xf32, #tpu.memory_space<vmem_shared>> -> memref<128x64xf32, #tpu.memory_space<vmem_shared>>
      %dma_wait3A_87 = arith.constant 0 : i32
      %dma_wait3A_88 = tpu.memref_slice %arg13[%add3A_24, %dma_wait3A_87] : memref<10240x64xf32, #tpu.memory_space<vmem_shared>> -> memref<128x64xf32, #tpu.memory_space<vmem_shared>>
      tpu.wait_dma2 semaphore(%run_scoped3A_81 : memref<!tpu.dma_semaphore, #tpu.memory_space<semaphore_mem>>) src(%arg12 : memref<128x64xf32, #tpu.memory_space<vmem>>) dst(%dma_wait3A_88 : memref<128x64xf32, #tpu.memory_space<vmem_shared>>)
      tpu.yield
    }) : () -> ()
    %barrier3A = arith.constant 0 : index
    tpu.barrier barrier_id(%barrier3A)
    %run_scoped3A = arith.constant 0 : i32
    "tpu.region"() ({
      %run_scoped3A_81 = tpu.sem_alloc : memref<!tpu.dma_semaphore, #tpu.memory_space<semaphore_mem>>
      %dma_start3A_82 = arith.constant 0 : i32
      %dma_start3A_83 = arith.constant 0 : i32
      %dma_start3A_84 = tpu.memref_slice %arg3[%run_scoped3A, %arg1, %dma_start3A_82, %dma_start3A_83] : memref<2x16x250x80xi32, #tpu.memory_space<hbm>> -> memref<1x1x250x80xi32, #tpu.memory_space<hbm>>
      %dma_start3A_85 = tpu.memref_squeeze %dma_start3A_84 : memref<1x1x250x80xi32, #tpu.memory_space<hbm>> -> memref<250x80xi32, #tpu.memory_space<hbm>>
      %dma_start3A_86 = arith.constant 0 : i32
      %dma_start3A_87 = arith.constant 0 : i32
      %dma_start3A_88 = tpu.memref_slice %arg3[%run_scoped3A, %arg1, %dma_start3A_86, %dma_start3A_87] : memref<2x16x250x80xi32, #tpu.memory_space<hbm>> -> memref<1x1x250x80xi32, #tpu.memory_space<hbm>>
      %dma_start3A_89 = tpu.memref_squeeze %dma_start3A_88 : memref<1x1x250x80xi32, #tpu.memory_space<hbm>> -> memref<250x80xi32, #tpu.memory_space<hbm>>
      tpu.enqueue_dma source(%dma_start3A_89 : memref<250x80xi32, #tpu.memory_space<hbm>>) target(%arg5 : memref<250x80xi32, #tpu.memory_space<vmem>>) target_semaphore(%run_scoped3A_81 : memref<!tpu.dma_semaphore, #tpu.memory_space<semaphore_mem>>)
      %dma_wait3A = arith.constant 0 : i32
      %dma_wait3A_90 = arith.constant 0 : i32
      %dma_wait3A_91 = tpu.memref_slice %arg3[%run_scoped3A, %arg1, %dma_wait3A, %dma_wait3A_90] : memref<2x16x250x80xi32, #tpu.memory_space<hbm>> -> memref<1x1x250x80xi32, #tpu.memory_space<hbm>>
      %dma_wait3A_92 = tpu.memref_squeeze %dma_wait3A_91 : memref<1x1x250x80xi32, #tpu.memory_space<hbm>> -> memref<250x80xi32, #tpu.memory_space<hbm>>
      %dma_wait3A_93 = arith.constant 0 : i32
      %dma_wait3A_94 = arith.constant 0 : i32
      %dma_wait3A_95 = tpu.memref_slice %arg3[%run_scoped3A, %arg1, %dma_wait3A_93, %dma_wait3A_94] : memref<2x16x250x80xi32, #tpu.memory_space<hbm>> -> memref<1x1x250x80xi32, #tpu.memory_space<hbm>>
      %dma_wait3A_96 = tpu.memref_squeeze %dma_wait3A_95 : memref<1x1x250x80xi32, #tpu.memory_space<hbm>> -> memref<250x80xi32, #tpu.memory_space<hbm>>
      tpu.wait_dma2 semaphore(%run_scoped3A_81 : memref<!tpu.dma_semaphore, #tpu.memory_space<semaphore_mem>>) src(%dma_wait3A_96 : memref<250x80xi32, #tpu.memory_space<hbm>>) dst(%arg5 : memref<250x80xi32, #tpu.memory_space<vmem>>)
      tpu.yield
    }) : () -> ()
    %run_scoped3A_25 = arith.constant 1 : i32
    "tpu.region"() ({
      %run_scoped3A_81 = tpu.sem_alloc : memref<!tpu.dma_semaphore, #tpu.memory_space<semaphore_mem>>
      %dma_start3A_82 = arith.constant 0 : i32
      %dma_start3A_83 = arith.constant 0 : i32
      %dma_start3A_84 = tpu.memref_slice %arg3[%run_scoped3A_25, %arg1, %dma_start3A_82, %dma_start3A_83] : memref<2x16x250x80xi32, #tpu.memory_space<hbm>> -> memref<1x1x250x80xi32, #tpu.memory_space<hbm>>
      %dma_start3A_85 = tpu.memref_squeeze %dma_start3A_84 : memref<1x1x250x80xi32, #tpu.memory_space<hbm>> -> memref<250x80xi32, #tpu.memory_space<hbm>>
      %dma_start3A_86 = arith.constant 0 : i32
      %dma_start3A_87 = arith.constant 0 : i32
      %dma_start3A_88 = tpu.memref_slice %arg3[%run_scoped3A_25, %arg1, %dma_start3A_86, %dma_start3A_87] : memref<2x16x250x80xi32, #tpu.memory_space<hbm>> -> memref<1x1x250x80xi32, #tpu.memory_space<hbm>>
      %dma_start3A_89 = tpu.memref_squeeze %dma_start3A_88 : memref<1x1x250x80xi32, #tpu.memory_space<hbm>> -> memref<250x80xi32, #tpu.memory_space<hbm>>
      tpu.enqueue_dma source(%dma_start3A_89 : memref<250x80xi32, #tpu.memory_space<hbm>>) target(%arg6 : memref<250x80xi32, #tpu.memory_space<vmem>>) target_semaphore(%run_scoped3A_81 : memref<!tpu.dma_semaphore, #tpu.memory_space<semaphore_mem>>)
      %dma_wait3A = arith.constant 0 : i32
      %dma_wait3A_90 = arith.constant 0 : i32
      %dma_wait3A_91 = tpu.memref_slice %arg3[%run_scoped3A_25, %arg1, %dma_wait3A, %dma_wait3A_90] : memref<2x16x250x80xi32, #tpu.memory_space<hbm>> -> memref<1x1x250x80xi32, #tpu.memory_space<hbm>>
      %dma_wait3A_92 = tpu.memref_squeeze %dma_wait3A_91 : memref<1x1x250x80xi32, #tpu.memory_space<hbm>> -> memref<250x80xi32, #tpu.memory_space<hbm>>
      %dma_wait3A_93 = arith.constant 0 : i32
      %dma_wait3A_94 = arith.constant 0 : i32
      %dma_wait3A_95 = tpu.memref_slice %arg3[%run_scoped3A_25, %arg1, %dma_wait3A_93, %dma_wait3A_94] : memref<2x16x250x80xi32, #tpu.memory_space<hbm>> -> memref<1x1x250x80xi32, #tpu.memory_space<hbm>>
      %dma_wait3A_96 = tpu.memref_squeeze %dma_wait3A_95 : memref<1x1x250x80xi32, #tpu.memory_space<hbm>> -> memref<250x80xi32, #tpu.memory_space<hbm>>
      tpu.wait_dma2 semaphore(%run_scoped3A_81 : memref<!tpu.dma_semaphore, #tpu.memory_space<semaphore_mem>>) src(%dma_wait3A_96 : memref<250x80xi32, #tpu.memory_space<hbm>>) dst(%arg6 : memref<250x80xi32, #tpu.memory_space<vmem>>)
      tpu.yield
    }) : () -> ()
    %dma_start3A = arith.constant 0 : i32
    %dma_start3A_26 = arith.constant 0 : i32
    %dma_start3A_27 = tpu.memref_slice %arg5[%dma_start3A, %dma_start3A_26] : memref<250x80xi32, #tpu.memory_space<vmem>> -> memref<1x80xi32, #tpu.memory_space<vmem>>
    %dma_start3A_28 = tpu.memref_squeeze %dma_start3A_27 : memref<1x80xi32, #tpu.memory_space<vmem>> -> memref<80xi32, #tpu.memory_space<vmem>>
    %dma_start3A_29 = arith.constant 0 : i32
    %dma_start3A_30 = arith.constant 0 : i32
    %dma_start3A_31 = tpu.memref_slice %arg2[%arg0, %dma_start3A_29, %dma_start3A_30] : memref<2x10000x64xf32, #tpu.memory_space<hbm>> -> memref<1x10000x64xf32, #tpu.memory_space<hbm>>
    %dma_start3A_32 = tpu.memref_squeeze %dma_start3A_31 : memref<1x10000x64xf32, #tpu.memory_space<hbm>> -> memref<10000x64xf32, #tpu.memory_space<hbm>>
    %dma_start3A_33 = arith.constant 0 : i32
    %dma_start3A_34 = arith.constant 0 : i32
    %dma_start3A_35 = tpu.memref_slice %dma_start3A_32[%dma_start3A_33, %dma_start3A_34] : memref<10000x64xf32, #tpu.memory_space<hbm>> -> memref<10000x64xf32, #tpu.memory_space<hbm>>
    tpu.enqueue_indirect_dma source(%dma_start3A_35 : memref<10000x64xf32, #tpu.memory_space<hbm>>) target(%arg7 : memref<80x64xf32, #tpu.memory_space<vmem>>) offsets(%dma_start3A_28 : memref<80xi32, #tpu.memory_space<vmem>>) semaphore(%arg14 : memref<!tpu.dma_semaphore, #tpu.memory_space<semaphore_mem>>)
    %dma_start3A_36 = arith.constant 1 : i32
    %dma_start3A_37 = arith.constant 0 : i32
    %dma_start3A_38 = tpu.memref_slice %arg5[%dma_start3A_36, %dma_start3A_37] : memref<250x80xi32, #tpu.memory_space<vmem>> -> memref<1x80xi32, #tpu.memory_space<vmem>>
    %dma_start3A_39 = tpu.memref_squeeze %dma_start3A_38 : memref<1x80xi32, #tpu.memory_space<vmem>> -> memref<80xi32, #tpu.memory_space<vmem>>
    %dma_start3A_40 = arith.constant 0 : i32
    %dma_start3A_41 = arith.constant 0 : i32
    %dma_start3A_42 = tpu.memref_slice %arg2[%arg0, %dma_start3A_40, %dma_start3A_41] : memref<2x10000x64xf32, #tpu.memory_space<hbm>> -> memref<1x10000x64xf32, #tpu.memory_space<hbm>>
    %dma_start3A_43 = tpu.memref_squeeze %dma_start3A_42 : memref<1x10000x64xf32, #tpu.memory_space<hbm>> -> memref<10000x64xf32, #tpu.memory_space<hbm>>
    %dma_start3A_44 = arith.constant 0 : i32
    %dma_start3A_45 = arith.constant 0 : i32
    %dma_start3A_46 = tpu.memref_slice %dma_start3A_43[%dma_start3A_44, %dma_start3A_45] : memref<10000x64xf32, #tpu.memory_space<hbm>> -> memref<10000x64xf32, #tpu.memory_space<hbm>>
    tpu.enqueue_indirect_dma source(%dma_start3A_46 : memref<10000x64xf32, #tpu.memory_space<hbm>>) target(%arg8 : memref<80x64xf32, #tpu.memory_space<vmem>>) offsets(%dma_start3A_39 : memref<80xi32, #tpu.memory_space<vmem>>) semaphore(%arg15 : memref<!tpu.dma_semaphore, #tpu.memory_space<semaphore_mem>>)
    %dma_start3A_47 = arith.constant 2 : i32
    %dma_start3A_48 = arith.constant 0 : i32
    %dma_start3A_49 = tpu.memref_slice %arg5[%dma_start3A_47, %dma_start3A_48] : memref<250x80xi32, #tpu.memory_space<vmem>> -> memref<1x80xi32, #tpu.memory_space<vmem>>
    %dma_start3A_50 = tpu.memref_squeeze %dma_start3A_49 : memref<1x80xi32, #tpu.memory_space<vmem>> -> memref<80xi32, #tpu.memory_space<vmem>>
    %dma_start3A_51 = arith.constant 0 : i32
    %dma_start3A_52 = arith.constant 0 : i32
    %dma_start3A_53 = tpu.memref_slice %arg2[%arg0, %dma_start3A_51, %dma_start3A_52] : memref<2x10000x64xf32, #tpu.memory_space<hbm>> -> memref<1x10000x64xf32, #tpu.memory_space<hbm>>
    %dma_start3A_54 = tpu.memref_squeeze %dma_start3A_53 : memref<1x10000x64xf32, #tpu.memory_space<hbm>> -> memref<10000x64xf32, #tpu.memory_space<hbm>>
    %dma_start3A_55 = arith.constant 0 : i32
    %dma_start3A_56 = arith.constant 0 : i32
    %dma_start3A_57 = tpu.memref_slice %dma_start3A_54[%dma_start3A_55, %dma_start3A_56] : memref<10000x64xf32, #tpu.memory_space<hbm>> -> memref<10000x64xf32, #tpu.memory_space<hbm>>
    tpu.enqueue_indirect_dma source(%dma_start3A_57 : memref<10000x64xf32, #tpu.memory_space<hbm>>) target(%arg9 : memref<80x64xf32, #tpu.memory_space<vmem>>) offsets(%dma_start3A_50 : memref<80xi32, #tpu.memory_space<vmem>>) semaphore(%arg16 : memref<!tpu.dma_semaphore, #tpu.memory_space<semaphore_mem>>)
    %dma_start3A_58 = arith.constant 3 : i32
    %dma_start3A_59 = arith.constant 0 : i32
    %dma_start3A_60 = tpu.memref_slice %arg5[%dma_start3A_58, %dma_start3A_59] : memref<250x80xi32, #tpu.memory_space<vmem>> -> memref<1x80xi32, #tpu.memory_space<vmem>>
    %dma_start3A_61 = tpu.memref_squeeze %dma_start3A_60 : memref<1x80xi32, #tpu.memory_space<vmem>> -> memref<80xi32, #tpu.memory_space<vmem>>
    %dma_start3A_62 = arith.constant 0 : i32
    %dma_start3A_63 = arith.constant 0 : i32
    %dma_start3A_64 = tpu.memref_slice %arg2[%arg0, %dma_start3A_62, %dma_start3A_63] : memref<2x10000x64xf32, #tpu.memory_space<hbm>> -> memref<1x10000x64xf32, #tpu.memory_space<hbm>>
    %dma_start3A_65 = tpu.memref_squeeze %dma_start3A_64 : memref<1x10000x64xf32, #tpu.memory_space<hbm>> -> memref<10000x64xf32, #tpu.memory_space<hbm>>
    %dma_start3A_66 = arith.constant 0 : i32
    %dma_start3A_67 = arith.constant 0 : i32
    %dma_start3A_68 = tpu.memref_slice %dma_start3A_65[%dma_start3A_66, %dma_start3A_67] : memref<10000x64xf32, #tpu.memory_space<hbm>> -> memref<10000x64xf32, #tpu.memory_space<hbm>>
    tpu.enqueue_indirect_dma source(%dma_start3A_68 : memref<10000x64xf32, #tpu.memory_space<hbm>>) target(%arg10 : memref<80x64xf32, #tpu.memory_space<vmem>>) offsets(%dma_start3A_61 : memref<80xi32, #tpu.memory_space<vmem>>) semaphore(%arg17 : memref<!tpu.dma_semaphore, #tpu.memory_space<semaphore_mem>>)
    %scan3A_69 = arith.constant 0 : i32
    %scan3A_70 = arith.constant 0 : i32
    %scan3A_71 = arith.constant 50 : i32
    %scan3A_72 = arith.addi %scan3A_70, %scan3A_71 : i32
    %scan3A_73 = arith.constant 1 : i32
    %scan3A_74 = scf.for %scan3A_81 = %scan3A_70 to %scan3A_72 step %scan3A_73 iter_args(%scan3A_82 = %scan3A_69) -> (i32)  : i32 {
      %mul3A_83 = arith.constant 5 : i32
      %mul3A_84 = arith.muli %scan3A_81, %mul3A_83 : i32
      %add3A_85 = arith.constant 0 : i32
      %add3A_86 = arith.addi %mul3A_84, %add3A_85 : i32
      %add3A_87 = arith.constant 5 : i32
      %add3A_88 = arith.addi %add3A_86, %add3A_87 : i32
      %sub3A = arith.constant 1 : i32
      %sub3A_89 = arith.subi %add3A_88, %sub3A : i32
      %lt3A = arith.constant 250 : i32
      %lt3A_90 = arith.cmpi slt, %sub3A_89, %lt3A : i32
      %convert_element_type3A = arith.extui %lt3A_90 : i1 to i32
      %cond3A = arith.constant 0 : i32
      %cond3A_91 = arith.cmpi ne, %convert_element_type3A, %cond3A : i32
      scf.if %cond3A_91 {
        %dma_start3A_194 = arith.constant 0 : i32
        %dma_start3A_195 = tpu.memref_slice %arg5[%sub3A_89, %dma_start3A_194] : memref<250x80xi32, #tpu.memory_space<vmem>> -> memref<1x80xi32, #tpu.memory_space<vmem>>
        %dma_start3A_196 = tpu.memref_squeeze %dma_start3A_195 : memref<1x80xi32, #tpu.memory_space<vmem>> -> memref<80xi32, #tpu.memory_space<vmem>>
        %dma_start3A_197 = arith.constant 0 : i32
        %dma_start3A_198 = arith.constant 0 : i32
        %dma_start3A_199 = tpu.memref_slice %arg2[%arg0, %dma_start3A_197, %dma_start3A_198] : memref<2x10000x64xf32, #tpu.memory_space<hbm>> -> memref<1x10000x64xf32, #tpu.memory_space<hbm>>
        %dma_start3A_200 = tpu.memref_squeeze %dma_start3A_199 : memref<1x10000x64xf32, #tpu.memory_space<hbm>> -> memref<10000x64xf32, #tpu.memory_space<hbm>>
        %dma_start3A_201 = arith.constant 0 : i32
        %dma_start3A_202 = arith.constant 0 : i32
        %dma_start3A_203 = tpu.memref_slice %dma_start3A_200[%dma_start3A_201, %dma_start3A_202] : memref<10000x64xf32, #tpu.memory_space<hbm>> -> memref<10000x64xf32, #tpu.memory_space<hbm>>
        tpu.enqueue_indirect_dma source(%dma_start3A_203 : memref<10000x64xf32, #tpu.memory_space<hbm>>) target(%arg11 : memref<80x64xf32, #tpu.memory_space<vmem>>) offsets(%dma_start3A_196 : memref<80xi32, #tpu.memory_space<vmem>>) semaphore(%arg18 : memref<!tpu.dma_semaphore, #tpu.memory_space<semaphore_mem>>)
      } else {
      }
      %dma_wait3A = arith.constant 0 : i32
      %dma_wait3A_92 = tpu.memref_slice %arg5[%add3A_86, %dma_wait3A] : memref<250x80xi32, #tpu.memory_space<vmem>> -> memref<1x80xi32, #tpu.memory_space<vmem>>
      %dma_wait3A_93 = tpu.memref_squeeze %dma_wait3A_92 : memref<1x80xi32, #tpu.memory_space<vmem>> -> memref<80xi32, #tpu.memory_space<vmem>>
      %dma_wait3A_94 = arith.constant 0 : i32
      %dma_wait3A_95 = arith.constant 0 : i32
      %dma_wait3A_96 = tpu.memref_slice %arg2[%arg0, %dma_wait3A_94, %dma_wait3A_95] : memref<2x10000x64xf32, #tpu.memory_space<hbm>> -> memref<1x10000x64xf32, #tpu.memory_space<hbm>>
      %dma_wait3A_97 = tpu.memref_squeeze %dma_wait3A_96 : memref<1x10000x64xf32, #tpu.memory_space<hbm>> -> memref<10000x64xf32, #tpu.memory_space<hbm>>
      %dma_wait3A_98 = arith.constant 0 : i32
      %dma_wait3A_99 = arith.constant 0 : i32
      %dma_wait3A_100 = tpu.memref_slice %dma_wait3A_97[%dma_wait3A_98, %dma_wait3A_99] : memref<10000x64xf32, #tpu.memory_space<hbm>> -> memref<10000x64xf32, #tpu.memory_space<hbm>>
      tpu.wait_indirect_dma semaphore(%arg14 : memref<!tpu.dma_semaphore, #tpu.memory_space<semaphore_mem>>) src(%dma_wait3A_100 : memref<10000x64xf32, #tpu.memory_space<hbm>>) dst(%arg7 : memref<80x64xf32, #tpu.memory_space<vmem>>)
      "tpu.region"() ({
        %run_scoped3A_194 = tpu.sem_alloc : memref<!tpu.dma_semaphore, #tpu.memory_space<semaphore_mem>>
        %dma_start3A_195 = arith.constant 0 : i32
        %dma_start3A_196 = tpu.memref_slice %arg6[%add3A_86, %dma_start3A_195] : memref<250x80xi32, #tpu.memory_space<vmem>> -> memref<1x80xi32, #tpu.memory_space<vmem>>
        %dma_start3A_197 = tpu.memref_squeeze %dma_start3A_196 : memref<1x80xi32, #tpu.memory_space<vmem>> -> memref<80xi32, #tpu.memory_space<vmem>>
        %dma_start3A_198 = arith.constant 0 : i32
        %dma_start3A_199 = arith.constant 0 : i32
        %dma_start3A_200 = tpu.memref_slice %arg13[%dma_start3A_198, %dma_start3A_199] : memref<10240x64xf32, #tpu.memory_space<vmem_shared>> -> memref<10240x64xf32, #tpu.memory_space<vmem_shared>>
        tpu.enqueue_indirect_dma source(%arg7 : memref<80x64xf32, #tpu.memory_space<vmem>>) target(%dma_start3A_200 : memref<10240x64xf32, #tpu.memory_space<vmem_shared>>) offsets(%dma_start3A_197 : memref<80xi32, #tpu.memory_space<vmem>>) semaphore(%run_scoped3A_194 : memref<!tpu.dma_semaphore, #tpu.memory_space<semaphore_mem>>) {add = true}
        %dma_wait3A_201 = arith.constant 0 : i32
        %dma_wait3A_202 = tpu.memref_slice %arg6[%add3A_86, %dma_wait3A_201] : memref<250x80xi32, #tpu.memory_space<vmem>> -> memref<1x80xi32, #tpu.memory_space<vmem>>
        %dma_wait3A_203 = tpu.memref_squeeze %dma_wait3A_202 : memref<1x80xi32, #tpu.memory_space<vmem>> -> memref<80xi32, #tpu.memory_space<vmem>>
        %dma_wait3A_204 = arith.constant 0 : i32
        %dma_wait3A_205 = arith.constant 0 : i32
        %dma_wait3A_206 = tpu.memref_slice %arg13[%dma_wait3A_204, %dma_wait3A_205] : memref<10240x64xf32, #tpu.memory_space<vmem_shared>> -> memref<10240x64xf32, #tpu.memory_space<vmem_shared>>
        tpu.wait_indirect_dma semaphore(%run_scoped3A_194 : memref<!tpu.dma_semaphore, #tpu.memory_space<semaphore_mem>>) src(%arg7 : memref<80x64xf32, #tpu.memory_space<vmem>>) dst(%dma_wait3A_206 : memref<10240x64xf32, #tpu.memory_space<vmem_shared>>)
        tpu.yield
      }) : () -> ()
      %mul3A_101 = arith.constant 5 : i32
      %mul3A_102 = arith.muli %scan3A_81, %mul3A_101 : i32
      %add3A_103 = arith.constant 1 : i32
      %add3A_104 = arith.addi %mul3A_102, %add3A_103 : i32
      %add3A_105 = arith.constant 5 : i32
      %add3A_106 = arith.addi %add3A_104, %add3A_105 : i32
      %sub3A_107 = arith.constant 1 : i32
      %sub3A_108 = arith.subi %add3A_106, %sub3A_107 : i32
      %lt3A_109 = arith.constant 250 : i32
      %lt3A_110 = arith.cmpi slt, %sub3A_108, %lt3A_109 : i32
      %convert_element_type3A_111 = arith.extui %lt3A_110 : i1 to i32
      %cond3A_112 = arith.constant 0 : i32
      %cond3A_113 = arith.cmpi ne, %convert_element_type3A_111, %cond3A_112 : i32
      scf.if %cond3A_113 {
        %dma_start3A_194 = arith.constant 0 : i32
        %dma_start3A_195 = tpu.memref_slice %arg5[%sub3A_108, %dma_start3A_194] : memref<250x80xi32, #tpu.memory_space<vmem>> -> memref<1x80xi32, #tpu.memory_space<vmem>>
        %dma_start3A_196 = tpu.memref_squeeze %dma_start3A_195 : memref<1x80xi32, #tpu.memory_space<vmem>> -> memref<80xi32, #tpu.memory_space<vmem>>
        %dma_start3A_197 = arith.constant 0 : i32
        %dma_start3A_198 = arith.constant 0 : i32
        %dma_start3A_199 = tpu.memref_slice %arg2[%arg0, %dma_start3A_197, %dma_start3A_198] : memref<2x10000x64xf32, #tpu.memory_space<hbm>> -> memref<1x10000x64xf32, #tpu.memory_space<hbm>>
        %dma_start3A_200 = tpu.memref_squeeze %dma_start3A_199 : memref<1x10000x64xf32, #tpu.memory_space<hbm>> -> memref<10000x64xf32, #tpu.memory_space<hbm>>
        %dma_start3A_201 = arith.constant 0 : i32
        %dma_start3A_202 = arith.constant 0 : i32
        %dma_start3A_203 = tpu.memref_slice %dma_start3A_200[%dma_start3A_201, %dma_start3A_202] : memref<10000x64xf32, #tpu.memory_space<hbm>> -> memref<10000x64xf32, #tpu.memory_space<hbm>>
        tpu.enqueue_indirect_dma source(%dma_start3A_203 : memref<10000x64xf32, #tpu.memory_space<hbm>>) target(%arg7 : memref<80x64xf32, #tpu.memory_space<vmem>>) offsets(%dma_start3A_196 : memref<80xi32, #tpu.memory_space<vmem>>) semaphore(%arg14 : memref<!tpu.dma_semaphore, #tpu.memory_space<semaphore_mem>>)
      } else {
      }
      %dma_wait3A_114 = arith.constant 0 : i32
      %dma_wait3A_115 = tpu.memref_slice %arg5[%add3A_104, %dma_wait3A_114] : memref<250x80xi32, #tpu.memory_space<vmem>> -> memref<1x80xi32, #tpu.memory_space<vmem>>
      %dma_wait3A_116 = tpu.memref_squeeze %dma_wait3A_115 : memref<1x80xi32, #tpu.memory_space<vmem>> -> memref<80xi32, #tpu.memory_space<vmem>>
      %dma_wait3A_117 = arith.constant 0 : i32
      %dma_wait3A_118 = arith.constant 0 : i32
      %dma_wait3A_119 = tpu.memref_slice %arg2[%arg0, %dma_wait3A_117, %dma_wait3A_118] : memref<2x10000x64xf32, #tpu.memory_space<hbm>> -> memref<1x10000x64xf32, #tpu.memory_space<hbm>>
      %dma_wait3A_120 = tpu.memref_squeeze %dma_wait3A_119 : memref<1x10000x64xf32, #tpu.memory_space<hbm>> -> memref<10000x64xf32, #tpu.memory_space<hbm>>
      %dma_wait3A_121 = arith.constant 0 : i32
      %dma_wait3A_122 = arith.constant 0 : i32
      %dma_wait3A_123 = tpu.memref_slice %dma_wait3A_120[%dma_wait3A_121, %dma_wait3A_122] : memref<10000x64xf32, #tpu.memory_space<hbm>> -> memref<10000x64xf32, #tpu.memory_space<hbm>>
      tpu.wait_indirect_dma semaphore(%arg15 : memref<!tpu.dma_semaphore, #tpu.memory_space<semaphore_mem>>) src(%dma_wait3A_123 : memref<10000x64xf32, #tpu.memory_space<hbm>>) dst(%arg8 : memref<80x64xf32, #tpu.memory_space<vmem>>)
      "tpu.region"() ({
        %run_scoped3A_194 = tpu.sem_alloc : memref<!tpu.dma_semaphore, #tpu.memory_space<semaphore_mem>>
        %dma_start3A_195 = arith.constant 0 : i32
        %dma_start3A_196 = tpu.memref_slice %arg6[%add3A_104, %dma_start3A_195] : memref<250x80xi32, #tpu.memory_space<vmem>> -> memref<1x80xi32, #tpu.memory_space<vmem>>
        %dma_start3A_197 = tpu.memref_squeeze %dma_start3A_196 : memref<1x80xi32, #tpu.memory_space<vmem>> -> memref<80xi32, #tpu.memory_space<vmem>>
        %dma_start3A_198 = arith.constant 0 : i32
        %dma_start3A_199 = arith.constant 0 : i32
        %dma_start3A_200 = tpu.memref_slice %arg13[%dma_start3A_198, %dma_start3A_199] : memref<10240x64xf32, #tpu.memory_space<vmem_shared>> -> memref<10240x64xf32, #tpu.memory_space<vmem_shared>>
        tpu.enqueue_indirect_dma source(%arg8 : memref<80x64xf32, #tpu.memory_space<vmem>>) target(%dma_start3A_200 : memref<10240x64xf32, #tpu.memory_space<vmem_shared>>) offsets(%dma_start3A_197 : memref<80xi32, #tpu.memory_space<vmem>>) semaphore(%run_scoped3A_194 : memref<!tpu.dma_semaphore, #tpu.memory_space<semaphore_mem>>) {add = true}
        %dma_wait3A_201 = arith.constant 0 : i32
        %dma_wait3A_202 = tpu.memref_slice %arg6[%add3A_104, %dma_wait3A_201] : memref<250x80xi32, #tpu.memory_space<vmem>> -> memref<1x80xi32, #tpu.memory_space<vmem>>
        %dma_wait3A_203 = tpu.memref_squeeze %dma_wait3A_202 : memref<1x80xi32, #tpu.memory_space<vmem>> -> memref<80xi32, #tpu.memory_space<vmem>>
        %dma_wait3A_204 = arith.constant 0 : i32
        %dma_wait3A_205 = arith.constant 0 : i32
        %dma_wait3A_206 = tpu.memref_slice %arg13[%dma_wait3A_204, %dma_wait3A_205] : memref<10240x64xf32, #tpu.memory_space<vmem_shared>> -> memref<10240x64xf32, #tpu.memory_space<vmem_shared>>
        tpu.wait_indirect_dma semaphore(%run_scoped3A_194 : memref<!tpu.dma_semaphore, #tpu.memory_space<semaphore_mem>>) src(%arg8 : memref<80x64xf32, #tpu.memory_space<vmem>>) dst(%dma_wait3A_206 : memref<10240x64xf32, #tpu.memory_space<vmem_shared>>)
        tpu.yield
      }) : () -> ()
      %mul3A_124 = arith.constant 5 : i32
      %mul3A_125 = arith.muli %scan3A_81, %mul3A_124 : i32
      %add3A_126 = arith.constant 2 : i32
      %add3A_127 = arith.addi %mul3A_125, %add3A_126 : i32
      %add3A_128 = arith.constant 5 : i32
      %add3A_129 = arith.addi %add3A_127, %add3A_128 : i32
      %sub3A_130 = arith.constant 1 : i32
      %sub3A_131 = arith.subi %add3A_129, %sub3A_130 : i32
      %lt3A_132 = arith.constant 250 : i32
      %lt3A_133 = arith.cmpi slt, %sub3A_131, %lt3A_132 : i32
      %convert_element_type3A_134 = arith.extui %lt3A_133 : i1 to i32
      %cond3A_135 = arith.constant 0 : i32
      %cond3A_136 = arith.cmpi ne, %convert_element_type3A_134, %cond3A_135 : i32
      scf.if %cond3A_136 {
        %dma_start3A_194 = arith.constant 0 : i32
        %dma_start3A_195 = tpu.memref_slice %arg5[%sub3A_131, %dma_start3A_194] : memref<250x80xi32, #tpu.memory_space<vmem>> -> memref<1x80xi32, #tpu.memory_space<vmem>>
        %dma_start3A_196 = tpu.memref_squeeze %dma_start3A_195 : memref<1x80xi32, #tpu.memory_space<vmem>> -> memref<80xi32, #tpu.memory_space<vmem>>
        %dma_start3A_197 = arith.constant 0 : i32
        %dma_start3A_198 = arith.constant 0 : i32
        %dma_start3A_199 = tpu.memref_slice %arg2[%arg0, %dma_start3A_197, %dma_start3A_198] : memref<2x10000x64xf32, #tpu.memory_space<hbm>> -> memref<1x10000x64xf32, #tpu.memory_space<hbm>>
        %dma_start3A_200 = tpu.memref_squeeze %dma_start3A_199 : memref<1x10000x64xf32, #tpu.memory_space<hbm>> -> memref<10000x64xf32, #tpu.memory_space<hbm>>
        %dma_start3A_201 = arith.constant 0 : i32
        %dma_start3A_202 = arith.constant 0 : i32
        %dma_start3A_203 = tpu.memref_slice %dma_start3A_200[%dma_start3A_201, %dma_start3A_202] : memref<10000x64xf32, #tpu.memory_space<hbm>> -> memref<10000x64xf32, #tpu.memory_space<hbm>>
        tpu.enqueue_indirect_dma source(%dma_start3A_203 : memref<10000x64xf32, #tpu.memory_space<hbm>>) target(%arg8 : memref<80x64xf32, #tpu.memory_space<vmem>>) offsets(%dma_start3A_196 : memref<80xi32, #tpu.memory_space<vmem>>) semaphore(%arg15 : memref<!tpu.dma_semaphore, #tpu.memory_space<semaphore_mem>>)
      } else {
      }
      %dma_wait3A_137 = arith.constant 0 : i32
      %dma_wait3A_138 = tpu.memref_slice %arg5[%add3A_127, %dma_wait3A_137] : memref<250x80xi32, #tpu.memory_space<vmem>> -> memref<1x80xi32, #tpu.memory_space<vmem>>
      %dma_wait3A_139 = tpu.memref_squeeze %dma_wait3A_138 : memref<1x80xi32, #tpu.memory_space<vmem>> -> memref<80xi32, #tpu.memory_space<vmem>>
      %dma_wait3A_140 = arith.constant 0 : i32
      %dma_wait3A_141 = arith.constant 0 : i32
      %dma_wait3A_142 = tpu.memref_slice %arg2[%arg0, %dma_wait3A_140, %dma_wait3A_141] : memref<2x10000x64xf32, #tpu.memory_space<hbm>> -> memref<1x10000x64xf32, #tpu.memory_space<hbm>>
      %dma_wait3A_143 = tpu.memref_squeeze %dma_wait3A_142 : memref<1x10000x64xf32, #tpu.memory_space<hbm>> -> memref<10000x64xf32, #tpu.memory_space<hbm>>
      %dma_wait3A_144 = arith.constant 0 : i32
      %dma_wait3A_145 = arith.constant 0 : i32
      %dma_wait3A_146 = tpu.memref_slice %dma_wait3A_143[%dma_wait3A_144, %dma_wait3A_145] : memref<10000x64xf32, #tpu.memory_space<hbm>> -> memref<10000x64xf32, #tpu.memory_space<hbm>>
      tpu.wait_indirect_dma semaphore(%arg16 : memref<!tpu.dma_semaphore, #tpu.memory_space<semaphore_mem>>) src(%dma_wait3A_146 : memref<10000x64xf32, #tpu.memory_space<hbm>>) dst(%arg9 : memref<80x64xf32, #tpu.memory_space<vmem>>)
      "tpu.region"() ({
        %run_scoped3A_194 = tpu.sem_alloc : memref<!tpu.dma_semaphore, #tpu.memory_space<semaphore_mem>>
        %dma_start3A_195 = arith.constant 0 : i32
        %dma_start3A_196 = tpu.memref_slice %arg6[%add3A_127, %dma_start3A_195] : memref<250x80xi32, #tpu.memory_space<vmem>> -> memref<1x80xi32, #tpu.memory_space<vmem>>
        %dma_start3A_197 = tpu.memref_squeeze %dma_start3A_196 : memref<1x80xi32, #tpu.memory_space<vmem>> -> memref<80xi32, #tpu.memory_space<vmem>>
        %dma_start3A_198 = arith.constant 0 : i32
        %dma_start3A_199 = arith.constant 0 : i32
        %dma_start3A_200 = tpu.memref_slice %arg13[%dma_start3A_198, %dma_start3A_199] : memref<10240x64xf32, #tpu.memory_space<vmem_shared>> -> memref<10240x64xf32, #tpu.memory_space<vmem_shared>>
        tpu.enqueue_indirect_dma source(%arg9 : memref<80x64xf32, #tpu.memory_space<vmem>>) target(%dma_start3A_200 : memref<10240x64xf32, #tpu.memory_space<vmem_shared>>) offsets(%dma_start3A_197 : memref<80xi32, #tpu.memory_space<vmem>>) semaphore(%run_scoped3A_194 : memref<!tpu.dma_semaphore, #tpu.memory_space<semaphore_mem>>) {add = true}
        %dma_wait3A_201 = arith.constant 0 : i32
        %dma_wait3A_202 = tpu.memref_slice %arg6[%add3A_127, %dma_wait3A_201] : memref<250x80xi32, #tpu.memory_space<vmem>> -> memref<1x80xi32, #tpu.memory_space<vmem>>
        %dma_wait3A_203 = tpu.memref_squeeze %dma_wait3A_202 : memref<1x80xi32, #tpu.memory_space<vmem>> -> memref<80xi32, #tpu.memory_space<vmem>>
        %dma_wait3A_204 = arith.constant 0 : i32
        %dma_wait3A_205 = arith.constant 0 : i32
        %dma_wait3A_206 = tpu.memref_slice %arg13[%dma_wait3A_204, %dma_wait3A_205] : memref<10240x64xf32, #tpu.memory_space<vmem_shared>> -> memref<10240x64xf32, #tpu.memory_space<vmem_shared>>
        tpu.wait_indirect_dma semaphore(%run_scoped3A_194 : memref<!tpu.dma_semaphore, #tpu.memory_space<semaphore_mem>>) src(%arg9 : memref<80x64xf32, #tpu.memory_space<vmem>>) dst(%dma_wait3A_206 : memref<10240x64xf32, #tpu.memory_space<vmem_shared>>)
        tpu.yield
      }) : () -> ()
      %mul3A_147 = arith.constant 5 : i32
      %mul3A_148 = arith.muli %scan3A_81, %mul3A_147 : i32
      %add3A_149 = arith.constant 3 : i32
      %add3A_150 = arith.addi %mul3A_148, %add3A_149 : i32
      %add3A_151 = arith.constant 5 : i32
      %add3A_152 = arith.addi %add3A_150, %add3A_151 : i32
      %sub3A_153 = arith.constant 1 : i32
      %sub3A_154 = arith.subi %add3A_152, %sub3A_153 : i32
      %lt3A_155 = arith.constant 250 : i32
      %lt3A_156 = arith.cmpi slt, %sub3A_154, %lt3A_155 : i32
      %convert_element_type3A_157 = arith.extui %lt3A_156 : i1 to i32
      %cond3A_158 = arith.constant 0 : i32
      %cond3A_159 = arith.cmpi ne, %convert_element_type3A_157, %cond3A_158 : i32
      scf.if %cond3A_159 {
        %dma_start3A_194 = arith.constant 0 : i32
        %dma_start3A_195 = tpu.memref_slice %arg5[%sub3A_154, %dma_start3A_194] : memref<250x80xi32, #tpu.memory_space<vmem>> -> memref<1x80xi32, #tpu.memory_space<vmem>>
        %dma_start3A_196 = tpu.memref_squeeze %dma_start3A_195 : memref<1x80xi32, #tpu.memory_space<vmem>> -> memref<80xi32, #tpu.memory_space<vmem>>
        %dma_start3A_197 = arith.constant 0 : i32
        %dma_start3A_198 = arith.constant 0 : i32
        %dma_start3A_199 = tpu.memref_slice %arg2[%arg0, %dma_start3A_197, %dma_start3A_198] : memref<2x10000x64xf32, #tpu.memory_space<hbm>> -> memref<1x10000x64xf32, #tpu.memory_space<hbm>>
        %dma_start3A_200 = tpu.memref_squeeze %dma_start3A_199 : memref<1x10000x64xf32, #tpu.memory_space<hbm>> -> memref<10000x64xf32, #tpu.memory_space<hbm>>
        %dma_start3A_201 = arith.constant 0 : i32
        %dma_start3A_202 = arith.constant 0 : i32
        %dma_start3A_203 = tpu.memref_slice %dma_start3A_200[%dma_start3A_201, %dma_start3A_202] : memref<10000x64xf32, #tpu.memory_space<hbm>> -> memref<10000x64xf32, #tpu.memory_space<hbm>>
        tpu.enqueue_indirect_dma source(%dma_start3A_203 : memref<10000x64xf32, #tpu.memory_space<hbm>>) target(%arg9 : memref<80x64xf32, #tpu.memory_space<vmem>>) offsets(%dma_start3A_196 : memref<80xi32, #tpu.memory_space<vmem>>) semaphore(%arg16 : memref<!tpu.dma_semaphore, #tpu.memory_space<semaphore_mem>>)
      } else {
      }
      %dma_wait3A_160 = arith.constant 0 : i32
      %dma_wait3A_161 = tpu.memref_slice %arg5[%add3A_150, %dma_wait3A_160] : memref<250x80xi32, #tpu.memory_space<vmem>> -> memref<1x80xi32, #tpu.memory_space<vmem>>
      %dma_wait3A_162 = tpu.memref_squeeze %dma_wait3A_161 : memref<1x80xi32, #tpu.memory_space<vmem>> -> memref<80xi32, #tpu.memory_space<vmem>>
      %dma_wait3A_163 = arith.constant 0 : i32
      %dma_wait3A_164 = arith.constant 0 : i32
      %dma_wait3A_165 = tpu.memref_slice %arg2[%arg0, %dma_wait3A_163, %dma_wait3A_164] : memref<2x10000x64xf32, #tpu.memory_space<hbm>> -> memref<1x10000x64xf32, #tpu.memory_space<hbm>>
      %dma_wait3A_166 = tpu.memref_squeeze %dma_wait3A_165 : memref<1x10000x64xf32, #tpu.memory_space<hbm>> -> memref<10000x64xf32, #tpu.memory_space<hbm>>
      %dma_wait3A_167 = arith.constant 0 : i32
      %dma_wait3A_168 = arith.constant 0 : i32
      %dma_wait3A_169 = tpu.memref_slice %dma_wait3A_166[%dma_wait3A_167, %dma_wait3A_168] : memref<10000x64xf32, #tpu.memory_space<hbm>> -> memref<10000x64xf32, #tpu.memory_space<hbm>>
      tpu.wait_indirect_dma semaphore(%arg17 : memref<!tpu.dma_semaphore, #tpu.memory_space<semaphore_mem>>) src(%dma_wait3A_169 : memref<10000x64xf32, #tpu.memory_space<hbm>>) dst(%arg10 : memref<80x64xf32, #tpu.memory_space<vmem>>)
      "tpu.region"() ({
        %run_scoped3A_194 = tpu.sem_alloc : memref<!tpu.dma_semaphore, #tpu.memory_space<semaphore_mem>>
        %dma_start3A_195 = arith.constant 0 : i32
        %dma_start3A_196 = tpu.memref_slice %arg6[%add3A_150, %dma_start3A_195] : memref<250x80xi32, #tpu.memory_space<vmem>> -> memref<1x80xi32, #tpu.memory_space<vmem>>
        %dma_start3A_197 = tpu.memref_squeeze %dma_start3A_196 : memref<1x80xi32, #tpu.memory_space<vmem>> -> memref<80xi32, #tpu.memory_space<vmem>>
        %dma_start3A_198 = arith.constant 0 : i32
        %dma_start3A_199 = arith.constant 0 : i32
        %dma_start3A_200 = tpu.memref_slice %arg13[%dma_start3A_198, %dma_start3A_199] : memref<10240x64xf32, #tpu.memory_space<vmem_shared>> -> memref<10240x64xf32, #tpu.memory_space<vmem_shared>>
        tpu.enqueue_indirect_dma source(%arg10 : memref<80x64xf32, #tpu.memory_space<vmem>>) target(%dma_start3A_200 : memref<10240x64xf32, #tpu.memory_space<vmem_shared>>) offsets(%dma_start3A_197 : memref<80xi32, #tpu.memory_space<vmem>>) semaphore(%run_scoped3A_194 : memref<!tpu.dma_semaphore, #tpu.memory_space<semaphore_mem>>) {add = true}
        %dma_wait3A_201 = arith.constant 0 : i32
        %dma_wait3A_202 = tpu.memref_slice %arg6[%add3A_150, %dma_wait3A_201] : memref<250x80xi32, #tpu.memory_space<vmem>> -> memref<1x80xi32, #tpu.memory_space<vmem>>
        %dma_wait3A_203 = tpu.memref_squeeze %dma_wait3A_202 : memref<1x80xi32, #tpu.memory_space<vmem>> -> memref<80xi32, #tpu.memory_space<vmem>>
        %dma_wait3A_204 = arith.constant 0 : i32
        %dma_wait3A_205 = arith.constant 0 : i32
        %dma_wait3A_206 = tpu.memref_slice %arg13[%dma_wait3A_204, %dma_wait3A_205] : memref<10240x64xf32, #tpu.memory_space<vmem_shared>> -> memref<10240x64xf32, #tpu.memory_space<vmem_shared>>
        tpu.wait_indirect_dma semaphore(%run_scoped3A_194 : memref<!tpu.dma_semaphore, #tpu.memory_space<semaphore_mem>>) src(%arg10 : memref<80x64xf32, #tpu.memory_space<vmem>>) dst(%dma_wait3A_206 : memref<10240x64xf32, #tpu.memory_space<vmem_shared>>)
        tpu.yield
      }) : () -> ()
      %mul3A_170 = arith.constant 5 : i32
      %mul3A_171 = arith.muli %scan3A_81, %mul3A_170 : i32
      %add3A_172 = arith.constant 4 : i32
      %add3A_173 = arith.addi %mul3A_171, %add3A_172 : i32
      %add3A_174 = arith.constant 5 : i32
      %add3A_175 = arith.addi %add3A_173, %add3A_174 : i32
      %sub3A_176 = arith.constant 1 : i32
      %sub3A_177 = arith.subi %add3A_175, %sub3A_176 : i32
      %lt3A_178 = arith.constant 250 : i32
      %lt3A_179 = arith.cmpi slt, %sub3A_177, %lt3A_178 : i32
      %convert_element_type3A_180 = arith.extui %lt3A_179 : i1 to i32
      %cond3A_181 = arith.constant 0 : i32
      %cond3A_182 = arith.cmpi ne, %convert_element_type3A_180, %cond3A_181 : i32
      scf.if %cond3A_182 {
        %dma_start3A_194 = arith.constant 0 : i32
        %dma_start3A_195 = tpu.memref_slice %arg5[%sub3A_177, %dma_start3A_194] : memref<250x80xi32, #tpu.memory_space<vmem>> -> memref<1x80xi32, #tpu.memory_space<vmem>>
        %dma_start3A_196 = tpu.memref_squeeze %dma_start3A_195 : memref<1x80xi32, #tpu.memory_space<vmem>> -> memref<80xi32, #tpu.memory_space<vmem>>
        %dma_start3A_197 = arith.constant 0 : i32
        %dma_start3A_198 = arith.constant 0 : i32
        %dma_start3A_199 = tpu.memref_slice %arg2[%arg0, %dma_start3A_197, %dma_start3A_198] : memref<2x10000x64xf32, #tpu.memory_space<hbm>> -> memref<1x10000x64xf32, #tpu.memory_space<hbm>>
        %dma_start3A_200 = tpu.memref_squeeze %dma_start3A_199 : memref<1x10000x64xf32, #tpu.memory_space<hbm>> -> memref<10000x64xf32, #tpu.memory_space<hbm>>
        %dma_start3A_201 = arith.constant 0 : i32
        %dma_start3A_202 = arith.constant 0 : i32
        %dma_start3A_203 = tpu.memref_slice %dma_start3A_200[%dma_start3A_201, %dma_start3A_202] : memref<10000x64xf32, #tpu.memory_space<hbm>> -> memref<10000x64xf32, #tpu.memory_space<hbm>>
        tpu.enqueue_indirect_dma source(%dma_start3A_203 : memref<10000x64xf32, #tpu.memory_space<hbm>>) target(%arg10 : memref<80x64xf32, #tpu.memory_space<vmem>>) offsets(%dma_start3A_196 : memref<80xi32, #tpu.memory_space<vmem>>) semaphore(%arg17 : memref<!tpu.dma_semaphore, #tpu.memory_space<semaphore_mem>>)
      } else {
      }
      %dma_wait3A_183 = arith.constant 0 : i32
      %dma_wait3A_184 = tpu.memref_slice %arg5[%add3A_173, %dma_wait3A_183] : memref<250x80xi32, #tpu.memory_space<vmem>> -> memref<1x80xi32, #tpu.memory_space<vmem>>
      %dma_wait3A_185 = tpu.memref_squeeze %dma_wait3A_184 : memref<1x80xi32, #tpu.memory_space<vmem>> -> memref<80xi32, #tpu.memory_space<vmem>>
      %dma_wait3A_186 = arith.constant 0 : i32
      %dma_wait3A_187 = arith.constant 0 : i32
      %dma_wait3A_188 = tpu.memref_slice %arg2[%arg0, %dma_wait3A_186, %dma_wait3A_187] : memref<2x10000x64xf32, #tpu.memory_space<hbm>> -> memref<1x10000x64xf32, #tpu.memory_space<hbm>>
      %dma_wait3A_189 = tpu.memref_squeeze %dma_wait3A_188 : memref<1x10000x64xf32, #tpu.memory_space<hbm>> -> memref<10000x64xf32, #tpu.memory_space<hbm>>
      %dma_wait3A_190 = arith.constant 0 : i32
      %dma_wait3A_191 = arith.constant 0 : i32
      %dma_wait3A_192 = tpu.memref_slice %dma_wait3A_189[%dma_wait3A_190, %dma_wait3A_191] : memref<10000x64xf32, #tpu.memory_space<hbm>> -> memref<10000x64xf32, #tpu.memory_space<hbm>>
      tpu.wait_indirect_dma semaphore(%arg18 : memref<!tpu.dma_semaphore, #tpu.memory_space<semaphore_mem>>) src(%dma_wait3A_192 : memref<10000x64xf32, #tpu.memory_space<hbm>>) dst(%arg11 : memref<80x64xf32, #tpu.memory_space<vmem>>)
      "tpu.region"() ({
        %run_scoped3A_194 = tpu.sem_alloc : memref<!tpu.dma_semaphore, #tpu.memory_space<semaphore_mem>>
        %dma_start3A_195 = arith.constant 0 : i32
        %dma_start3A_196 = tpu.memref_slice %arg6[%add3A_173, %dma_start3A_195] : memref<250x80xi32, #tpu.memory_space<vmem>> -> memref<1x80xi32, #tpu.memory_space<vmem>>
        %dma_start3A_197 = tpu.memref_squeeze %dma_start3A_196 : memref<1x80xi32, #tpu.memory_space<vmem>> -> memref<80xi32, #tpu.memory_space<vmem>>
        %dma_start3A_198 = arith.constant 0 : i32
        %dma_start3A_199 = arith.constant 0 : i32
        %dma_start3A_200 = tpu.memref_slice %arg13[%dma_start3A_198, %dma_start3A_199] : memref<10240x64xf32, #tpu.memory_space<vmem_shared>> -> memref<10240x64xf32, #tpu.memory_space<vmem_shared>>
        tpu.enqueue_indirect_dma source(%arg11 : memref<80x64xf32, #tpu.memory_space<vmem>>) target(%dma_start3A_200 : memref<10240x64xf32, #tpu.memory_space<vmem_shared>>) offsets(%dma_start3A_197 : memref<80xi32, #tpu.memory_space<vmem>>) semaphore(%run_scoped3A_194 : memref<!tpu.dma_semaphore, #tpu.memory_space<semaphore_mem>>) {add = true}
        %dma_wait3A_201 = arith.constant 0 : i32
        %dma_wait3A_202 = tpu.memref_slice %arg6[%add3A_173, %dma_wait3A_201] : memref<250x80xi32, #tpu.memory_space<vmem>> -> memref<1x80xi32, #tpu.memory_space<vmem>>
        %dma_wait3A_203 = tpu.memref_squeeze %dma_wait3A_202 : memref<1x80xi32, #tpu.memory_space<vmem>> -> memref<80xi32, #tpu.memory_space<vmem>>
        %dma_wait3A_204 = arith.constant 0 : i32
        %dma_wait3A_205 = arith.constant 0 : i32
        %dma_wait3A_206 = tpu.memref_slice %arg13[%dma_wait3A_204, %dma_wait3A_205] : memref<10240x64xf32, #tpu.memory_space<vmem_shared>> -> memref<10240x64xf32, #tpu.memory_space<vmem_shared>>
        tpu.wait_indirect_dma semaphore(%run_scoped3A_194 : memref<!tpu.dma_semaphore, #tpu.memory_space<semaphore_mem>>) src(%arg11 : memref<80x64xf32, #tpu.memory_space<vmem>>) dst(%dma_wait3A_206 : memref<10240x64xf32, #tpu.memory_space<vmem_shared>>)
        tpu.yield
      }) : () -> ()
      %scan3A_193 = arith.constant 0 : i32
      scf.yield %scan3A_193 : i32
    }
    %scan3A_75 = arith.constant 50 : i32
    %barrier3A_76 = arith.constant 0 : index
    tpu.barrier barrier_id(%barrier3A_76)
    %mul3A_77 = arith.constant 640 : i32
    %mul3A_78 = arith.muli %arg1, %mul3A_77 : i32
    %mul3A_79 = arith.constant 640 : i32
    %mul3A_80 = arith.muli %arg1, %mul3A_79 : i32
    "tpu.region"() ({
      %run_scoped3A_81 = tpu.sem_alloc : memref<!tpu.dma_semaphore, #tpu.memory_space<semaphore_mem>>
      %dma_start3A_82 = arith.constant 0 : i32
      %dma_start3A_83 = tpu.memref_slice %arg4[%arg0, %mul3A_80, %dma_start3A_82] : memref<2x10240x64xf32, #tpu.memory_space<hbm>> -> memref<1x640x64xf32, #tpu.memory_space<hbm>>
      %dma_start3A_84 = tpu.memref_squeeze %dma_start3A_83 : memref<1x640x64xf32, #tpu.memory_space<hbm>> -> memref<640x64xf32, #tpu.memory_space<hbm>>
      %dma_start3A_85 = arith.constant 0 : i32
      %dma_start3A_86 = tpu.memref_slice %arg13[%mul3A_78, %dma_start3A_85] : memref<10240x64xf32, #tpu.memory_space<vmem_shared>> -> memref<640x64xf32, #tpu.memory_space<vmem_shared>>
      tpu.enqueue_dma source(%dma_start3A_86 : memref<640x64xf32, #tpu.memory_space<vmem_shared>>) target(%dma_start3A_84 : memref<640x64xf32, #tpu.memory_space<hbm>>) target_semaphore(%run_scoped3A_81 : memref<!tpu.dma_semaphore, #tpu.memory_space<semaphore_mem>>)
      %dma_wait3A = arith.constant 0 : i32
      %dma_wait3A_87 = tpu.memref_slice %arg4[%arg0, %mul3A_80, %dma_wait3A] : memref<2x10240x64xf32, #tpu.memory_space<hbm>> -> memref<1x640x64xf32, #tpu.memory_space<hbm>>
      %dma_wait3A_88 = tpu.memref_squeeze %dma_wait3A_87 : memref<1x640x64xf32, #tpu.memory_space<hbm>> -> memref<640x64xf32, #tpu.memory_space<hbm>>
      %dma_wait3A_89 = arith.constant 0 : i32
      %dma_wait3A_90 = tpu.memref_slice %arg13[%mul3A_78, %dma_wait3A_89] : memref<10240x64xf32, #tpu.memory_space<vmem_shared>> -> memref<640x64xf32, #tpu.memory_space<vmem_shared>>
      tpu.wait_dma2 semaphore(%run_scoped3A_81 : memref<!tpu.dma_semaphore, #tpu.memory_space<semaphore_mem>>) src(%dma_wait3A_90 : memref<640x64xf32, #tpu.memory_space<vmem_shared>>) dst(%dma_wait3A_88 : memref<640x64xf32, #tpu.memory_space<hbm>>)
      tpu.yield
    }) : () -> ()
    return
  }
}

module attributes {stable_mosaic.version = 14 : i64} {
  func.func @body(%arg0: i32, %arg1: memref<2000x128xf32, #tpu.memory_space<vmem>>, %arg2: memref<2x2000x16xf32, #tpu.memory_space<vmem>>, %arg3: memref<128x128xf32, #tpu.memory_space<vmem>>, %arg4: memref<2x2000x64xf32, #tpu.memory_space<vmem>>, %arg5: memref<2000x1xf32, #tpu.memory_space<vmem>>) attributes {dimension_semantics = [#tpu.dimension_semantics<arbitrary>], iteration_bounds = array<i64: 5>, scalar_prefetch = 0 : i64, scratch_operands = 0 : i64, tpu.core_type = #tpu.core_type<tc>, window_params = [{transform_indices = @transform_0, window_bounds = array<i64: 2000, 128>}, {transform_indices = @transform_1, window_bounds = array<i64: 2, 2000, 16>}, {pipeline_mode = #tpu.pipeline_mode<synchronous>, transform_indices = @transform_2, window_bounds = array<i64: 128, 128>}, {transform_indices = @transform_3, window_bounds = array<i64: 2, 2000, 64>}, {transform_indices = @transform_4, window_bounds = array<i64: 2000, 1>}]} {
    %get3A = arith.constant 0 : index
    %get3A_0 = arith.constant 0 : index
    %get3A_1 = arith.constant 0 : index
    %get3A_2 = vector.load %arg2[%get3A, %get3A_0, %get3A_1] : memref<2x2000x16xf32, #tpu.memory_space<vmem>>, vector<1x2000x1xf32>
    %get3A_3 = vector.shape_cast %get3A_2 : vector<1x2000x1xf32> to vector<2000x1xf32>
    %get3A_4 = arith.constant 1 : index
    %get3A_5 = arith.constant 0 : index
    %get3A_6 = arith.constant 0 : index
    %get3A_7 = vector.load %arg2[%get3A_4, %get3A_5, %get3A_6] : memref<2x2000x16xf32, #tpu.memory_space<vmem>>, vector<1x2000x1xf32>
    %get3A_8 = vector.shape_cast %get3A_7 : vector<1x2000x1xf32> to vector<2000x1xf32>
    %add3A = arith.addf %get3A_3, %get3A_8 : vector<2000x1xf32>
    %add3A_9 = arith.constant 1.000000e+00 : f32
    %add3A_10 = vector.broadcast %add3A_9 : f32 to vector<2000x1xf32>
    %add3A_11 = arith.addf %add3A, %add3A_10 : vector<2000x1xf32>
    %rsqrt3A = math.rsqrt %add3A_11 : vector<2000x1xf32>
    %swap3A = arith.constant 0 : index
    %swap3A_12 = arith.constant 0 : index
    %swap3A_13 = vector.load %arg5[%swap3A, %swap3A_12] : memref<2000x1xf32, #tpu.memory_space<vmem>>, vector<2000x1xf32>
    tpu.vector_store %arg5[%swap3A, %swap3A_12], %rsqrt3A {strides = array<i32>} : memref<2000x1xf32, #tpu.memory_space<vmem>>, vector<2000x1xf32>,
    %get3A_14 = arith.constant 0 : index
    %get3A_15 = arith.constant 0 : index
    %get3A_16 = vector.load %arg1[%get3A_14, %get3A_15] : memref<2000x128xf32, #tpu.memory_space<vmem>>, vector<2000x128xf32>
    %get3A_17 = arith.constant 0 : index
    %get3A_18 = arith.constant 0 : index
    %get3A_19 = vector.load %arg3[%get3A_17, %get3A_18] : memref<128x128xf32, #tpu.memory_space<vmem>>, vector<128x128xf32>
    %dot_general3A = arith.constant dense<0.000000e+00> : vector<2000x128xf32>
    %dot_general3A_20 = tpu.matmul %get3A_16, %get3A_19, %dot_general3A {dimension_numbers = #tpu.dot_dimension_numbers<[1], [0], [0], [1], [0, 0, 1, 1], [], []>, transpose_lhs_hint = false} : vector<2000x128xf32>, vector<128x128xf32>, vector<2000x128xf32> -> vector<2000x128xf32>
    %mul3A = vector.broadcast %rsqrt3A : vector<2000x1xf32> to vector<2000x128xf32>
    %mul3A_21 = arith.mulf %dot_general3A_20, %mul3A : vector<2000x128xf32>
    %slice3A = vector.extract_strided_slice %mul3A_21 {offsets = [0, 0], sizes = [2000, 64], strides = [1, 1]} : vector<2000x128xf32> to vector<2000x64xf32>
    %swap3A_22 = arith.constant 0 : index
    %swap3A_23 = arith.constant 0 : index
    %swap3A_24 = arith.constant 0 : index
    %swap3A_25 = vector.load %arg4[%swap3A_22, %swap3A_23, %swap3A_24] : memref<2x2000x64xf32, #tpu.memory_space<vmem>>, vector<1x2000x64xf32>
    %swap3A_26 = vector.shape_cast %swap3A_25 : vector<1x2000x64xf32> to vector<2000x64xf32>
    %swap3A_27 = vector.shape_cast %slice3A : vector<2000x64xf32> to vector<1x2000x64xf32>
    tpu.vector_store %arg4[%swap3A_22, %swap3A_23, %swap3A_24], %swap3A_27 {strides = array<i32>} : memref<2x2000x64xf32, #tpu.memory_space<vmem>>, vector<1x2000x64xf32>,
    %slice3A_28 = vector.extract_strided_slice %mul3A_21 {offsets = [0, 64], sizes = [2000, 64], strides = [1, 1]} : vector<2000x128xf32> to vector<2000x64xf32>
    %swap3A_29 = arith.constant 1 : index
    %swap3A_30 = arith.constant 0 : index
    %swap3A_31 = arith.constant 0 : index
    %swap3A_32 = vector.load %arg4[%swap3A_29, %swap3A_30, %swap3A_31] : memref<2x2000x64xf32, #tpu.memory_space<vmem>>, vector<1x2000x64xf32>
    %swap3A_33 = vector.shape_cast %swap3A_32 : vector<1x2000x64xf32> to vector<2000x64xf32>
    %swap3A_34 = vector.shape_cast %slice3A_28 : vector<2000x64xf32> to vector<1x2000x64xf32>
    tpu.vector_store %arg4[%swap3A_29, %swap3A_30, %swap3A_31], %swap3A_34 {strides = array<i32>} : memref<2x2000x64xf32, #tpu.memory_space<vmem>>, vector<1x2000x64xf32>,
    return
  }
  func.func @transform_0(%arg0: i32) -> (i32, i32) {
    %c0_i32 = arith.constant 0 : i32
    %c0_i32_0 = arith.constant 0 : i32
    return %arg0, %c0_i32 : i32, i32
  }
  func.func @transform_1(%arg0: i32) -> (i32, i32, i32) {
    %c0_i32 = arith.constant 0 : i32
    %c0_i32_0 = arith.constant 0 : i32
    %c0_i32_1 = arith.constant 0 : i32
    return %c0_i32, %arg0, %c0_i32_0 : i32, i32, i32
  }
  func.func @transform_2(%arg0: i32) -> (i32, i32) {
    %c0_i32 = arith.constant 0 : i32
    %c0_i32_0 = arith.constant 0 : i32
    %c0_i32_1 = arith.constant 0 : i32
    return %c0_i32, %c0_i32_0 : i32, i32
  }
  func.func @transform_3(%arg0: i32) -> (i32, i32, i32) {
    %c0_i32 = arith.constant 0 : i32
    %c0_i32_0 = arith.constant 0 : i32
    %c0_i32_1 = arith.constant 0 : i32
    return %c0_i32, %arg0, %c0_i32_0 : i32, i32, i32
  }
  func.func @transform_4(%arg0: i32) -> (i32, i32) {
    %c0_i32 = arith.constant 0 : i32
    %c0_i32_0 = arith.constant 0 : i32
    return %arg0, %c0_i32 : i32, i32
  }
}

module attributes {stable_mosaic.version = 14 : i64} {
  func.func @body(%arg0: i32, %arg1: memref<2000x128xf32, #tpu.memory_space<vmem>>, %arg2: memref<128x128xf32, #tpu.memory_space<vmem>>, %arg3: memref<1x128xf32, #tpu.memory_space<vmem>>, %arg4: memref<128x128xf32, #tpu.memory_space<vmem>>, %arg5: memref<1x128xf32, #tpu.memory_space<vmem>>, %arg6: memref<2000x128xf32, #tpu.memory_space<vmem>>) attributes {dimension_semantics = [#tpu.dimension_semantics<arbitrary>], iteration_bounds = array<i64: 5>, scalar_prefetch = 0 : i64, scratch_operands = 0 : i64, tpu.core_type = #tpu.core_type<tc>, window_params = [{transform_indices = @transform_0, window_bounds = array<i64: 2000, 128>}, {pipeline_mode = #tpu.pipeline_mode<synchronous>, transform_indices = @transform_1, window_bounds = array<i64: 128, 128>}, {pipeline_mode = #tpu.pipeline_mode<synchronous>, transform_indices = @transform_2, window_bounds = array<i64: 1, 128>}, {pipeline_mode = #tpu.pipeline_mode<synchronous>, transform_indices = @transform_3, window_bounds = array<i64: 128, 128>}, {pipeline_mode = #tpu.pipeline_mode<synchronous>, transform_indices = @transform_4, window_bounds = array<i64: 1, 128>}, {transform_indices = @transform_5, window_bounds = array<i64: 2000, 128>}]} {
    %get3A = arith.constant 0 : index
    %get3A_0 = arith.constant 0 : index
    %get3A_1 = vector.load %arg1[%get3A, %get3A_0] : memref<2000x128xf32, #tpu.memory_space<vmem>>, vector<2000x128xf32>
    %get3A_2 = arith.constant 0 : index
    %get3A_3 = arith.constant 0 : index
    %get3A_4 = vector.load %arg2[%get3A_2, %get3A_3] : memref<128x128xf32, #tpu.memory_space<vmem>>, vector<128x128xf32>
    %dot_general3A = arith.constant dense<0.000000e+00> : vector<2000x128xf32>
    %dot_general3A_5 = tpu.matmul %get3A_1, %get3A_4, %dot_general3A {dimension_numbers = #tpu.dot_dimension_numbers<[1], [0], [0], [1], [0, 0, 1, 1], [], []>, transpose_lhs_hint = false} : vector<2000x128xf32>, vector<128x128xf32>, vector<2000x128xf32> -> vector<2000x128xf32>
    %get3A_6 = arith.constant 0 : index
    %get3A_7 = arith.constant 0 : index
    %get3A_8 = vector.load %arg3[%get3A_6, %get3A_7] : memref<1x128xf32, #tpu.memory_space<vmem>>, vector<1x128xf32>
    %add3A = vector.broadcast %get3A_8 : vector<1x128xf32> to vector<2000x128xf32>
    %add3A_9 = arith.addf %dot_general3A_5, %add3A : vector<2000x128xf32>
    %max3A = arith.constant 0.000000e+00 : f32
    %max3A_10 = vector.broadcast %max3A : f32 to vector<2000x128xf32>
    %max3A_11 = arith.maximumf %add3A_9, %max3A_10 : vector<2000x128xf32>
    %get3A_12 = arith.constant 0 : index
    %get3A_13 = arith.constant 0 : index
    %get3A_14 = vector.load %arg4[%get3A_12, %get3A_13] : memref<128x128xf32, #tpu.memory_space<vmem>>, vector<128x128xf32>
    %dot_general3A_15 = arith.constant dense<0.000000e+00> : vector<2000x128xf32>
    %dot_general3A_16 = tpu.matmul %max3A_11, %get3A_14, %dot_general3A_15 {dimension_numbers = #tpu.dot_dimension_numbers<[1], [0], [0], [1], [0, 0, 1, 1], [], []>, transpose_lhs_hint = false} : vector<2000x128xf32>, vector<128x128xf32>, vector<2000x128xf32> -> vector<2000x128xf32>
    %get3A_17 = arith.constant 0 : index
    %get3A_18 = arith.constant 0 : index
    %get3A_19 = vector.load %arg5[%get3A_17, %get3A_18] : memref<1x128xf32, #tpu.memory_space<vmem>>, vector<1x128xf32>
    %add3A_20 = vector.broadcast %get3A_19 : vector<1x128xf32> to vector<2000x128xf32>
    %add3A_21 = arith.addf %dot_general3A_16, %add3A_20 : vector<2000x128xf32>
    %swap3A = arith.constant 0 : index
    %swap3A_22 = arith.constant 0 : index
    %swap3A_23 = vector.load %arg6[%swap3A, %swap3A_22] : memref<2000x128xf32, #tpu.memory_space<vmem>>, vector<2000x128xf32>
    tpu.vector_store %arg6[%swap3A, %swap3A_22], %add3A_21 {strides = array<i32>} : memref<2000x128xf32, #tpu.memory_space<vmem>>, vector<2000x128xf32>,
    return
  }
  func.func @transform_0(%arg0: i32) -> (i32, i32) {
    %c0_i32 = arith.constant 0 : i32
    %c0_i32_0 = arith.constant 0 : i32
    return %arg0, %c0_i32 : i32, i32
  }
  func.func @transform_1(%arg0: i32) -> (i32, i32) {
    %c0_i32 = arith.constant 0 : i32
    %c0_i32_0 = arith.constant 0 : i32
    %c0_i32_1 = arith.constant 0 : i32
    return %c0_i32, %c0_i32_0 : i32, i32
  }
  func.func @transform_2(%arg0: i32) -> (i32, i32) {
    %c0_i32 = arith.constant 0 : i32
    %c0_i32_0 = arith.constant 0 : i32
    %c0_i32_1 = arith.constant 0 : i32
    return %c0_i32, %c0_i32_0 : i32, i32
  }
  func.func @transform_3(%arg0: i32) -> (i32, i32) {
    %c0_i32 = arith.constant 0 : i32
    %c0_i32_0 = arith.constant 0 : i32
    %c0_i32_1 = arith.constant 0 : i32
    return %c0_i32, %c0_i32_0 : i32, i32
  }
  func.func @transform_4(%arg0: i32) -> (i32, i32) {
    %c0_i32 = arith.constant 0 : i32
    %c0_i32_0 = arith.constant 0 : i32
    %c0_i32_1 = arith.constant 0 : i32
    return %c0_i32, %c0_i32_0 : i32, i32
  }
  func.func @transform_5(%arg0: i32) -> (i32, i32) {
    %c0_i32 = arith.constant 0 : i32
    %c0_i32_0 = arith.constant 0 : i32
    return %arg0, %c0_i32 : i32, i32
  }
}

module attributes {stable_mosaic.version = 14 : i64} {
  func.func @body(%arg0: i32, %arg1: memref<2x2000x64xf32, #tpu.memory_space<vmem>>, %arg2: memref<2x2000x64xf32, #tpu.memory_space<vmem>>, %arg3: memref<2000x1xf32, #tpu.memory_space<vmem>>, %arg4: memref<1x128xf32, #tpu.memory_space<vmem>>, %arg5: memref<128x128xf32, #tpu.memory_space<vmem>>, %arg6: memref<2000x128xf32, #tpu.memory_space<vmem>>, %arg7: memref<2x2000x64xf32, #tpu.memory_space<vmem>>) attributes {dimension_semantics = [#tpu.dimension_semantics<arbitrary>], iteration_bounds = array<i64: 5>, scalar_prefetch = 0 : i64, scratch_operands = 0 : i64, tpu.core_type = #tpu.core_type<tc>, window_params = [{transform_indices = @transform_0, window_bounds = array<i64: 2, 2000, 64>}, {transform_indices = @transform_1, window_bounds = array<i64: 2, 2000, 64>}, {transform_indices = @transform_2, window_bounds = array<i64: 2000, 1>}, {pipeline_mode = #tpu.pipeline_mode<synchronous>, transform_indices = @transform_3, window_bounds = array<i64: 1, 128>}, {pipeline_mode = #tpu.pipeline_mode<synchronous>, transform_indices = @transform_4, window_bounds = array<i64: 128, 128>}, {transform_indices = @transform_5, window_bounds = array<i64: 2000, 128>}, {transform_indices = @transform_6, window_bounds = array<i64: 2, 2000, 64>}]} {
    %get3A = arith.constant 0 : index
    %get3A_0 = arith.constant 0 : index
    %get3A_1 = vector.load %arg3[%get3A, %get3A_0] : memref<2000x1xf32, #tpu.memory_space<vmem>>, vector<2000x1xf32>
    %get3A_2 = arith.constant 0 : index
    %get3A_3 = arith.constant 0 : index
    %get3A_4 = arith.constant 0 : index
    %get3A_5 = vector.load %arg1[%get3A_2, %get3A_3, %get3A_4] : memref<2x2000x64xf32, #tpu.memory_space<vmem>>, vector<1x2000x64xf32>
    %get3A_6 = vector.shape_cast %get3A_5 : vector<1x2000x64xf32> to vector<2000x64xf32>
    %get3A_7 = arith.constant 0 : index
    %get3A_8 = arith.constant 0 : index
    %get3A_9 = arith.constant 0 : index
    %get3A_10 = vector.load %arg2[%get3A_7, %get3A_8, %get3A_9] : memref<2x2000x64xf32, #tpu.memory_space<vmem>>, vector<1x2000x64xf32>
    %get3A_11 = vector.shape_cast %get3A_10 : vector<1x2000x64xf32> to vector<2000x64xf32>
    %add3A = arith.addf %get3A_6, %get3A_11 : vector<2000x64xf32>
    %get3A_12 = arith.constant 1 : index
    %get3A_13 = arith.constant 0 : index
    %get3A_14 = arith.constant 0 : index
    %get3A_15 = vector.load %arg1[%get3A_12, %get3A_13, %get3A_14] : memref<2x2000x64xf32, #tpu.memory_space<vmem>>, vector<1x2000x64xf32>
    %get3A_16 = vector.shape_cast %get3A_15 : vector<1x2000x64xf32> to vector<2000x64xf32>
    %get3A_17 = arith.constant 1 : index
    %get3A_18 = arith.constant 0 : index
    %get3A_19 = arith.constant 0 : index
    %get3A_20 = vector.load %arg2[%get3A_17, %get3A_18, %get3A_19] : memref<2x2000x64xf32, #tpu.memory_space<vmem>>, vector<1x2000x64xf32>
    %get3A_21 = vector.shape_cast %get3A_20 : vector<1x2000x64xf32> to vector<2000x64xf32>
    %add3A_22 = arith.addf %get3A_16, %get3A_21 : vector<2000x64xf32>
    %concatenate3A = tpu.concatenate %add3A, %add3A_22 in 1 : vector<2000x64xf32>, vector<2000x64xf32> -> vector<2000x128xf32>
    %mul3A = vector.broadcast %get3A_1 : vector<2000x1xf32> to vector<2000x128xf32>
    %mul3A_23 = arith.mulf %mul3A, %concatenate3A : vector<2000x128xf32>
    %get3A_24 = arith.constant 0 : index
    %get3A_25 = arith.constant 0 : index
    %get3A_26 = vector.load %arg4[%get3A_24, %get3A_25] : memref<1x128xf32, #tpu.memory_space<vmem>>, vector<1x128xf32>
    %add3A_27 = vector.broadcast %get3A_26 : vector<1x128xf32> to vector<2000x128xf32>
    %add3A_28 = arith.addf %mul3A_23, %add3A_27 : vector<2000x128xf32>
    %max3A = arith.constant 0.000000e+00 : f32
    %max3A_29 = vector.broadcast %max3A : f32 to vector<2000x128xf32>
    %max3A_30 = arith.maximumf %add3A_28, %max3A_29 : vector<2000x128xf32>
    %swap3A = arith.constant 0 : index
    %swap3A_31 = arith.constant 0 : index
    %swap3A_32 = vector.load %arg6[%swap3A, %swap3A_31] : memref<2000x128xf32, #tpu.memory_space<vmem>>, vector<2000x128xf32>
    tpu.vector_store %arg6[%swap3A, %swap3A_31], %max3A_30 {strides = array<i32>} : memref<2000x128xf32, #tpu.memory_space<vmem>>, vector<2000x128xf32>,
    %get3A_33 = arith.constant 0 : index
    %get3A_34 = arith.constant 0 : index
    %get3A_35 = vector.load %arg5[%get3A_33, %get3A_34] : memref<128x128xf32, #tpu.memory_space<vmem>>, vector<128x128xf32>
    %dot_general3A = arith.constant dense<0.000000e+00> : vector<2000x128xf32>
    %dot_general3A_36 = tpu.matmul %max3A_30, %get3A_35, %dot_general3A {dimension_numbers = #tpu.dot_dimension_numbers<[1], [0], [0], [1], [0, 0, 1, 1], [], []>, transpose_lhs_hint = false} : vector<2000x128xf32>, vector<128x128xf32>, vector<2000x128xf32> -> vector<2000x128xf32>
    %mul3A_37 = vector.broadcast %get3A_1 : vector<2000x1xf32> to vector<2000x128xf32>
    %mul3A_38 = arith.mulf %dot_general3A_36, %mul3A_37 : vector<2000x128xf32>
    %slice3A = vector.extract_strided_slice %mul3A_38 {offsets = [0, 0], sizes = [2000, 64], strides = [1, 1]} : vector<2000x128xf32> to vector<2000x64xf32>
    %swap3A_39 = arith.constant 0 : index
    %swap3A_40 = arith.constant 0 : index
    %swap3A_41 = arith.constant 0 : index
    %swap3A_42 = vector.load %arg7[%swap3A_39, %swap3A_40, %swap3A_41] : memref<2x2000x64xf32, #tpu.memory_space<vmem>>, vector<1x2000x64xf32>
    %swap3A_43 = vector.shape_cast %swap3A_42 : vector<1x2000x64xf32> to vector<2000x64xf32>
    %swap3A_44 = vector.shape_cast %slice3A : vector<2000x64xf32> to vector<1x2000x64xf32>
    tpu.vector_store %arg7[%swap3A_39, %swap3A_40, %swap3A_41], %swap3A_44 {strides = array<i32>} : memref<2x2000x64xf32, #tpu.memory_space<vmem>>, vector<1x2000x64xf32>,
    %slice3A_45 = vector.extract_strided_slice %mul3A_38 {offsets = [0, 64], sizes = [2000, 64], strides = [1, 1]} : vector<2000x128xf32> to vector<2000x64xf32>
    %swap3A_46 = arith.constant 1 : index
    %swap3A_47 = arith.constant 0 : index
    %swap3A_48 = arith.constant 0 : index
    %swap3A_49 = vector.load %arg7[%swap3A_46, %swap3A_47, %swap3A_48] : memref<2x2000x64xf32, #tpu.memory_space<vmem>>, vector<1x2000x64xf32>
    %swap3A_50 = vector.shape_cast %swap3A_49 : vector<1x2000x64xf32> to vector<2000x64xf32>
    %swap3A_51 = vector.shape_cast %slice3A_45 : vector<2000x64xf32> to vector<1x2000x64xf32>
    tpu.vector_store %arg7[%swap3A_46, %swap3A_47, %swap3A_48], %swap3A_51 {strides = array<i32>} : memref<2x2000x64xf32, #tpu.memory_space<vmem>>, vector<1x2000x64xf32>,
    return
  }
  func.func @transform_0(%arg0: i32) -> (i32, i32, i32) {
    %c0_i32 = arith.constant 0 : i32
    %c0_i32_0 = arith.constant 0 : i32
    %c0_i32_1 = arith.constant 0 : i32
    return %c0_i32, %arg0, %c0_i32_0 : i32, i32, i32
  }
  func.func @transform_1(%arg0: i32) -> (i32, i32, i32) {
    %c0_i32 = arith.constant 0 : i32
    %c0_i32_0 = arith.constant 0 : i32
    %c0_i32_1 = arith.constant 0 : i32
    return %c0_i32, %arg0, %c0_i32_0 : i32, i32, i32
  }
  func.func @transform_2(%arg0: i32) -> (i32, i32) {
    %c0_i32 = arith.constant 0 : i32
    %c0_i32_0 = arith.constant 0 : i32
    return %arg0, %c0_i32 : i32, i32
  }
  func.func @transform_3(%arg0: i32) -> (i32, i32) {
    %c0_i32 = arith.constant 0 : i32
    %c0_i32_0 = arith.constant 0 : i32
    %c0_i32_1 = arith.constant 0 : i32
    return %c0_i32, %c0_i32_0 : i32, i32
  }
  func.func @transform_4(%arg0: i32) -> (i32, i32) {
    %c0_i32 = arith.constant 0 : i32
    %c0_i32_0 = arith.constant 0 : i32
    %c0_i32_1 = arith.constant 0 : i32
    return %c0_i32, %c0_i32_0 : i32, i32
  }
  func.func @transform_5(%arg0: i32) -> (i32, i32) {
    %c0_i32 = arith.constant 0 : i32
    %c0_i32_0 = arith.constant 0 : i32
    return %arg0, %c0_i32 : i32, i32
  }
  func.func @transform_6(%arg0: i32) -> (i32, i32, i32) {
    %c0_i32 = arith.constant 0 : i32
    %c0_i32_0 = arith.constant 0 : i32
    %c0_i32_1 = arith.constant 0 : i32
    return %c0_i32, %arg0, %c0_i32_0 : i32, i32, i32
  }
}

module attributes {stable_mosaic.version = 14 : i64} {
  func.func @body(%arg0: i32, %arg1: memref<2x2000x64xf32, #tpu.memory_space<vmem>>, %arg2: memref<2x2000x64xf32, #tpu.memory_space<vmem>>, %arg3: memref<2000x1xf32, #tpu.memory_space<vmem>>, %arg4: memref<1x128xf32, #tpu.memory_space<vmem>>, %arg5: memref<2000x128xf32, #tpu.memory_space<vmem>>, %arg6: memref<128x128xf32, #tpu.memory_space<vmem>>, %arg7: memref<2000x128xf32, #tpu.memory_space<vmem>>, %arg8: memref<2x2000x64xf32, #tpu.memory_space<vmem>>) attributes {dimension_semantics = [#tpu.dimension_semantics<arbitrary>], iteration_bounds = array<i64: 5>, scalar_prefetch = 0 : i64, scratch_operands = 0 : i64, tpu.core_type = #tpu.core_type<tc>, window_params = [{transform_indices = @transform_0, window_bounds = array<i64: 2, 2000, 64>}, {transform_indices = @transform_1, window_bounds = array<i64: 2, 2000, 64>}, {transform_indices = @transform_2, window_bounds = array<i64: 2000, 1>}, {pipeline_mode = #tpu.pipeline_mode<synchronous>, transform_indices = @transform_3, window_bounds = array<i64: 1, 128>}, {transform_indices = @transform_4, window_bounds = array<i64: 2000, 128>}, {pipeline_mode = #tpu.pipeline_mode<synchronous>, transform_indices = @transform_5, window_bounds = array<i64: 128, 128>}, {transform_indices = @transform_6, window_bounds = array<i64: 2000, 128>}, {transform_indices = @transform_7, window_bounds = array<i64: 2, 2000, 64>}]} {
    %get3A = arith.constant 0 : index
    %get3A_0 = arith.constant 0 : index
    %get3A_1 = vector.load %arg3[%get3A, %get3A_0] : memref<2000x1xf32, #tpu.memory_space<vmem>>, vector<2000x1xf32>
    %get3A_2 = arith.constant 0 : index
    %get3A_3 = arith.constant 0 : index
    %get3A_4 = arith.constant 0 : index
    %get3A_5 = vector.load %arg1[%get3A_2, %get3A_3, %get3A_4] : memref<2x2000x64xf32, #tpu.memory_space<vmem>>, vector<1x2000x64xf32>
    %get3A_6 = vector.shape_cast %get3A_5 : vector<1x2000x64xf32> to vector<2000x64xf32>
    %get3A_7 = arith.constant 0 : index
    %get3A_8 = arith.constant 0 : index
    %get3A_9 = arith.constant 0 : index
    %get3A_10 = vector.load %arg2[%get3A_7, %get3A_8, %get3A_9] : memref<2x2000x64xf32, #tpu.memory_space<vmem>>, vector<1x2000x64xf32>
    %get3A_11 = vector.shape_cast %get3A_10 : vector<1x2000x64xf32> to vector<2000x64xf32>
    %add3A = arith.addf %get3A_6, %get3A_11 : vector<2000x64xf32>
    %get3A_12 = arith.constant 1 : index
    %get3A_13 = arith.constant 0 : index
    %get3A_14 = arith.constant 0 : index
    %get3A_15 = vector.load %arg1[%get3A_12, %get3A_13, %get3A_14] : memref<2x2000x64xf32, #tpu.memory_space<vmem>>, vector<1x2000x64xf32>
    %get3A_16 = vector.shape_cast %get3A_15 : vector<1x2000x64xf32> to vector<2000x64xf32>
    %get3A_17 = arith.constant 1 : index
    %get3A_18 = arith.constant 0 : index
    %get3A_19 = arith.constant 0 : index
    %get3A_20 = vector.load %arg2[%get3A_17, %get3A_18, %get3A_19] : memref<2x2000x64xf32, #tpu.memory_space<vmem>>, vector<1x2000x64xf32>
    %get3A_21 = vector.shape_cast %get3A_20 : vector<1x2000x64xf32> to vector<2000x64xf32>
    %add3A_22 = arith.addf %get3A_16, %get3A_21 : vector<2000x64xf32>
    %concatenate3A = tpu.concatenate %add3A, %add3A_22 in 1 : vector<2000x64xf32>, vector<2000x64xf32> -> vector<2000x128xf32>
    %mul3A = vector.broadcast %get3A_1 : vector<2000x1xf32> to vector<2000x128xf32>
    %mul3A_23 = arith.mulf %mul3A, %concatenate3A : vector<2000x128xf32>
    %get3A_24 = arith.constant 0 : index
    %get3A_25 = arith.constant 0 : index
    %get3A_26 = vector.load %arg4[%get3A_24, %get3A_25] : memref<1x128xf32, #tpu.memory_space<vmem>>, vector<1x128xf32>
    %add3A_27 = vector.broadcast %get3A_26 : vector<1x128xf32> to vector<2000x128xf32>
    %add3A_28 = arith.addf %mul3A_23, %add3A_27 : vector<2000x128xf32>
    %max3A = arith.constant 0.000000e+00 : f32
    %max3A_29 = vector.broadcast %max3A : f32 to vector<2000x128xf32>
    %max3A_30 = arith.maximumf %add3A_28, %max3A_29 : vector<2000x128xf32>
    %get3A_31 = arith.constant 0 : index
    %get3A_32 = arith.constant 0 : index
    %get3A_33 = vector.load %arg5[%get3A_31, %get3A_32] : memref<2000x128xf32, #tpu.memory_space<vmem>>, vector<2000x128xf32>
    %add3A_34 = arith.addf %get3A_33, %max3A_30 : vector<2000x128xf32>
    %swap3A = arith.constant 0 : index
    %swap3A_35 = arith.constant 0 : index
    %swap3A_36 = vector.load %arg7[%swap3A, %swap3A_35] : memref<2000x128xf32, #tpu.memory_space<vmem>>, vector<2000x128xf32>
    tpu.vector_store %arg7[%swap3A, %swap3A_35], %add3A_34 {strides = array<i32>} : memref<2000x128xf32, #tpu.memory_space<vmem>>, vector<2000x128xf32>,
    %get3A_37 = arith.constant 0 : index
    %get3A_38 = arith.constant 0 : index
    %get3A_39 = vector.load %arg6[%get3A_37, %get3A_38] : memref<128x128xf32, #tpu.memory_space<vmem>>, vector<128x128xf32>
    %dot_general3A = arith.constant dense<0.000000e+00> : vector<2000x128xf32>
    %dot_general3A_40 = tpu.matmul %add3A_34, %get3A_39, %dot_general3A {dimension_numbers = #tpu.dot_dimension_numbers<[1], [0], [0], [1], [0, 0, 1, 1], [], []>, transpose_lhs_hint = false} : vector<2000x128xf32>, vector<128x128xf32>, vector<2000x128xf32> -> vector<2000x128xf32>
    %mul3A_41 = vector.broadcast %get3A_1 : vector<2000x1xf32> to vector<2000x128xf32>
    %mul3A_42 = arith.mulf %dot_general3A_40, %mul3A_41 : vector<2000x128xf32>
    %slice3A = vector.extract_strided_slice %mul3A_42 {offsets = [0, 0], sizes = [2000, 64], strides = [1, 1]} : vector<2000x128xf32> to vector<2000x64xf32>
    %swap3A_43 = arith.constant 0 : index
    %swap3A_44 = arith.constant 0 : index
    %swap3A_45 = arith.constant 0 : index
    %swap3A_46 = vector.load %arg8[%swap3A_43, %swap3A_44, %swap3A_45] : memref<2x2000x64xf32, #tpu.memory_space<vmem>>, vector<1x2000x64xf32>
    %swap3A_47 = vector.shape_cast %swap3A_46 : vector<1x2000x64xf32> to vector<2000x64xf32>
    %swap3A_48 = vector.shape_cast %slice3A : vector<2000x64xf32> to vector<1x2000x64xf32>
    tpu.vector_store %arg8[%swap3A_43, %swap3A_44, %swap3A_45], %swap3A_48 {strides = array<i32>} : memref<2x2000x64xf32, #tpu.memory_space<vmem>>, vector<1x2000x64xf32>,
    %slice3A_49 = vector.extract_strided_slice %mul3A_42 {offsets = [0, 64], sizes = [2000, 64], strides = [1, 1]} : vector<2000x128xf32> to vector<2000x64xf32>
    %swap3A_50 = arith.constant 1 : index
    %swap3A_51 = arith.constant 0 : index
    %swap3A_52 = arith.constant 0 : index
    %swap3A_53 = vector.load %arg8[%swap3A_50, %swap3A_51, %swap3A_52] : memref<2x2000x64xf32, #tpu.memory_space<vmem>>, vector<1x2000x64xf32>
    %swap3A_54 = vector.shape_cast %swap3A_53 : vector<1x2000x64xf32> to vector<2000x64xf32>
    %swap3A_55 = vector.shape_cast %slice3A_49 : vector<2000x64xf32> to vector<1x2000x64xf32>
    tpu.vector_store %arg8[%swap3A_50, %swap3A_51, %swap3A_52], %swap3A_55 {strides = array<i32>} : memref<2x2000x64xf32, #tpu.memory_space<vmem>>, vector<1x2000x64xf32>,
    return
  }
  func.func @transform_0(%arg0: i32) -> (i32, i32, i32) {
    %c0_i32 = arith.constant 0 : i32
    %c0_i32_0 = arith.constant 0 : i32
    %c0_i32_1 = arith.constant 0 : i32
    return %c0_i32, %arg0, %c0_i32_0 : i32, i32, i32
  }
  func.func @transform_1(%arg0: i32) -> (i32, i32, i32) {
    %c0_i32 = arith.constant 0 : i32
    %c0_i32_0 = arith.constant 0 : i32
    %c0_i32_1 = arith.constant 0 : i32
    return %c0_i32, %arg0, %c0_i32_0 : i32, i32, i32
  }
  func.func @transform_2(%arg0: i32) -> (i32, i32) {
    %c0_i32 = arith.constant 0 : i32
    %c0_i32_0 = arith.constant 0 : i32
    return %arg0, %c0_i32 : i32, i32
  }
  func.func @transform_3(%arg0: i32) -> (i32, i32) {
    %c0_i32 = arith.constant 0 : i32
    %c0_i32_0 = arith.constant 0 : i32
    %c0_i32_1 = arith.constant 0 : i32
    return %c0_i32, %c0_i32_0 : i32, i32
  }
  func.func @transform_4(%arg0: i32) -> (i32, i32) {
    %c0_i32 = arith.constant 0 : i32
    %c0_i32_0 = arith.constant 0 : i32
    return %arg0, %c0_i32 : i32, i32
  }
  func.func @transform_5(%arg0: i32) -> (i32, i32) {
    %c0_i32 = arith.constant 0 : i32
    %c0_i32_0 = arith.constant 0 : i32
    %c0_i32_1 = arith.constant 0 : i32
    return %c0_i32, %c0_i32_0 : i32, i32
  }
  func.func @transform_6(%arg0: i32) -> (i32, i32) {
    %c0_i32 = arith.constant 0 : i32
    %c0_i32_0 = arith.constant 0 : i32
    return %arg0, %c0_i32 : i32, i32
  }
  func.func @transform_7(%arg0: i32) -> (i32, i32, i32) {
    %c0_i32 = arith.constant 0 : i32
    %c0_i32_0 = arith.constant 0 : i32
    %c0_i32_1 = arith.constant 0 : i32
    return %c0_i32, %arg0, %c0_i32_0 : i32, i32, i32
  }
}

module attributes {stable_mosaic.version = 14 : i64} {
  func.func @body(%arg0: i32, %arg1: memref<2x2000x64xf32, #tpu.memory_space<vmem>>, %arg2: memref<2x2000x64xf32, #tpu.memory_space<vmem>>, %arg3: memref<2000x1xf32, #tpu.memory_space<vmem>>, %arg4: memref<1x128xf32, #tpu.memory_space<vmem>>, %arg5: memref<2000x128xf32, #tpu.memory_space<vmem>>, %arg6: memref<128x128xf32, #tpu.memory_space<vmem>>, %arg7: memref<2000x128xf32, #tpu.memory_space<vmem>>, %arg8: memref<1x128xf32, #tpu.memory_space<vmem>>) attributes {dimension_semantics = [#tpu.dimension_semantics<arbitrary>], iteration_bounds = array<i64: 5>, scalar_prefetch = 0 : i64, scratch_operands = 0 : i64, tpu.core_type = #tpu.core_type<tc>, window_params = [{transform_indices = @transform_0, window_bounds = array<i64: 2, 2000, 64>}, {transform_indices = @transform_1, window_bounds = array<i64: 2, 2000, 64>}, {transform_indices = @transform_2, window_bounds = array<i64: 2000, 1>}, {pipeline_mode = #tpu.pipeline_mode<synchronous>, transform_indices = @transform_3, window_bounds = array<i64: 1, 128>}, {transform_indices = @transform_4, window_bounds = array<i64: 2000, 128>}, {pipeline_mode = #tpu.pipeline_mode<synchronous>, transform_indices = @transform_5, window_bounds = array<i64: 128, 128>}, {transform_indices = @transform_6, window_bounds = array<i64: 2000, 128>}, {pipeline_mode = #tpu.pipeline_mode<synchronous>, transform_indices = @transform_7, window_bounds = array<i64: 1, 128>}]} {
    %get3A = arith.constant 0 : index
    %get3A_0 = arith.constant 0 : index
    %get3A_1 = vector.load %arg3[%get3A, %get3A_0] : memref<2000x1xf32, #tpu.memory_space<vmem>>, vector<2000x1xf32>
    %get3A_2 = arith.constant 0 : index
    %get3A_3 = arith.constant 0 : index
    %get3A_4 = arith.constant 0 : index
    %get3A_5 = vector.load %arg1[%get3A_2, %get3A_3, %get3A_4] : memref<2x2000x64xf32, #tpu.memory_space<vmem>>, vector<1x2000x64xf32>
    %get3A_6 = vector.shape_cast %get3A_5 : vector<1x2000x64xf32> to vector<2000x64xf32>
    %get3A_7 = arith.constant 0 : index
    %get3A_8 = arith.constant 0 : index
    %get3A_9 = arith.constant 0 : index
    %get3A_10 = vector.load %arg2[%get3A_7, %get3A_8, %get3A_9] : memref<2x2000x64xf32, #tpu.memory_space<vmem>>, vector<1x2000x64xf32>
    %get3A_11 = vector.shape_cast %get3A_10 : vector<1x2000x64xf32> to vector<2000x64xf32>
    %add3A = arith.addf %get3A_6, %get3A_11 : vector<2000x64xf32>
    %get3A_12 = arith.constant 1 : index
    %get3A_13 = arith.constant 0 : index
    %get3A_14 = arith.constant 0 : index
    %get3A_15 = vector.load %arg1[%get3A_12, %get3A_13, %get3A_14] : memref<2x2000x64xf32, #tpu.memory_space<vmem>>, vector<1x2000x64xf32>
    %get3A_16 = vector.shape_cast %get3A_15 : vector<1x2000x64xf32> to vector<2000x64xf32>
    %get3A_17 = arith.constant 1 : index
    %get3A_18 = arith.constant 0 : index
    %get3A_19 = arith.constant 0 : index
    %get3A_20 = vector.load %arg2[%get3A_17, %get3A_18, %get3A_19] : memref<2x2000x64xf32, #tpu.memory_space<vmem>>, vector<1x2000x64xf32>
    %get3A_21 = vector.shape_cast %get3A_20 : vector<1x2000x64xf32> to vector<2000x64xf32>
    %add3A_22 = arith.addf %get3A_16, %get3A_21 : vector<2000x64xf32>
    %concatenate3A = tpu.concatenate %add3A, %add3A_22 in 1 : vector<2000x64xf32>, vector<2000x64xf32> -> vector<2000x128xf32>
    %mul3A = vector.broadcast %get3A_1 : vector<2000x1xf32> to vector<2000x128xf32>
    %mul3A_23 = arith.mulf %mul3A, %concatenate3A : vector<2000x128xf32>
    %get3A_24 = arith.constant 0 : index
    %get3A_25 = arith.constant 0 : index
    %get3A_26 = vector.load %arg4[%get3A_24, %get3A_25] : memref<1x128xf32, #tpu.memory_space<vmem>>, vector<1x128xf32>
    %add3A_27 = vector.broadcast %get3A_26 : vector<1x128xf32> to vector<2000x128xf32>
    %add3A_28 = arith.addf %mul3A_23, %add3A_27 : vector<2000x128xf32>
    %max3A = arith.constant 0.000000e+00 : f32
    %max3A_29 = vector.broadcast %max3A : f32 to vector<2000x128xf32>
    %max3A_30 = arith.maximumf %add3A_28, %max3A_29 : vector<2000x128xf32>
    %get3A_31 = arith.constant 0 : index
    %get3A_32 = arith.constant 0 : index
    %get3A_33 = vector.load %arg5[%get3A_31, %get3A_32] : memref<2000x128xf32, #tpu.memory_space<vmem>>, vector<2000x128xf32>
    %add3A_34 = arith.addf %get3A_33, %max3A_30 : vector<2000x128xf32>
    %swap3A = arith.constant 0 : index
    %swap3A_35 = arith.constant 0 : index
    %swap3A_36 = vector.load %arg7[%swap3A, %swap3A_35] : memref<2000x128xf32, #tpu.memory_space<vmem>>, vector<2000x128xf32>
    tpu.vector_store %arg7[%swap3A, %swap3A_35], %add3A_34 {strides = array<i32>} : memref<2000x128xf32, #tpu.memory_space<vmem>>, vector<2000x128xf32>,
    %eq3A = arith.constant 0 : i32
    %eq3A_37 = arith.cmpi eq, %arg0, %eq3A : i32
    %convert_element_type3A = arith.extui %eq3A_37 : i1 to i32
    %cond3A = arith.constant 0 : i32
    %cond3A_38 = arith.cmpi ne, %convert_element_type3A, %cond3A : i32
    scf.if %cond3A_38 {
      %broadcast_in_dim3A_47 = arith.constant 0.000000e+00 : f32
      %broadcast_in_dim3A_48 = vector.broadcast %broadcast_in_dim3A_47 : f32 to vector<1x128xf32>
      %swap3A_49 = arith.constant 0 : index
      %swap3A_50 = arith.constant 0 : index
      %swap3A_51 = vector.load %arg8[%swap3A_49, %swap3A_50] : memref<1x128xf32, #tpu.memory_space<vmem>>, vector<1x128xf32>
      tpu.vector_store %arg8[%swap3A_49, %swap3A_50], %broadcast_in_dim3A_48 {strides = array<i32>} : memref<1x128xf32, #tpu.memory_space<vmem>>, vector<1x128xf32>,
    } else {
    }
    %get3A_39 = arith.constant 0 : index
    %get3A_40 = arith.constant 0 : index
    %get3A_41 = vector.load %arg8[%get3A_39, %get3A_40] : memref<1x128xf32, #tpu.memory_space<vmem>>, vector<1x128xf32>
    %reduce_sum3A = arith.constant dense<0.000000e+00> : vector<128xf32>
    %reduce_sum3A_42 = vector.multi_reduction <add>, %add3A_34, %reduce_sum3A [0] : vector<2000x128xf32> to vector<128xf32>
    %broadcast_in_dim3A = vector.shape_cast %reduce_sum3A_42 : vector<128xf32> to vector<1x128xf32>
    %add3A_43 = arith.addf %get3A_41, %broadcast_in_dim3A : vector<1x128xf32>
    %swap3A_44 = arith.constant 0 : index
    %swap3A_45 = arith.constant 0 : index
    %swap3A_46 = vector.load %arg8[%swap3A_44, %swap3A_45] : memref<1x128xf32, #tpu.memory_space<vmem>>, vector<1x128xf32>
    tpu.vector_store %arg8[%swap3A_44, %swap3A_45], %add3A_43 {strides = array<i32>} : memref<1x128xf32, #tpu.memory_space<vmem>>, vector<1x128xf32>,
    return
  }
  func.func @transform_0(%arg0: i32) -> (i32, i32, i32) {
    %c0_i32 = arith.constant 0 : i32
    %c0_i32_0 = arith.constant 0 : i32
    %c0_i32_1 = arith.constant 0 : i32
    return %c0_i32, %arg0, %c0_i32_0 : i32, i32, i32
  }
  func.func @transform_1(%arg0: i32) -> (i32, i32, i32) {
    %c0_i32 = arith.constant 0 : i32
    %c0_i32_0 = arith.constant 0 : i32
    %c0_i32_1 = arith.constant 0 : i32
    return %c0_i32, %arg0, %c0_i32_0 : i32, i32, i32
  }
  func.func @transform_2(%arg0: i32) -> (i32, i32) {
    %c0_i32 = arith.constant 0 : i32
    %c0_i32_0 = arith.constant 0 : i32
    return %arg0, %c0_i32 : i32, i32
  }
  func.func @transform_3(%arg0: i32) -> (i32, i32) {
    %c0_i32 = arith.constant 0 : i32
    %c0_i32_0 = arith.constant 0 : i32
    %c0_i32_1 = arith.constant 0 : i32
    return %c0_i32, %c0_i32_0 : i32, i32
  }
  func.func @transform_4(%arg0: i32) -> (i32, i32) {
    %c0_i32 = arith.constant 0 : i32
    %c0_i32_0 = arith.constant 0 : i32
    return %arg0, %c0_i32 : i32, i32
  }
  func.func @transform_5(%arg0: i32) -> (i32, i32) {
    %c0_i32 = arith.constant 0 : i32
    %c0_i32_0 = arith.constant 0 : i32
    %c0_i32_1 = arith.constant 0 : i32
    return %c0_i32, %c0_i32_0 : i32, i32
  }
  func.func @transform_6(%arg0: i32) -> (i32, i32) {
    %c0_i32 = arith.constant 0 : i32
    %c0_i32_0 = arith.constant 0 : i32
    return %arg0, %c0_i32 : i32, i32
  }
  func.func @transform_7(%arg0: i32) -> (i32, i32) {
    %c0_i32 = arith.constant 0 : i32
    %c0_i32_0 = arith.constant 0 : i32
    %c0_i32_1 = arith.constant 0 : i32
    return %c0_i32, %c0_i32_0 : i32, i32
  }
}

module attributes {stable_mosaic.version = 14 : i64} {
  func.func @body(%arg0: i32, %arg1: memref<2000x128xf32, #tpu.memory_space<vmem>>, %arg2: memref<1x128xf32, #tpu.memory_space<vmem>>, %arg3: memref<128x64xf32, #tpu.memory_space<vmem>>, %arg4: memref<1x64xf32, #tpu.memory_space<vmem>>, %arg5: memref<64x15xf32, #tpu.memory_space<vmem>>, %arg6: memref<1x15xf32, #tpu.memory_space<vmem>>, %arg7: memref<128x128xf32, #tpu.memory_space<vmem>>, %arg8: memref<128x128xf32, #tpu.memory_space<vmem>>, %arg9: memref<1x128xf32, #tpu.memory_space<vmem>>, %arg10: memref<128x1xf32, #tpu.memory_space<vmem>>, %arg11: memref<1x1xf32, #tpu.memory_space<vmem>>, %arg12: memref<2000x15xf32, #tpu.memory_space<vmem>>, %arg13: memref<2000x15xf32, #tpu.memory_space<vmem>>, %arg14: memref<2000x1xf32, #tpu.memory_space<vmem>>) attributes {dimension_semantics = [#tpu.dimension_semantics<arbitrary>], iteration_bounds = array<i64: 5>, scalar_prefetch = 0 : i64, scratch_operands = 0 : i64, tpu.core_type = #tpu.core_type<tc>, window_params = [{transform_indices = @transform_0, window_bounds = array<i64: 2000, 128>}, {pipeline_mode = #tpu.pipeline_mode<synchronous>, transform_indices = @transform_1, window_bounds = array<i64: 1, 128>}, {pipeline_mode = #tpu.pipeline_mode<synchronous>, transform_indices = @transform_2, window_bounds = array<i64: 128, 64>}, {pipeline_mode = #tpu.pipeline_mode<synchronous>, transform_indices = @transform_3, window_bounds = array<i64: 1, 64>}, {pipeline_mode = #tpu.pipeline_mode<synchronous>, transform_indices = @transform_4, window_bounds = array<i64: 64, 15>}, {pipeline_mode = #tpu.pipeline_mode<synchronous>, transform_indices = @transform_5, window_bounds = array<i64: 1, 15>}, {pipeline_mode = #tpu.pipeline_mode<synchronous>, transform_indices = @transform_6, window_bounds = array<i64: 128, 128>}, {pipeline_mode = #tpu.pipeline_mode<synchronous>, transform_indices = @transform_7, window_bounds = array<i64: 128, 128>}, {pipeline_mode = #tpu.pipeline_mode<synchronous>, transform_indices = @transform_8, window_bounds = array<i64: 1, 128>}, {pipeline_mode = #tpu.pipeline_mode<synchronous>, transform_indices = @transform_9, window_bounds = array<i64: 128, 1>}, {pipeline_mode = #tpu.pipeline_mode<synchronous>, transform_indices = @transform_10, window_bounds = array<i64: 1, 1>}, {transform_indices = @transform_11, window_bounds = array<i64: 2000, 15>}, {transform_indices = @transform_12, window_bounds = array<i64: 2000, 15>}, {transform_indices = @transform_13, window_bounds = array<i64: 2000, 1>}]} {
    %get3A = arith.constant 0 : index
    %get3A_0 = arith.constant 0 : index
    %get3A_1 = vector.load %arg1[%get3A, %get3A_0] : memref<2000x128xf32, #tpu.memory_space<vmem>>, vector<2000x128xf32>
    %get3A_2 = arith.constant 0 : index
    %get3A_3 = arith.constant 0 : index
    %get3A_4 = vector.load %arg3[%get3A_2, %get3A_3] : memref<128x64xf32, #tpu.memory_space<vmem>>, vector<128x64xf32>
    %dot_general3A = arith.constant dense<0.000000e+00> : vector<2000x64xf32>
    %dot_general3A_5 = tpu.matmul %get3A_1, %get3A_4, %dot_general3A {dimension_numbers = #tpu.dot_dimension_numbers<[1], [0], [0], [1], [0, 0, 1, 1], [], []>, transpose_lhs_hint = false} : vector<2000x128xf32>, vector<128x64xf32>, vector<2000x64xf32> -> vector<2000x64xf32>
    %get3A_6 = arith.constant 0 : index
    %get3A_7 = arith.constant 0 : index
    %get3A_8 = vector.load %arg4[%get3A_6, %get3A_7] : memref<1x64xf32, #tpu.memory_space<vmem>>, vector<1x64xf32>
    %add3A = vector.broadcast %get3A_8 : vector<1x64xf32> to vector<2000x64xf32>
    %add3A_9 = arith.addf %dot_general3A_5, %add3A : vector<2000x64xf32>
    %max3A = arith.constant 0.000000e+00 : f32
    %max3A_10 = vector.broadcast %max3A : f32 to vector<2000x64xf32>
    %max3A_11 = arith.maximumf %add3A_9, %max3A_10 : vector<2000x64xf32>
    %get3A_12 = arith.constant 0 : index
    %get3A_13 = arith.constant 0 : index
    %get3A_14 = vector.load %arg5[%get3A_12, %get3A_13] : memref<64x15xf32, #tpu.memory_space<vmem>>, vector<64x15xf32>
    %dot_general3A_15 = arith.constant dense<0.000000e+00> : vector<2000x15xf32>
    %dot_general3A_16 = tpu.matmul %max3A_11, %get3A_14, %dot_general3A_15 {dimension_numbers = #tpu.dot_dimension_numbers<[1], [0], [0], [1], [0, 0, 1, 1], [], []>, transpose_lhs_hint = false} : vector<2000x64xf32>, vector<64x15xf32>, vector<2000x15xf32> -> vector<2000x15xf32>
    %get3A_17 = arith.constant 0 : index
    %get3A_18 = arith.constant 0 : index
    %get3A_19 = vector.load %arg6[%get3A_17, %get3A_18] : memref<1x15xf32, #tpu.memory_space<vmem>>, vector<1x15xf32>
    %add3A_20 = vector.broadcast %get3A_19 : vector<1x15xf32> to vector<2000x15xf32>
    %add3A_21 = arith.addf %dot_general3A_16, %add3A_20 : vector<2000x15xf32>
    %swap3A = arith.constant 0 : index
    %swap3A_22 = arith.constant 0 : index
    %swap3A_23 = vector.load %arg12[%swap3A, %swap3A_22] : memref<2000x15xf32, #tpu.memory_space<vmem>>, vector<2000x15xf32>
    tpu.vector_store %arg12[%swap3A, %swap3A_22], %add3A_21 {strides = array<i32>} : memref<2000x15xf32, #tpu.memory_space<vmem>>, vector<2000x15xf32>,
    %reduce_max3A = arith.constant dense<0xFF800000> : vector<2000xf32>
    %reduce_max3A_24 = vector.multi_reduction <maximumf>, %add3A_21, %reduce_max3A [1] : vector<2000x15xf32> to vector<2000xf32>
    %broadcast_in_dim3A = vector.shape_cast %reduce_max3A_24 : vector<2000xf32> to vector<2000x1xf32>
    %sub3A = vector.broadcast %broadcast_in_dim3A : vector<2000x1xf32> to vector<2000x15xf32>
    %sub3A_25 = arith.subf %add3A_21, %sub3A : vector<2000x15xf32>
    %exp3A = math.exp %sub3A_25 : vector<2000x15xf32>
    %reduce_sum3A = arith.constant dense<0.000000e+00> : vector<2000xf32>
    %reduce_sum3A_26 = vector.multi_reduction <add>, %exp3A, %reduce_sum3A [1] : vector<2000x15xf32> to vector<2000xf32>
    %broadcast_in_dim3A_27 = vector.shape_cast %reduce_sum3A_26 : vector<2000xf32> to vector<2000x1xf32>
    %div3A = vector.broadcast %broadcast_in_dim3A_27 : vector<2000x1xf32> to vector<2000x15xf32>
    %div3A_28 = arith.divf %exp3A, %div3A : vector<2000x15xf32>
    %swap3A_29 = arith.constant 0 : index
    %swap3A_30 = arith.constant 0 : index
    %swap3A_31 = vector.load %arg13[%swap3A_29, %swap3A_30] : memref<2000x15xf32, #tpu.memory_space<vmem>>, vector<2000x15xf32>
    tpu.vector_store %arg13[%swap3A_29, %swap3A_30], %div3A_28 {strides = array<i32>} : memref<2000x15xf32, #tpu.memory_space<vmem>>, vector<2000x15xf32>,
    %get3A_32 = arith.constant 0 : index
    %get3A_33 = arith.constant 0 : index
    %get3A_34 = vector.load %arg2[%get3A_32, %get3A_33] : memref<1x128xf32, #tpu.memory_space<vmem>>, vector<1x128xf32>
    %mul3A = arith.constant 9.99999974E-5 : f32
    %mul3A_35 = vector.broadcast %mul3A : f32 to vector<1x128xf32>
    %mul3A_36 = arith.mulf %get3A_34, %mul3A_35 : vector<1x128xf32>
    %get3A_37 = arith.constant 0 : index
    %get3A_38 = arith.constant 0 : index
    %get3A_39 = vector.load %arg8[%get3A_37, %get3A_38] : memref<128x128xf32, #tpu.memory_space<vmem>>, vector<128x128xf32>
    %dot_general3A_40 = arith.constant dense<0.000000e+00> : vector<1x128xf32>
    %dot_general3A_41 = tpu.matmul %mul3A_36, %get3A_39, %dot_general3A_40 {dimension_numbers = #tpu.dot_dimension_numbers<[1], [0], [0], [1], [0, 0, 1, 1], [], []>, transpose_lhs_hint = false} : vector<1x128xf32>, vector<128x128xf32>, vector<1x128xf32> -> vector<1x128xf32>
    %get3A_42 = arith.constant 0 : index
    %get3A_43 = arith.constant 0 : index
    %get3A_44 = vector.load %arg9[%get3A_42, %get3A_43] : memref<1x128xf32, #tpu.memory_space<vmem>>, vector<1x128xf32>
    %add3A_45 = arith.addf %dot_general3A_41, %get3A_44 : vector<1x128xf32>
    %get3A_46 = arith.constant 0 : index
    %get3A_47 = arith.constant 0 : index
    %get3A_48 = vector.load %arg7[%get3A_46, %get3A_47] : memref<128x128xf32, #tpu.memory_space<vmem>>, vector<128x128xf32>
    %dot_general3A_49 = arith.constant dense<0.000000e+00> : vector<2000x128xf32>
    %dot_general3A_50 = tpu.matmul %get3A_1, %get3A_48, %dot_general3A_49 {dimension_numbers = #tpu.dot_dimension_numbers<[1], [0], [0], [1], [0, 0, 1, 1], [], []>, transpose_lhs_hint = false} : vector<2000x128xf32>, vector<128x128xf32>, vector<2000x128xf32> -> vector<2000x128xf32>
    %add3A_51 = vector.broadcast %add3A_45 : vector<1x128xf32> to vector<2000x128xf32>
    %add3A_52 = arith.addf %dot_general3A_50, %add3A_51 : vector<2000x128xf32>
    %max3A_53 = arith.constant 0.000000e+00 : f32
    %max3A_54 = vector.broadcast %max3A_53 : f32 to vector<2000x128xf32>
    %max3A_55 = arith.maximumf %add3A_52, %max3A_54 : vector<2000x128xf32>
    %get3A_56 = arith.constant 0 : index
    %get3A_57 = arith.constant 0 : index
    %get3A_58 = vector.load %arg10[%get3A_56, %get3A_57] : memref<128x1xf32, #tpu.memory_space<vmem>>, vector<128x1xf32>
    %dot_general3A_59 = arith.constant dense<0.000000e+00> : vector<2000x1xf32>
    %dot_general3A_60 = tpu.matmul %max3A_55, %get3A_58, %dot_general3A_59 {dimension_numbers = #tpu.dot_dimension_numbers<[1], [0], [0], [1], [0, 0, 1, 1], [], []>, transpose_lhs_hint = false} : vector<2000x128xf32>, vector<128x1xf32>, vector<2000x1xf32> -> vector<2000x1xf32>
    %get3A_61 = arith.constant 0 : index
    %get3A_62 = arith.constant 0 : index
    %get3A_63 = vector.load %arg11[%get3A_61, %get3A_62] : memref<1x1xf32, #tpu.memory_space<vmem>>, vector<1x1xf32>
    %add3A_64 = vector.broadcast %get3A_63 : vector<1x1xf32> to vector<2000x1xf32>
    %add3A_65 = arith.addf %dot_general3A_60, %add3A_64 : vector<2000x1xf32>
    %neg3A = arith.constant 0.000000e+00 : f32
    %neg3A_66 = vector.broadcast %neg3A : f32 to vector<2000x1xf32>
    %neg3A_67 = arith.subf %neg3A_66, %add3A_65 : vector<2000x1xf32>
    %exp3A_68 = math.exp %neg3A_67 : vector<2000x1xf32>
    %add3A_69 = arith.constant 1.000000e+00 : f32
    %add3A_70 = vector.broadcast %add3A_69 : f32 to vector<2000x1xf32>
    %add3A_71 = arith.addf %add3A_70, %exp3A_68 : vector<2000x1xf32>
    %div3A_72 = arith.constant 1.000000e+00 : f32
    %div3A_73 = vector.broadcast %div3A_72 : f32 to vector<2000x1xf32>
    %div3A_74 = arith.divf %div3A_73, %add3A_71 : vector<2000x1xf32>
    %swap3A_75 = arith.constant 0 : index
    %swap3A_76 = arith.constant 0 : index
    %swap3A_77 = vector.load %arg14[%swap3A_75, %swap3A_76] : memref<2000x1xf32, #tpu.memory_space<vmem>>, vector<2000x1xf32>
    tpu.vector_store %arg14[%swap3A_75, %swap3A_76], %div3A_74 {strides = array<i32>} : memref<2000x1xf32, #tpu.memory_space<vmem>>, vector<2000x1xf32>,
    return
  }
  func.func @transform_0(%arg0: i32) -> (i32, i32) {
    %c0_i32 = arith.constant 0 : i32
    %c0_i32_0 = arith.constant 0 : i32
    return %arg0, %c0_i32 : i32, i32
  }
  func.func @transform_1(%arg0: i32) -> (i32, i32) {
    %c0_i32 = arith.constant 0 : i32
    %c0_i32_0 = arith.constant 0 : i32
    %c0_i32_1 = arith.constant 0 : i32
    return %c0_i32, %c0_i32_0 : i32, i32
  }
  func.func @transform_2(%arg0: i32) -> (i32, i32) {
    %c0_i32 = arith.constant 0 : i32
    %c0_i32_0 = arith.constant 0 : i32
    %c0_i32_1 = arith.constant 0 : i32
    return %c0_i32, %c0_i32_0 : i32, i32
  }
  func.func @transform_3(%arg0: i32) -> (i32, i32) {
    %c0_i32 = arith.constant 0 : i32
    %c0_i32_0 = arith.constant 0 : i32
    %c0_i32_1 = arith.constant 0 : i32
    return %c0_i32, %c0_i32_0 : i32, i32
  }
  func.func @transform_4(%arg0: i32) -> (i32, i32) {
    %c0_i32 = arith.constant 0 : i32
    %c0_i32_0 = arith.constant 0 : i32
    %c0_i32_1 = arith.constant 0 : i32
    return %c0_i32, %c0_i32_0 : i32, i32
  }
  func.func @transform_5(%arg0: i32) -> (i32, i32) {
    %c0_i32 = arith.constant 0 : i32
    %c0_i32_0 = arith.constant 0 : i32
    %c0_i32_1 = arith.constant 0 : i32
    return %c0_i32, %c0_i32_0 : i32, i32
  }
  func.func @transform_6(%arg0: i32) -> (i32, i32) {
    %c0_i32 = arith.constant 0 : i32
    %c0_i32_0 = arith.constant 0 : i32
    %c0_i32_1 = arith.constant 0 : i32
    return %c0_i32, %c0_i32_0 : i32, i32
  }
  func.func @transform_7(%arg0: i32) -> (i32, i32) {
    %c0_i32 = arith.constant 0 : i32
    %c0_i32_0 = arith.constant 0 : i32
    %c0_i32_1 = arith.constant 0 : i32
    return %c0_i32, %c0_i32_0 : i32, i32
  }
  func.func @transform_8(%arg0: i32) -> (i32, i32) {
    %c0_i32 = arith.constant 0 : i32
    %c0_i32_0 = arith.constant 0 : i32
    %c0_i32_1 = arith.constant 0 : i32
    return %c0_i32, %c0_i32_0 : i32, i32
  }
  func.func @transform_9(%arg0: i32) -> (i32, i32) {
    %c0_i32 = arith.constant 0 : i32
    %c0_i32_0 = arith.constant 0 : i32
    %c0_i32_1 = arith.constant 0 : i32
    return %c0_i32, %c0_i32_0 : i32, i32
  }
  func.func @transform_10(%arg0: i32) -> (i32, i32) {
    %c0_i32 = arith.constant 0 : i32
    %c0_i32_0 = arith.constant 0 : i32
    %c0_i32_1 = arith.constant 0 : i32
    return %c0_i32, %c0_i32_0 : i32, i32
  }
  func.func @transform_11(%arg0: i32) -> (i32, i32) {
    %c0_i32 = arith.constant 0 : i32
    %c0_i32_0 = arith.constant 0 : i32
    return %arg0, %c0_i32 : i32, i32
  }
  func.func @transform_12(%arg0: i32) -> (i32, i32) {
    %c0_i32 = arith.constant 0 : i32
    %c0_i32_0 = arith.constant 0 : i32
    return %arg0, %c0_i32 : i32, i32
  }
  func.func @transform_13(%arg0: i32) -> (i32, i32) {
    %c0_i32 = arith.constant 0 : i32
    %c0_i32_0 = arith.constant 0 : i32
    return %arg0, %c0_i32 : i32, i32
  }
}

</mosaic_0001>

<sc_bundles>
// kernel: kernel.12.cloned.1.call-start
scs
__scs_entry_jumppad:
0x0: {  	(pc) =	sbr.rel $0x88, $3  }
0x1: {  	(tag) =	ssettag $0x0;
	lr =	simm.s32 $0x1  }
0x2: {  	[smem:$0x3F8D] =	sst lr;
	_ =	strace $0xD0000000  }
0x3: {  	_ = 	snop  }
0x4: {  	_ = 	snop  }
0x5: {  	_ = 	snop  }
0x6: {  	_ = 	snop  }
0x7: {  	_ = 	snop  }
__scs_overlays_trampoline_lowered:
0x8: {  	[smem:$0x3F9C] =	sst s0  }
0x9: {  	[smem:$0x3F9D] =	sst s1  }
0xa: {  	[smem:$0x3F9E] =	sst s2  }
0xb: {  	[smem:$0x3F9F] =	sst s3  }
0xc: {  	[smem:$0x3FA0] =	sst s4  }
0xd: {  	[smem:$0x3FA1] =	sst s5  }
0xe: {  	[smem:$0x3FA2] =	sst s6  }
0xf: {  	[smem:$0x3FA3] =	sst s7  }
0x10: {  	[smem:$0x3FA4] =	sst s8  }
0x11: {  	[smem:$0x3FA5] =	sst s9;
	s0 =	simm.s32 @!p0 $0x0  }
0x12: {  	s1 =	sld [smem:$0x3F8B];
	s0 =	simm.s32 @p0 $0x1  }
0x13: {  	[smem:$0x3FA6] =	sst s0;
	s0 =	simm.s32 @!p1 $0x0  }
0x14: {  	s2 =	sld [smem:$0x3F8A];
	s0 =	simm.s32 @p1 $0x1  }
0x15: {  	[smem:$0x3FA7] =	sst s0;
	s0 =	simm.s32 @!p2 $0x0  }
0x16: {  	s3 =	sld [smem:$0x3FDB];
	s0 =	simm.s32 @p2 $0x1  }
0x17: {  	s4 =	simm.s32 $0x1BF5;
	[smem:$0x3FA9] =	sst s0  }
0x18: {  	s0 =	sld [smem:$0x3F8C];
	_ =	swait.ge [sflag:s4], $0x0  }
0x19: {  	s7 =	sld [smem:$0x3F8D]  }
0x1a: {  	s8 =	sadd.s32 $0xFFFFE003, lr  }
0x1b: {  	s9 =	sadd.s32 $0xFFFFFEF7, lr;
	s5 =	simm.s32 $0xFFFFFFFF;
	p2 =	slt.u32 s8, $0xFFFFF086  }
0x1c: {  	p1 =	slt.u32 s9, $0xF7A;
	s5 =	simm.s32 @!p2 $0x0  }
0x1d: {  	s5 =	simm.s32 @p1 $0x1;
	p0 =	seq.s32 s7, s2  }
0x1e: {  	s7 =	smul.u32 @!p0 $0xF7A, s2;
	p2 =	seq.s32 @!p0 s5, $0x0  }
0x1f: {  	s9 =	smul.u32 $0xF7A, s1;
	s8 =	simm.s32 @!p0 $0x1BF5;
	p2 =	por !p2, p0  }
0x20: {  	[sflag:s8] =	ssyncset.s32 @!p0 $0xFFFFF086;
	s6 =	sadd.s32 @!p0 s3, s7;
	s7 =	simm.s32 @!p0 $0x108  }
0x21: {  	s3 =	sadd.s32 s3, s9;
	s6 =	sadd.s32 @!p0 $0x88, s6;
	s7 =	simm.s32 @p2 $0x1082  }
0x22: {  	[simem:s7], [sflag:s8] =	dma.local @!p0 [hbm:s6], $0xF7A  }
0x23: {  	s9 =	sor.u32 $0xD0000000, s2;
	s6 =	simm.s32 $0x108;
	_ =	swait.ge @!p0 [sflag:s8], $0x0  }
0x24: {  	s3 =	sadd.s32 $0x88, s3;
	s6 =	simm.s32 @!p1 $0x1082;
	[sflag:s4] =	ssyncset.s32 $0xFFFFF086  }
0x25: {  	[simem:s6], [sflag:s4] =	dma.local [hbm:s3], $0xF7A  }
0x26: {  	[smem:$0x3F8D] =	sst s1;
	(tag) =	ssettag s2;
	_ =	strace s9  }
0x27: {  	s1 =	sld [smem:$0x3F9D]  }
0x28: {  	s2 =	sld [smem:$0x3F9E]  }
0x29: {  	s4 =	sld [smem:$0x3FA0]  }
0x2a: {  	p0 =	seq.s32 s5, $0x0;
	s5 =	sld [smem:$0x3FA1]  }
0x2b: {  	s6 =	sld [smem:$0x3FA2]  }
0x2c: {  	s7 =	sld [smem:$0x3FA3]  }
0x2d: {  	s3 =	simm.s32 $0x108;
	s8 =	sld [smem:$0x3FA4]  }
0x2e: {  	s3 =	simm.s32 @!p0 $0x1082;
	s9 =	sld [smem:$0x3FA5]  }
0x2f: {  	lr =	sadd.s32 s0, s3;
	s0 =	sld [smem:$0x3F9C]  }
0x30: {  	s3 =	sld [smem:$0x3F9F]  }
0x31: {  	[smem:$0x3FA8] =	sst s10  }
0x32: {  	s10 =	sld [smem:$0x3FA6];
	_ =	sdelay $0x3  }
0x33: {  	p0 =	seq.s32 s10, $0x1;
	s10 =	sld [smem:$0x3FA8];
	_ =	sdelay $0x3  }
0x34: {  	[smem:$0x3FA8] =	sst s10  }
0x35: {  	s10 =	sld [smem:$0x3FA7];
	_ =	sdelay $0x3  }
0x36: {  	p1 =	seq.s32 s10, $0x1;
	s10 =	sld [smem:$0x3FA8];
	_ =	sdelay $0x3  }
0x37: {  	[smem:$0x3FA8] =	sst s10  }
0x38: {  	s10 =	sld [smem:$0x3FA9]  }
0x39: {  	_ = 	snop;
	(pc) =	sbr.ind lr, $3  }
0x3a: {  	_ = 	snop  }
0x3b: {  	_ = 	snop  }
0x3c: {  	p2 =	seq.s32 s10, $0x1;
	s10 =	sld [smem:$0x3FA8]  }
0x3d: {  	_ =	shalt  }
0x3e: {  	_ =	shalt  }
0x3f: {  	_ =	shalt  }
0x40: {  	_ =	shalt  }
0x41: {  	_ =	shalt  }
0x42: {  	_ =	shalt  }
0x43: {  	_ =	shalt  }
0x44: {  	_ =	shalt  }
0x45: {  	_ =	shalt  }
0x46: {  	_ =	shalt  }
0x47: {  	_ =	shalt  }
0x48: {  	_ =	shalt  }
0x49: {  	_ =	shalt  }
0x4a: {  	_ =	shalt  }
0x4b: {  	_ =	shalt  }
0x4c: {  	_ =	shalt  }
0x4d: {  	_ =	shalt  }
0x4e: {  	_ =	shalt  }
0x4f: {  	_ =	shalt  }
0x50: {  	_ =	shalt  }
0x51: {  	_ =	shalt  }
0x52: {  	_ =	shalt  }
0x53: {  	_ =	shalt  }
0x54: {  	_ =	shalt  }
0x55: {  	_ =	shalt  }
0x56: {  	_ =	shalt  }
0x57: {  	_ =	shalt  }
0x58: {  	_ =	shalt  }
0x59: {  	_ =	shalt  }
0x5a: {  	_ =	shalt  }
0x5b: {  	_ =	shalt  }
0x5c: {  	_ =	shalt  }
0x5d: {  	_ =	shalt  }
0x5e: {  	_ =	shalt  }
0x5f: {  	_ =	shalt  }
0x60: {  	_ =	shalt  }
0x61: {  	_ =	shalt  }
0x62: {  	_ =	shalt  }
0x63: {  	_ =	shalt  }
0x64: {  	_ =	shalt  }
0x65: {  	_ =	shalt  }
0x66: {  	_ =	shalt  }
0x67: {  	_ =	shalt  }
0x68: {  	_ =	shalt  }
0x69: {  	_ =	shalt  }
0x6a: {  	_ =	shalt  }
0x6b: {  	_ =	shalt  }
0x6c: {  	_ =	shalt  }
0x6d: {  	_ =	shalt  }
0x6e: {  	_ =	shalt  }
0x6f: {  	_ =	shalt  }
0x70: {  	_ =	shalt  }
0x71: {  	_ =	shalt  }
0x72: {  	_ =	shalt  }
0x73: {  	_ =	shalt  }
0x74: {  	_ =	shalt  }
0x75: {  	_ =	shalt  }
0x76: {  	_ =	shalt  }
0x77: {  	_ =	shalt  }
0x78: {  	_ =	shalt  }
0x79: {  	_ =	shalt  }
0x7a: {  	_ =	shalt  }
0x7b: {  	_ =	shalt  }
0x7c: {  	_ =	shalt  }
0x7d: {  	_ =	shalt  }
0x7e: {  	_ =	shalt  }
0x7f: {  	_ =	shalt  }
0x80: {  	_ =	shalt  }
0x81: {  	_ =	shalt  }
0x82: {  	_ =	shalt  }
0x83: {  	_ =	shalt  }
0x84: {  	_ =	shalt  }
0x85: {  	_ =	shalt  }
0x86: {  	_ =	shalt  }
0x87: {  	_ =	shalt  }
.Lfunc_end0:
.L_simem_size_0:
called_computation_lowered:
.L_overlay_start_0:
0x88: {  	s2 =	sld [smem:$0x3FD9]  }
0x89: {  	s3 =	sld [smem:$0x3FFE];
	_ =	sdelay $0x1  }
0x8a: {  	s1 =	srdreg.scid  }
0x8b: {  	s0 =	sand.u32 $0x1, s1  }
0x8c: {  	s14 =	sshll.u32 s0, $0xA;
	s2 =	sadd.s32 s3, s2  }
0x8d: {  	s2 =	sadd.s32 s2, s14  }
0x8e: {  	[smem:$0x3FB4] =	sst s2  }
0x8f: {  	_ = 	snop  }
0x90: {  	s2 =	sld [smem:$0x3FD0];
	_ =	sdelay $0x2  }
0x91: {  	s15 =	simm.s32 $0xA;
	s4 =	simm.s32 $0x10  }
0x92: {  	[smem:s4], [sflag:s15] =	dma.local [hbm:s2], $0x1  }
0x93: {  	_ =	swait.eq [sflag:s15], $0x1  }
0x94: {  	[sflag:s15] =	ssyncset.done $0x0  }
0x95: {  	[sflag:s15] =	ssyncadd.s32 $0xFFFFFFFF  }
0x96: {  	s16 =	sld [smem:$0x13];
	(tm) =	ssettm $0x1  }
0x97: {  	s17 =	sld [smem:$0x3FFB];
	_ =	sdelay $0x3  }
0x98: {  	_ =	strace s17  }
0x99: {  	s3 =	sld [smem:$0x3FFC];
	_ =	sdelay $0x3  }
0x9a: {  	_ =	strace s3  }
0x9b: {  	s3 =	sld [smem:$0x3FFD];
	_ =	sdelay $0x3  }
0x9c: {  	_ =	strace s3  }
0x9d: {  	_ =	strace $0x8FFFFFFF  }
0x9e: {  	s18 =	sld [smem:$0x3FDB];
	_ =	sdelay $0x1  }
0x9f: {  	s19 =	simm.s32 $_scs_section_size  }
0xa0: {  	s5 =	simm.s32 $_size__tile_overlayer_lowered;
	s6 =	simm.s32 $_tile_overlayer_lowered  }
0xa1: {  	s22 =	simm.s32 $0x1BFF;
	s21 =	sshll.u32 s6, $0x1;
	s3 =	sadd.s32 s19, s18  }
0xa2: {  	s7 =	simm.s32 $0x0;
	s20 =	sshll.u32 s5, $0x1;
	s5 =	sadd.s32 s21, s3  }
0xa3: {  	[timem:s7], [sflag:s22] =	dma.local [hbm:s5], s20  }
0xa4: {  	_ =	swait.ge [sflag:s22], s20  }
0xa5: {  	s4 =	ssub.s32 $0x0, s20;
	[sflag:s22] =	ssyncset.done $0x0  }
0xa6: {  	[sflag:s22] =	ssyncadd.s32 s4;
	_ =	sdelay $0x1  }
0xa7: {  	s23 =	simm.s32 $0x1B8B  }
0xa8: {  	_ =	swait.ge [sflag:s23], $0x1  }
0xa9: {  	[sflag:s23] =	ssyncset.done $0x0  }
0xaa: {  	s25 =	simm.s32 $0x1B8E;
	s24 =	sld [smem:$0x3FFE];
	[sflag:s23] =	ssyncadd.s32 $0xFFFFFFFF  }
0xab: {  	s26 =	simm.s32 $execute0_lowered;
	[smem:$0x3FD2] =	sst s25  }
0xac: {  	s5 =	sshll.u32 s26, $0x1;
	_ =	strace $0x80000046;
	[dreg:$0x1] =	wrdreg $0xFFFFFFFF  }
0xad: {  	s28 =	simm.s32 $_size_execute0_lowered;
	s3 =	sadd.s32 s3, s5;
	[dreg:$0x0] =	wrdreg $0x0  }
0xae: {  	s5 =	sshll.u32 s28, $0x1;
	[dreg:$0x2] =	wrdreg s3  }
0xaf: {  	[dreg:$0x3] =	wrdreg s5  }
0xb0: {  	[dreg:$0x4] =	wrdreg $0xC0  }
0xb1: {  	_ =	task [dreg:s7], $0x5FFFF  }
0xb2: {  	[dreg:$0x1] =	wrdreg $0xFFFFFFFF  }
0xb3: {  	[dreg:$0x0] =	wrdreg $0x60  }
0xb4: {  	[dreg:$0x2] =	wrdreg s24  }
0xb5: {  	[dreg:$0x3] =	wrdreg s16  }
0xb6: {  	[dreg:$0x4] =	wrdreg $0x34100  }
0xb7: {  	[dreg:$0x5] =	wrdreg $0x9  }
0xb8: {  	_ =	task.clear_ibuf [dreg:s7], $0x6FFFF;
	_ =	strace $0x90000046  }
0xb9: {  	s29 =	simm.s32 $0x9;
	_ =	strace $0x80000048  }
0xba: {  	_ =	swait.ge [sflag:s29], $0x1  }
0xbb: {  	[sflag:s29] =	ssyncadd.s32 $0xFFFFFFFF  }
0xbc: {  	_ =	strace $0x90000048  }
0xbd: {  	_ =	sfence  }
0xbe: {  	s30 =	sld [smem:$0x0];
	_ =	sdelay $0x2  }
0xbf: {  	s31 =	sshll.u32 s1, $0xD;
	s1 =	sshrl.u32 s1, $0x2  }
0xc0: {  	s3 =	sand.u32 $0x4000, s31;
	s1 =	sadd.s32 s1, s30  }
0xc1: {  	s0 =	sor.u32 s3, s0;
	s1 =	sshll.u32 s1, $0x11  }
0xc2: {  	s0 =	sor.u32 s1, s0  }
0xc3: {  	s0 =	sadd.s32 $0x8F2B, s0  }
0xc4: {  	[sflag:s0] =	ssyncadd.remote.s32 $0x1  }
0xc5: {  	_ =	sfence.sel $0xFFFF  }
0xc6: {  	[dreg:$0x0] =	wrdreg $0xFFFFFFFF;
	(pc) =	sbr.abs _section_cstart, $3  }
0xc7: {  	[dreg:$0x1] =	wrdreg $0xFFFFFFFF  }
0xc8: {  	_ =	task.clear_ibuf [dreg:s7], $0x2FFFF;
	_ =	strace $0x9FFFFFFF  }
0xc9: {  	(tm) =	ssettm $0x7FFFFFFF  }
tec
execute0_lowered:
.L_overlay_start_1:
0x0: {  	(tag) =	ssettag $0x1  }
0x1: {  	s8 =	rddreg [dreg:$0x0]  }
0x2: {  	s10 =	rddreg [dreg:$0x1]  }
0x3: {  	s1 =	rddreg [dreg:$0x2]  }
0x4: {  	s0 =	rddreg [dreg:$0x3]  }
0x5: {  	s3 =	simm.s32 $0x0;
	s4 =	srdreg.scid;
	s2 =	stileid.u32  }
0x6: {  	s15 =	simm.s32 $0x2710;
	[smem:$0x7FF] =	sst s3;
	s7 =	smul.u32 $0xA000, s2  }
0x7: {  	s5 =	sand.u32 $0x1, s4;
	s6 =	sshll.u32 s2, $0x1;
	s11 =	smul.u32 $0x2800, s2  }
0x8: {  	s16 =	sshll.u32 s2, $0x6;
	_ =	strace $0x80000047;
	s4 =	ssub.s32 $0x2, s5  }
0x9: {  	s6 =	sor.u32 s5, s6;
	s14 =	smul.u32 $0x28000, s5;
	s16 =	sor.u32 $0x1C01, s16  }
0xa: {  	s9 =	sshrl.u32 s4, $0x1;
	s7 =	sshrl.u32 s7, $0x2;
	s31 =	smul.u32 $0x2710, s6  }
0xb: {  	s12 =	ssub.s32 s4, s9;
	s4 =	sadd.s32 s11, s1;
	s13 =	sadd.s32 s7, s1  }
0xc: {  	s11 =	sadd.s32 s11, s14;
	s14 =	simm.s32 $0x50;
	s5 =	sadd.s32 $0x800, s13  }
0xd: {  	s6 =	sadd.s32 $0x1000, s13;
	s9 =	sshrl.u32 s31, $0x3;
	s7 =	sadd.s32 $0x1800, s13  }
0xe: {  	s11 =	sshrl.u32 s11, $0x3;
	s17 =	sshrl.u32 s4, $0x3;
	s9 =	sadd.s32 s8, s9  }
0xf: {  	v0 =	vimm.f32 $0.0e+00;
	vm0 =	vcmask $0x300;
	s8 =	sadd.s32 $0x2000, s13;
	s10 =	sadd.s32 s10, s11;
	s11 =	smax.u32 s12, $0x1  }
0x10: {  	v1 =	vsel vm0, $0x3F800000, v0;
	s12 =	simm.s32 $0x2C10;
	s13 =	simm.s32 $0x1;
	s9 =	sadd.s32 $0xF040, s9  }
.LBB2_1:
0x11: {  	s18 =	simm.s32 $0x40;
	s19 =	simm.s32 $0x0  }
.LBB2_2:
0x12: {  	p0 =	sne.s32 s18, $0x1FC0;
	[tilespmem:s19+$0x2C10] =	vst v0;
	s19 =	smov.u32 s18;
	s18 =	sadd.s32 $0x40, s18  }
.Ltmp0:
0x13: {  	(pc) =	sbr.rel @p0 .LBB2_2-.Ltmp0, $2  }
0x14: {  	_ =	sdelay $0x2  }
0x15: {  	s19 =	sshra.s32 s19, $0x2  }
0x16: {  	[tilespmem:s19+$0x2C10] =	vst v0  }
0x17: {  	[spmem:s4] =	stream.linear.scatter [tilespmem:s12], [sflag:$0x1], $0x800, $0x38;
	[tilespmem:$0x5C10] =	vst v63  }
0x18: {  	_ =	swait.ge [sflag:s13], $0x800  }
0x19: {  	[sflag:s13] =	ssyncset.done $0x0  }
0x1a: {  	[sflag:s13] =	ssyncadd.s32 $0xFFFFF800  }
0x1b: {  	[spmem:s5] =	stream.linear.scatter [tilespmem:s12], [sflag:$0x1], $0x800, $0x38;
	[tilespmem:$0x5C10] =	vst v63  }
0x1c: {  	_ =	swait.ge [sflag:s13], $0x800  }
0x1d: {  	[sflag:s13] =	ssyncset.done $0x0  }
0x1e: {  	[sflag:s13] =	ssyncadd.s32 $0xFFFFF800  }
0x1f: {  	[spmem:s6] =	stream.linear.scatter [tilespmem:s12], [sflag:$0x1], $0x800, $0x38;
	[tilespmem:$0x5C10] =	vst v63  }
0x20: {  	_ =	swait.ge [sflag:s13], $0x800  }
0x21: {  	[sflag:s13] =	ssyncset.done $0x0  }
0x22: {  	[sflag:s13] =	ssyncadd.s32 $0xFFFFF800  }
0x23: {  	[spmem:s7] =	stream.linear.scatter [tilespmem:s12], [sflag:$0x1], $0x800, $0x38;
	[tilespmem:$0x5C10] =	vst v63  }
0x24: {  	_ =	swait.ge [sflag:s13], $0x800  }
0x25: {  	[sflag:s13] =	ssyncset.done $0x0  }
0x26: {  	[sflag:s13] =	ssyncadd.s32 $0xFFFFF800  }
0x27: {  	[spmem:s8] =	stream.linear.scatter [tilespmem:s12], [sflag:$0x1], $0x800, $0x38;
	[tilespmem:$0x5C10] =	vst v63  }
0x28: {  	_ =	swait.ge [sflag:s13], $0x800  }
0x29: {  	[sflag:s13] =	ssyncset.done $0x0  }
0x2a: {  	s18 =	simm.s32 $0x40;
	s19 =	simm.s32 $0x0;
	[sflag:s13] =	ssyncadd.s32 $0xFFFFF800  }
.LBB2_4:
0x2b: {  	p0 =	sne.s32 s18, $0x13C0;
	[tilespmem:s19+$0x2710] =	vst v1;
	s19 =	smov.u32 s18;
	s18 =	sadd.s32 $0x40, s18  }
.Ltmp1:
0x2c: {  	(pc) =	sbr.rel @p0 .LBB2_4-.Ltmp1, $2  }
0x2d: {  	_ =	sdelay $0x2  }
0x2e: {  	s19 =	sshra.s32 s19, $0x2  }
0x2f: {  	[tilespmem:s19+$0x2710] =	vst v1  }
0x30: {  	s18 =	simm.s32 $0x0;
	[bflag:$0x0] =	sbarrier.arrive $0xFFFF  }
0x31: {  	[tilespmem:s18], [sflag:$0x1] =	stream.linear.gather [hbm4b:s9+s18], $0x2710, $0x38;
	[tilespmem:$0x5C10] =	vst v63  }
0x32: {  	_ =	swait.ge [sflag:s13], $0x2710  }
0x33: {  	[sflag:s13] =	ssyncset.done $0x0  }
0x34: {  	s31 =	simm.s32 $0x0;
	[sflag:s13] =	ssyncadd.s32 $0xFFFFD8F0  }
0x35: {  	[spmem:s1] =	stream.indirect.scatter.add.f32 [tilespmem:s15], [sflag:$0x1], $0x10, s31, s14, $0xb8;
	[tilespmem:$0x5C10] =	vst v63  }
0x36: {  	_ =	swait.ge [sflag:s13], $0x500  }
0x37: {  	s18 =	simm.s32 $0x140;
	[sflag:s13] =	ssyncset.done $0x0  }
.LBB2_6:
0x38: {  	s19 =	sshra.s32 s18, $0x2;
	[sflag:s13] =	ssyncadd.s32 $0xFFFFFB00;
	p0 =	sne.s32 s18, $0x9B00  }
0x39: {  	[spmem:s1] =	stream.indirect.scatter.add.f32 [tilespmem:s15], [sflag:$0x1], $0x10, s19, s14, $0xb8;
	[tilespmem:$0x5C10] =	vst v63  }
.Ltmp2:
0x3a: {  	_ = 	snop;
	(pc) =	sbr.rel @p0 .LBB2_6-.Ltmp2, $4  }
0x3b: {  	_ = 	snop  }
0x3c: {  	s18 =	sadd.s32 $0x140, s18  }
0x3d: {  	_ =	swait.ge [sflag:s13], $0x500  }
0x3e: {  	[sflag:s13] =	ssyncset.done $0x0  }
0x3f: {  	s3 =	sadd.s32 $0x1, s3  }
0x40: {  	[sflag:s13] =	ssyncadd.s32 $0xFFFFFB00;
	p0 =	sne.s32 s3, s11  }
.Ltmp3:
0x41: {  	[bflag:$0x0] =	sbarrier.arrive $0xFFFF;
	(pc) =	sbr.rel @p0 .LBB2_1-.Ltmp3, $4  }
0x42: {  	[hbm:s10], [sflag:s16] =	dma.local [spmem:s17], $0x500  }
0x43: {  	_ =	swait.ge [sflag:s13], $0x500  }
0x44: {  	[sflag:s13] =	ssyncset.done $0x0  }
0x45: {  	[sflag:s13] =	ssyncadd.s32 $0xFFFFFB00  }
0x46: {  	_ =	sfence.sel $0x180000  }
0x47: {  	[bflag:$0x0] =	sbarrier.arrive $0xFFFF  }
0x48: {  	p0 =	sne.s32 s2, $0x0;
	_ =	strace $0x90000047  }
0x49: {  	s0 =	sadd.s32 @!p0 $0x100000, s0;
	[bflag:$0x2] =	sbarrier.arrive $0xFFFF  }
0x4a: {  	[sflag:s0] =	ssyncadd.tile.s32 @!p0 $0x1;
	_ =	shalt  }
.Lfunc_end2:
_tile_overlayer_lowered:
.L_overlay_start_2:
0x4b: {  	(tag) =	ssettag $0x2  }
0x4c: {  	s0 =	rddreg [dreg:$0x0];
	s2 =	stileid.u32  }
0x4d: {  	s1 =	rddreg [dreg:$0x1];
	p0 =	sne.s32 s2, $0x0  }
0x4e: {  	s3 =	rddreg [dreg:$0x2];
	[bflag:$0x3] =	sbarrier.arrive $0xFFFF;
	s2 =	simm.s32 @!p0 $0x1C01  }
0x4f: {  	[timem:s3], [sflag:s2] =	dma.local @!p0 [hbm:s0], s1  }
0x50: {  	s0 =	simm.s32 @!p0 $0x1  }
0x51: {  	_ =	swait.ge @!p0 [sflag:s0], s1  }
0x52: {  	s1 =	ssub.s32 @!p0 $0x0, s1;
	[sflag:s0] =	ssyncset.done @!p0 $0x0  }
0x53: {  	[sflag:s0] =	ssyncadd.s32 @!p0 s1  }
0x54: {  	[bflag:$0x3] =	sbarrier.arrive $0xFFFF  }
0x55: {  	_ =	shalt  }

// kernel: kernel.15.cloned.1.call-start
scs
__scs_entry_jumppad:
0x0: {  	(pc) =	sbr.rel $0x88, $3  }
0x1: {  	(tag) =	ssettag $0x0;
	lr =	simm.s32 $0x1  }
0x2: {  	[smem:$0x3F8D] =	sst lr;
	_ =	strace $0xD0000000  }
0x3: {  	_ = 	snop  }
0x4: {  	_ = 	snop  }
0x5: {  	_ = 	snop  }
0x6: {  	_ = 	snop  }
0x7: {  	_ = 	snop  }
__scs_overlays_trampoline_lowered:
0x8: {  	[smem:$0x3F9C] =	sst s0  }
0x9: {  	[smem:$0x3F9D] =	sst s1  }
0xa: {  	[smem:$0x3F9E] =	sst s2  }
0xb: {  	[smem:$0x3F9F] =	sst s3  }
0xc: {  	[smem:$0x3FA0] =	sst s4  }
0xd: {  	[smem:$0x3FA1] =	sst s5  }
0xe: {  	[smem:$0x3FA2] =	sst s6  }
0xf: {  	[smem:$0x3FA3] =	sst s7  }
0x10: {  	[smem:$0x3FA4] =	sst s8  }
0x11: {  	[smem:$0x3FA5] =	sst s9;
	s0 =	simm.s32 @!p0 $0x0  }
0x12: {  	s1 =	sld [smem:$0x3F8B];
	s0 =	simm.s32 @p0 $0x1  }
0x13: {  	[smem:$0x3FA6] =	sst s0;
	s0 =	simm.s32 @!p1 $0x0  }
0x14: {  	s2 =	sld [smem:$0x3F8A];
	s0 =	simm.s32 @p1 $0x1  }
0x15: {  	[smem:$0x3FA7] =	sst s0;
	s0 =	simm.s32 @!p2 $0x0  }
0x16: {  	s3 =	sld [smem:$0x3FDB];
	s0 =	simm.s32 @p2 $0x1  }
0x17: {  	s4 =	simm.s32 $0x1BF5;
	[smem:$0x3FA9] =	sst s0  }
0x18: {  	s0 =	sld [smem:$0x3F8C];
	_ =	swait.ge [sflag:s4], $0x0  }
0x19: {  	s7 =	sld [smem:$0x3F8D]  }
0x1a: {  	s8 =	sadd.s32 $0xFFFFE003, lr  }
0x1b: {  	s9 =	sadd.s32 $0xFFFFFEF7, lr;
	s5 =	simm.s32 $0xFFFFFFFF;
	p2 =	slt.u32 s8, $0xFFFFF086  }
0x1c: {  	p1 =	slt.u32 s9, $0xF7A;
	s5 =	simm.s32 @!p2 $0x0  }
0x1d: {  	s5 =	simm.s32 @p1 $0x1;
	p0 =	seq.s32 s7, s2  }
0x1e: {  	s7 =	smul.u32 @!p0 $0xF7A, s2;
	p2 =	seq.s32 @!p0 s5, $0x0  }
0x1f: {  	s9 =	smul.u32 $0xF7A, s1;
	s8 =	simm.s32 @!p0 $0x1BF5;
	p2 =	por !p2, p0  }
0x20: {  	[sflag:s8] =	ssyncset.s32 @!p0 $0xFFFFF086;
	s6 =	sadd.s32 @!p0 s3, s7;
	s7 =	simm.s32 @!p0 $0x108  }
0x21: {  	s3 =	sadd.s32 s3, s9;
	s6 =	sadd.s32 @!p0 $0x88, s6;
	s7 =	simm.s32 @p2 $0x1082  }
0x22: {  	[simem:s7], [sflag:s8] =	dma.local @!p0 [hbm:s6], $0xF7A  }
0x23: {  	s9 =	sor.u32 $0xD0000000, s2;
	s6 =	simm.s32 $0x108;
	_ =	swait.ge @!p0 [sflag:s8], $0x0  }
0x24: {  	s3 =	sadd.s32 $0x88, s3;
	s6 =	simm.s32 @!p1 $0x1082;
	[sflag:s4] =	ssyncset.s32 $0xFFFFF086  }
0x25: {  	[simem:s6], [sflag:s4] =	dma.local [hbm:s3], $0xF7A  }
0x26: {  	[smem:$0x3F8D] =	sst s1;
	(tag) =	ssettag s2;
	_ =	strace s9  }
0x27: {  	s1 =	sld [smem:$0x3F9D]  }
0x28: {  	s2 =	sld [smem:$0x3F9E]  }
0x29: {  	s4 =	sld [smem:$0x3FA0]  }
0x2a: {  	p0 =	seq.s32 s5, $0x0;
	s5 =	sld [smem:$0x3FA1]  }
0x2b: {  	s6 =	sld [smem:$0x3FA2]  }
0x2c: {  	s7 =	sld [smem:$0x3FA3]  }
0x2d: {  	s3 =	simm.s32 $0x108;
	s8 =	sld [smem:$0x3FA4]  }
0x2e: {  	s3 =	simm.s32 @!p0 $0x1082;
	s9 =	sld [smem:$0x3FA5]  }
0x2f: {  	lr =	sadd.s32 s0, s3;
	s0 =	sld [smem:$0x3F9C]  }
0x30: {  	s3 =	sld [smem:$0x3F9F]  }
0x31: {  	[smem:$0x3FA8] =	sst s10  }
0x32: {  	s10 =	sld [smem:$0x3FA6];
	_ =	sdelay $0x3  }
0x33: {  	p0 =	seq.s32 s10, $0x1;
	s10 =	sld [smem:$0x3FA8];
	_ =	sdelay $0x3  }
0x34: {  	[smem:$0x3FA8] =	sst s10  }
0x35: {  	s10 =	sld [smem:$0x3FA7];
	_ =	sdelay $0x3  }
0x36: {  	p1 =	seq.s32 s10, $0x1;
	s10 =	sld [smem:$0x3FA8];
	_ =	sdelay $0x3  }
0x37: {  	[smem:$0x3FA8] =	sst s10  }
0x38: {  	s10 =	sld [smem:$0x3FA9]  }
0x39: {  	_ = 	snop;
	(pc) =	sbr.ind lr, $3  }
0x3a: {  	_ = 	snop  }
0x3b: {  	_ = 	snop  }
0x3c: {  	p2 =	seq.s32 s10, $0x1;
	s10 =	sld [smem:$0x3FA8]  }
0x3d: {  	_ =	shalt  }
0x3e: {  	_ =	shalt  }
0x3f: {  	_ =	shalt  }
0x40: {  	_ =	shalt  }
0x41: {  	_ =	shalt  }
0x42: {  	_ =	shalt  }
0x43: {  	_ =	shalt  }
0x44: {  	_ =	shalt  }
0x45: {  	_ =	shalt  }
0x46: {  	_ =	shalt  }
0x47: {  	_ =	shalt  }
0x48: {  	_ =	shalt  }
0x49: {  	_ =	shalt  }
0x4a: {  	_ =	shalt  }
0x4b: {  	_ =	shalt  }
0x4c: {  	_ =	shalt  }
0x4d: {  	_ =	shalt  }
0x4e: {  	_ =	shalt  }
0x4f: {  	_ =	shalt  }
0x50: {  	_ =	shalt  }
0x51: {  	_ =	shalt  }
0x52: {  	_ =	shalt  }
0x53: {  	_ =	shalt  }
0x54: {  	_ =	shalt  }
0x55: {  	_ =	shalt  }
0x56: {  	_ =	shalt  }
0x57: {  	_ =	shalt  }
0x58: {  	_ =	shalt  }
0x59: {  	_ =	shalt  }
0x5a: {  	_ =	shalt  }
0x5b: {  	_ =	shalt  }
0x5c: {  	_ =	shalt  }
0x5d: {  	_ =	shalt  }
0x5e: {  	_ =	shalt  }
0x5f: {  	_ =	shalt  }
0x60: {  	_ =	shalt  }
0x61: {  	_ =	shalt  }
0x62: {  	_ =	shalt  }
0x63: {  	_ =	shalt  }
0x64: {  	_ =	shalt  }
0x65: {  	_ =	shalt  }
0x66: {  	_ =	shalt  }
0x67: {  	_ =	shalt  }
0x68: {  	_ =	shalt  }
0x69: {  	_ =	shalt  }
0x6a: {  	_ =	shalt  }
0x6b: {  	_ =	shalt  }
0x6c: {  	_ =	shalt  }
0x6d: {  	_ =	shalt  }
0x6e: {  	_ =	shalt  }
0x6f: {  	_ =	shalt  }
0x70: {  	_ =	shalt  }
0x71: {  	_ =	shalt  }
0x72: {  	_ =	shalt  }
0x73: {  	_ =	shalt  }
0x74: {  	_ =	shalt  }
0x75: {  	_ =	shalt  }
0x76: {  	_ =	shalt  }
0x77: {  	_ =	shalt  }
0x78: {  	_ =	shalt  }
0x79: {  	_ =	shalt  }
0x7a: {  	_ =	shalt  }
0x7b: {  	_ =	shalt  }
0x7c: {  	_ =	shalt  }
0x7d: {  	_ =	shalt  }
0x7e: {  	_ =	shalt  }
0x7f: {  	_ =	shalt  }
0x80: {  	_ =	shalt  }
0x81: {  	_ =	shalt  }
0x82: {  	_ =	shalt  }
0x83: {  	_ =	shalt  }
0x84: {  	_ =	shalt  }
0x85: {  	_ =	shalt  }
0x86: {  	_ =	shalt  }
0x87: {  	_ =	shalt  }
.Lfunc_end0:
.L_simem_size_0:
called_computation.1_lowered:
.L_overlay_start_0:
0x88: {  	s2 =	sld [smem:$0x3FD9]  }
0x89: {  	s3 =	sld [smem:$0x3FFE];
	_ =	sdelay $0x1  }
0x8a: {  	s1 =	srdreg.scid  }
0x8b: {  	s0 =	sand.u32 $0x1, s1  }
0x8c: {  	s14 =	sshll.u32 s0, $0xA;
	s2 =	sadd.s32 s3, s2  }
0x8d: {  	s2 =	sadd.s32 s2, s14  }
0x8e: {  	[smem:$0x3FB4] =	sst s2  }
0x8f: {  	_ = 	snop  }
0x90: {  	s2 =	sld [smem:$0x3FD0];
	_ =	sdelay $0x2  }
0x91: {  	s15 =	simm.s32 $0xA;
	s4 =	simm.s32 $0x10  }
0x92: {  	[smem:s4], [sflag:s15] =	dma.local [hbm:s2], $0x1  }
0x93: {  	_ =	swait.eq [sflag:s15], $0x1  }
0x94: {  	[sflag:s15] =	ssyncset.done $0x0  }
0x95: {  	[sflag:s15] =	ssyncadd.s32 $0xFFFFFFFF  }
0x96: {  	s16 =	sld [smem:$0x13];
	(tm) =	ssettm $0x1  }
0x97: {  	s17 =	sld [smem:$0x3FFB];
	_ =	sdelay $0x3  }
0x98: {  	_ =	strace s17  }
0x99: {  	s3 =	sld [smem:$0x3FFC];
	_ =	sdelay $0x3  }
0x9a: {  	_ =	strace s3  }
0x9b: {  	s3 =	sld [smem:$0x3FFD];
	_ =	sdelay $0x3  }
0x9c: {  	_ =	strace s3  }
0x9d: {  	_ =	strace $0x8FFFFFFF  }
0x9e: {  	s18 =	sld [smem:$0x3FDB];
	_ =	sdelay $0x1  }
0x9f: {  	s19 =	simm.s32 $_scs_section_size  }
0xa0: {  	s5 =	simm.s32 $_size__tile_overlayer_lowered;
	s6 =	simm.s32 $_tile_overlayer_lowered  }
0xa1: {  	s22 =	simm.s32 $0x1BFF;
	s21 =	sshll.u32 s6, $0x1;
	s3 =	sadd.s32 s19, s18  }
0xa2: {  	s7 =	simm.s32 $0x0;
	s20 =	sshll.u32 s5, $0x1;
	s5 =	sadd.s32 s21, s3  }
0xa3: {  	[timem:s7], [sflag:s22] =	dma.local [hbm:s5], s20  }
0xa4: {  	_ =	swait.ge [sflag:s22], s20  }
0xa5: {  	s4 =	ssub.s32 $0x0, s20;
	[sflag:s22] =	ssyncset.done $0x0  }
0xa6: {  	[sflag:s22] =	ssyncadd.s32 s4;
	_ =	sdelay $0x1  }
0xa7: {  	s23 =	simm.s32 $0x1B8B  }
0xa8: {  	_ =	swait.ge [sflag:s23], $0x1  }
0xa9: {  	[sflag:s23] =	ssyncset.done $0x0  }
0xaa: {  	s25 =	simm.s32 $0x1B8E;
	s24 =	sld [smem:$0x3FFE];
	[sflag:s23] =	ssyncadd.s32 $0xFFFFFFFF  }
0xab: {  	s26 =	simm.s32 $execute0_lowered;
	[smem:$0x3FD2] =	sst s25  }
0xac: {  	s5 =	sshll.u32 s26, $0x1;
	_ =	strace $0x80000049;
	[dreg:$0x1] =	wrdreg $0xFFFFFFFF  }
0xad: {  	s28 =	simm.s32 $_size_execute0_lowered;
	s3 =	sadd.s32 s3, s5;
	[dreg:$0x0] =	wrdreg $0x0  }
0xae: {  	s5 =	sshll.u32 s28, $0x1;
	[dreg:$0x2] =	wrdreg s3  }
0xaf: {  	[dreg:$0x3] =	wrdreg s5  }
0xb0: {  	[dreg:$0x4] =	wrdreg $0xC0  }
0xb1: {  	_ =	task [dreg:s7], $0x5FFFF  }
0xb2: {  	[dreg:$0x1] =	wrdreg $0xFFFFFFFF  }
0xb3: {  	[dreg:$0x0] =	wrdreg $0x60  }
0xb4: {  	[dreg:$0x2] =	wrdreg s16  }
0xb5: {  	[dreg:$0x3] =	wrdreg s24  }
0xb6: {  	[dreg:$0x4] =	wrdreg $0x120400  }
0xb7: {  	[dreg:$0x5] =	wrdreg $0x9  }
0xb8: {  	_ =	task.clear_ibuf [dreg:s7], $0x6FFFF;
	_ =	strace $0x90000049  }
0xb9: {  	s29 =	simm.s32 $0x9;
	_ =	strace $0x8000004B  }
0xba: {  	_ =	swait.ge [sflag:s29], $0x1  }
0xbb: {  	[sflag:s29] =	ssyncadd.s32 $0xFFFFFFFF  }
0xbc: {  	_ =	strace $0x9000004B  }
0xbd: {  	_ =	sfence  }
0xbe: {  	s30 =	sld [smem:$0x0];
	_ =	sdelay $0x2  }
0xbf: {  	s31 =	sshll.u32 s1, $0xD;
	s1 =	sshrl.u32 s1, $0x2  }
0xc0: {  	s3 =	sand.u32 $0x4000, s31;
	s1 =	sadd.s32 s1, s30  }
0xc1: {  	s0 =	sor.u32 s3, s0;
	s1 =	sshll.u32 s1, $0x11  }
0xc2: {  	s0 =	sor.u32 s1, s0  }
0xc3: {  	s0 =	sadd.s32 $0x8F2B, s0  }
0xc4: {  	[sflag:s0] =	ssyncadd.remote.s32 $0x1  }
0xc5: {  	_ =	sfence.sel $0xFFFF  }
0xc6: {  	[dreg:$0x0] =	wrdreg $0xFFFFFFFF;
	(pc) =	sbr.abs _section_cstart, $3  }
0xc7: {  	[dreg:$0x1] =	wrdreg $0xFFFFFFFF  }
0xc8: {  	_ =	task.clear_ibuf [dreg:s7], $0x2FFFF;
	_ =	strace $0x9FFFFFFF  }
0xc9: {  	(tm) =	ssettm $0x7FFFFFFF  }
tec
execute0_lowered:
.L_overlay_start_1:
0x0: {  	(tag) =	ssettag $0x1  }
0x1: {  	s0 =	rddreg [dreg:$0x0]  }
0x2: {  	s1 =	rddreg [dreg:$0x1]  }
0x3: {  	s2 =	rddreg [dreg:$0x2]  }
0x4: {  	s8 =	stileid.u32;
	s5 =	srdreg.scid;
	s3 =	simm.s32 $0x0  }
0x5: {  	s14 =	simm.s32 $0x10040;
	s15 =	simm.s32 $0x6;
	s17 =	simm.s32 $0x50  }
0x6: {  	s18 =	simm.s32 $0x9C40;
	s19 =	simm.s32 $0xB040;
	s21 =	simm.s32 $0xC440  }
0x7: {  	s23 =	simm.s32 $0xD840;
	s24 =	simm.s32 $0xEC40;
	s4 =	smul.u32 $0x4E20, s8  }
0x8: {  	s28 =	simm.s32 $0x3;
	s29 =	simm.s32 $0x4;
	s25 =	smul.u32 $0xA000, s8  }
0x9: {  	s30 =	simm.s32 $0x5;
	s6 =	sand.u32 $0x1, s5;
	s8 =	smul.u32 $0x28000, s8  }
0xa: {  	s22 =	simm.s32 $0x9BF0;
	[smem:$0x7FF] =	sst s3;
	s7 =	smul.u32 $0xA0000, s6  }
0xb: {  	_ =	strace $0x8000004A;
	s31 =	ssub.s32 $0x2, s6;
	s11 =	smul.u32 $0x13880, s6  }
0xc: {  	s4 =	sshrl.u32 s4, $0x3;
	s9 =	sshrl.u32 s31, $0x1;
	s8 =	sshrl.u32 s8, $0x2  }
0xd: {  	s10 =	sadd.s32 s4, s1;
	s26 =	sadd.s32 s25, s7;
	s13 =	ssub.s32 s31, s9  }
0xe: {  	s8 =	sadd.s32 s8, s2;
	s11 =	sadd.s32 s0, s11;
	s4 =	sshrl.u32 s26, $0x3  }
0xf: {  	s5 =	sadd.s32 $0x2000, s8;
	s6 =	sadd.s32 $0x4000, s8;
	s7 =	sadd.s32 $0x6000, s8  }
0x10: {  	s8 =	sadd.s32 $0x8000, s8;
	s9 =	sadd.s32 $0x5400, s10;
	s10 =	sadd.s32 $0xF040, s10  }
0x11: {  	s13 =	smax.u32 s13, $0x1;
	s26 =	simm.s32 $0x2;
	s1 =	sadd.s32 s4, s1  }
0x12: {  	v0 =	vimm.f32 $0.0e+00;
	s4 =	sadd.s32 s25, s2;
	s25 =	simm.s32 $0x1;
	s12 =	sadd.s32 $0x67000, s1  }
.LBB2_1:
0x13: {  	s16 =	simm.s32 $0x100;
	s0 =	simm.s32 $0x0  }
.LBB2_2:
0x14: {  	p0 =	sne.s32 s16, $0x7F00;
	[tilespmem:s0+$0x10070] =	vst v0;
	s20 =	smov.u32 s16;
	s16 =	sadd.s32 $0x100, s16  }
.Ltmp0:
0x15: {  	[tilespmem:s0+$0x10060] =	vst v0;
	(pc) =	sbr.rel @p0 .LBB2_2-.Ltmp0, $3  }
0x16: {  	[tilespmem:s0+$0x10040] =	vst v0  }
0x17: {  	[tilespmem:s0+$0x10050] =	vst v0;
	_ =	sdelay $0x1  }
0x18: {  	s0 =	sshra.s32 s20, $0x2  }
0x19: {  	[tilespmem:s0+$0x10070] =	vst v0  }
0x1a: {  	[tilespmem:s0+$0x10060] =	vst v0  }
0x1b: {  	[tilespmem:s0+$0x10040] =	vst v0  }
0x1c: {  	[tilespmem:s0+$0x10050] =	vst v0  }
0x1d: {  	[spmem:s4] =	stream.linear.scatter [tilespmem:s14], [sflag:$0x6], $0x2000, $0x38;
	[tilespmem:$0x1C040] =	vst v63  }
0x1e: {  	_ =	swait.ge [sflag:s15], $0x2000  }
0x1f: {  	[sflag:s15] =	ssyncset.done $0x0  }
0x20: {  	[sflag:s15] =	ssyncadd.s32 $0xFFFFE000  }
0x21: {  	[spmem:s5] =	stream.linear.scatter [tilespmem:s14], [sflag:$0x6], $0x2000, $0x38;
	[tilespmem:$0x1C040] =	vst v63  }
0x22: {  	_ =	swait.ge [sflag:s15], $0x2000  }
0x23: {  	[sflag:s15] =	ssyncset.done $0x0  }
0x24: {  	[sflag:s15] =	ssyncadd.s32 $0xFFFFE000  }
0x25: {  	[spmem:s6] =	stream.linear.scatter [tilespmem:s14], [sflag:$0x6], $0x2000, $0x38;
	[tilespmem:$0x1C040] =	vst v63  }
0x26: {  	_ =	swait.ge [sflag:s15], $0x2000  }
0x27: {  	[sflag:s15] =	ssyncset.done $0x0  }
0x28: {  	[sflag:s15] =	ssyncadd.s32 $0xFFFFE000  }
0x29: {  	[spmem:s7] =	stream.linear.scatter [tilespmem:s14], [sflag:$0x6], $0x2000, $0x38;
	[tilespmem:$0x1C040] =	vst v63  }
0x2a: {  	_ =	swait.ge [sflag:s15], $0x2000  }
0x2b: {  	[sflag:s15] =	ssyncset.done $0x0  }
0x2c: {  	[sflag:s15] =	ssyncadd.s32 $0xFFFFE000  }
0x2d: {  	[spmem:s8] =	stream.linear.scatter [tilespmem:s14], [sflag:$0x6], $0x2000, $0x38;
	[tilespmem:$0x1C040] =	vst v63  }
0x2e: {  	_ =	swait.ge [sflag:s15], $0x2000  }
0x2f: {  	[sflag:s15] =	ssyncset.done $0x0  }
0x30: {  	[sflag:s15] =	ssyncadd.s32 $0xFFFFE000  }
0x31: {  	s20 =	simm.s32 $0x0;
	[bflag:$0x0] =	sbarrier.arrive $0xFFFF  }
0x32: {  	[tilespmem:s20], [sflag:$0x6] =	stream.linear.gather [hbm4b:s9+s20], $0x4E20, $0x38;
	[tilespmem:$0x1C040] =	vst v63  }
0x33: {  	_ =	swait.ge [sflag:s15], $0x4E20  }
0x34: {  	[sflag:s15] =	ssyncset.done $0x0  }
0x35: {  	s1 =	simm.s32 $0x4E20;
	[sflag:s15] =	ssyncadd.s32 $0xFFFFB1E0  }
0x36: {  	[tilespmem:s1], [sflag:$0x6] =	stream.linear.gather [hbm4b:s10+s20], $0x4E20, $0x38;
	[tilespmem:$0x1C040] =	vst v63  }
0x37: {  	_ =	swait.ge [sflag:s15], $0x4E20  }
0x38: {  	[sflag:s15] =	ssyncset.done $0x0  }
0x39: {  	[sflag:s15] =	ssyncadd.s32 $0xFFFFB1E0  }
0x3a: {  	[tilespmem:s18], [sflag:$0x1] =	stream.indirect.gather [hbm4b:s11+s17], $0x40, s20, s17, $0xb8;
	[tilespmem:$0x1C040] =	vst v63  }
0x3b: {  	_ = 	snop  }
0x3c: {  	[tilespmem:s19], [sflag:$0x2] =	stream.indirect.gather [hbm4b:s11+s17], $0x40, s17, s17, $0xb8;
	[tilespmem:$0x1C040] =	vst v63  }
0x3d: {  	s1 =	simm.s32 $0xA0  }
0x3e: {  	[tilespmem:s21], [sflag:$0x3] =	stream.indirect.gather [hbm4b:s11+s17], $0x40, s1, s17, $0xb8;
	[tilespmem:$0x1C040] =	vst v63  }
0x3f: {  	s16 =	simm.s32 $0xF0  }
0x40: {  	[tilespmem:s23], [sflag:$0x4] =	stream.indirect.gather [hbm4b:s11+s17], $0x40, s16, s17, $0xb8;
	[tilespmem:$0x1C040] =	vst v63  }
0x41: {  	s20 =	simm.s32 $0x140  }
0x42: {  	[tilespmem:s24], [sflag:$0x5] =	stream.indirect.gather [hbm4b:s11+s17], $0x40, s20, s17, $0xb8;
	[tilespmem:$0x1C040] =	vst v63  }
0x43: {  	_ =	swait.ge [sflag:s25], $0x1400  }
0x44: {  	[sflag:s25] =	ssyncset.done $0x0  }
0x45: {  	s1 =	simm.s32 $0x4E20;
	[sflag:s25] =	ssyncadd.s32 $0xFFFFEC00  }
0x46: {  	[spmem:s2] =	stream.indirect.scatter.add.f32 [tilespmem:s18], [sflag:$0x6], $0x40, s1, s17, $0xb8;
	[tilespmem:$0x1C040] =	vst v63  }
0x47: {  	_ =	swait.ge [sflag:s15], $0x1400  }
0x48: {  	[sflag:s15] =	ssyncset.done $0x0  }
0x49: {  	s16 =	simm.s32 $0x190;
	[sflag:s15] =	ssyncadd.s32 $0xFFFFEC00  }
0x4a: {  	[tilespmem:s18], [sflag:$0x1] =	stream.indirect.gather [hbm4b:s11+s17], $0x40, s16, s17, $0xb8;
	[tilespmem:$0x1C040] =	vst v63  }
0x4b: {  	_ =	swait.ge [sflag:s26], $0x1400  }
0x4c: {  	[sflag:s26] =	ssyncset.done $0x0  }
0x4d: {  	s20 =	simm.s32 $0x4E70;
	[sflag:s26] =	ssyncadd.s32 $0xFFFFEC00  }
0x4e: {  	[spmem:s2] =	stream.indirect.scatter.add.f32 [tilespmem:s19], [sflag:$0x6], $0x40, s20, s17, $0xb8;
	[tilespmem:$0x1C040] =	vst v63  }
0x4f: {  	_ =	swait.ge [sflag:s15], $0x1400  }
0x50: {  	[sflag:s15] =	ssyncset.done $0x0  }
0x51: {  	s1 =	simm.s32 $0x1E0;
	[sflag:s15] =	ssyncadd.s32 $0xFFFFEC00  }
0x52: {  	[tilespmem:s19], [sflag:$0x2] =	stream.indirect.gather [hbm4b:s11+s17], $0x40, s1, s17, $0xb8;
	[tilespmem:$0x1C040] =	vst v63  }
0x53: {  	_ =	swait.ge [sflag:s28], $0x1400  }
0x54: {  	[sflag:s28] =	ssyncset.done $0x0  }
0x55: {  	s16 =	simm.s32 $0x4EC0;
	[sflag:s28] =	ssyncadd.s32 $0xFFFFEC00  }
0x56: {  	[spmem:s2] =	stream.indirect.scatter.add.f32 [tilespmem:s21], [sflag:$0x6], $0x40, s16, s17, $0xb8;
	[tilespmem:$0x1C040] =	vst v63  }
0x57: {  	_ =	swait.ge [sflag:s15], $0x1400  }
0x58: {  	[sflag:s15] =	ssyncset.done $0x0  }
0x59: {  	s20 =	simm.s32 $0x230;
	[sflag:s15] =	ssyncadd.s32 $0xFFFFEC00  }
0x5a: {  	[tilespmem:s21], [sflag:$0x3] =	stream.indirect.gather [hbm4b:s11+s17], $0x40, s20, s17, $0xb8;
	[tilespmem:$0x1C040] =	vst v63  }
0x5b: {  	_ =	swait.ge [sflag:s29], $0x1400  }
0x5c: {  	[sflag:s29] =	ssyncset.done $0x0  }
0x5d: {  	s1 =	simm.s32 $0x4F10;
	[sflag:s29] =	ssyncadd.s32 $0xFFFFEC00  }
0x5e: {  	[spmem:s2] =	stream.indirect.scatter.add.f32 [tilespmem:s23], [sflag:$0x6], $0x40, s1, s17, $0xb8;
	[tilespmem:$0x1C040] =	vst v63  }
0x5f: {  	_ =	swait.ge [sflag:s15], $0x1400  }
0x60: {  	[sflag:s15] =	ssyncset.done $0x0  }
0x61: {  	s16 =	simm.s32 $0x280;
	[sflag:s15] =	ssyncadd.s32 $0xFFFFEC00  }
0x62: {  	[tilespmem:s23], [sflag:$0x4] =	stream.indirect.gather [hbm4b:s11+s17], $0x40, s16, s17, $0xb8;
	[tilespmem:$0x1C040] =	vst v63  }
0x63: {  	_ =	swait.ge [sflag:s30], $0x1400  }
0x64: {  	[sflag:s30] =	ssyncset.done $0x0  }
0x65: {  	s20 =	simm.s32 $0x4F60;
	[sflag:s30] =	ssyncadd.s32 $0xFFFFEC00  }
0x66: {  	[spmem:s2] =	stream.indirect.scatter.add.f32 [tilespmem:s24], [sflag:$0x6], $0x40, s20, s17, $0xb8;
	[tilespmem:$0x1C040] =	vst v63  }
0x67: {  	_ =	swait.ge [sflag:s15], $0x1400  }
0x68: {  	s0 =	simm.s32 $0xC80;
	s31 =	simm.s32 $0x190;
	[sflag:s15] =	ssyncset.done $0x0  }
.LBB2_4:
0x69: {  	s1 =	sadd.s32 $0x140, s31  }
0x6a: {  	[sflag:s15] =	ssyncadd.s32 $0xFFFFEC00;
	s16 =	smov.u32 s0;
	s20 =	sadd.s32 $0x640, s0  }
0x6b: {  	[tilespmem:s24], [sflag:$0x5] =	stream.indirect.gather [hbm4b:s11+s17], $0x40, s1, s17, $0xb8;
	[tilespmem:$0x1C040] =	vst v63  }
0x6c: {  	p0 =	sne.s32 s0, $0x12C00;
	_ =	swait.ge [sflag:s25], $0x1400  }
0x6d: {  	[sflag:s25] =	ssyncset.done $0x0  }
0x6e: {  	s0 =	sadd.s32 $0x4E20, s31;
	[sflag:s25] =	ssyncadd.s32 $0xFFFFEC00  }
0x6f: {  	[spmem:s2] =	stream.indirect.scatter.add.f32 [tilespmem:s18], [sflag:$0x6], $0x40, s0, s17, $0xb8;
	[tilespmem:$0x1C040] =	vst v63  }
0x70: {  	_ =	swait.ge [sflag:s15], $0x1400  }
0x71: {  	[sflag:s15] =	ssyncset.done $0x0  }
0x72: {  	s0 =	sadd.s32 $0x190, s31;
	[sflag:s15] =	ssyncadd.s32 $0xFFFFEC00  }
0x73: {  	[tilespmem:s18], [sflag:$0x1] =	stream.indirect.gather [hbm4b:s11+s17], $0x40, s0, s17, $0xb8;
	[tilespmem:$0x1C040] =	vst v63  }
0x74: {  	_ =	swait.ge [sflag:s26], $0x1400  }
0x75: {  	[sflag:s26] =	ssyncset.done $0x0  }
0x76: {  	s0 =	sadd.s32 $0x4E70, s31;
	[sflag:s26] =	ssyncadd.s32 $0xFFFFEC00  }
0x77: {  	[spmem:s2] =	stream.indirect.scatter.add.f32 [tilespmem:s19], [sflag:$0x6], $0x40, s0, s17, $0xb8;
	[tilespmem:$0x1C040] =	vst v63  }
0x78: {  	_ =	swait.ge [sflag:s15], $0x1400  }
0x79: {  	[sflag:s15] =	ssyncset.done $0x0  }
0x7a: {  	s0 =	sadd.s32 $0x1E0, s31;
	[sflag:s15] =	ssyncadd.s32 $0xFFFFEC00  }
0x7b: {  	[tilespmem:s19], [sflag:$0x2] =	stream.indirect.gather [hbm4b:s11+s17], $0x40, s0, s17, $0xb8;
	[tilespmem:$0x1C040] =	vst v63  }
0x7c: {  	_ =	swait.ge [sflag:s28], $0x1400  }
0x7d: {  	[sflag:s28] =	ssyncset.done $0x0  }
0x7e: {  	s0 =	sadd.s32 $0x4EC0, s31;
	[sflag:s28] =	ssyncadd.s32 $0xFFFFEC00  }
0x7f: {  	[spmem:s2] =	stream.indirect.scatter.add.f32 [tilespmem:s21], [sflag:$0x6], $0x40, s0, s17, $0xb8;
	[tilespmem:$0x1C040] =	vst v63  }
0x80: {  	_ =	swait.ge [sflag:s15], $0x1400  }
0x81: {  	[sflag:s15] =	ssyncset.done $0x0  }
0x82: {  	s0 =	sadd.s32 $0x230, s31;
	[sflag:s15] =	ssyncadd.s32 $0xFFFFEC00  }
0x83: {  	[tilespmem:s21], [sflag:$0x3] =	stream.indirect.gather [hbm4b:s11+s17], $0x40, s0, s17, $0xb8;
	[tilespmem:$0x1C040] =	vst v63  }
0x84: {  	_ =	swait.ge [sflag:s29], $0x1400  }
0x85: {  	[sflag:s29] =	ssyncset.done $0x0  }
0x86: {  	s0 =	sadd.s32 $0x4F10, s31;
	[sflag:s29] =	ssyncadd.s32 $0xFFFFEC00  }
0x87: {  	[spmem:s2] =	stream.indirect.scatter.add.f32 [tilespmem:s23], [sflag:$0x6], $0x40, s0, s17, $0xb8;
	[tilespmem:$0x1C040] =	vst v63  }
0x88: {  	_ =	swait.ge [sflag:s15], $0x1400  }
0x89: {  	[sflag:s15] =	ssyncset.done $0x0  }
0x8a: {  	s0 =	sadd.s32 $0x280, s31;
	[sflag:s15] =	ssyncadd.s32 $0xFFFFEC00  }
0x8b: {  	[tilespmem:s23], [sflag:$0x4] =	stream.indirect.gather [hbm4b:s11+s17], $0x40, s0, s17, $0xb8;
	[tilespmem:$0x1C040] =	vst v63  }
0x8c: {  	_ =	swait.ge [sflag:s30], $0x1400  }
.Ltmp1:
0x8d: {  	[sflag:s30] =	ssyncset.done $0x0;
	(pc) =	sbr.rel @p0 .LBB2_4-.Ltmp1, $4  }
0x8e: {  	s0 =	sadd.s32 $0x4F60, s31;
	[sflag:s30] =	ssyncadd.s32 $0xFFFFEC00  }
0x8f: {  	[spmem:s2] =	stream.indirect.scatter.add.f32 [tilespmem:s24], [sflag:$0x6], $0x40, s0, s17, $0xb8;
	[tilespmem:$0x1C040] =	vst v63  }
0x90: {  	_ =	swait.ge [sflag:s15], $0x1400  }
0x91: {  	s31 =	sshra.s32 s16, $0x2;
	s0 =	smov.u32 s20;
	[sflag:s15] =	ssyncset.done $0x0  }
0x92: {  	s0 =	sadd.s32 $0x140, s31;
	[sflag:s15] =	ssyncadd.s32 $0xFFFFEC00  }
0x93: {  	[tilespmem:s24], [sflag:$0x5] =	stream.indirect.gather [hbm4b:s11+s17], $0x40, s0, s17, $0xb8;
	[tilespmem:$0x1C040] =	vst v63  }
0x94: {  	_ =	swait.ge [sflag:s25], $0x1400  }
0x95: {  	[sflag:s25] =	ssyncset.done $0x0  }
0x96: {  	s20 =	sadd.s32 $0x4E20, s31;
	[sflag:s25] =	ssyncadd.s32 $0xFFFFEC00  }
0x97: {  	[spmem:s2] =	stream.indirect.scatter.add.f32 [tilespmem:s18], [sflag:$0x6], $0x40, s20, s17, $0xb8;
	[tilespmem:$0x1C040] =	vst v63  }
0x98: {  	_ =	swait.ge [sflag:s15], $0x1400  }
0x99: {  	[sflag:s15] =	ssyncset.done $0x0  }
0x9a: {  	s1 =	sadd.s32 $0x190, s31;
	[sflag:s15] =	ssyncadd.s32 $0xFFFFEC00  }
0x9b: {  	[tilespmem:s18], [sflag:$0x1] =	stream.indirect.gather [hbm4b:s11+s17], $0x40, s1, s17, $0xb8;
	[tilespmem:$0x1C040] =	vst v63  }
0x9c: {  	_ =	swait.ge [sflag:s26], $0x1400  }
0x9d: {  	[sflag:s26] =	ssyncset.done $0x0  }
0x9e: {  	s16 =	sadd.s32 $0x4E70, s31;
	[sflag:s26] =	ssyncadd.s32 $0xFFFFEC00  }
0x9f: {  	[spmem:s2] =	stream.indirect.scatter.add.f32 [tilespmem:s19], [sflag:$0x6], $0x40, s16, s17, $0xb8;
	[tilespmem:$0x1C040] =	vst v63  }
0xa0: {  	_ =	swait.ge [sflag:s15], $0x1400  }
0xa1: {  	[sflag:s15] =	ssyncset.done $0x0  }
0xa2: {  	s20 =	sadd.s32 $0x1E0, s31;
	[sflag:s15] =	ssyncadd.s32 $0xFFFFEC00  }
0xa3: {  	[tilespmem:s19], [sflag:$0x2] =	stream.indirect.gather [hbm4b:s11+s17], $0x40, s20, s17, $0xb8;
	[tilespmem:$0x1C040] =	vst v63  }
0xa4: {  	_ =	swait.ge [sflag:s28], $0x1400  }
0xa5: {  	[sflag:s28] =	ssyncset.done $0x0  }
0xa6: {  	s1 =	sadd.s32 $0x4EC0, s31;
	[sflag:s28] =	ssyncadd.s32 $0xFFFFEC00  }
0xa7: {  	[spmem:s2] =	stream.indirect.scatter.add.f32 [tilespmem:s21], [sflag:$0x6], $0x40, s1, s17, $0xb8;
	[tilespmem:$0x1C040] =	vst v63  }
0xa8: {  	_ =	swait.ge [sflag:s15], $0x1400  }
0xa9: {  	[sflag:s15] =	ssyncset.done $0x0  }
0xaa: {  	s16 =	sadd.s32 $0x230, s31;
	[sflag:s15] =	ssyncadd.s32 $0xFFFFEC00  }
0xab: {  	[tilespmem:s21], [sflag:$0x3] =	stream.indirect.gather [hbm4b:s11+s17], $0x40, s16, s17, $0xb8;
	[tilespmem:$0x1C040] =	vst v63  }
0xac: {  	_ =	swait.ge [sflag:s29], $0x1400  }
0xad: {  	[sflag:s29] =	ssyncset.done $0x0  }
0xae: {  	s20 =	sadd.s32 $0x4F10, s31;
	[sflag:s29] =	ssyncadd.s32 $0xFFFFEC00  }
0xaf: {  	[spmem:s2] =	stream.indirect.scatter.add.f32 [tilespmem:s23], [sflag:$0x6], $0x40, s20, s17, $0xb8;
	[tilespmem:$0x1C040] =	vst v63  }
0xb0: {  	_ =	swait.ge [sflag:s15], $0x1400  }
0xb1: {  	[sflag:s15] =	ssyncset.done $0x0  }
0xb2: {  	s1 =	sadd.s32 $0x280, s31;
	[sflag:s15] =	ssyncadd.s32 $0xFFFFEC00  }
0xb3: {  	[tilespmem:s23], [sflag:$0x4] =	stream.indirect.gather [hbm4b:s11+s17], $0x40, s1, s17, $0xb8;
	[tilespmem:$0x1C040] =	vst v63  }
0xb4: {  	_ =	swait.ge [sflag:s30], $0x1400  }
0xb5: {  	[sflag:s30] =	ssyncset.done $0x0  }
0xb6: {  	s16 =	sadd.s32 $0x4F60, s31;
	[sflag:s30] =	ssyncadd.s32 $0xFFFFEC00  }
0xb7: {  	[spmem:s2] =	stream.indirect.scatter.add.f32 [tilespmem:s24], [sflag:$0x6], $0x40, s16, s17, $0xb8;
	[tilespmem:$0x1C040] =	vst v63  }
0xb8: {  	_ =	swait.ge [sflag:s15], $0x1400  }
0xb9: {  	[sflag:s15] =	ssyncset.done $0x0  }
0xba: {  	s20 =	simm.s32 $0x4DD0;
	[sflag:s15] =	ssyncadd.s32 $0xFFFFEC00  }
0xbb: {  	[tilespmem:s24], [sflag:$0x5] =	stream.indirect.gather [hbm4b:s11+s17], $0x40, s20, s17, $0xb8;
	[tilespmem:$0x1C040] =	vst v63  }
0xbc: {  	_ =	swait.ge [sflag:s25], $0x1400  }
0xbd: {  	[sflag:s25] =	ssyncset.done $0x0  }
0xbe: {  	s31 =	simm.s32 $0x9AB0;
	[sflag:s25] =	ssyncadd.s32 $0xFFFFEC00  }
0xbf: {  	[spmem:s2] =	stream.indirect.scatter.add.f32 [tilespmem:s18], [sflag:$0x6], $0x40, s31, s17, $0xb8;
	[tilespmem:$0x1C040] =	vst v63  }
0xc0: {  	_ =	swait.ge [sflag:s15], $0x1400  }
0xc1: {  	[sflag:s15] =	ssyncset.done $0x0  }
0xc2: {  	[sflag:s15] =	ssyncadd.s32 $0xFFFFEC00  }
0xc3: {  	_ =	swait.ge [sflag:s26], $0x1400  }
0xc4: {  	[sflag:s26] =	ssyncset.done $0x0  }
0xc5: {  	s1 =	simm.s32 $0x9B00;
	[sflag:s26] =	ssyncadd.s32 $0xFFFFEC00  }
0xc6: {  	[spmem:s2] =	stream.indirect.scatter.add.f32 [tilespmem:s19], [sflag:$0x6], $0x40, s1, s17, $0xb8;
	[tilespmem:$0x1C040] =	vst v63  }
0xc7: {  	_ =	swait.ge [sflag:s15], $0x1400  }
0xc8: {  	[sflag:s15] =	ssyncset.done $0x0  }
0xc9: {  	[sflag:s15] =	ssyncadd.s32 $0xFFFFEC00  }
0xca: {  	_ =	swait.ge [sflag:s28], $0x1400  }
0xcb: {  	[sflag:s28] =	ssyncset.done $0x0  }
0xcc: {  	s16 =	simm.s32 $0x9B50;
	[sflag:s28] =	ssyncadd.s32 $0xFFFFEC00  }
0xcd: {  	[spmem:s2] =	stream.indirect.scatter.add.f32 [tilespmem:s21], [sflag:$0x6], $0x40, s16, s17, $0xb8;
	[tilespmem:$0x1C040] =	vst v63  }
0xce: {  	_ =	swait.ge [sflag:s15], $0x1400  }
0xcf: {  	[sflag:s15] =	ssyncset.done $0x0  }
0xd0: {  	[sflag:s15] =	ssyncadd.s32 $0xFFFFEC00  }
0xd1: {  	_ =	swait.ge [sflag:s29], $0x1400  }
0xd2: {  	[sflag:s29] =	ssyncset.done $0x0  }
0xd3: {  	s20 =	simm.s32 $0x9BA0;
	[sflag:s29] =	ssyncadd.s32 $0xFFFFEC00  }
0xd4: {  	[spmem:s2] =	stream.indirect.scatter.add.f32 [tilespmem:s23], [sflag:$0x6], $0x40, s20, s17, $0xb8;
	[tilespmem:$0x1C040] =	vst v63  }
0xd5: {  	_ =	swait.ge [sflag:s15], $0x1400  }
0xd6: {  	[sflag:s15] =	ssyncset.done $0x0  }
0xd7: {  	[sflag:s15] =	ssyncadd.s32 $0xFFFFEC00  }
0xd8: {  	_ =	swait.ge [sflag:s30], $0x1400  }
0xd9: {  	[sflag:s30] =	ssyncset.done $0x0  }
0xda: {  	[sflag:s30] =	ssyncadd.s32 $0xFFFFEC00  }
0xdb: {  	[spmem:s2] =	stream.indirect.scatter.add.f32 [tilespmem:s24], [sflag:$0x6], $0x40, s22, s17, $0xb8;
	[tilespmem:$0x1C040] =	vst v63  }
0xdc: {  	s31 =	stileid.u32;
	_ =	swait.ge [sflag:s15], $0x1400  }
0xdd: {  	s3 =	sadd.s32 $0x1, s3;
	s0 =	sshll.u32 s31, $0x6;
	[sflag:s15] =	ssyncset.done $0x0  }
0xde: {  	p0 =	sne.s32 s3, s13;
	s0 =	sor.u32 $0x1C06, s0;
	[sflag:s15] =	ssyncadd.s32 $0xFFFFEC00  }
.Ltmp2:
0xdf: {  	s1 =	sshrl.u32 s4, $0x3;
	[bflag:$0x0] =	sbarrier.arrive $0xFFFF;
	(pc) =	sbr.rel @p0 .LBB2_1-.Ltmp2, $4  }
0xe0: {  	[hbm:s12], [sflag:s0] =	dma.local [spmem:s1], $0x1400  }
0xe1: {  	_ =	swait.ge [sflag:s15], $0x1400  }
0xe2: {  	[sflag:s15] =	ssyncset.done $0x0  }
0xe3: {  	[sflag:s15] =	ssyncadd.s32 $0xFFFFEC00  }
0xe4: {  	_ =	sfence.sel $0x180000  }
0xe5: {  	[bflag:$0x0] =	sbarrier.arrive $0xFFFF  }
0xe6: {  	_ =	strace $0x9000004A  }
0xe7: {  	s0 =	stileid.u32;
	[bflag:$0x2] =	sbarrier.arrive $0xFFFF  }
0xe8: {  	p0 =	sne.s32 s0, $0x0;
	s0 =	rddreg [dreg:$0x3]  }
0xe9: {  	s0 =	sadd.s32 @!p0 $0x100000, s0  }
0xea: {  	[sflag:s0] =	ssyncadd.tile.s32 @!p0 $0x1;
	_ =	shalt  }
.Lfunc_end2:
_tile_overlayer_lowered:
.L_overlay_start_2:
0xeb: {  	(tag) =	ssettag $0x2  }
0xec: {  	s0 =	rddreg [dreg:$0x0];
	s2 =	stileid.u32  }
0xed: {  	s1 =	rddreg [dreg:$0x1];
	p0 =	sne.s32 s2, $0x0  }
0xee: {  	s3 =	rddreg [dreg:$0x2];
	[bflag:$0x3] =	sbarrier.arrive $0xFFFF;
	s2 =	simm.s32 @!p0 $0x1C06  }
0xef: {  	[timem:s3], [sflag:s2] =	dma.local @!p0 [hbm:s0], s1  }
0xf0: {  	s0 =	simm.s32 @!p0 $0x6  }
0xf1: {  	_ =	swait.ge @!p0 [sflag:s0], s1  }
0xf2: {  	s1 =	ssub.s32 @!p0 $0x0, s1;
	[sflag:s0] =	ssyncset.done @!p0 $0x0  }
0xf3: {  	[sflag:s0] =	ssyncadd.s32 @!p0 s1  }
0xf4: {  	[bflag:$0x3] =	sbarrier.arrive $0xFFFF  }
0xf5: {  	_ =	shalt  }

// kernel: kernel.18.cloned.1.call-start
scs
__scs_entry_jumppad:
0x0: {  	(pc) =	sbr.rel $0x88, $3  }
0x1: {  	(tag) =	ssettag $0x0;
	lr =	simm.s32 $0x1  }
0x2: {  	[smem:$0x3F8D] =	sst lr;
	_ =	strace $0xD0000000  }
0x3: {  	_ = 	snop  }
0x4: {  	_ = 	snop  }
0x5: {  	_ = 	snop  }
0x6: {  	_ = 	snop  }
0x7: {  	_ = 	snop  }
__scs_overlays_trampoline_lowered:
0x8: {  	[smem:$0x3F9C] =	sst s0  }
0x9: {  	[smem:$0x3F9D] =	sst s1  }
0xa: {  	[smem:$0x3F9E] =	sst s2  }
0xb: {  	[smem:$0x3F9F] =	sst s3  }
0xc: {  	[smem:$0x3FA0] =	sst s4  }
0xd: {  	[smem:$0x3FA1] =	sst s5  }
0xe: {  	[smem:$0x3FA2] =	sst s6  }
0xf: {  	[smem:$0x3FA3] =	sst s7  }
0x10: {  	[smem:$0x3FA4] =	sst s8  }
0x11: {  	[smem:$0x3FA5] =	sst s9;
	s0 =	simm.s32 @!p0 $0x0  }
0x12: {  	s1 =	sld [smem:$0x3F8B];
	s0 =	simm.s32 @p0 $0x1  }
0x13: {  	[smem:$0x3FA6] =	sst s0;
	s0 =	simm.s32 @!p1 $0x0  }
0x14: {  	s2 =	sld [smem:$0x3F8A];
	s0 =	simm.s32 @p1 $0x1  }
0x15: {  	[smem:$0x3FA7] =	sst s0;
	s0 =	simm.s32 @!p2 $0x0  }
0x16: {  	s3 =	sld [smem:$0x3FDB];
	s0 =	simm.s32 @p2 $0x1  }
0x17: {  	s4 =	simm.s32 $0x1BF5;
	[smem:$0x3FA9] =	sst s0  }
0x18: {  	s0 =	sld [smem:$0x3F8C];
	_ =	swait.ge [sflag:s4], $0x0  }
0x19: {  	s7 =	sld [smem:$0x3F8D]  }
0x1a: {  	s8 =	sadd.s32 $0xFFFFE003, lr  }
0x1b: {  	s9 =	sadd.s32 $0xFFFFFEF7, lr;
	s5 =	simm.s32 $0xFFFFFFFF;
	p2 =	slt.u32 s8, $0xFFFFF086  }
0x1c: {  	p1 =	slt.u32 s9, $0xF7A;
	s5 =	simm.s32 @!p2 $0x0  }
0x1d: {  	s5 =	simm.s32 @p1 $0x1;
	p0 =	seq.s32 s7, s2  }
0x1e: {  	s7 =	smul.u32 @!p0 $0xF7A, s2;
	p2 =	seq.s32 @!p0 s5, $0x0  }
0x1f: {  	s9 =	smul.u32 $0xF7A, s1;
	s8 =	simm.s32 @!p0 $0x1BF5;
	p2 =	por !p2, p0  }
0x20: {  	[sflag:s8] =	ssyncset.s32 @!p0 $0xFFFFF086;
	s6 =	sadd.s32 @!p0 s3, s7;
	s7 =	simm.s32 @!p0 $0x108  }
0x21: {  	s3 =	sadd.s32 s3, s9;
	s6 =	sadd.s32 @!p0 $0x88, s6;
	s7 =	simm.s32 @p2 $0x1082  }
0x22: {  	[simem:s7], [sflag:s8] =	dma.local @!p0 [hbm:s6], $0xF7A  }
0x23: {  	s9 =	sor.u32 $0xD0000000, s2;
	s6 =	simm.s32 $0x108;
	_ =	swait.ge @!p0 [sflag:s8], $0x0  }
0x24: {  	s3 =	sadd.s32 $0x88, s3;
	s6 =	simm.s32 @!p1 $0x1082;
	[sflag:s4] =	ssyncset.s32 $0xFFFFF086  }
0x25: {  	[simem:s6], [sflag:s4] =	dma.local [hbm:s3], $0xF7A  }
0x26: {  	[smem:$0x3F8D] =	sst s1;
	(tag) =	ssettag s2;
	_ =	strace s9  }
0x27: {  	s1 =	sld [smem:$0x3F9D]  }
0x28: {  	s2 =	sld [smem:$0x3F9E]  }
0x29: {  	s4 =	sld [smem:$0x3FA0]  }
0x2a: {  	p0 =	seq.s32 s5, $0x0;
	s5 =	sld [smem:$0x3FA1]  }
0x2b: {  	s6 =	sld [smem:$0x3FA2]  }
0x2c: {  	s7 =	sld [smem:$0x3FA3]  }
0x2d: {  	s3 =	simm.s32 $0x108;
	s8 =	sld [smem:$0x3FA4]  }
0x2e: {  	s3 =	simm.s32 @!p0 $0x1082;
	s9 =	sld [smem:$0x3FA5]  }
0x2f: {  	lr =	sadd.s32 s0, s3;
	s0 =	sld [smem:$0x3F9C]  }
0x30: {  	s3 =	sld [smem:$0x3F9F]  }
0x31: {  	[smem:$0x3FA8] =	sst s10  }
0x32: {  	s10 =	sld [smem:$0x3FA6];
	_ =	sdelay $0x3  }
0x33: {  	p0 =	seq.s32 s10, $0x1;
	s10 =	sld [smem:$0x3FA8];
	_ =	sdelay $0x3  }
0x34: {  	[smem:$0x3FA8] =	sst s10  }
0x35: {  	s10 =	sld [smem:$0x3FA7];
	_ =	sdelay $0x3  }
0x36: {  	p1 =	seq.s32 s10, $0x1;
	s10 =	sld [smem:$0x3FA8];
	_ =	sdelay $0x3  }
0x37: {  	[smem:$0x3FA8] =	sst s10  }
0x38: {  	s10 =	sld [smem:$0x3FA9]  }
0x39: {  	_ = 	snop;
	(pc) =	sbr.ind lr, $3  }
0x3a: {  	_ = 	snop  }
0x3b: {  	_ = 	snop  }
0x3c: {  	p2 =	seq.s32 s10, $0x1;
	s10 =	sld [smem:$0x3FA8]  }
0x3d: {  	_ =	shalt  }
0x3e: {  	_ =	shalt  }
0x3f: {  	_ =	shalt  }
0x40: {  	_ =	shalt  }
0x41: {  	_ =	shalt  }
0x42: {  	_ =	shalt  }
0x43: {  	_ =	shalt  }
0x44: {  	_ =	shalt  }
0x45: {  	_ =	shalt  }
0x46: {  	_ =	shalt  }
0x47: {  	_ =	shalt  }
0x48: {  	_ =	shalt  }
0x49: {  	_ =	shalt  }
0x4a: {  	_ =	shalt  }
0x4b: {  	_ =	shalt  }
0x4c: {  	_ =	shalt  }
0x4d: {  	_ =	shalt  }
0x4e: {  	_ =	shalt  }
0x4f: {  	_ =	shalt  }
0x50: {  	_ =	shalt  }
0x51: {  	_ =	shalt  }
0x52: {  	_ =	shalt  }
0x53: {  	_ =	shalt  }
0x54: {  	_ =	shalt  }
0x55: {  	_ =	shalt  }
0x56: {  	_ =	shalt  }
0x57: {  	_ =	shalt  }
0x58: {  	_ =	shalt  }
0x59: {  	_ =	shalt  }
0x5a: {  	_ =	shalt  }
0x5b: {  	_ =	shalt  }
0x5c: {  	_ =	shalt  }
0x5d: {  	_ =	shalt  }
0x5e: {  	_ =	shalt  }
0x5f: {  	_ =	shalt  }
0x60: {  	_ =	shalt  }
0x61: {  	_ =	shalt  }
0x62: {  	_ =	shalt  }
0x63: {  	_ =	shalt  }
0x64: {  	_ =	shalt  }
0x65: {  	_ =	shalt  }
0x66: {  	_ =	shalt  }
0x67: {  	_ =	shalt  }
0x68: {  	_ =	shalt  }
0x69: {  	_ =	shalt  }
0x6a: {  	_ =	shalt  }
0x6b: {  	_ =	shalt  }
0x6c: {  	_ =	shalt  }
0x6d: {  	_ =	shalt  }
0x6e: {  	_ =	shalt  }
0x6f: {  	_ =	shalt  }
0x70: {  	_ =	shalt  }
0x71: {  	_ =	shalt  }
0x72: {  	_ =	shalt  }
0x73: {  	_ =	shalt  }
0x74: {  	_ =	shalt  }
0x75: {  	_ =	shalt  }
0x76: {  	_ =	shalt  }
0x77: {  	_ =	shalt  }
0x78: {  	_ =	shalt  }
0x79: {  	_ =	shalt  }
0x7a: {  	_ =	shalt  }
0x7b: {  	_ =	shalt  }
0x7c: {  	_ =	shalt  }
0x7d: {  	_ =	shalt  }
0x7e: {  	_ =	shalt  }
0x7f: {  	_ =	shalt  }
0x80: {  	_ =	shalt  }
0x81: {  	_ =	shalt  }
0x82: {  	_ =	shalt  }
0x83: {  	_ =	shalt  }
0x84: {  	_ =	shalt  }
0x85: {  	_ =	shalt  }
0x86: {  	_ =	shalt  }
0x87: {  	_ =	shalt  }
.Lfunc_end0:
.L_simem_size_0:
called_computation.2_lowered:
.L_overlay_start_0:
0x88: {  	s2 =	sld [smem:$0x3FD9]  }
0x89: {  	s3 =	sld [smem:$0x3FFE];
	_ =	sdelay $0x1  }
0x8a: {  	s1 =	srdreg.scid  }
0x8b: {  	s0 =	sand.u32 $0x1, s1  }
0x8c: {  	s14 =	sshll.u32 s0, $0xA;
	s2 =	sadd.s32 s3, s2  }
0x8d: {  	s2 =	sadd.s32 s2, s14  }
0x8e: {  	[smem:$0x3FB4] =	sst s2  }
0x8f: {  	_ = 	snop  }
0x90: {  	s2 =	sld [smem:$0x3FD0];
	_ =	sdelay $0x2  }
0x91: {  	s15 =	simm.s32 $0xA;
	s4 =	simm.s32 $0x10  }
0x92: {  	[smem:s4], [sflag:s15] =	dma.local [hbm:s2], $0x1  }
0x93: {  	_ =	swait.eq [sflag:s15], $0x1  }
0x94: {  	[sflag:s15] =	ssyncset.done $0x0  }
0x95: {  	[sflag:s15] =	ssyncadd.s32 $0xFFFFFFFF  }
0x96: {  	s16 =	sld [smem:$0x13];
	(tm) =	ssettm $0x1  }
0x97: {  	s17 =	sld [smem:$0x3FFB];
	_ =	sdelay $0x3  }
0x98: {  	_ =	strace s17  }
0x99: {  	s3 =	sld [smem:$0x3FFC];
	_ =	sdelay $0x3  }
0x9a: {  	_ =	strace s3  }
0x9b: {  	s3 =	sld [smem:$0x3FFD];
	_ =	sdelay $0x3  }
0x9c: {  	_ =	strace s3  }
0x9d: {  	_ =	strace $0x8FFFFFFF  }
0x9e: {  	s18 =	sld [smem:$0x3FDB];
	_ =	sdelay $0x1  }
0x9f: {  	s19 =	simm.s32 $_scs_section_size  }
0xa0: {  	s5 =	simm.s32 $_size__tile_overlayer_lowered;
	s6 =	simm.s32 $_tile_overlayer_lowered  }
0xa1: {  	s22 =	simm.s32 $0x1BFF;
	s21 =	sshll.u32 s6, $0x1;
	s3 =	sadd.s32 s19, s18  }
0xa2: {  	s7 =	simm.s32 $0x0;
	s20 =	sshll.u32 s5, $0x1;
	s5 =	sadd.s32 s21, s3  }
0xa3: {  	[timem:s7], [sflag:s22] =	dma.local [hbm:s5], s20  }
0xa4: {  	_ =	swait.ge [sflag:s22], s20  }
0xa5: {  	s4 =	ssub.s32 $0x0, s20;
	[sflag:s22] =	ssyncset.done $0x0  }
0xa6: {  	[sflag:s22] =	ssyncadd.s32 s4;
	_ =	sdelay $0x1  }
0xa7: {  	s23 =	simm.s32 $0x1B8B  }
0xa8: {  	_ =	swait.ge [sflag:s23], $0x1  }
0xa9: {  	[sflag:s23] =	ssyncset.done $0x0  }
0xaa: {  	s25 =	simm.s32 $0x1B8E;
	s24 =	sld [smem:$0x3FFE];
	[sflag:s23] =	ssyncadd.s32 $0xFFFFFFFF  }
0xab: {  	s26 =	simm.s32 $execute0_lowered;
	[smem:$0x3FD2] =	sst s25  }
0xac: {  	s5 =	sshll.u32 s26, $0x1;
	_ =	strace $0x8000004C;
	[dreg:$0x1] =	wrdreg $0xFFFFFFFF  }
0xad: {  	s28 =	simm.s32 $_size_execute0_lowered;
	s3 =	sadd.s32 s3, s5;
	[dreg:$0x0] =	wrdreg $0x0  }
0xae: {  	s5 =	sshll.u32 s28, $0x1;
	[dreg:$0x2] =	wrdreg s3  }
0xaf: {  	[dreg:$0x3] =	wrdreg s5  }
0xb0: {  	[dreg:$0x4] =	wrdreg $0xC0  }
0xb1: {  	_ =	task [dreg:s7], $0x5FFFF  }
0xb2: {  	[dreg:$0x1] =	wrdreg $0xFFFFFFFF  }
0xb3: {  	[dreg:$0x0] =	wrdreg $0x60  }
0xb4: {  	[dreg:$0x2] =	wrdreg s16  }
0xb5: {  	[dreg:$0x3] =	wrdreg s24  }
0xb6: {  	[dreg:$0x4] =	wrdreg $0x120400  }
0xb7: {  	[dreg:$0x5] =	wrdreg $0x9  }
0xb8: {  	_ =	task.clear_ibuf [dreg:s7], $0x6FFFF;
	_ =	strace $0x9000004C  }
0xb9: {  	s29 =	simm.s32 $0x9;
	_ =	strace $0x8000004E  }
0xba: {  	_ =	swait.ge [sflag:s29], $0x1  }
0xbb: {  	[sflag:s29] =	ssyncadd.s32 $0xFFFFFFFF  }
0xbc: {  	_ =	strace $0x9000004E  }
0xbd: {  	_ =	sfence  }
0xbe: {  	s30 =	sld [smem:$0x0];
	_ =	sdelay $0x2  }
0xbf: {  	s31 =	sshll.u32 s1, $0xD;
	s1 =	sshrl.u32 s1, $0x2  }
0xc0: {  	s3 =	sand.u32 $0x4000, s31;
	s1 =	sadd.s32 s1, s30  }
0xc1: {  	s0 =	sor.u32 s3, s0;
	s1 =	sshll.u32 s1, $0x11  }
0xc2: {  	s0 =	sor.u32 s1, s0  }
0xc3: {  	s0 =	sadd.s32 $0x8F2B, s0  }
0xc4: {  	[sflag:s0] =	ssyncadd.remote.s32 $0x1  }
0xc5: {  	_ =	sfence.sel $0xFFFF  }
0xc6: {  	[dreg:$0x0] =	wrdreg $0xFFFFFFFF;
	(pc) =	sbr.abs _section_cstart, $3  }
0xc7: {  	[dreg:$0x1] =	wrdreg $0xFFFFFFFF  }
0xc8: {  	_ =	task.clear_ibuf [dreg:s7], $0x2FFFF;
	_ =	strace $0x9FFFFFFF  }
0xc9: {  	(tm) =	ssettm $0x7FFFFFFF  }
tec
execute0_lowered:
.L_overlay_start_1:
0x0: {  	(tag) =	ssettag $0x1  }
0x1: {  	s0 =	rddreg [dreg:$0x0]  }
0x2: {  	s1 =	rddreg [dreg:$0x1]  }
0x3: {  	s2 =	rddreg [dreg:$0x2]  }
0x4: {  	s8 =	stileid.u32;
	s5 =	srdreg.scid;
	s3 =	simm.s32 $0x0  }
0x5: {  	s14 =	simm.s32 $0x10040;
	s15 =	simm.s32 $0x6;
	s17 =	simm.s32 $0x50  }
0x6: {  	s18 =	simm.s32 $0x9C40;
	s19 =	simm.s32 $0xB040;
	s21 =	simm.s32 $0xC440  }
0x7: {  	s23 =	simm.s32 $0xD840;
	s24 =	simm.s32 $0xEC40;
	s4 =	smul.u32 $0x4E20, s8  }
0x8: {  	s28 =	simm.s32 $0x3;
	s29 =	simm.s32 $0x4;
	s25 =	smul.u32 $0xA000, s8  }
0x9: {  	s30 =	simm.s32 $0x5;
	s6 =	sand.u32 $0x1, s5;
	s8 =	smul.u32 $0x28000, s8  }
0xa: {  	s22 =	simm.s32 $0x9BF0;
	[smem:$0x7FF] =	sst s3;
	s7 =	smul.u32 $0xA0000, s6  }
0xb: {  	_ =	strace $0x8000004D;
	s31 =	ssub.s32 $0x2, s6;
	s11 =	smul.u32 $0x13880, s6  }
0xc: {  	s4 =	sshrl.u32 s4, $0x3;
	s9 =	sshrl.u32 s31, $0x1;
	s8 =	sshrl.u32 s8, $0x2  }
0xd: {  	s10 =	sadd.s32 s4, s1;
	s26 =	sadd.s32 s25, s7;
	s13 =	ssub.s32 s31, s9  }
0xe: {  	s8 =	sadd.s32 s8, s2;
	s11 =	sadd.s32 s0, s11;
	s4 =	sshrl.u32 s26, $0x3  }
0xf: {  	s5 =	sadd.s32 $0x2000, s8;
	s6 =	sadd.s32 $0x4000, s8;
	s7 =	sadd.s32 $0x6000, s8  }
0x10: {  	s8 =	sadd.s32 $0x8000, s8;
	s9 =	sadd.s32 $0x5400, s10;
	s10 =	sadd.s32 $0xF040, s10  }
0x11: {  	s13 =	smax.u32 s13, $0x1;
	s26 =	simm.s32 $0x2;
	s1 =	sadd.s32 s4, s1  }
0x12: {  	v0 =	vimm.f32 $0.0e+00;
	s4 =	sadd.s32 s25, s2;
	s25 =	simm.s32 $0x1;
	s12 =	sadd.s32 $0x67000, s1  }
.LBB2_1:
0x13: {  	s16 =	simm.s32 $0x100;
	s0 =	simm.s32 $0x0  }
.LBB2_2:
0x14: {  	p0 =	sne.s32 s16, $0x7F00;
	[tilespmem:s0+$0x10070] =	vst v0;
	s20 =	smov.u32 s16;
	s16 =	sadd.s32 $0x100, s16  }
.Ltmp0:
0x15: {  	[tilespmem:s0+$0x10060] =	vst v0;
	(pc) =	sbr.rel @p0 .LBB2_2-.Ltmp0, $3  }
0x16: {  	[tilespmem:s0+$0x10040] =	vst v0  }
0x17: {  	[tilespmem:s0+$0x10050] =	vst v0;
	_ =	sdelay $0x1  }
0x18: {  	s0 =	sshra.s32 s20, $0x2  }
0x19: {  	[tilespmem:s0+$0x10070] =	vst v0  }
0x1a: {  	[tilespmem:s0+$0x10060] =	vst v0  }
0x1b: {  	[tilespmem:s0+$0x10040] =	vst v0  }
0x1c: {  	[tilespmem:s0+$0x10050] =	vst v0  }
0x1d: {  	[spmem:s4] =	stream.linear.scatter [tilespmem:s14], [sflag:$0x6], $0x2000, $0x38;
	[tilespmem:$0x1C040] =	vst v63  }
0x1e: {  	_ =	swait.ge [sflag:s15], $0x2000  }
0x1f: {  	[sflag:s15] =	ssyncset.done $0x0  }
0x20: {  	[sflag:s15] =	ssyncadd.s32 $0xFFFFE000  }
0x21: {  	[spmem:s5] =	stream.linear.scatter [tilespmem:s14], [sflag:$0x6], $0x2000, $0x38;
	[tilespmem:$0x1C040] =	vst v63  }
0x22: {  	_ =	swait.ge [sflag:s15], $0x2000  }
0x23: {  	[sflag:s15] =	ssyncset.done $0x0  }
0x24: {  	[sflag:s15] =	ssyncadd.s32 $0xFFFFE000  }
0x25: {  	[spmem:s6] =	stream.linear.scatter [tilespmem:s14], [sflag:$0x6], $0x2000, $0x38;
	[tilespmem:$0x1C040] =	vst v63  }
0x26: {  	_ =	swait.ge [sflag:s15], $0x2000  }
0x27: {  	[sflag:s15] =	ssyncset.done $0x0  }
0x28: {  	[sflag:s15] =	ssyncadd.s32 $0xFFFFE000  }
0x29: {  	[spmem:s7] =	stream.linear.scatter [tilespmem:s14], [sflag:$0x6], $0x2000, $0x38;
	[tilespmem:$0x1C040] =	vst v63  }
0x2a: {  	_ =	swait.ge [sflag:s15], $0x2000  }
0x2b: {  	[sflag:s15] =	ssyncset.done $0x0  }
0x2c: {  	[sflag:s15] =	ssyncadd.s32 $0xFFFFE000  }
0x2d: {  	[spmem:s8] =	stream.linear.scatter [tilespmem:s14], [sflag:$0x6], $0x2000, $0x38;
	[tilespmem:$0x1C040] =	vst v63  }
0x2e: {  	_ =	swait.ge [sflag:s15], $0x2000  }
0x2f: {  	[sflag:s15] =	ssyncset.done $0x0  }
0x30: {  	[sflag:s15] =	ssyncadd.s32 $0xFFFFE000  }
0x31: {  	s20 =	simm.s32 $0x0;
	[bflag:$0x0] =	sbarrier.arrive $0xFFFF  }
0x32: {  	[tilespmem:s20], [sflag:$0x6] =	stream.linear.gather [hbm4b:s9+s20], $0x4E20, $0x38;
	[tilespmem:$0x1C040] =	vst v63  }
0x33: {  	_ =	swait.ge [sflag:s15], $0x4E20  }
0x34: {  	[sflag:s15] =	ssyncset.done $0x0  }
0x35: {  	s1 =	simm.s32 $0x4E20;
	[sflag:s15] =	ssyncadd.s32 $0xFFFFB1E0  }
0x36: {  	[tilespmem:s1], [sflag:$0x6] =	stream.linear.gather [hbm4b:s10+s20], $0x4E20, $0x38;
	[tilespmem:$0x1C040] =	vst v63  }
0x37: {  	_ =	swait.ge [sflag:s15], $0x4E20  }
0x38: {  	[sflag:s15] =	ssyncset.done $0x0  }
0x39: {  	[sflag:s15] =	ssyncadd.s32 $0xFFFFB1E0  }
0x3a: {  	[tilespmem:s18], [sflag:$0x1] =	stream.indirect.gather [hbm4b:s11+s17], $0x40, s20, s17, $0xb8;
	[tilespmem:$0x1C040] =	vst v63  }
0x3b: {  	_ = 	snop  }
0x3c: {  	[tilespmem:s19], [sflag:$0x2] =	stream.indirect.gather [hbm4b:s11+s17], $0x40, s17, s17, $0xb8;
	[tilespmem:$0x1C040] =	vst v63  }
0x3d: {  	s1 =	simm.s32 $0xA0  }
0x3e: {  	[tilespmem:s21], [sflag:$0x3] =	stream.indirect.gather [hbm4b:s11+s17], $0x40, s1, s17, $0xb8;
	[tilespmem:$0x1C040] =	vst v63  }
0x3f: {  	s16 =	simm.s32 $0xF0  }
0x40: {  	[tilespmem:s23], [sflag:$0x4] =	stream.indirect.gather [hbm4b:s11+s17], $0x40, s16, s17, $0xb8;
	[tilespmem:$0x1C040] =	vst v63  }
0x41: {  	s20 =	simm.s32 $0x140  }
0x42: {  	[tilespmem:s24], [sflag:$0x5] =	stream.indirect.gather [hbm4b:s11+s17], $0x40, s20, s17, $0xb8;
	[tilespmem:$0x1C040] =	vst v63  }
0x43: {  	_ =	swait.ge [sflag:s25], $0x1400  }
0x44: {  	[sflag:s25] =	ssyncset.done $0x0  }
0x45: {  	s1 =	simm.s32 $0x4E20;
	[sflag:s25] =	ssyncadd.s32 $0xFFFFEC00  }
0x46: {  	[spmem:s2] =	stream.indirect.scatter.add.f32 [tilespmem:s18], [sflag:$0x6], $0x40, s1, s17, $0xb8;
	[tilespmem:$0x1C040] =	vst v63  }
0x47: {  	_ =	swait.ge [sflag:s15], $0x1400  }
0x48: {  	[sflag:s15] =	ssyncset.done $0x0  }
0x49: {  	s16 =	simm.s32 $0x190;
	[sflag:s15] =	ssyncadd.s32 $0xFFFFEC00  }
0x4a: {  	[tilespmem:s18], [sflag:$0x1] =	stream.indirect.gather [hbm4b:s11+s17], $0x40, s16, s17, $0xb8;
	[tilespmem:$0x1C040] =	vst v63  }
0x4b: {  	_ =	swait.ge [sflag:s26], $0x1400  }
0x4c: {  	[sflag:s26] =	ssyncset.done $0x0  }
0x4d: {  	s20 =	simm.s32 $0x4E70;
	[sflag:s26] =	ssyncadd.s32 $0xFFFFEC00  }
0x4e: {  	[spmem:s2] =	stream.indirect.scatter.add.f32 [tilespmem:s19], [sflag:$0x6], $0x40, s20, s17, $0xb8;
	[tilespmem:$0x1C040] =	vst v63  }
0x4f: {  	_ =	swait.ge [sflag:s15], $0x1400  }
0x50: {  	[sflag:s15] =	ssyncset.done $0x0  }
0x51: {  	s1 =	simm.s32 $0x1E0;
	[sflag:s15] =	ssyncadd.s32 $0xFFFFEC00  }
0x52: {  	[tilespmem:s19], [sflag:$0x2] =	stream.indirect.gather [hbm4b:s11+s17], $0x40, s1, s17, $0xb8;
	[tilespmem:$0x1C040] =	vst v63  }
0x53: {  	_ =	swait.ge [sflag:s28], $0x1400  }
0x54: {  	[sflag:s28] =	ssyncset.done $0x0  }
0x55: {  	s16 =	simm.s32 $0x4EC0;
	[sflag:s28] =	ssyncadd.s32 $0xFFFFEC00  }
0x56: {  	[spmem:s2] =	stream.indirect.scatter.add.f32 [tilespmem:s21], [sflag:$0x6], $0x40, s16, s17, $0xb8;
	[tilespmem:$0x1C040] =	vst v63  }
0x57: {  	_ =	swait.ge [sflag:s15], $0x1400  }
0x58: {  	[sflag:s15] =	ssyncset.done $0x0  }
0x59: {  	s20 =	simm.s32 $0x230;
	[sflag:s15] =	ssyncadd.s32 $0xFFFFEC00  }
0x5a: {  	[tilespmem:s21], [sflag:$0x3] =	stream.indirect.gather [hbm4b:s11+s17], $0x40, s20, s17, $0xb8;
	[tilespmem:$0x1C040] =	vst v63  }
0x5b: {  	_ =	swait.ge [sflag:s29], $0x1400  }
0x5c: {  	[sflag:s29] =	ssyncset.done $0x0  }
0x5d: {  	s1 =	simm.s32 $0x4F10;
	[sflag:s29] =	ssyncadd.s32 $0xFFFFEC00  }
0x5e: {  	[spmem:s2] =	stream.indirect.scatter.add.f32 [tilespmem:s23], [sflag:$0x6], $0x40, s1, s17, $0xb8;
	[tilespmem:$0x1C040] =	vst v63  }
0x5f: {  	_ =	swait.ge [sflag:s15], $0x1400  }
0x60: {  	[sflag:s15] =	ssyncset.done $0x0  }
0x61: {  	s16 =	simm.s32 $0x280;
	[sflag:s15] =	ssyncadd.s32 $0xFFFFEC00  }
0x62: {  	[tilespmem:s23], [sflag:$0x4] =	stream.indirect.gather [hbm4b:s11+s17], $0x40, s16, s17, $0xb8;
	[tilespmem:$0x1C040] =	vst v63  }
0x63: {  	_ =	swait.ge [sflag:s30], $0x1400  }
0x64: {  	[sflag:s30] =	ssyncset.done $0x0  }
0x65: {  	s20 =	simm.s32 $0x4F60;
	[sflag:s30] =	ssyncadd.s32 $0xFFFFEC00  }
0x66: {  	[spmem:s2] =	stream.indirect.scatter.add.f32 [tilespmem:s24], [sflag:$0x6], $0x40, s20, s17, $0xb8;
	[tilespmem:$0x1C040] =	vst v63  }
0x67: {  	_ =	swait.ge [sflag:s15], $0x1400  }
0x68: {  	s0 =	simm.s32 $0xC80;
	s31 =	simm.s32 $0x190;
	[sflag:s15] =	ssyncset.done $0x0  }
.LBB2_4:
0x69: {  	s1 =	sadd.s32 $0x140, s31  }
0x6a: {  	[sflag:s15] =	ssyncadd.s32 $0xFFFFEC00;
	s16 =	smov.u32 s0;
	s20 =	sadd.s32 $0x640, s0  }
0x6b: {  	[tilespmem:s24], [sflag:$0x5] =	stream.indirect.gather [hbm4b:s11+s17], $0x40, s1, s17, $0xb8;
	[tilespmem:$0x1C040] =	vst v63  }
0x6c: {  	p0 =	sne.s32 s0, $0x12C00;
	_ =	swait.ge [sflag:s25], $0x1400  }
0x6d: {  	[sflag:s25] =	ssyncset.done $0x0  }
0x6e: {  	s0 =	sadd.s32 $0x4E20, s31;
	[sflag:s25] =	ssyncadd.s32 $0xFFFFEC00  }
0x6f: {  	[spmem:s2] =	stream.indirect.scatter.add.f32 [tilespmem:s18], [sflag:$0x6], $0x40, s0, s17, $0xb8;
	[tilespmem:$0x1C040] =	vst v63  }
0x70: {  	_ =	swait.ge [sflag:s15], $0x1400  }
0x71: {  	[sflag:s15] =	ssyncset.done $0x0  }
0x72: {  	s0 =	sadd.s32 $0x190, s31;
	[sflag:s15] =	ssyncadd.s32 $0xFFFFEC00  }
0x73: {  	[tilespmem:s18], [sflag:$0x1] =	stream.indirect.gather [hbm4b:s11+s17], $0x40, s0, s17, $0xb8;
	[tilespmem:$0x1C040] =	vst v63  }
0x74: {  	_ =	swait.ge [sflag:s26], $0x1400  }
0x75: {  	[sflag:s26] =	ssyncset.done $0x0  }
0x76: {  	s0 =	sadd.s32 $0x4E70, s31;
	[sflag:s26] =	ssyncadd.s32 $0xFFFFEC00  }
0x77: {  	[spmem:s2] =	stream.indirect.scatter.add.f32 [tilespmem:s19], [sflag:$0x6], $0x40, s0, s17, $0xb8;
	[tilespmem:$0x1C040] =	vst v63  }
0x78: {  	_ =	swait.ge [sflag:s15], $0x1400  }
0x79: {  	[sflag:s15] =	ssyncset.done $0x0  }
0x7a: {  	s0 =	sadd.s32 $0x1E0, s31;
	[sflag:s15] =	ssyncadd.s32 $0xFFFFEC00  }
0x7b: {  	[tilespmem:s19], [sflag:$0x2] =	stream.indirect.gather [hbm4b:s11+s17], $0x40, s0, s17, $0xb8;
	[tilespmem:$0x1C040] =	vst v63  }
0x7c: {  	_ =	swait.ge [sflag:s28], $0x1400  }
0x7d: {  	[sflag:s28] =	ssyncset.done $0x0  }
0x7e: {  	s0 =	sadd.s32 $0x4EC0, s31;
	[sflag:s28] =	ssyncadd.s32 $0xFFFFEC00  }
0x7f: {  	[spmem:s2] =	stream.indirect.scatter.add.f32 [tilespmem:s21], [sflag:$0x6], $0x40, s0, s17, $0xb8;
	[tilespmem:$0x1C040] =	vst v63  }
0x80: {  	_ =	swait.ge [sflag:s15], $0x1400  }
0x81: {  	[sflag:s15] =	ssyncset.done $0x0  }
0x82: {  	s0 =	sadd.s32 $0x230, s31;
	[sflag:s15] =	ssyncadd.s32 $0xFFFFEC00  }
0x83: {  	[tilespmem:s21], [sflag:$0x3] =	stream.indirect.gather [hbm4b:s11+s17], $0x40, s0, s17, $0xb8;
	[tilespmem:$0x1C040] =	vst v63  }
0x84: {  	_ =	swait.ge [sflag:s29], $0x1400  }
0x85: {  	[sflag:s29] =	ssyncset.done $0x0  }
0x86: {  	s0 =	sadd.s32 $0x4F10, s31;
	[sflag:s29] =	ssyncadd.s32 $0xFFFFEC00  }
0x87: {  	[spmem:s2] =	stream.indirect.scatter.add.f32 [tilespmem:s23], [sflag:$0x6], $0x40, s0, s17, $0xb8;
	[tilespmem:$0x1C040] =	vst v63  }
0x88: {  	_ =	swait.ge [sflag:s15], $0x1400  }
0x89: {  	[sflag:s15] =	ssyncset.done $0x0  }
0x8a: {  	s0 =	sadd.s32 $0x280, s31;
	[sflag:s15] =	ssyncadd.s32 $0xFFFFEC00  }
0x8b: {  	[tilespmem:s23], [sflag:$0x4] =	stream.indirect.gather [hbm4b:s11+s17], $0x40, s0, s17, $0xb8;
	[tilespmem:$0x1C040] =	vst v63  }
0x8c: {  	_ =	swait.ge [sflag:s30], $0x1400  }
.Ltmp1:
0x8d: {  	[sflag:s30] =	ssyncset.done $0x0;
	(pc) =	sbr.rel @p0 .LBB2_4-.Ltmp1, $4  }
0x8e: {  	s0 =	sadd.s32 $0x4F60, s31;
	[sflag:s30] =	ssyncadd.s32 $0xFFFFEC00  }
0x8f: {  	[spmem:s2] =	stream.indirect.scatter.add.f32 [tilespmem:s24], [sflag:$0x6], $0x40, s0, s17, $0xb8;
	[tilespmem:$0x1C040] =	vst v63  }
0x90: {  	_ =	swait.ge [sflag:s15], $0x1400  }
0x91: {  	s31 =	sshra.s32 s16, $0x2;
	s0 =	smov.u32 s20;
	[sflag:s15] =	ssyncset.done $0x0  }
0x92: {  	s0 =	sadd.s32 $0x140, s31;
	[sflag:s15] =	ssyncadd.s32 $0xFFFFEC00  }
0x93: {  	[tilespmem:s24], [sflag:$0x5] =	stream.indirect.gather [hbm4b:s11+s17], $0x40, s0, s17, $0xb8;
	[tilespmem:$0x1C040] =	vst v63  }
0x94: {  	_ =	swait.ge [sflag:s25], $0x1400  }
0x95: {  	[sflag:s25] =	ssyncset.done $0x0  }
0x96: {  	s20 =	sadd.s32 $0x4E20, s31;
	[sflag:s25] =	ssyncadd.s32 $0xFFFFEC00  }
0x97: {  	[spmem:s2] =	stream.indirect.scatter.add.f32 [tilespmem:s18], [sflag:$0x6], $0x40, s20, s17, $0xb8;
	[tilespmem:$0x1C040] =	vst v63  }
0x98: {  	_ =	swait.ge [sflag:s15], $0x1400  }
0x99: {  	[sflag:s15] =	ssyncset.done $0x0  }
0x9a: {  	s1 =	sadd.s32 $0x190, s31;
	[sflag:s15] =	ssyncadd.s32 $0xFFFFEC00  }
0x9b: {  	[tilespmem:s18], [sflag:$0x1] =	stream.indirect.gather [hbm4b:s11+s17], $0x40, s1, s17, $0xb8;
	[tilespmem:$0x1C040] =	vst v63  }
0x9c: {  	_ =	swait.ge [sflag:s26], $0x1400  }
0x9d: {  	[sflag:s26] =	ssyncset.done $0x0  }
0x9e: {  	s16 =	sadd.s32 $0x4E70, s31;
	[sflag:s26] =	ssyncadd.s32 $0xFFFFEC00  }
0x9f: {  	[spmem:s2] =	stream.indirect.scatter.add.f32 [tilespmem:s19], [sflag:$0x6], $0x40, s16, s17, $0xb8;
	[tilespmem:$0x1C040] =	vst v63  }
0xa0: {  	_ =	swait.ge [sflag:s15], $0x1400  }
0xa1: {  	[sflag:s15] =	ssyncset.done $0x0  }
0xa2: {  	s20 =	sadd.s32 $0x1E0, s31;
	[sflag:s15] =	ssyncadd.s32 $0xFFFFEC00  }
0xa3: {  	[tilespmem:s19], [sflag:$0x2] =	stream.indirect.gather [hbm4b:s11+s17], $0x40, s20, s17, $0xb8;
	[tilespmem:$0x1C040] =	vst v63  }
0xa4: {  	_ =	swait.ge [sflag:s28], $0x1400  }
0xa5: {  	[sflag:s28] =	ssyncset.done $0x0  }
0xa6: {  	s1 =	sadd.s32 $0x4EC0, s31;
	[sflag:s28] =	ssyncadd.s32 $0xFFFFEC00  }
0xa7: {  	[spmem:s2] =	stream.indirect.scatter.add.f32 [tilespmem:s21], [sflag:$0x6], $0x40, s1, s17, $0xb8;
	[tilespmem:$0x1C040] =	vst v63  }
0xa8: {  	_ =	swait.ge [sflag:s15], $0x1400  }
0xa9: {  	[sflag:s15] =	ssyncset.done $0x0  }
0xaa: {  	s16 =	sadd.s32 $0x230, s31;
	[sflag:s15] =	ssyncadd.s32 $0xFFFFEC00  }
0xab: {  	[tilespmem:s21], [sflag:$0x3] =	stream.indirect.gather [hbm4b:s11+s17], $0x40, s16, s17, $0xb8;
	[tilespmem:$0x1C040] =	vst v63  }
0xac: {  	_ =	swait.ge [sflag:s29], $0x1400  }
0xad: {  	[sflag:s29] =	ssyncset.done $0x0  }
0xae: {  	s20 =	sadd.s32 $0x4F10, s31;
	[sflag:s29] =	ssyncadd.s32 $0xFFFFEC00  }
0xaf: {  	[spmem:s2] =	stream.indirect.scatter.add.f32 [tilespmem:s23], [sflag:$0x6], $0x40, s20, s17, $0xb8;
	[tilespmem:$0x1C040] =	vst v63  }
0xb0: {  	_ =	swait.ge [sflag:s15], $0x1400  }
0xb1: {  	[sflag:s15] =	ssyncset.done $0x0  }
0xb2: {  	s1 =	sadd.s32 $0x280, s31;
	[sflag:s15] =	ssyncadd.s32 $0xFFFFEC00  }
0xb3: {  	[tilespmem:s23], [sflag:$0x4] =	stream.indirect.gather [hbm4b:s11+s17], $0x40, s1, s17, $0xb8;
	[tilespmem:$0x1C040] =	vst v63  }
0xb4: {  	_ =	swait.ge [sflag:s30], $0x1400  }
0xb5: {  	[sflag:s30] =	ssyncset.done $0x0  }
0xb6: {  	s16 =	sadd.s32 $0x4F60, s31;
	[sflag:s30] =	ssyncadd.s32 $0xFFFFEC00  }
0xb7: {  	[spmem:s2] =	stream.indirect.scatter.add.f32 [tilespmem:s24], [sflag:$0x6], $0x40, s16, s17, $0xb8;
	[tilespmem:$0x1C040] =	vst v63  }
0xb8: {  	_ =	swait.ge [sflag:s15], $0x1400  }
0xb9: {  	[sflag:s15] =	ssyncset.done $0x0  }
0xba: {  	s20 =	simm.s32 $0x4DD0;
	[sflag:s15] =	ssyncadd.s32 $0xFFFFEC00  }
0xbb: {  	[tilespmem:s24], [sflag:$0x5] =	stream.indirect.gather [hbm4b:s11+s17], $0x40, s20, s17, $0xb8;
	[tilespmem:$0x1C040] =	vst v63  }
0xbc: {  	_ =	swait.ge [sflag:s25], $0x1400  }
0xbd: {  	[sflag:s25] =	ssyncset.done $0x0  }
0xbe: {  	s31 =	simm.s32 $0x9AB0;
	[sflag:s25] =	ssyncadd.s32 $0xFFFFEC00  }
0xbf: {  	[spmem:s2] =	stream.indirect.scatter.add.f32 [tilespmem:s18], [sflag:$0x6], $0x40, s31, s17, $0xb8;
	[tilespmem:$0x1C040] =	vst v63  }
0xc0: {  	_ =	swait.ge [sflag:s15], $0x1400  }
0xc1: {  	[sflag:s15] =	ssyncset.done $0x0  }
0xc2: {  	[sflag:s15] =	ssyncadd.s32 $0xFFFFEC00  }
0xc3: {  	_ =	swait.ge [sflag:s26], $0x1400  }
0xc4: {  	[sflag:s26] =	ssyncset.done $0x0  }
0xc5: {  	s1 =	simm.s32 $0x9B00;
	[sflag:s26] =	ssyncadd.s32 $0xFFFFEC00  }
0xc6: {  	[spmem:s2] =	stream.indirect.scatter.add.f32 [tilespmem:s19], [sflag:$0x6], $0x40, s1, s17, $0xb8;
	[tilespmem:$0x1C040] =	vst v63  }
0xc7: {  	_ =	swait.ge [sflag:s15], $0x1400  }
0xc8: {  	[sflag:s15] =	ssyncset.done $0x0  }
0xc9: {  	[sflag:s15] =	ssyncadd.s32 $0xFFFFEC00  }
0xca: {  	_ =	swait.ge [sflag:s28], $0x1400  }
0xcb: {  	[sflag:s28] =	ssyncset.done $0x0  }
0xcc: {  	s16 =	simm.s32 $0x9B50;
	[sflag:s28] =	ssyncadd.s32 $0xFFFFEC00  }
0xcd: {  	[spmem:s2] =	stream.indirect.scatter.add.f32 [tilespmem:s21], [sflag:$0x6], $0x40, s16, s17, $0xb8;
	[tilespmem:$0x1C040] =	vst v63  }
0xce: {  	_ =	swait.ge [sflag:s15], $0x1400  }
0xcf: {  	[sflag:s15] =	ssyncset.done $0x0  }
0xd0: {  	[sflag:s15] =	ssyncadd.s32 $0xFFFFEC00  }
0xd1: {  	_ =	swait.ge [sflag:s29], $0x1400  }
0xd2: {  	[sflag:s29] =	ssyncset.done $0x0  }
0xd3: {  	s20 =	simm.s32 $0x9BA0;
	[sflag:s29] =	ssyncadd.s32 $0xFFFFEC00  }
0xd4: {  	[spmem:s2] =	stream.indirect.scatter.add.f32 [tilespmem:s23], [sflag:$0x6], $0x40, s20, s17, $0xb8;
	[tilespmem:$0x1C040] =	vst v63  }
0xd5: {  	_ =	swait.ge [sflag:s15], $0x1400  }
0xd6: {  	[sflag:s15] =	ssyncset.done $0x0  }
0xd7: {  	[sflag:s15] =	ssyncadd.s32 $0xFFFFEC00  }
0xd8: {  	_ =	swait.ge [sflag:s30], $0x1400  }
0xd9: {  	[sflag:s30] =	ssyncset.done $0x0  }
0xda: {  	[sflag:s30] =	ssyncadd.s32 $0xFFFFEC00  }
0xdb: {  	[spmem:s2] =	stream.indirect.scatter.add.f32 [tilespmem:s24], [sflag:$0x6], $0x40, s22, s17, $0xb8;
	[tilespmem:$0x1C040] =	vst v63  }
0xdc: {  	s31 =	stileid.u32;
	_ =	swait.ge [sflag:s15], $0x1400  }
0xdd: {  	s3 =	sadd.s32 $0x1, s3;
	s0 =	sshll.u32 s31, $0x6;
	[sflag:s15] =	ssyncset.done $0x0  }
0xde: {  	p0 =	sne.s32 s3, s13;
	s0 =	sor.u32 $0x1C06, s0;
	[sflag:s15] =	ssyncadd.s32 $0xFFFFEC00  }
.Ltmp2:
0xdf: {  	s1 =	sshrl.u32 s4, $0x3;
	[bflag:$0x0] =	sbarrier.arrive $0xFFFF;
	(pc) =	sbr.rel @p0 .LBB2_1-.Ltmp2, $4  }
0xe0: {  	[hbm:s12], [sflag:s0] =	dma.local [spmem:s1], $0x1400  }
0xe1: {  	_ =	swait.ge [sflag:s15], $0x1400  }
0xe2: {  	[sflag:s15] =	ssyncset.done $0x0  }
0xe3: {  	[sflag:s15] =	ssyncadd.s32 $0xFFFFEC00  }
0xe4: {  	_ =	sfence.sel $0x180000  }
0xe5: {  	[bflag:$0x0] =	sbarrier.arrive $0xFFFF  }
0xe6: {  	_ =	strace $0x9000004D  }
0xe7: {  	s0 =	stileid.u32;
	[bflag:$0x2] =	sbarrier.arrive $0xFFFF  }
0xe8: {  	p0 =	sne.s32 s0, $0x0;
	s0 =	rddreg [dreg:$0x3]  }
0xe9: {  	s0 =	sadd.s32 @!p0 $0x100000, s0  }
0xea: {  	[sflag:s0] =	ssyncadd.tile.s32 @!p0 $0x1;
	_ =	shalt  }
.Lfunc_end2:
_tile_overlayer_lowered:
.L_overlay_start_2:
0xeb: {  	(tag) =	ssettag $0x2  }
0xec: {  	s0 =	rddreg [dreg:$0x0];
	s2 =	stileid.u32  }
0xed: {  	s1 =	rddreg [dreg:$0x1];
	p0 =	sne.s32 s2, $0x0  }
0xee: {  	s3 =	rddreg [dreg:$0x2];
	[bflag:$0x3] =	sbarrier.arrive $0xFFFF;
	s2 =	simm.s32 @!p0 $0x1C06  }
0xef: {  	[timem:s3], [sflag:s2] =	dma.local @!p0 [hbm:s0], s1  }
0xf0: {  	s0 =	simm.s32 @!p0 $0x6  }
0xf1: {  	_ =	swait.ge @!p0 [sflag:s0], s1  }
0xf2: {  	s1 =	ssub.s32 @!p0 $0x0, s1;
	[sflag:s0] =	ssyncset.done @!p0 $0x0  }
0xf3: {  	[sflag:s0] =	ssyncadd.s32 @!p0 s1  }
0xf4: {  	[bflag:$0x3] =	sbarrier.arrive $0xFFFF  }
0xf5: {  	_ =	shalt  }

// kernel: kernel.21.cloned.1.call-start
scs
__scs_entry_jumppad:
0x0: {  	(pc) =	sbr.rel $0x88, $3  }
0x1: {  	(tag) =	ssettag $0x0;
	lr =	simm.s32 $0x1  }
0x2: {  	[smem:$0x3F8D] =	sst lr;
	_ =	strace $0xD0000000  }
0x3: {  	_ = 	snop  }
0x4: {  	_ = 	snop  }
0x5: {  	_ = 	snop  }
0x6: {  	_ = 	snop  }
0x7: {  	_ = 	snop  }
__scs_overlays_trampoline_lowered:
0x8: {  	[smem:$0x3F9C] =	sst s0  }
0x9: {  	[smem:$0x3F9D] =	sst s1  }
0xa: {  	[smem:$0x3F9E] =	sst s2  }
0xb: {  	[smem:$0x3F9F] =	sst s3  }
0xc: {  	[smem:$0x3FA0] =	sst s4  }
0xd: {  	[smem:$0x3FA1] =	sst s5  }
0xe: {  	[smem:$0x3FA2] =	sst s6  }
0xf: {  	[smem:$0x3FA3] =	sst s7  }
0x10: {  	[smem:$0x3FA4] =	sst s8  }
0x11: {  	[smem:$0x3FA5] =	sst s9;
	s0 =	simm.s32 @!p0 $0x0  }
0x12: {  	s1 =	sld [smem:$0x3F8B];
	s0 =	simm.s32 @p0 $0x1  }
0x13: {  	[smem:$0x3FA6] =	sst s0;
	s0 =	simm.s32 @!p1 $0x0  }
0x14: {  	s2 =	sld [smem:$0x3F8A];
	s0 =	simm.s32 @p1 $0x1  }
0x15: {  	[smem:$0x3FA7] =	sst s0;
	s0 =	simm.s32 @!p2 $0x0  }
0x16: {  	s3 =	sld [smem:$0x3FDB];
	s0 =	simm.s32 @p2 $0x1  }
0x17: {  	s4 =	simm.s32 $0x1BF5;
	[smem:$0x3FA9] =	sst s0  }
0x18: {  	s0 =	sld [smem:$0x3F8C];
	_ =	swait.ge [sflag:s4], $0x0  }
0x19: {  	s7 =	sld [smem:$0x3F8D]  }
0x1a: {  	s8 =	sadd.s32 $0xFFFFE003, lr  }
0x1b: {  	s9 =	sadd.s32 $0xFFFFFEF7, lr;
	s5 =	simm.s32 $0xFFFFFFFF;
	p2 =	slt.u32 s8, $0xFFFFF086  }
0x1c: {  	p1 =	slt.u32 s9, $0xF7A;
	s5 =	simm.s32 @!p2 $0x0  }
0x1d: {  	s5 =	simm.s32 @p1 $0x1;
	p0 =	seq.s32 s7, s2  }
0x1e: {  	s7 =	smul.u32 @!p0 $0xF7A, s2;
	p2 =	seq.s32 @!p0 s5, $0x0  }
0x1f: {  	s9 =	smul.u32 $0xF7A, s1;
	s8 =	simm.s32 @!p0 $0x1BF5;
	p2 =	por !p2, p0  }
0x20: {  	[sflag:s8] =	ssyncset.s32 @!p0 $0xFFFFF086;
	s6 =	sadd.s32 @!p0 s3, s7;
	s7 =	simm.s32 @!p0 $0x108  }
0x21: {  	s3 =	sadd.s32 s3, s9;
	s6 =	sadd.s32 @!p0 $0x88, s6;
	s7 =	simm.s32 @p2 $0x1082  }
0x22: {  	[simem:s7], [sflag:s8] =	dma.local @!p0 [hbm:s6], $0xF7A  }
0x23: {  	s9 =	sor.u32 $0xD0000000, s2;
	s6 =	simm.s32 $0x108;
	_ =	swait.ge @!p0 [sflag:s8], $0x0  }
0x24: {  	s3 =	sadd.s32 $0x88, s3;
	s6 =	simm.s32 @!p1 $0x1082;
	[sflag:s4] =	ssyncset.s32 $0xFFFFF086  }
0x25: {  	[simem:s6], [sflag:s4] =	dma.local [hbm:s3], $0xF7A  }
0x26: {  	[smem:$0x3F8D] =	sst s1;
	(tag) =	ssettag s2;
	_ =	strace s9  }
0x27: {  	s1 =	sld [smem:$0x3F9D]  }
0x28: {  	s2 =	sld [smem:$0x3F9E]  }
0x29: {  	s4 =	sld [smem:$0x3FA0]  }
0x2a: {  	p0 =	seq.s32 s5, $0x0;
	s5 =	sld [smem:$0x3FA1]  }
0x2b: {  	s6 =	sld [smem:$0x3FA2]  }
0x2c: {  	s7 =	sld [smem:$0x3FA3]  }
0x2d: {  	s3 =	simm.s32 $0x108;
	s8 =	sld [smem:$0x3FA4]  }
0x2e: {  	s3 =	simm.s32 @!p0 $0x1082;
	s9 =	sld [smem:$0x3FA5]  }
0x2f: {  	lr =	sadd.s32 s0, s3;
	s0 =	sld [smem:$0x3F9C]  }
0x30: {  	s3 =	sld [smem:$0x3F9F]  }
0x31: {  	[smem:$0x3FA8] =	sst s10  }
0x32: {  	s10 =	sld [smem:$0x3FA6];
	_ =	sdelay $0x3  }
0x33: {  	p0 =	seq.s32 s10, $0x1;
	s10 =	sld [smem:$0x3FA8];
	_ =	sdelay $0x3  }
0x34: {  	[smem:$0x3FA8] =	sst s10  }
0x35: {  	s10 =	sld [smem:$0x3FA7];
	_ =	sdelay $0x3  }
0x36: {  	p1 =	seq.s32 s10, $0x1;
	s10 =	sld [smem:$0x3FA8];
	_ =	sdelay $0x3  }
0x37: {  	[smem:$0x3FA8] =	sst s10  }
0x38: {  	s10 =	sld [smem:$0x3FA9]  }
0x39: {  	_ = 	snop;
	(pc) =	sbr.ind lr, $3  }
0x3a: {  	_ = 	snop  }
0x3b: {  	_ = 	snop  }
0x3c: {  	p2 =	seq.s32 s10, $0x1;
	s10 =	sld [smem:$0x3FA8]  }
0x3d: {  	_ =	shalt  }
0x3e: {  	_ =	shalt  }
0x3f: {  	_ =	shalt  }
0x40: {  	_ =	shalt  }
0x41: {  	_ =	shalt  }
0x42: {  	_ =	shalt  }
0x43: {  	_ =	shalt  }
0x44: {  	_ =	shalt  }
0x45: {  	_ =	shalt  }
0x46: {  	_ =	shalt  }
0x47: {  	_ =	shalt  }
0x48: {  	_ =	shalt  }
0x49: {  	_ =	shalt  }
0x4a: {  	_ =	shalt  }
0x4b: {  	_ =	shalt  }
0x4c: {  	_ =	shalt  }
0x4d: {  	_ =	shalt  }
0x4e: {  	_ =	shalt  }
0x4f: {  	_ =	shalt  }
0x50: {  	_ =	shalt  }
0x51: {  	_ =	shalt  }
0x52: {  	_ =	shalt  }
0x53: {  	_ =	shalt  }
0x54: {  	_ =	shalt  }
0x55: {  	_ =	shalt  }
0x56: {  	_ =	shalt  }
0x57: {  	_ =	shalt  }
0x58: {  	_ =	shalt  }
0x59: {  	_ =	shalt  }
0x5a: {  	_ =	shalt  }
0x5b: {  	_ =	shalt  }
0x5c: {  	_ =	shalt  }
0x5d: {  	_ =	shalt  }
0x5e: {  	_ =	shalt  }
0x5f: {  	_ =	shalt  }
0x60: {  	_ =	shalt  }
0x61: {  	_ =	shalt  }
0x62: {  	_ =	shalt  }
0x63: {  	_ =	shalt  }
0x64: {  	_ =	shalt  }
0x65: {  	_ =	shalt  }
0x66: {  	_ =	shalt  }
0x67: {  	_ =	shalt  }
0x68: {  	_ =	shalt  }
0x69: {  	_ =	shalt  }
0x6a: {  	_ =	shalt  }
0x6b: {  	_ =	shalt  }
0x6c: {  	_ =	shalt  }
0x6d: {  	_ =	shalt  }
0x6e: {  	_ =	shalt  }
0x6f: {  	_ =	shalt  }
0x70: {  	_ =	shalt  }
0x71: {  	_ =	shalt  }
0x72: {  	_ =	shalt  }
0x73: {  	_ =	shalt  }
0x74: {  	_ =	shalt  }
0x75: {  	_ =	shalt  }
0x76: {  	_ =	shalt  }
0x77: {  	_ =	shalt  }
0x78: {  	_ =	shalt  }
0x79: {  	_ =	shalt  }
0x7a: {  	_ =	shalt  }
0x7b: {  	_ =	shalt  }
0x7c: {  	_ =	shalt  }
0x7d: {  	_ =	shalt  }
0x7e: {  	_ =	shalt  }
0x7f: {  	_ =	shalt  }
0x80: {  	_ =	shalt  }
0x81: {  	_ =	shalt  }
0x82: {  	_ =	shalt  }
0x83: {  	_ =	shalt  }
0x84: {  	_ =	shalt  }
0x85: {  	_ =	shalt  }
0x86: {  	_ =	shalt  }
0x87: {  	_ =	shalt  }
.Lfunc_end0:
.L_simem_size_0:
called_computation.3_lowered:
.L_overlay_start_0:
0x88: {  	s2 =	sld [smem:$0x3FD9]  }
0x89: {  	s3 =	sld [smem:$0x3FFE];
	_ =	sdelay $0x1  }
0x8a: {  	s1 =	srdreg.scid  }
0x8b: {  	s0 =	sand.u32 $0x1, s1  }
0x8c: {  	s14 =	sshll.u32 s0, $0xA;
	s2 =	sadd.s32 s3, s2  }
0x8d: {  	s2 =	sadd.s32 s2, s14  }
0x8e: {  	[smem:$0x3FB4] =	sst s2  }
0x8f: {  	_ = 	snop  }
0x90: {  	s2 =	sld [smem:$0x3FD0];
	_ =	sdelay $0x2  }
0x91: {  	s15 =	simm.s32 $0xA;
	s4 =	simm.s32 $0x10  }
0x92: {  	[smem:s4], [sflag:s15] =	dma.local [hbm:s2], $0x1  }
0x93: {  	_ =	swait.eq [sflag:s15], $0x1  }
0x94: {  	[sflag:s15] =	ssyncset.done $0x0  }
0x95: {  	[sflag:s15] =	ssyncadd.s32 $0xFFFFFFFF  }
0x96: {  	s16 =	sld [smem:$0x13];
	(tm) =	ssettm $0x1  }
0x97: {  	s17 =	sld [smem:$0x3FFB];
	_ =	sdelay $0x3  }
0x98: {  	_ =	strace s17  }
0x99: {  	s3 =	sld [smem:$0x3FFC];
	_ =	sdelay $0x3  }
0x9a: {  	_ =	strace s3  }
0x9b: {  	s3 =	sld [smem:$0x3FFD];
	_ =	sdelay $0x3  }
0x9c: {  	_ =	strace s3  }
0x9d: {  	_ =	strace $0x8FFFFFFF  }
0x9e: {  	s18 =	sld [smem:$0x3FDB];
	_ =	sdelay $0x1  }
0x9f: {  	s19 =	simm.s32 $_scs_section_size  }
0xa0: {  	s5 =	simm.s32 $_size__tile_overlayer_lowered;
	s6 =	simm.s32 $_tile_overlayer_lowered  }
0xa1: {  	s22 =	simm.s32 $0x1BFF;
	s21 =	sshll.u32 s6, $0x1;
	s3 =	sadd.s32 s19, s18  }
0xa2: {  	s7 =	simm.s32 $0x0;
	s20 =	sshll.u32 s5, $0x1;
	s5 =	sadd.s32 s21, s3  }
0xa3: {  	[timem:s7], [sflag:s22] =	dma.local [hbm:s5], s20  }
0xa4: {  	_ =	swait.ge [sflag:s22], s20  }
0xa5: {  	s4 =	ssub.s32 $0x0, s20;
	[sflag:s22] =	ssyncset.done $0x0  }
0xa6: {  	[sflag:s22] =	ssyncadd.s32 s4;
	_ =	sdelay $0x1  }
0xa7: {  	s23 =	simm.s32 $0x1B8B  }
0xa8: {  	_ =	swait.ge [sflag:s23], $0x1  }
0xa9: {  	[sflag:s23] =	ssyncset.done $0x0  }
0xaa: {  	s25 =	simm.s32 $0x1B8E;
	s24 =	sld [smem:$0x3FFE];
	[sflag:s23] =	ssyncadd.s32 $0xFFFFFFFF  }
0xab: {  	s26 =	simm.s32 $execute0_lowered;
	[smem:$0x3FD2] =	sst s25  }
0xac: {  	s5 =	sshll.u32 s26, $0x1;
	_ =	strace $0x8000004F;
	[dreg:$0x1] =	wrdreg $0xFFFFFFFF  }
0xad: {  	s28 =	simm.s32 $_size_execute0_lowered;
	s3 =	sadd.s32 s3, s5;
	[dreg:$0x0] =	wrdreg $0x0  }
0xae: {  	s5 =	sshll.u32 s28, $0x1;
	[dreg:$0x2] =	wrdreg s3  }
0xaf: {  	[dreg:$0x3] =	wrdreg s5  }
0xb0: {  	[dreg:$0x4] =	wrdreg $0xC0  }
0xb1: {  	_ =	task [dreg:s7], $0x5FFFF  }
0xb2: {  	[dreg:$0x1] =	wrdreg $0xFFFFFFFF  }
0xb3: {  	[dreg:$0x0] =	wrdreg $0x60  }
0xb4: {  	[dreg:$0x2] =	wrdreg s16  }
0xb5: {  	[dreg:$0x3] =	wrdreg s24  }
0xb6: {  	[dreg:$0x4] =	wrdreg $0x120400  }
0xb7: {  	[dreg:$0x5] =	wrdreg $0x9  }
0xb8: {  	_ =	task.clear_ibuf [dreg:s7], $0x6FFFF;
	_ =	strace $0x9000004F  }
0xb9: {  	s29 =	simm.s32 $0x9;
	_ =	strace $0x80000051  }
0xba: {  	_ =	swait.ge [sflag:s29], $0x1  }
0xbb: {  	[sflag:s29] =	ssyncadd.s32 $0xFFFFFFFF  }
0xbc: {  	_ =	strace $0x90000051  }
0xbd: {  	_ =	sfence  }
0xbe: {  	s30 =	sld [smem:$0x0];
	_ =	sdelay $0x2  }
0xbf: {  	s31 =	sshll.u32 s1, $0xD;
	s1 =	sshrl.u32 s1, $0x2  }
0xc0: {  	s3 =	sand.u32 $0x4000, s31;
	s1 =	sadd.s32 s1, s30  }
0xc1: {  	s0 =	sor.u32 s3, s0;
	s1 =	sshll.u32 s1, $0x11  }
0xc2: {  	s0 =	sor.u32 s1, s0  }
0xc3: {  	s0 =	sadd.s32 $0x8F2B, s0  }
0xc4: {  	[sflag:s0] =	ssyncadd.remote.s32 $0x1  }
0xc5: {  	_ =	sfence.sel $0xFFFF  }
0xc6: {  	[dreg:$0x0] =	wrdreg $0xFFFFFFFF;
	(pc) =	sbr.abs _section_cstart, $3  }
0xc7: {  	[dreg:$0x1] =	wrdreg $0xFFFFFFFF  }
0xc8: {  	_ =	task.clear_ibuf [dreg:s7], $0x2FFFF;
	_ =	strace $0x9FFFFFFF  }
0xc9: {  	(tm) =	ssettm $0x7FFFFFFF  }
tec
execute0_lowered:
.L_overlay_start_1:
0x0: {  	(tag) =	ssettag $0x1  }
0x1: {  	s0 =	rddreg [dreg:$0x0]  }
0x2: {  	s1 =	rddreg [dreg:$0x1]  }
0x3: {  	s2 =	rddreg [dreg:$0x2]  }
0x4: {  	s8 =	stileid.u32;
	s5 =	srdreg.scid;
	s3 =	simm.s32 $0x0  }
0x5: {  	s14 =	simm.s32 $0x10040;
	s15 =	simm.s32 $0x6;
	s17 =	simm.s32 $0x50  }
0x6: {  	s18 =	simm.s32 $0x9C40;
	s19 =	simm.s32 $0xB040;
	s21 =	simm.s32 $0xC440  }
0x7: {  	s23 =	simm.s32 $0xD840;
	s24 =	simm.s32 $0xEC40;
	s4 =	smul.u32 $0x4E20, s8  }
0x8: {  	s28 =	simm.s32 $0x3;
	s29 =	simm.s32 $0x4;
	s25 =	smul.u32 $0xA000, s8  }
0x9: {  	s30 =	simm.s32 $0x5;
	s6 =	sand.u32 $0x1, s5;
	s8 =	smul.u32 $0x28000, s8  }
0xa: {  	s22 =	simm.s32 $0x9BF0;
	[smem:$0x7FF] =	sst s3;
	s7 =	smul.u32 $0xA0000, s6  }
0xb: {  	_ =	strace $0x80000050;
	s31 =	ssub.s32 $0x2, s6;
	s11 =	smul.u32 $0x13880, s6  }
0xc: {  	s4 =	sshrl.u32 s4, $0x3;
	s9 =	sshrl.u32 s31, $0x1;
	s8 =	sshrl.u32 s8, $0x2  }
0xd: {  	s10 =	sadd.s32 s4, s1;
	s26 =	sadd.s32 s25, s7;
	s13 =	ssub.s32 s31, s9  }
0xe: {  	s8 =	sadd.s32 s8, s2;
	s11 =	sadd.s32 s0, s11;
	s4 =	sshrl.u32 s26, $0x3  }
0xf: {  	s5 =	sadd.s32 $0x2000, s8;
	s6 =	sadd.s32 $0x4000, s8;
	s7 =	sadd.s32 $0x6000, s8  }
0x10: {  	s8 =	sadd.s32 $0x8000, s8;
	s9 =	sadd.s32 $0x5400, s10;
	s10 =	sadd.s32 $0xF040, s10  }
0x11: {  	s13 =	smax.u32 s13, $0x1;
	s26 =	simm.s32 $0x2;
	s1 =	sadd.s32 s4, s1  }
0x12: {  	v0 =	vimm.f32 $0.0e+00;
	s4 =	sadd.s32 s25, s2;
	s25 =	simm.s32 $0x1;
	s12 =	sadd.s32 $0x18E00, s1  }
.LBB2_1:
0x13: {  	s16 =	simm.s32 $0x100;
	s0 =	simm.s32 $0x0  }
.LBB2_2:
0x14: {  	p0 =	sne.s32 s16, $0x7F00;
	[tilespmem:s0+$0x10070] =	vst v0;
	s20 =	smov.u32 s16;
	s16 =	sadd.s32 $0x100, s16  }
.Ltmp0:
0x15: {  	[tilespmem:s0+$0x10060] =	vst v0;
	(pc) =	sbr.rel @p0 .LBB2_2-.Ltmp0, $3  }
0x16: {  	[tilespmem:s0+$0x10040] =	vst v0  }
0x17: {  	[tilespmem:s0+$0x10050] =	vst v0;
	_ =	sdelay $0x1  }
0x18: {  	s0 =	sshra.s32 s20, $0x2  }
0x19: {  	[tilespmem:s0+$0x10070] =	vst v0  }
0x1a: {  	[tilespmem:s0+$0x10060] =	vst v0  }
0x1b: {  	[tilespmem:s0+$0x10040] =	vst v0  }
0x1c: {  	[tilespmem:s0+$0x10050] =	vst v0  }
0x1d: {  	[spmem:s4] =	stream.linear.scatter [tilespmem:s14], [sflag:$0x6], $0x2000, $0x38;
	[tilespmem:$0x1C040] =	vst v63  }
0x1e: {  	_ =	swait.ge [sflag:s15], $0x2000  }
0x1f: {  	[sflag:s15] =	ssyncset.done $0x0  }
0x20: {  	[sflag:s15] =	ssyncadd.s32 $0xFFFFE000  }
0x21: {  	[spmem:s5] =	stream.linear.scatter [tilespmem:s14], [sflag:$0x6], $0x2000, $0x38;
	[tilespmem:$0x1C040] =	vst v63  }
0x22: {  	_ =	swait.ge [sflag:s15], $0x2000  }
0x23: {  	[sflag:s15] =	ssyncset.done $0x0  }
0x24: {  	[sflag:s15] =	ssyncadd.s32 $0xFFFFE000  }
0x25: {  	[spmem:s6] =	stream.linear.scatter [tilespmem:s14], [sflag:$0x6], $0x2000, $0x38;
	[tilespmem:$0x1C040] =	vst v63  }
0x26: {  	_ =	swait.ge [sflag:s15], $0x2000  }
0x27: {  	[sflag:s15] =	ssyncset.done $0x0  }
0x28: {  	[sflag:s15] =	ssyncadd.s32 $0xFFFFE000  }
0x29: {  	[spmem:s7] =	stream.linear.scatter [tilespmem:s14], [sflag:$0x6], $0x2000, $0x38;
	[tilespmem:$0x1C040] =	vst v63  }
0x2a: {  	_ =	swait.ge [sflag:s15], $0x2000  }
0x2b: {  	[sflag:s15] =	ssyncset.done $0x0  }
0x2c: {  	[sflag:s15] =	ssyncadd.s32 $0xFFFFE000  }
0x2d: {  	[spmem:s8] =	stream.linear.scatter [tilespmem:s14], [sflag:$0x6], $0x2000, $0x38;
	[tilespmem:$0x1C040] =	vst v63  }
0x2e: {  	_ =	swait.ge [sflag:s15], $0x2000  }
0x2f: {  	[sflag:s15] =	ssyncset.done $0x0  }
0x30: {  	[sflag:s15] =	ssyncadd.s32 $0xFFFFE000  }
0x31: {  	s20 =	simm.s32 $0x0;
	[bflag:$0x0] =	sbarrier.arrive $0xFFFF  }
0x32: {  	[tilespmem:s20], [sflag:$0x6] =	stream.linear.gather [hbm4b:s9+s20], $0x4E20, $0x38;
	[tilespmem:$0x1C040] =	vst v63  }
0x33: {  	_ =	swait.ge [sflag:s15], $0x4E20  }
0x34: {  	[sflag:s15] =	ssyncset.done $0x0  }
0x35: {  	s1 =	simm.s32 $0x4E20;
	[sflag:s15] =	ssyncadd.s32 $0xFFFFB1E0  }
0x36: {  	[tilespmem:s1], [sflag:$0x6] =	stream.linear.gather [hbm4b:s10+s20], $0x4E20, $0x38;
	[tilespmem:$0x1C040] =	vst v63  }
0x37: {  	_ =	swait.ge [sflag:s15], $0x4E20  }
0x38: {  	[sflag:s15] =	ssyncset.done $0x0  }
0x39: {  	[sflag:s15] =	ssyncadd.s32 $0xFFFFB1E0  }
0x3a: {  	[tilespmem:s18], [sflag:$0x1] =	stream.indirect.gather [hbm4b:s11+s17], $0x40, s20, s17, $0xb8;
	[tilespmem:$0x1C040] =	vst v63  }
0x3b: {  	_ = 	snop  }
0x3c: {  	[tilespmem:s19], [sflag:$0x2] =	stream.indirect.gather [hbm4b:s11+s17], $0x40, s17, s17, $0xb8;
	[tilespmem:$0x1C040] =	vst v63  }
0x3d: {  	s1 =	simm.s32 $0xA0  }
0x3e: {  	[tilespmem:s21], [sflag:$0x3] =	stream.indirect.gather [hbm4b:s11+s17], $0x40, s1, s17, $0xb8;
	[tilespmem:$0x1C040] =	vst v63  }
0x3f: {  	s16 =	simm.s32 $0xF0  }
0x40: {  	[tilespmem:s23], [sflag:$0x4] =	stream.indirect.gather [hbm4b:s11+s17], $0x40, s16, s17, $0xb8;
	[tilespmem:$0x1C040] =	vst v63  }
0x41: {  	s20 =	simm.s32 $0x140  }
0x42: {  	[tilespmem:s24], [sflag:$0x5] =	stream.indirect.gather [hbm4b:s11+s17], $0x40, s20, s17, $0xb8;
	[tilespmem:$0x1C040] =	vst v63  }
0x43: {  	_ =	swait.ge [sflag:s25], $0x1400  }
0x44: {  	[sflag:s25] =	ssyncset.done $0x0  }
0x45: {  	s1 =	simm.s32 $0x4E20;
	[sflag:s25] =	ssyncadd.s32 $0xFFFFEC00  }
0x46: {  	[spmem:s2] =	stream.indirect.scatter.add.f32 [tilespmem:s18], [sflag:$0x6], $0x40, s1, s17, $0xb8;
	[tilespmem:$0x1C040] =	vst v63  }
0x47: {  	_ =	swait.ge [sflag:s15], $0x1400  }
0x48: {  	[sflag:s15] =	ssyncset.done $0x0  }
0x49: {  	s16 =	simm.s32 $0x190;
	[sflag:s15] =	ssyncadd.s32 $0xFFFFEC00  }
0x4a: {  	[tilespmem:s18], [sflag:$0x1] =	stream.indirect.gather [hbm4b:s11+s17], $0x40, s16, s17, $0xb8;
	[tilespmem:$0x1C040] =	vst v63  }
0x4b: {  	_ =	swait.ge [sflag:s26], $0x1400  }
0x4c: {  	[sflag:s26] =	ssyncset.done $0x0  }
0x4d: {  	s20 =	simm.s32 $0x4E70;
	[sflag:s26] =	ssyncadd.s32 $0xFFFFEC00  }
0x4e: {  	[spmem:s2] =	stream.indirect.scatter.add.f32 [tilespmem:s19], [sflag:$0x6], $0x40, s20, s17, $0xb8;
	[tilespmem:$0x1C040] =	vst v63  }
0x4f: {  	_ =	swait.ge [sflag:s15], $0x1400  }
0x50: {  	[sflag:s15] =	ssyncset.done $0x0  }
0x51: {  	s1 =	simm.s32 $0x1E0;
	[sflag:s15] =	ssyncadd.s32 $0xFFFFEC00  }
0x52: {  	[tilespmem:s19], [sflag:$0x2] =	stream.indirect.gather [hbm4b:s11+s17], $0x40, s1, s17, $0xb8;
	[tilespmem:$0x1C040] =	vst v63  }
0x53: {  	_ =	swait.ge [sflag:s28], $0x1400  }
0x54: {  	[sflag:s28] =	ssyncset.done $0x0  }
0x55: {  	s16 =	simm.s32 $0x4EC0;
	[sflag:s28] =	ssyncadd.s32 $0xFFFFEC00  }
0x56: {  	[spmem:s2] =	stream.indirect.scatter.add.f32 [tilespmem:s21], [sflag:$0x6], $0x40, s16, s17, $0xb8;
	[tilespmem:$0x1C040] =	vst v63  }
0x57: {  	_ =	swait.ge [sflag:s15], $0x1400  }
0x58: {  	[sflag:s15] =	ssyncset.done $0x0  }
0x59: {  	s20 =	simm.s32 $0x230;
	[sflag:s15] =	ssyncadd.s32 $0xFFFFEC00  }
0x5a: {  	[tilespmem:s21], [sflag:$0x3] =	stream.indirect.gather [hbm4b:s11+s17], $0x40, s20, s17, $0xb8;
	[tilespmem:$0x1C040] =	vst v63  }
0x5b: {  	_ =	swait.ge [sflag:s29], $0x1400  }
0x5c: {  	[sflag:s29] =	ssyncset.done $0x0  }
0x5d: {  	s1 =	simm.s32 $0x4F10;
	[sflag:s29] =	ssyncadd.s32 $0xFFFFEC00  }
0x5e: {  	[spmem:s2] =	stream.indirect.scatter.add.f32 [tilespmem:s23], [sflag:$0x6], $0x40, s1, s17, $0xb8;
	[tilespmem:$0x1C040] =	vst v63  }
0x5f: {  	_ =	swait.ge [sflag:s15], $0x1400  }
0x60: {  	[sflag:s15] =	ssyncset.done $0x0  }
0x61: {  	s16 =	simm.s32 $0x280;
	[sflag:s15] =	ssyncadd.s32 $0xFFFFEC00  }
0x62: {  	[tilespmem:s23], [sflag:$0x4] =	stream.indirect.gather [hbm4b:s11+s17], $0x40, s16, s17, $0xb8;
	[tilespmem:$0x1C040] =	vst v63  }
0x63: {  	_ =	swait.ge [sflag:s30], $0x1400  }
0x64: {  	[sflag:s30] =	ssyncset.done $0x0  }
0x65: {  	s20 =	simm.s32 $0x4F60;
	[sflag:s30] =	ssyncadd.s32 $0xFFFFEC00  }
0x66: {  	[spmem:s2] =	stream.indirect.scatter.add.f32 [tilespmem:s24], [sflag:$0x6], $0x40, s20, s17, $0xb8;
	[tilespmem:$0x1C040] =	vst v63  }
0x67: {  	_ =	swait.ge [sflag:s15], $0x1400  }
0x68: {  	s0 =	simm.s32 $0xC80;
	s31 =	simm.s32 $0x190;
	[sflag:s15] =	ssyncset.done $0x0  }
.LBB2_4:
0x69: {  	s1 =	sadd.s32 $0x140, s31  }
0x6a: {  	[sflag:s15] =	ssyncadd.s32 $0xFFFFEC00;
	s16 =	smov.u32 s0;
	s20 =	sadd.s32 $0x640, s0  }
0x6b: {  	[tilespmem:s24], [sflag:$0x5] =	stream.indirect.gather [hbm4b:s11+s17], $0x40, s1, s17, $0xb8;
	[tilespmem:$0x1C040] =	vst v63  }
0x6c: {  	p0 =	sne.s32 s0, $0x12C00;
	_ =	swait.ge [sflag:s25], $0x1400  }
0x6d: {  	[sflag:s25] =	ssyncset.done $0x0  }
0x6e: {  	s0 =	sadd.s32 $0x4E20, s31;
	[sflag:s25] =	ssyncadd.s32 $0xFFFFEC00  }
0x6f: {  	[spmem:s2] =	stream.indirect.scatter.add.f32 [tilespmem:s18], [sflag:$0x6], $0x40, s0, s17, $0xb8;
	[tilespmem:$0x1C040] =	vst v63  }
0x70: {  	_ =	swait.ge [sflag:s15], $0x1400  }
0x71: {  	[sflag:s15] =	ssyncset.done $0x0  }
0x72: {  	s0 =	sadd.s32 $0x190, s31;
	[sflag:s15] =	ssyncadd.s32 $0xFFFFEC00  }
0x73: {  	[tilespmem:s18], [sflag:$0x1] =	stream.indirect.gather [hbm4b:s11+s17], $0x40, s0, s17, $0xb8;
	[tilespmem:$0x1C040] =	vst v63  }
0x74: {  	_ =	swait.ge [sflag:s26], $0x1400  }
0x75: {  	[sflag:s26] =	ssyncset.done $0x0  }
0x76: {  	s0 =	sadd.s32 $0x4E70, s31;
	[sflag:s26] =	ssyncadd.s32 $0xFFFFEC00  }
0x77: {  	[spmem:s2] =	stream.indirect.scatter.add.f32 [tilespmem:s19], [sflag:$0x6], $0x40, s0, s17, $0xb8;
	[tilespmem:$0x1C040] =	vst v63  }
0x78: {  	_ =	swait.ge [sflag:s15], $0x1400  }
0x79: {  	[sflag:s15] =	ssyncset.done $0x0  }
0x7a: {  	s0 =	sadd.s32 $0x1E0, s31;
	[sflag:s15] =	ssyncadd.s32 $0xFFFFEC00  }
0x7b: {  	[tilespmem:s19], [sflag:$0x2] =	stream.indirect.gather [hbm4b:s11+s17], $0x40, s0, s17, $0xb8;
	[tilespmem:$0x1C040] =	vst v63  }
0x7c: {  	_ =	swait.ge [sflag:s28], $0x1400  }
0x7d: {  	[sflag:s28] =	ssyncset.done $0x0  }
0x7e: {  	s0 =	sadd.s32 $0x4EC0, s31;
	[sflag:s28] =	ssyncadd.s32 $0xFFFFEC00  }
0x7f: {  	[spmem:s2] =	stream.indirect.scatter.add.f32 [tilespmem:s21], [sflag:$0x6], $0x40, s0, s17, $0xb8;
	[tilespmem:$0x1C040] =	vst v63  }
0x80: {  	_ =	swait.ge [sflag:s15], $0x1400  }
0x81: {  	[sflag:s15] =	ssyncset.done $0x0  }
0x82: {  	s0 =	sadd.s32 $0x230, s31;
	[sflag:s15] =	ssyncadd.s32 $0xFFFFEC00  }
0x83: {  	[tilespmem:s21], [sflag:$0x3] =	stream.indirect.gather [hbm4b:s11+s17], $0x40, s0, s17, $0xb8;
	[tilespmem:$0x1C040] =	vst v63  }
0x84: {  	_ =	swait.ge [sflag:s29], $0x1400  }
0x85: {  	[sflag:s29] =	ssyncset.done $0x0  }
0x86: {  	s0 =	sadd.s32 $0x4F10, s31;
	[sflag:s29] =	ssyncadd.s32 $0xFFFFEC00  }
0x87: {  	[spmem:s2] =	stream.indirect.scatter.add.f32 [tilespmem:s23], [sflag:$0x6], $0x40, s0, s17, $0xb8;
	[tilespmem:$0x1C040] =	vst v63  }
0x88: {  	_ =	swait.ge [sflag:s15], $0x1400  }
0x89: {  	[sflag:s15] =	ssyncset.done $0x0  }
0x8a: {  	s0 =	sadd.s32 $0x280, s31;
	[sflag:s15] =	ssyncadd.s32 $0xFFFFEC00  }
0x8b: {  	[tilespmem:s23], [sflag:$0x4] =	stream.indirect.gather [hbm4b:s11+s17], $0x40, s0, s17, $0xb8;
	[tilespmem:$0x1C040] =	vst v63  }
0x8c: {  	_ =	swait.ge [sflag:s30], $0x1400  }
.Ltmp1:
0x8d: {  	[sflag:s30] =	ssyncset.done $0x0;
	(pc) =	sbr.rel @p0 .LBB2_4-.Ltmp1, $4  }
0x8e: {  	s0 =	sadd.s32 $0x4F60, s31;
	[sflag:s30] =	ssyncadd.s32 $0xFFFFEC00  }
0x8f: {  	[spmem:s2] =	stream.indirect.scatter.add.f32 [tilespmem:s24], [sflag:$0x6], $0x40, s0, s17, $0xb8;
	[tilespmem:$0x1C040] =	vst v63  }
0x90: {  	_ =	swait.ge [sflag:s15], $0x1400  }
0x91: {  	s31 =	sshra.s32 s16, $0x2;
	s0 =	smov.u32 s20;
	[sflag:s15] =	ssyncset.done $0x0  }
0x92: {  	s0 =	sadd.s32 $0x140, s31;
	[sflag:s15] =	ssyncadd.s32 $0xFFFFEC00  }
0x93: {  	[tilespmem:s24], [sflag:$0x5] =	stream.indirect.gather [hbm4b:s11+s17], $0x40, s0, s17, $0xb8;
	[tilespmem:$0x1C040] =	vst v63  }
0x94: {  	_ =	swait.ge [sflag:s25], $0x1400  }
0x95: {  	[sflag:s25] =	ssyncset.done $0x0  }
0x96: {  	s20 =	sadd.s32 $0x4E20, s31;
	[sflag:s25] =	ssyncadd.s32 $0xFFFFEC00  }
0x97: {  	[spmem:s2] =	stream.indirect.scatter.add.f32 [tilespmem:s18], [sflag:$0x6], $0x40, s20, s17, $0xb8;
	[tilespmem:$0x1C040] =	vst v63  }
0x98: {  	_ =	swait.ge [sflag:s15], $0x1400  }
0x99: {  	[sflag:s15] =	ssyncset.done $0x0  }
0x9a: {  	s1 =	sadd.s32 $0x190, s31;
	[sflag:s15] =	ssyncadd.s32 $0xFFFFEC00  }
0x9b: {  	[tilespmem:s18], [sflag:$0x1] =	stream.indirect.gather [hbm4b:s11+s17], $0x40, s1, s17, $0xb8;
	[tilespmem:$0x1C040] =	vst v63  }
0x9c: {  	_ =	swait.ge [sflag:s26], $0x1400  }
0x9d: {  	[sflag:s26] =	ssyncset.done $0x0  }
0x9e: {  	s16 =	sadd.s32 $0x4E70, s31;
	[sflag:s26] =	ssyncadd.s32 $0xFFFFEC00  }
0x9f: {  	[spmem:s2] =	stream.indirect.scatter.add.f32 [tilespmem:s19], [sflag:$0x6], $0x40, s16, s17, $0xb8;
	[tilespmem:$0x1C040] =	vst v63  }
0xa0: {  	_ =	swait.ge [sflag:s15], $0x1400  }
0xa1: {  	[sflag:s15] =	ssyncset.done $0x0  }
0xa2: {  	s20 =	sadd.s32 $0x1E0, s31;
	[sflag:s15] =	ssyncadd.s32 $0xFFFFEC00  }
0xa3: {  	[tilespmem:s19], [sflag:$0x2] =	stream.indirect.gather [hbm4b:s11+s17], $0x40, s20, s17, $0xb8;
	[tilespmem:$0x1C040] =	vst v63  }
0xa4: {  	_ =	swait.ge [sflag:s28], $0x1400  }
0xa5: {  	[sflag:s28] =	ssyncset.done $0x0  }
0xa6: {  	s1 =	sadd.s32 $0x4EC0, s31;
	[sflag:s28] =	ssyncadd.s32 $0xFFFFEC00  }
0xa7: {  	[spmem:s2] =	stream.indirect.scatter.add.f32 [tilespmem:s21], [sflag:$0x6], $0x40, s1, s17, $0xb8;
	[tilespmem:$0x1C040] =	vst v63  }
0xa8: {  	_ =	swait.ge [sflag:s15], $0x1400  }
0xa9: {  	[sflag:s15] =	ssyncset.done $0x0  }
0xaa: {  	s16 =	sadd.s32 $0x230, s31;
	[sflag:s15] =	ssyncadd.s32 $0xFFFFEC00  }
0xab: {  	[tilespmem:s21], [sflag:$0x3] =	stream.indirect.gather [hbm4b:s11+s17], $0x40, s16, s17, $0xb8;
	[tilespmem:$0x1C040] =	vst v63  }
0xac: {  	_ =	swait.ge [sflag:s29], $0x1400  }
0xad: {  	[sflag:s29] =	ssyncset.done $0x0  }
0xae: {  	s20 =	sadd.s32 $0x4F10, s31;
	[sflag:s29] =	ssyncadd.s32 $0xFFFFEC00  }
0xaf: {  	[spmem:s2] =	stream.indirect.scatter.add.f32 [tilespmem:s23], [sflag:$0x6], $0x40, s20, s17, $0xb8;
	[tilespmem:$0x1C040] =	vst v63  }
0xb0: {  	_ =	swait.ge [sflag:s15], $0x1400  }
0xb1: {  	[sflag:s15] =	ssyncset.done $0x0  }
0xb2: {  	s1 =	sadd.s32 $0x280, s31;
	[sflag:s15] =	ssyncadd.s32 $0xFFFFEC00  }
0xb3: {  	[tilespmem:s23], [sflag:$0x4] =	stream.indirect.gather [hbm4b:s11+s17], $0x40, s1, s17, $0xb8;
	[tilespmem:$0x1C040] =	vst v63  }
0xb4: {  	_ =	swait.ge [sflag:s30], $0x1400  }
0xb5: {  	[sflag:s30] =	ssyncset.done $0x0  }
0xb6: {  	s16 =	sadd.s32 $0x4F60, s31;
	[sflag:s30] =	ssyncadd.s32 $0xFFFFEC00  }
0xb7: {  	[spmem:s2] =	stream.indirect.scatter.add.f32 [tilespmem:s24], [sflag:$0x6], $0x40, s16, s17, $0xb8;
	[tilespmem:$0x1C040] =	vst v63  }
0xb8: {  	_ =	swait.ge [sflag:s15], $0x1400  }
0xb9: {  	[sflag:s15] =	ssyncset.done $0x0  }
0xba: {  	s20 =	simm.s32 $0x4DD0;
	[sflag:s15] =	ssyncadd.s32 $0xFFFFEC00  }
0xbb: {  	[tilespmem:s24], [sflag:$0x5] =	stream.indirect.gather [hbm4b:s11+s17], $0x40, s20, s17, $0xb8;
	[tilespmem:$0x1C040] =	vst v63  }
0xbc: {  	_ =	swait.ge [sflag:s25], $0x1400  }
0xbd: {  	[sflag:s25] =	ssyncset.done $0x0  }
0xbe: {  	s31 =	simm.s32 $0x9AB0;
	[sflag:s25] =	ssyncadd.s32 $0xFFFFEC00  }
0xbf: {  	[spmem:s2] =	stream.indirect.scatter.add.f32 [tilespmem:s18], [sflag:$0x6], $0x40, s31, s17, $0xb8;
	[tilespmem:$0x1C040] =	vst v63  }
0xc0: {  	_ =	swait.ge [sflag:s15], $0x1400  }
0xc1: {  	[sflag:s15] =	ssyncset.done $0x0  }
0xc2: {  	[sflag:s15] =	ssyncadd.s32 $0xFFFFEC00  }
0xc3: {  	_ =	swait.ge [sflag:s26], $0x1400  }
0xc4: {  	[sflag:s26] =	ssyncset.done $0x0  }
0xc5: {  	s1 =	simm.s32 $0x9B00;
	[sflag:s26] =	ssyncadd.s32 $0xFFFFEC00  }
0xc6: {  	[spmem:s2] =	stream.indirect.scatter.add.f32 [tilespmem:s19], [sflag:$0x6], $0x40, s1, s17, $0xb8;
	[tilespmem:$0x1C040] =	vst v63  }
0xc7: {  	_ =	swait.ge [sflag:s15], $0x1400  }
0xc8: {  	[sflag:s15] =	ssyncset.done $0x0  }
0xc9: {  	[sflag:s15] =	ssyncadd.s32 $0xFFFFEC00  }
0xca: {  	_ =	swait.ge [sflag:s28], $0x1400  }
0xcb: {  	[sflag:s28] =	ssyncset.done $0x0  }
0xcc: {  	s16 =	simm.s32 $0x9B50;
	[sflag:s28] =	ssyncadd.s32 $0xFFFFEC00  }
0xcd: {  	[spmem:s2] =	stream.indirect.scatter.add.f32 [tilespmem:s21], [sflag:$0x6], $0x40, s16, s17, $0xb8;
	[tilespmem:$0x1C040] =	vst v63  }
0xce: {  	_ =	swait.ge [sflag:s15], $0x1400  }
0xcf: {  	[sflag:s15] =	ssyncset.done $0x0  }
0xd0: {  	[sflag:s15] =	ssyncadd.s32 $0xFFFFEC00  }
0xd1: {  	_ =	swait.ge [sflag:s29], $0x1400  }
0xd2: {  	[sflag:s29] =	ssyncset.done $0x0  }
0xd3: {  	s20 =	simm.s32 $0x9BA0;
	[sflag:s29] =	ssyncadd.s32 $0xFFFFEC00  }
0xd4: {  	[spmem:s2] =	stream.indirect.scatter.add.f32 [tilespmem:s23], [sflag:$0x6], $0x40, s20, s17, $0xb8;
	[tilespmem:$0x1C040] =	vst v63  }
0xd5: {  	_ =	swait.ge [sflag:s15], $0x1400  }
0xd6: {  	[sflag:s15] =	ssyncset.done $0x0  }
0xd7: {  	[sflag:s15] =	ssyncadd.s32 $0xFFFFEC00  }
0xd8: {  	_ =	swait.ge [sflag:s30], $0x1400  }
0xd9: {  	[sflag:s30] =	ssyncset.done $0x0  }
0xda: {  	[sflag:s30] =	ssyncadd.s32 $0xFFFFEC00  }
0xdb: {  	[spmem:s2] =	stream.indirect.scatter.add.f32 [tilespmem:s24], [sflag:$0x6], $0x40, s22, s17, $0xb8;
	[tilespmem:$0x1C040] =	vst v63  }
0xdc: {  	s31 =	stileid.u32;
	_ =	swait.ge [sflag:s15], $0x1400  }
0xdd: {  	s3 =	sadd.s32 $0x1, s3;
	s0 =	sshll.u32 s31, $0x6;
	[sflag:s15] =	ssyncset.done $0x0  }
0xde: {  	p0 =	sne.s32 s3, s13;
	s0 =	sor.u32 $0x1C06, s0;
	[sflag:s15] =	ssyncadd.s32 $0xFFFFEC00  }
.Ltmp2:
0xdf: {  	s1 =	sshrl.u32 s4, $0x3;
	[bflag:$0x0] =	sbarrier.arrive $0xFFFF;
	(pc) =	sbr.rel @p0 .LBB2_1-.Ltmp2, $4  }
0xe0: {  	[hbm:s12], [sflag:s0] =	dma.local [spmem:s1], $0x1400  }
0xe1: {  	_ =	swait.ge [sflag:s15], $0x1400  }
0xe2: {  	[sflag:s15] =	ssyncset.done $0x0  }
0xe3: {  	[sflag:s15] =	ssyncadd.s32 $0xFFFFEC00  }
0xe4: {  	_ =	sfence.sel $0x180000  }
0xe5: {  	[bflag:$0x0] =	sbarrier.arrive $0xFFFF  }
0xe6: {  	_ =	strace $0x90000050  }
0xe7: {  	s0 =	stileid.u32;
	[bflag:$0x2] =	sbarrier.arrive $0xFFFF  }
0xe8: {  	p0 =	sne.s32 s0, $0x0;
	s0 =	rddreg [dreg:$0x3]  }
0xe9: {  	s0 =	sadd.s32 @!p0 $0x100000, s0  }
0xea: {  	[sflag:s0] =	ssyncadd.tile.s32 @!p0 $0x1;
	_ =	shalt  }
.Lfunc_end2:
_tile_overlayer_lowered:
.L_overlay_start_2:
0xeb: {  	(tag) =	ssettag $0x2  }
0xec: {  	s0 =	rddreg [dreg:$0x0];
	s2 =	stileid.u32  }
0xed: {  	s1 =	rddreg [dreg:$0x1];
	p0 =	sne.s32 s2, $0x0  }
0xee: {  	s3 =	rddreg [dreg:$0x2];
	[bflag:$0x3] =	sbarrier.arrive $0xFFFF;
	s2 =	simm.s32 @!p0 $0x1C06  }
0xef: {  	[timem:s3], [sflag:s2] =	dma.local @!p0 [hbm:s0], s1  }
0xf0: {  	s0 =	simm.s32 @!p0 $0x6  }
0xf1: {  	_ =	swait.ge @!p0 [sflag:s0], s1  }
0xf2: {  	s1 =	ssub.s32 @!p0 $0x0, s1;
	[sflag:s0] =	ssyncset.done @!p0 $0x0  }
0xf3: {  	[sflag:s0] =	ssyncadd.s32 @!p0 s1  }
0xf4: {  	[bflag:$0x3] =	sbarrier.arrive $0xFFFF  }
0xf5: {  	_ =	shalt  }

</sc_bundles>
